<compile_context>
chip_gen: v7x
topology: tpu7x:2x2x1
jax: 0.10.2.dev20260603
libtpu: 0.0.44.dev20260713+nightly
codegen_flags: <defaults>
</compile_context>

<pallas_src>
import functools

import jax
import jax.numpy as jnp
from jax import lax
from jax.experimental import layout as jax_layout
from jax.experimental import pallas as pl
from jax.experimental.pallas import tpu as pltpu
from jax.experimental.pallas import tpu_sc as plsc

NINP = 64

SB = 16
NBUF = 4
G = 3


def _sc_gather(idx, table):
    b_total, s = idx.shape
    v, d = table.shape
    info = plsc.get_sparse_core_info()
    nw = info.num_cores * info.num_subcores
    spw = b_total // nw
    nblk = spw // SB
    n_outer = nblk // NBUF

    mesh = plsc.VectorSubcoreMesh(core_axis_name="c", subcore_axis_name="s")

    @functools.partial(
        pl.kernel,
        mesh=mesh,
        out_type=jax.ShapeDtypeStruct((b_total, s, d), jnp.float32),
        compiler_params=pltpu.CompilerParams(use_tc_tiling_on_sc=False),
        scratch_types=[
            pltpu.VMEM((spw, s), jnp.int32),
            pltpu.VMEM((NBUF, SB, s, d), jnp.float32),
            pltpu.SemaphoreType.DMA((NBUF,)),
            pltpu.SemaphoreType.DMA((NBUF,)),
        ],
    )
    def body(idx_hbm, table_hbm, out_hbm, idx_v, rows_v, gsem, osem):
        wid = lax.axis_index("s") * info.num_cores + lax.axis_index("c")
        samp0 = wid * spw

        pltpu.sync_copy(idx_hbm.at[pl.ds(samp0, spw)], idx_v)

        def fire_block(j, b):
            for i in range(SB):
                pltpu.make_async_copy(
                    table_hbm.at[idx_v.at[j * SB + i]],
                    rows_v.at[b, i],
                    gsem.at[b],
                ).start()

        def wait_block(b):
            pltpu.make_async_copy(
                out_hbm.at[pl.ds(0, SB)], rows_v.at[b], gsem.at[b]
            ).wait()

        for k in range(G):
            fire_block(k, k)

        def outer(g0, carry):
            for b in range(NBUF):
                j = g0 * NBUF + b
                bn = (b + G) % NBUF
                wait_block(b)
                pltpu.make_async_copy(
                    rows_v.at[b],
                    out_hbm.at[pl.ds(samp0 + j * SB, SB)],
                    osem.at[b],
                ).start()
                @pl.when(jnp.logical_and(j + G < nblk, j + G >= NBUF))
                def _():
                    pltpu.make_async_copy(
                        rows_v.at[bn],
                        out_hbm.at[pl.ds(samp0 + (j + G - NBUF) * SB, SB)],
                        osem.at[bn],
                    ).wait()

                @pl.when(j + G < nblk)
                def _():
                    fire_block(j + G, bn)
            return carry

        lax.fori_loop(0, n_outer, outer, 0)

        for b in range(NBUF):
            j = nblk - NBUF + b
            pltpu.make_async_copy(
                rows_v.at[b],
                out_hbm.at[pl.ds(samp0 + j * SB, SB)],
                osem.at[b],
            ).wait()

    return body(idx, table)


def kernel(input, encoder_weight):
    table = jax_layout.with_layout_constraint(
        encoder_weight,
        jax_layout.Layout(major_to_minor=(0, 1), tiling=((8,),)),
    )
    return _sc_gather(input.astype(jnp.int32) * 2, table)

# --- scband reference (transcript-rebuilt; emitter-appended) ---
"""Pipeline reference for scband-embedding-table-36618891166006 (READ-ONLY COPY).

The authoritative reference and input builder live on the scoring server;
editing this copy changes nothing except your own understanding.
"""

import jax, jax.numpy as jnp
import numpy as np

NTOKEN = 1000000
NINP = 64

def setup_inputs(seed: int = 0) -> dict:
    key = jax.random.key(seed)
    k_idx, k_tab = jax.random.split(key)
    input = jax.random.randint(k_idx, (16384, 20), 0, NTOKEN, dtype=jnp.int64 if jax.config.jax_enable_x64 else jnp.int32)
    # encoder.weight initialized uniform_(-0.1, 0.1)
    encoder_weight = jax.random.uniform(k_tab, (NTOKEN, NINP), dtype=jnp.float32, minval=-0.1, maxval=0.1)
    return {"input": input, "encoder_weight": encoder_weight}

def reference(input, encoder_weight):
    # Embedding lookup: gather rows of the table.
    emb = jnp.take(encoder_weight, input, axis=0)
    # Dropout in eval/inference mode is the identity.
    return emb

if __name__ == "__main__":
    import jax
    _d = setup_inputs()
    print(jax.jit(kernel)(*tuple(_d.values())))

</pallas_src>

<mosaic_0001>
#map = affine_map<(d0, d1) -> (0, 0)>
#map1 = affine_map<(d0, d1) -> (0, 0, 0)>
module attributes {stable_mosaic.version = 14 : i64} {
  func.func @body(%arg0: i32, %arg1: i32, %arg2: memref<16384x20xi32, #tpu.memory_space<hbm>>, %arg3: memref<1000000x64xf32, #tpu.memory_space<hbm>>, %arg4: memref<16384x20x64xf32, #tpu.memory_space<hbm>>, %arg5: memref<512x20xi32, #tpu.memory_space<vmem>>, %arg6: memref<4x16x20x64xf32, #tpu.memory_space<vmem>>, %arg7: memref<4x!tpu.dma_semaphore, #tpu.memory_space<semaphore_mem>>, %arg8: memref<4x!tpu.dma_semaphore, #tpu.memory_space<semaphore_mem>>) attributes {dimension_semantics = [#tpu.dimension_semantics<core_parallel>, #tpu.dimension_semantics<subcore_parallel>], iteration_bounds = array<i64: 2, 16>, scalar_prefetch = 0 : i64, scratch_operands = 4 : i64, tpu.core_type = #tpu.core_type<sc_vector_subcore>, window_params = [{transform_indices = #map}, {transform_indices = #map}, {transform_indices = #map1}]} {
    %mul3A = arith.constant 2 : i32
    %mul3A_0 = arith.muli %arg1, %mul3A : i32
    %add3A = arith.addi %mul3A_0, %arg0 : i32
    %mul3A_1 = arith.constant 512 : i32
    %mul3A_2 = arith.muli %add3A, %mul3A_1 : i32
    "tpu.region"() ({
      %run_scoped3A = tpu.sem_alloc : memref<!tpu.dma_semaphore, #tpu.memory_space<semaphore_mem>>
      %dma_start3A_862 = arith.constant 0 : i32
      %dma_start3A_863 = tpu.memref_slice %arg2[%mul3A_2, %dma_start3A_862] : memref<16384x20xi32, #tpu.memory_space<hbm>> -> memref<512x20xi32, #tpu.memory_space<hbm>>
      %dma_start3A_864 = arith.constant 0 : i32
      %dma_start3A_865 = tpu.memref_slice %arg2[%mul3A_2, %dma_start3A_864] : memref<16384x20xi32, #tpu.memory_space<hbm>> -> memref<512x20xi32, #tpu.memory_space<hbm>>
      tpu.enqueue_dma source(%dma_start3A_865 : memref<512x20xi32, #tpu.memory_space<hbm>>) target(%arg5 : memref<512x20xi32, #tpu.memory_space<vmem>>) target_semaphore(%run_scoped3A : memref<!tpu.dma_semaphore, #tpu.memory_space<semaphore_mem>>)
      %dma_wait3A_866 = arith.constant 0 : i32
      %dma_wait3A_867 = tpu.memref_slice %arg2[%mul3A_2, %dma_wait3A_866] : memref<16384x20xi32, #tpu.memory_space<hbm>> -> memref<512x20xi32, #tpu.memory_space<hbm>>
      %dma_wait3A_868 = arith.constant 0 : i32
      %dma_wait3A_869 = tpu.memref_slice %arg2[%mul3A_2, %dma_wait3A_868] : memref<16384x20xi32, #tpu.memory_space<hbm>> -> memref<512x20xi32, #tpu.memory_space<hbm>>
      tpu.wait_dma2 semaphore(%run_scoped3A : memref<!tpu.dma_semaphore, #tpu.memory_space<semaphore_mem>>) src(%dma_wait3A_869 : memref<512x20xi32, #tpu.memory_space<hbm>>) dst(%arg5 : memref<512x20xi32, #tpu.memory_space<vmem>>)
      tpu.yield
    }) : () -> ()
    %dma_start3A = arith.constant 0 : i32
    %dma_start3A_3 = arith.constant 0 : i32
    %dma_start3A_4 = arith.constant 0 : i32
    %dma_start3A_5 = arith.constant 0 : i32
    %dma_start3A_6 = arith.constant 0 : i32
    %dma_start3A_7 = arith.constant 0 : i32
    %dma_start3A_8 = tpu.memref_slice %arg6[%dma_start3A_3, %dma_start3A_4, %dma_start3A_6, %dma_start3A_7] : memref<4x16x20x64xf32, #tpu.memory_space<vmem>> -> memref<1x1x20x64xf32, #tpu.memory_space<vmem>>
    %dma_start3A_9 = tpu.memref_squeeze %dma_start3A_8 : memref<1x1x20x64xf32, #tpu.memory_space<vmem>> -> memref<20x64xf32, #tpu.memory_space<vmem>>
    %dma_start3A_10 = arith.constant 0 : i32
    %dma_start3A_11 = tpu.memref_slice %arg5[%dma_start3A, %dma_start3A_10] : memref<512x20xi32, #tpu.memory_space<vmem>> -> memref<1x20xi32, #tpu.memory_space<vmem>>
    %dma_start3A_12 = tpu.memref_squeeze %dma_start3A_11 : memref<1x20xi32, #tpu.memory_space<vmem>> -> memref<20xi32, #tpu.memory_space<vmem>>
    %dma_start3A_13 = arith.constant 0 : i32
    %dma_start3A_14 = arith.constant 0 : i32
    %dma_start3A_15 = tpu.memref_slice %arg3[%dma_start3A_13, %dma_start3A_14] : memref<1000000x64xf32, #tpu.memory_space<hbm>> -> memref<1000000x64xf32, #tpu.memory_space<hbm>>
    %dma_start3A_16 = tpu.memref_slice %arg7[%dma_start3A_5] : memref<4x!tpu.dma_semaphore, #tpu.memory_space<semaphore_mem>> -> memref<1x!tpu.dma_semaphore, #tpu.memory_space<semaphore_mem>>
    %dma_start3A_17 = tpu.memref_squeeze %dma_start3A_16 : memref<1x!tpu.dma_semaphore, #tpu.memory_space<semaphore_mem>> -> memref<!tpu.dma_semaphore, #tpu.memory_space<semaphore_mem>>
    tpu.enqueue_indirect_dma source(%dma_start3A_15 : memref<1000000x64xf32, #tpu.memory_space<hbm>>) target(%dma_start3A_9 : memref<20x64xf32, #tpu.memory_space<vmem>>) offsets(%dma_start3A_12 : memref<20xi32, #tpu.memory_space<vmem>>) semaphore(%dma_start3A_17 : memref<!tpu.dma_semaphore, #tpu.memory_space<semaphore_mem>>)
    %dma_start3A_18 = arith.constant 1 : i32
    %dma_start3A_19 = arith.constant 0 : i32
    %dma_start3A_20 = arith.constant 1 : i32
    %dma_start3A_21 = arith.constant 0 : i32
    %dma_start3A_22 = arith.constant 0 : i32
    %dma_start3A_23 = arith.constant 0 : i32
    %dma_start3A_24 = tpu.memref_slice %arg6[%dma_start3A_19, %dma_start3A_20, %dma_start3A_22, %dma_start3A_23] : memref<4x16x20x64xf32, #tpu.memory_space<vmem>> -> memref<1x1x20x64xf32, #tpu.memory_space<vmem>>
    %dma_start3A_25 = tpu.memref_squeeze %dma_start3A_24 : memref<1x1x20x64xf32, #tpu.memory_space<vmem>> -> memref<20x64xf32, #tpu.memory_space<vmem>>
    %dma_start3A_26 = arith.constant 0 : i32
    %dma_start3A_27 = tpu.memref_slice %arg5[%dma_start3A_18, %dma_start3A_26] : memref<512x20xi32, #tpu.memory_space<vmem>> -> memref<1x20xi32, #tpu.memory_space<vmem>>
    %dma_start3A_28 = tpu.memref_squeeze %dma_start3A_27 : memref<1x20xi32, #tpu.memory_space<vmem>> -> memref<20xi32, #tpu.memory_space<vmem>>
    %dma_start3A_29 = arith.constant 0 : i32
    %dma_start3A_30 = arith.constant 0 : i32
    %dma_start3A_31 = tpu.memref_slice %arg3[%dma_start3A_29, %dma_start3A_30] : memref<1000000x64xf32, #tpu.memory_space<hbm>> -> memref<1000000x64xf32, #tpu.memory_space<hbm>>
    %dma_start3A_32 = tpu.memref_slice %arg7[%dma_start3A_21] : memref<4x!tpu.dma_semaphore, #tpu.memory_space<semaphore_mem>> -> memref<1x!tpu.dma_semaphore, #tpu.memory_space<semaphore_mem>>
    %dma_start3A_33 = tpu.memref_squeeze %dma_start3A_32 : memref<1x!tpu.dma_semaphore, #tpu.memory_space<semaphore_mem>> -> memref<!tpu.dma_semaphore, #tpu.memory_space<semaphore_mem>>
    tpu.enqueue_indirect_dma source(%dma_start3A_31 : memref<1000000x64xf32, #tpu.memory_space<hbm>>) target(%dma_start3A_25 : memref<20x64xf32, #tpu.memory_space<vmem>>) offsets(%dma_start3A_28 : memref<20xi32, #tpu.memory_space<vmem>>) semaphore(%dma_start3A_33 : memref<!tpu.dma_semaphore, #tpu.memory_space<semaphore_mem>>)
    %dma_start3A_34 = arith.constant 2 : i32
    %dma_start3A_35 = arith.constant 0 : i32
    %dma_start3A_36 = arith.constant 2 : i32
    %dma_start3A_37 = arith.constant 0 : i32
    %dma_start3A_38 = arith.constant 0 : i32
    %dma_start3A_39 = arith.constant 0 : i32
    %dma_start3A_40 = tpu.memref_slice %arg6[%dma_start3A_35, %dma_start3A_36, %dma_start3A_38, %dma_start3A_39] : memref<4x16x20x64xf32, #tpu.memory_space<vmem>> -> memref<1x1x20x64xf32, #tpu.memory_space<vmem>>
    %dma_start3A_41 = tpu.memref_squeeze %dma_start3A_40 : memref<1x1x20x64xf32, #tpu.memory_space<vmem>> -> memref<20x64xf32, #tpu.memory_space<vmem>>
    %dma_start3A_42 = arith.constant 0 : i32
    %dma_start3A_43 = tpu.memref_slice %arg5[%dma_start3A_34, %dma_start3A_42] : memref<512x20xi32, #tpu.memory_space<vmem>> -> memref<1x20xi32, #tpu.memory_space<vmem>>
    %dma_start3A_44 = tpu.memref_squeeze %dma_start3A_43 : memref<1x20xi32, #tpu.memory_space<vmem>> -> memref<20xi32, #tpu.memory_space<vmem>>
    %dma_start3A_45 = arith.constant 0 : i32
    %dma_start3A_46 = arith.constant 0 : i32
    %dma_start3A_47 = tpu.memref_slice %arg3[%dma_start3A_45, %dma_start3A_46] : memref<1000000x64xf32, #tpu.memory_space<hbm>> -> memref<1000000x64xf32, #tpu.memory_space<hbm>>
    %dma_start3A_48 = tpu.memref_slice %arg7[%dma_start3A_37] : memref<4x!tpu.dma_semaphore, #tpu.memory_space<semaphore_mem>> -> memref<1x!tpu.dma_semaphore, #tpu.memory_space<semaphore_mem>>
    %dma_start3A_49 = tpu.memref_squeeze %dma_start3A_48 : memref<1x!tpu.dma_semaphore, #tpu.memory_space<semaphore_mem>> -> memref<!tpu.dma_semaphore, #tpu.memory_space<semaphore_mem>>
    tpu.enqueue_indirect_dma source(%dma_start3A_47 : memref<1000000x64xf32, #tpu.memory_space<hbm>>) target(%dma_start3A_41 : memref<20x64xf32, #tpu.memory_space<vmem>>) offsets(%dma_start3A_44 : memref<20xi32, #tpu.memory_space<vmem>>) semaphore(%dma_start3A_49 : memref<!tpu.dma_semaphore, #tpu.memory_space<semaphore_mem>>)
    %dma_start3A_50 = arith.constant 3 : i32
    %dma_start3A_51 = arith.constant 0 : i32
    %dma_start3A_52 = arith.constant 3 : i32
    %dma_start3A_53 = arith.constant 0 : i32
    %dma_start3A_54 = arith.constant 0 : i32
    %dma_start3A_55 = arith.constant 0 : i32
    %dma_start3A_56 = tpu.memref_slice %arg6[%dma_start3A_51, %dma_start3A_52, %dma_start3A_54, %dma_start3A_55] : memref<4x16x20x64xf32, #tpu.memory_space<vmem>> -> memref<1x1x20x64xf32, #tpu.memory_space<vmem>>
    %dma_start3A_57 = tpu.memref_squeeze %dma_start3A_56 : memref<1x1x20x64xf32, #tpu.memory_space<vmem>> -> memref<20x64xf32, #tpu.memory_space<vmem>>
    %dma_start3A_58 = arith.constant 0 : i32
    %dma_start3A_59 = tpu.memref_slice %arg5[%dma_start3A_50, %dma_start3A_58] : memref<512x20xi32, #tpu.memory_space<vmem>> -> memref<1x20xi32, #tpu.memory_space<vmem>>
    %dma_start3A_60 = tpu.memref_squeeze %dma_start3A_59 : memref<1x20xi32, #tpu.memory_space<vmem>> -> memref<20xi32, #tpu.memory_space<vmem>>
    %dma_start3A_61 = arith.constant 0 : i32
    %dma_start3A_62 = arith.constant 0 : i32
    %dma_start3A_63 = tpu.memref_slice %arg3[%dma_start3A_61, %dma_start3A_62] : memref<1000000x64xf32, #tpu.memory_space<hbm>> -> memref<1000000x64xf32, #tpu.memory_space<hbm>>
    %dma_start3A_64 = tpu.memref_slice %arg7[%dma_start3A_53] : memref<4x!tpu.dma_semaphore, #tpu.memory_space<semaphore_mem>> -> memref<1x!tpu.dma_semaphore, #tpu.memory_space<semaphore_mem>>
    %dma_start3A_65 = tpu.memref_squeeze %dma_start3A_64 : memref<1x!tpu.dma_semaphore, #tpu.memory_space<semaphore_mem>> -> memref<!tpu.dma_semaphore, #tpu.memory_space<semaphore_mem>>
    tpu.enqueue_indirect_dma source(%dma_start3A_63 : memref<1000000x64xf32, #tpu.memory_space<hbm>>) target(%dma_start3A_57 : memref<20x64xf32, #tpu.memory_space<vmem>>) offsets(%dma_start3A_60 : memref<20xi32, #tpu.memory_space<vmem>>) semaphore(%dma_start3A_65 : memref<!tpu.dma_semaphore, #tpu.memory_space<semaphore_mem>>)
    %dma_start3A_66 = arith.constant 4 : i32
    %dma_start3A_67 = arith.constant 0 : i32
    %dma_start3A_68 = arith.constant 4 : i32
    %dma_start3A_69 = arith.constant 0 : i32
    %dma_start3A_70 = arith.constant 0 : i32
    %dma_start3A_71 = arith.constant 0 : i32
    %dma_start3A_72 = tpu.memref_slice %arg6[%dma_start3A_67, %dma_start3A_68, %dma_start3A_70, %dma_start3A_71] : memref<4x16x20x64xf32, #tpu.memory_space<vmem>> -> memref<1x1x20x64xf32, #tpu.memory_space<vmem>>
    %dma_start3A_73 = tpu.memref_squeeze %dma_start3A_72 : memref<1x1x20x64xf32, #tpu.memory_space<vmem>> -> memref<20x64xf32, #tpu.memory_space<vmem>>
    %dma_start3A_74 = arith.constant 0 : i32
    %dma_start3A_75 = tpu.memref_slice %arg5[%dma_start3A_66, %dma_start3A_74] : memref<512x20xi32, #tpu.memory_space<vmem>> -> memref<1x20xi32, #tpu.memory_space<vmem>>
    %dma_start3A_76 = tpu.memref_squeeze %dma_start3A_75 : memref<1x20xi32, #tpu.memory_space<vmem>> -> memref<20xi32, #tpu.memory_space<vmem>>
    %dma_start3A_77 = arith.constant 0 : i32
    %dma_start3A_78 = arith.constant 0 : i32
    %dma_start3A_79 = tpu.memref_slice %arg3[%dma_start3A_77, %dma_start3A_78] : memref<1000000x64xf32, #tpu.memory_space<hbm>> -> memref<1000000x64xf32, #tpu.memory_space<hbm>>
    %dma_start3A_80 = tpu.memref_slice %arg7[%dma_start3A_69] : memref<4x!tpu.dma_semaphore, #tpu.memory_space<semaphore_mem>> -> memref<1x!tpu.dma_semaphore, #tpu.memory_space<semaphore_mem>>
    %dma_start3A_81 = tpu.memref_squeeze %dma_start3A_80 : memref<1x!tpu.dma_semaphore, #tpu.memory_space<semaphore_mem>> -> memref<!tpu.dma_semaphore, #tpu.memory_space<semaphore_mem>>
    tpu.enqueue_indirect_dma source(%dma_start3A_79 : memref<1000000x64xf32, #tpu.memory_space<hbm>>) target(%dma_start3A_73 : memref<20x64xf32, #tpu.memory_space<vmem>>) offsets(%dma_start3A_76 : memref<20xi32, #tpu.memory_space<vmem>>) semaphore(%dma_start3A_81 : memref<!tpu.dma_semaphore, #tpu.memory_space<semaphore_mem>>)
    %dma_start3A_82 = arith.constant 5 : i32
    %dma_start3A_83 = arith.constant 0 : i32
    %dma_start3A_84 = arith.constant 5 : i32
    %dma_start3A_85 = arith.constant 0 : i32
    %dma_start3A_86 = arith.constant 0 : i32
    %dma_start3A_87 = arith.constant 0 : i32
    %dma_start3A_88 = tpu.memref_slice %arg6[%dma_start3A_83, %dma_start3A_84, %dma_start3A_86, %dma_start3A_87] : memref<4x16x20x64xf32, #tpu.memory_space<vmem>> -> memref<1x1x20x64xf32, #tpu.memory_space<vmem>>
    %dma_start3A_89 = tpu.memref_squeeze %dma_start3A_88 : memref<1x1x20x64xf32, #tpu.memory_space<vmem>> -> memref<20x64xf32, #tpu.memory_space<vmem>>
    %dma_start3A_90 = arith.constant 0 : i32
    %dma_start3A_91 = tpu.memref_slice %arg5[%dma_start3A_82, %dma_start3A_90] : memref<512x20xi32, #tpu.memory_space<vmem>> -> memref<1x20xi32, #tpu.memory_space<vmem>>
    %dma_start3A_92 = tpu.memref_squeeze %dma_start3A_91 : memref<1x20xi32, #tpu.memory_space<vmem>> -> memref<20xi32, #tpu.memory_space<vmem>>
    %dma_start3A_93 = arith.constant 0 : i32
    %dma_start3A_94 = arith.constant 0 : i32
    %dma_start3A_95 = tpu.memref_slice %arg3[%dma_start3A_93, %dma_start3A_94] : memref<1000000x64xf32, #tpu.memory_space<hbm>> -> memref<1000000x64xf32, #tpu.memory_space<hbm>>
    %dma_start3A_96 = tpu.memref_slice %arg7[%dma_start3A_85] : memref<4x!tpu.dma_semaphore, #tpu.memory_space<semaphore_mem>> -> memref<1x!tpu.dma_semaphore, #tpu.memory_space<semaphore_mem>>
    %dma_start3A_97 = tpu.memref_squeeze %dma_start3A_96 : memref<1x!tpu.dma_semaphore, #tpu.memory_space<semaphore_mem>> -> memref<!tpu.dma_semaphore, #tpu.memory_space<semaphore_mem>>
    tpu.enqueue_indirect_dma source(%dma_start3A_95 : memref<1000000x64xf32, #tpu.memory_space<hbm>>) target(%dma_start3A_89 : memref<20x64xf32, #tpu.memory_space<vmem>>) offsets(%dma_start3A_92 : memref<20xi32, #tpu.memory_space<vmem>>) semaphore(%dma_start3A_97 : memref<!tpu.dma_semaphore, #tpu.memory_space<semaphore_mem>>)
    %dma_start3A_98 = arith.constant 6 : i32
    %dma_start3A_99 = arith.constant 0 : i32
    %dma_start3A_100 = arith.constant 6 : i32
    %dma_start3A_101 = arith.constant 0 : i32
    %dma_start3A_102 = arith.constant 0 : i32
    %dma_start3A_103 = arith.constant 0 : i32
    %dma_start3A_104 = tpu.memref_slice %arg6[%dma_start3A_99, %dma_start3A_100, %dma_start3A_102, %dma_start3A_103] : memref<4x16x20x64xf32, #tpu.memory_space<vmem>> -> memref<1x1x20x64xf32, #tpu.memory_space<vmem>>
    %dma_start3A_105 = tpu.memref_squeeze %dma_start3A_104 : memref<1x1x20x64xf32, #tpu.memory_space<vmem>> -> memref<20x64xf32, #tpu.memory_space<vmem>>
    %dma_start3A_106 = arith.constant 0 : i32
    %dma_start3A_107 = tpu.memref_slice %arg5[%dma_start3A_98, %dma_start3A_106] : memref<512x20xi32, #tpu.memory_space<vmem>> -> memref<1x20xi32, #tpu.memory_space<vmem>>
    %dma_start3A_108 = tpu.memref_squeeze %dma_start3A_107 : memref<1x20xi32, #tpu.memory_space<vmem>> -> memref<20xi32, #tpu.memory_space<vmem>>
    %dma_start3A_109 = arith.constant 0 : i32
    %dma_start3A_110 = arith.constant 0 : i32
    %dma_start3A_111 = tpu.memref_slice %arg3[%dma_start3A_109, %dma_start3A_110] : memref<1000000x64xf32, #tpu.memory_space<hbm>> -> memref<1000000x64xf32, #tpu.memory_space<hbm>>
    %dma_start3A_112 = tpu.memref_slice %arg7[%dma_start3A_101] : memref<4x!tpu.dma_semaphore, #tpu.memory_space<semaphore_mem>> -> memref<1x!tpu.dma_semaphore, #tpu.memory_space<semaphore_mem>>
    %dma_start3A_113 = tpu.memref_squeeze %dma_start3A_112 : memref<1x!tpu.dma_semaphore, #tpu.memory_space<semaphore_mem>> -> memref<!tpu.dma_semaphore, #tpu.memory_space<semaphore_mem>>
    tpu.enqueue_indirect_dma source(%dma_start3A_111 : memref<1000000x64xf32, #tpu.memory_space<hbm>>) target(%dma_start3A_105 : memref<20x64xf32, #tpu.memory_space<vmem>>) offsets(%dma_start3A_108 : memref<20xi32, #tpu.memory_space<vmem>>) semaphore(%dma_start3A_113 : memref<!tpu.dma_semaphore, #tpu.memory_space<semaphore_mem>>)
    %dma_start3A_114 = arith.constant 7 : i32
    %dma_start3A_115 = arith.constant 0 : i32
    %dma_start3A_116 = arith.constant 7 : i32
    %dma_start3A_117 = arith.constant 0 : i32
    %dma_start3A_118 = arith.constant 0 : i32
    %dma_start3A_119 = arith.constant 0 : i32
    %dma_start3A_120 = tpu.memref_slice %arg6[%dma_start3A_115, %dma_start3A_116, %dma_start3A_118, %dma_start3A_119] : memref<4x16x20x64xf32, #tpu.memory_space<vmem>> -> memref<1x1x20x64xf32, #tpu.memory_space<vmem>>
    %dma_start3A_121 = tpu.memref_squeeze %dma_start3A_120 : memref<1x1x20x64xf32, #tpu.memory_space<vmem>> -> memref<20x64xf32, #tpu.memory_space<vmem>>
    %dma_start3A_122 = arith.constant 0 : i32
    %dma_start3A_123 = tpu.memref_slice %arg5[%dma_start3A_114, %dma_start3A_122] : memref<512x20xi32, #tpu.memory_space<vmem>> -> memref<1x20xi32, #tpu.memory_space<vmem>>
    %dma_start3A_124 = tpu.memref_squeeze %dma_start3A_123 : memref<1x20xi32, #tpu.memory_space<vmem>> -> memref<20xi32, #tpu.memory_space<vmem>>
    %dma_start3A_125 = arith.constant 0 : i32
    %dma_start3A_126 = arith.constant 0 : i32
    %dma_start3A_127 = tpu.memref_slice %arg3[%dma_start3A_125, %dma_start3A_126] : memref<1000000x64xf32, #tpu.memory_space<hbm>> -> memref<1000000x64xf32, #tpu.memory_space<hbm>>
    %dma_start3A_128 = tpu.memref_slice %arg7[%dma_start3A_117] : memref<4x!tpu.dma_semaphore, #tpu.memory_space<semaphore_mem>> -> memref<1x!tpu.dma_semaphore, #tpu.memory_space<semaphore_mem>>
    %dma_start3A_129 = tpu.memref_squeeze %dma_start3A_128 : memref<1x!tpu.dma_semaphore, #tpu.memory_space<semaphore_mem>> -> memref<!tpu.dma_semaphore, #tpu.memory_space<semaphore_mem>>
    tpu.enqueue_indirect_dma source(%dma_start3A_127 : memref<1000000x64xf32, #tpu.memory_space<hbm>>) target(%dma_start3A_121 : memref<20x64xf32, #tpu.memory_space<vmem>>) offsets(%dma_start3A_124 : memref<20xi32, #tpu.memory_space<vmem>>) semaphore(%dma_start3A_129 : memref<!tpu.dma_semaphore, #tpu.memory_space<semaphore_mem>>)
    %dma_start3A_130 = arith.constant 8 : i32
    %dma_start3A_131 = arith.constant 0 : i32
    %dma_start3A_132 = arith.constant 8 : i32
    %dma_start3A_133 = arith.constant 0 : i32
    %dma_start3A_134 = arith.constant 0 : i32
    %dma_start3A_135 = arith.constant 0 : i32
    %dma_start3A_136 = tpu.memref_slice %arg6[%dma_start3A_131, %dma_start3A_132, %dma_start3A_134, %dma_start3A_135] : memref<4x16x20x64xf32, #tpu.memory_space<vmem>> -> memref<1x1x20x64xf32, #tpu.memory_space<vmem>>
    %dma_start3A_137 = tpu.memref_squeeze %dma_start3A_136 : memref<1x1x20x64xf32, #tpu.memory_space<vmem>> -> memref<20x64xf32, #tpu.memory_space<vmem>>
    %dma_start3A_138 = arith.constant 0 : i32
    %dma_start3A_139 = tpu.memref_slice %arg5[%dma_start3A_130, %dma_start3A_138] : memref<512x20xi32, #tpu.memory_space<vmem>> -> memref<1x20xi32, #tpu.memory_space<vmem>>
    %dma_start3A_140 = tpu.memref_squeeze %dma_start3A_139 : memref<1x20xi32, #tpu.memory_space<vmem>> -> memref<20xi32, #tpu.memory_space<vmem>>
    %dma_start3A_141 = arith.constant 0 : i32
    %dma_start3A_142 = arith.constant 0 : i32
    %dma_start3A_143 = tpu.memref_slice %arg3[%dma_start3A_141, %dma_start3A_142] : memref<1000000x64xf32, #tpu.memory_space<hbm>> -> memref<1000000x64xf32, #tpu.memory_space<hbm>>
    %dma_start3A_144 = tpu.memref_slice %arg7[%dma_start3A_133] : memref<4x!tpu.dma_semaphore, #tpu.memory_space<semaphore_mem>> -> memref<1x!tpu.dma_semaphore, #tpu.memory_space<semaphore_mem>>
    %dma_start3A_145 = tpu.memref_squeeze %dma_start3A_144 : memref<1x!tpu.dma_semaphore, #tpu.memory_space<semaphore_mem>> -> memref<!tpu.dma_semaphore, #tpu.memory_space<semaphore_mem>>
    tpu.enqueue_indirect_dma source(%dma_start3A_143 : memref<1000000x64xf32, #tpu.memory_space<hbm>>) target(%dma_start3A_137 : memref<20x64xf32, #tpu.memory_space<vmem>>) offsets(%dma_start3A_140 : memref<20xi32, #tpu.memory_space<vmem>>) semaphore(%dma_start3A_145 : memref<!tpu.dma_semaphore, #tpu.memory_space<semaphore_mem>>)
    %dma_start3A_146 = arith.constant 9 : i32
    %dma_start3A_147 = arith.constant 0 : i32
    %dma_start3A_148 = arith.constant 9 : i32
    %dma_start3A_149 = arith.constant 0 : i32
    %dma_start3A_150 = arith.constant 0 : i32
    %dma_start3A_151 = arith.constant 0 : i32
    %dma_start3A_152 = tpu.memref_slice %arg6[%dma_start3A_147, %dma_start3A_148, %dma_start3A_150, %dma_start3A_151] : memref<4x16x20x64xf32, #tpu.memory_space<vmem>> -> memref<1x1x20x64xf32, #tpu.memory_space<vmem>>
    %dma_start3A_153 = tpu.memref_squeeze %dma_start3A_152 : memref<1x1x20x64xf32, #tpu.memory_space<vmem>> -> memref<20x64xf32, #tpu.memory_space<vmem>>
    %dma_start3A_154 = arith.constant 0 : i32
    %dma_start3A_155 = tpu.memref_slice %arg5[%dma_start3A_146, %dma_start3A_154] : memref<512x20xi32, #tpu.memory_space<vmem>> -> memref<1x20xi32, #tpu.memory_space<vmem>>
    %dma_start3A_156 = tpu.memref_squeeze %dma_start3A_155 : memref<1x20xi32, #tpu.memory_space<vmem>> -> memref<20xi32, #tpu.memory_space<vmem>>
    %dma_start3A_157 = arith.constant 0 : i32
    %dma_start3A_158 = arith.constant 0 : i32
    %dma_start3A_159 = tpu.memref_slice %arg3[%dma_start3A_157, %dma_start3A_158] : memref<1000000x64xf32, #tpu.memory_space<hbm>> -> memref<1000000x64xf32, #tpu.memory_space<hbm>>
    %dma_start3A_160 = tpu.memref_slice %arg7[%dma_start3A_149] : memref<4x!tpu.dma_semaphore, #tpu.memory_space<semaphore_mem>> -> memref<1x!tpu.dma_semaphore, #tpu.memory_space<semaphore_mem>>
    %dma_start3A_161 = tpu.memref_squeeze %dma_start3A_160 : memref<1x!tpu.dma_semaphore, #tpu.memory_space<semaphore_mem>> -> memref<!tpu.dma_semaphore, #tpu.memory_space<semaphore_mem>>
    tpu.enqueue_indirect_dma source(%dma_start3A_159 : memref<1000000x64xf32, #tpu.memory_space<hbm>>) target(%dma_start3A_153 : memref<20x64xf32, #tpu.memory_space<vmem>>) offsets(%dma_start3A_156 : memref<20xi32, #tpu.memory_space<vmem>>) semaphore(%dma_start3A_161 : memref<!tpu.dma_semaphore, #tpu.memory_space<semaphore_mem>>)
    %dma_start3A_162 = arith.constant 10 : i32
    %dma_start3A_163 = arith.constant 0 : i32
    %dma_start3A_164 = arith.constant 10 : i32
    %dma_start3A_165 = arith.constant 0 : i32
    %dma_start3A_166 = arith.constant 0 : i32
    %dma_start3A_167 = arith.constant 0 : i32
    %dma_start3A_168 = tpu.memref_slice %arg6[%dma_start3A_163, %dma_start3A_164, %dma_start3A_166, %dma_start3A_167] : memref<4x16x20x64xf32, #tpu.memory_space<vmem>> -> memref<1x1x20x64xf32, #tpu.memory_space<vmem>>
    %dma_start3A_169 = tpu.memref_squeeze %dma_start3A_168 : memref<1x1x20x64xf32, #tpu.memory_space<vmem>> -> memref<20x64xf32, #tpu.memory_space<vmem>>
    %dma_start3A_170 = arith.constant 0 : i32
    %dma_start3A_171 = tpu.memref_slice %arg5[%dma_start3A_162, %dma_start3A_170] : memref<512x20xi32, #tpu.memory_space<vmem>> -> memref<1x20xi32, #tpu.memory_space<vmem>>
    %dma_start3A_172 = tpu.memref_squeeze %dma_start3A_171 : memref<1x20xi32, #tpu.memory_space<vmem>> -> memref<20xi32, #tpu.memory_space<vmem>>
    %dma_start3A_173 = arith.constant 0 : i32
    %dma_start3A_174 = arith.constant 0 : i32
    %dma_start3A_175 = tpu.memref_slice %arg3[%dma_start3A_173, %dma_start3A_174] : memref<1000000x64xf32, #tpu.memory_space<hbm>> -> memref<1000000x64xf32, #tpu.memory_space<hbm>>
    %dma_start3A_176 = tpu.memref_slice %arg7[%dma_start3A_165] : memref<4x!tpu.dma_semaphore, #tpu.memory_space<semaphore_mem>> -> memref<1x!tpu.dma_semaphore, #tpu.memory_space<semaphore_mem>>
    %dma_start3A_177 = tpu.memref_squeeze %dma_start3A_176 : memref<1x!tpu.dma_semaphore, #tpu.memory_space<semaphore_mem>> -> memref<!tpu.dma_semaphore, #tpu.memory_space<semaphore_mem>>
    tpu.enqueue_indirect_dma source(%dma_start3A_175 : memref<1000000x64xf32, #tpu.memory_space<hbm>>) target(%dma_start3A_169 : memref<20x64xf32, #tpu.memory_space<vmem>>) offsets(%dma_start3A_172 : memref<20xi32, #tpu.memory_space<vmem>>) semaphore(%dma_start3A_177 : memref<!tpu.dma_semaphore, #tpu.memory_space<semaphore_mem>>)
    %dma_start3A_178 = arith.constant 11 : i32
    %dma_start3A_179 = arith.constant 0 : i32
    %dma_start3A_180 = arith.constant 11 : i32
    %dma_start3A_181 = arith.constant 0 : i32
    %dma_start3A_182 = arith.constant 0 : i32
    %dma_start3A_183 = arith.constant 0 : i32
    %dma_start3A_184 = tpu.memref_slice %arg6[%dma_start3A_179, %dma_start3A_180, %dma_start3A_182, %dma_start3A_183] : memref<4x16x20x64xf32, #tpu.memory_space<vmem>> -> memref<1x1x20x64xf32, #tpu.memory_space<vmem>>
    %dma_start3A_185 = tpu.memref_squeeze %dma_start3A_184 : memref<1x1x20x64xf32, #tpu.memory_space<vmem>> -> memref<20x64xf32, #tpu.memory_space<vmem>>
    %dma_start3A_186 = arith.constant 0 : i32
    %dma_start3A_187 = tpu.memref_slice %arg5[%dma_start3A_178, %dma_start3A_186] : memref<512x20xi32, #tpu.memory_space<vmem>> -> memref<1x20xi32, #tpu.memory_space<vmem>>
    %dma_start3A_188 = tpu.memref_squeeze %dma_start3A_187 : memref<1x20xi32, #tpu.memory_space<vmem>> -> memref<20xi32, #tpu.memory_space<vmem>>
    %dma_start3A_189 = arith.constant 0 : i32
    %dma_start3A_190 = arith.constant 0 : i32
    %dma_start3A_191 = tpu.memref_slice %arg3[%dma_start3A_189, %dma_start3A_190] : memref<1000000x64xf32, #tpu.memory_space<hbm>> -> memref<1000000x64xf32, #tpu.memory_space<hbm>>
    %dma_start3A_192 = tpu.memref_slice %arg7[%dma_start3A_181] : memref<4x!tpu.dma_semaphore, #tpu.memory_space<semaphore_mem>> -> memref<1x!tpu.dma_semaphore, #tpu.memory_space<semaphore_mem>>
    %dma_start3A_193 = tpu.memref_squeeze %dma_start3A_192 : memref<1x!tpu.dma_semaphore, #tpu.memory_space<semaphore_mem>> -> memref<!tpu.dma_semaphore, #tpu.memory_space<semaphore_mem>>
    tpu.enqueue_indirect_dma source(%dma_start3A_191 : memref<1000000x64xf32, #tpu.memory_space<hbm>>) target(%dma_start3A_185 : memref<20x64xf32, #tpu.memory_space<vmem>>) offsets(%dma_start3A_188 : memref<20xi32, #tpu.memory_space<vmem>>) semaphore(%dma_start3A_193 : memref<!tpu.dma_semaphore, #tpu.memory_space<semaphore_mem>>)
    %dma_start3A_194 = arith.constant 12 : i32
    %dma_start3A_195 = arith.constant 0 : i32
    %dma_start3A_196 = arith.constant 12 : i32
    %dma_start3A_197 = arith.constant 0 : i32
    %dma_start3A_198 = arith.constant 0 : i32
    %dma_start3A_199 = arith.constant 0 : i32
    %dma_start3A_200 = tpu.memref_slice %arg6[%dma_start3A_195, %dma_start3A_196, %dma_start3A_198, %dma_start3A_199] : memref<4x16x20x64xf32, #tpu.memory_space<vmem>> -> memref<1x1x20x64xf32, #tpu.memory_space<vmem>>
    %dma_start3A_201 = tpu.memref_squeeze %dma_start3A_200 : memref<1x1x20x64xf32, #tpu.memory_space<vmem>> -> memref<20x64xf32, #tpu.memory_space<vmem>>
    %dma_start3A_202 = arith.constant 0 : i32
    %dma_start3A_203 = tpu.memref_slice %arg5[%dma_start3A_194, %dma_start3A_202] : memref<512x20xi32, #tpu.memory_space<vmem>> -> memref<1x20xi32, #tpu.memory_space<vmem>>
    %dma_start3A_204 = tpu.memref_squeeze %dma_start3A_203 : memref<1x20xi32, #tpu.memory_space<vmem>> -> memref<20xi32, #tpu.memory_space<vmem>>
    %dma_start3A_205 = arith.constant 0 : i32
    %dma_start3A_206 = arith.constant 0 : i32
    %dma_start3A_207 = tpu.memref_slice %arg3[%dma_start3A_205, %dma_start3A_206] : memref<1000000x64xf32, #tpu.memory_space<hbm>> -> memref<1000000x64xf32, #tpu.memory_space<hbm>>
    %dma_start3A_208 = tpu.memref_slice %arg7[%dma_start3A_197] : memref<4x!tpu.dma_semaphore, #tpu.memory_space<semaphore_mem>> -> memref<1x!tpu.dma_semaphore, #tpu.memory_space<semaphore_mem>>
    %dma_start3A_209 = tpu.memref_squeeze %dma_start3A_208 : memref<1x!tpu.dma_semaphore, #tpu.memory_space<semaphore_mem>> -> memref<!tpu.dma_semaphore, #tpu.memory_space<semaphore_mem>>
    tpu.enqueue_indirect_dma source(%dma_start3A_207 : memref<1000000x64xf32, #tpu.memory_space<hbm>>) target(%dma_start3A_201 : memref<20x64xf32, #tpu.memory_space<vmem>>) offsets(%dma_start3A_204 : memref<20xi32, #tpu.memory_space<vmem>>) semaphore(%dma_start3A_209 : memref<!tpu.dma_semaphore, #tpu.memory_space<semaphore_mem>>)
    %dma_start3A_210 = arith.constant 13 : i32
    %dma_start3A_211 = arith.constant 0 : i32
    %dma_start3A_212 = arith.constant 13 : i32
    %dma_start3A_213 = arith.constant 0 : i32
    %dma_start3A_214 = arith.constant 0 : i32
    %dma_start3A_215 = arith.constant 0 : i32
    %dma_start3A_216 = tpu.memref_slice %arg6[%dma_start3A_211, %dma_start3A_212, %dma_start3A_214, %dma_start3A_215] : memref<4x16x20x64xf32, #tpu.memory_space<vmem>> -> memref<1x1x20x64xf32, #tpu.memory_space<vmem>>
    %dma_start3A_217 = tpu.memref_squeeze %dma_start3A_216 : memref<1x1x20x64xf32, #tpu.memory_space<vmem>> -> memref<20x64xf32, #tpu.memory_space<vmem>>
    %dma_start3A_218 = arith.constant 0 : i32
    %dma_start3A_219 = tpu.memref_slice %arg5[%dma_start3A_210, %dma_start3A_218] : memref<512x20xi32, #tpu.memory_space<vmem>> -> memref<1x20xi32, #tpu.memory_space<vmem>>
    %dma_start3A_220 = tpu.memref_squeeze %dma_start3A_219 : memref<1x20xi32, #tpu.memory_space<vmem>> -> memref<20xi32, #tpu.memory_space<vmem>>
    %dma_start3A_221 = arith.constant 0 : i32
    %dma_start3A_222 = arith.constant 0 : i32
    %dma_start3A_223 = tpu.memref_slice %arg3[%dma_start3A_221, %dma_start3A_222] : memref<1000000x64xf32, #tpu.memory_space<hbm>> -> memref<1000000x64xf32, #tpu.memory_space<hbm>>
    %dma_start3A_224 = tpu.memref_slice %arg7[%dma_start3A_213] : memref<4x!tpu.dma_semaphore, #tpu.memory_space<semaphore_mem>> -> memref<1x!tpu.dma_semaphore, #tpu.memory_space<semaphore_mem>>
    %dma_start3A_225 = tpu.memref_squeeze %dma_start3A_224 : memref<1x!tpu.dma_semaphore, #tpu.memory_space<semaphore_mem>> -> memref<!tpu.dma_semaphore, #tpu.memory_space<semaphore_mem>>
    tpu.enqueue_indirect_dma source(%dma_start3A_223 : memref<1000000x64xf32, #tpu.memory_space<hbm>>) target(%dma_start3A_217 : memref<20x64xf32, #tpu.memory_space<vmem>>) offsets(%dma_start3A_220 : memref<20xi32, #tpu.memory_space<vmem>>) semaphore(%dma_start3A_225 : memref<!tpu.dma_semaphore, #tpu.memory_space<semaphore_mem>>)
    %dma_start3A_226 = arith.constant 14 : i32
    %dma_start3A_227 = arith.constant 0 : i32
    %dma_start3A_228 = arith.constant 14 : i32
    %dma_start3A_229 = arith.constant 0 : i32
    %dma_start3A_230 = arith.constant 0 : i32
    %dma_start3A_231 = arith.constant 0 : i32
    %dma_start3A_232 = tpu.memref_slice %arg6[%dma_start3A_227, %dma_start3A_228, %dma_start3A_230, %dma_start3A_231] : memref<4x16x20x64xf32, #tpu.memory_space<vmem>> -> memref<1x1x20x64xf32, #tpu.memory_space<vmem>>
    %dma_start3A_233 = tpu.memref_squeeze %dma_start3A_232 : memref<1x1x20x64xf32, #tpu.memory_space<vmem>> -> memref<20x64xf32, #tpu.memory_space<vmem>>
    %dma_start3A_234 = arith.constant 0 : i32
    %dma_start3A_235 = tpu.memref_slice %arg5[%dma_start3A_226, %dma_start3A_234] : memref<512x20xi32, #tpu.memory_space<vmem>> -> memref<1x20xi32, #tpu.memory_space<vmem>>
    %dma_start3A_236 = tpu.memref_squeeze %dma_start3A_235 : memref<1x20xi32, #tpu.memory_space<vmem>> -> memref<20xi32, #tpu.memory_space<vmem>>
    %dma_start3A_237 = arith.constant 0 : i32
    %dma_start3A_238 = arith.constant 0 : i32
    %dma_start3A_239 = tpu.memref_slice %arg3[%dma_start3A_237, %dma_start3A_238] : memref<1000000x64xf32, #tpu.memory_space<hbm>> -> memref<1000000x64xf32, #tpu.memory_space<hbm>>
    %dma_start3A_240 = tpu.memref_slice %arg7[%dma_start3A_229] : memref<4x!tpu.dma_semaphore, #tpu.memory_space<semaphore_mem>> -> memref<1x!tpu.dma_semaphore, #tpu.memory_space<semaphore_mem>>
    %dma_start3A_241 = tpu.memref_squeeze %dma_start3A_240 : memref<1x!tpu.dma_semaphore, #tpu.memory_space<semaphore_mem>> -> memref<!tpu.dma_semaphore, #tpu.memory_space<semaphore_mem>>
    tpu.enqueue_indirect_dma source(%dma_start3A_239 : memref<1000000x64xf32, #tpu.memory_space<hbm>>) target(%dma_start3A_233 : memref<20x64xf32, #tpu.memory_space<vmem>>) offsets(%dma_start3A_236 : memref<20xi32, #tpu.memory_space<vmem>>) semaphore(%dma_start3A_241 : memref<!tpu.dma_semaphore, #tpu.memory_space<semaphore_mem>>)
    %dma_start3A_242 = arith.constant 15 : i32
    %dma_start3A_243 = arith.constant 0 : i32
    %dma_start3A_244 = arith.constant 15 : i32
    %dma_start3A_245 = arith.constant 0 : i32
    %dma_start3A_246 = arith.constant 0 : i32
    %dma_start3A_247 = arith.constant 0 : i32
    %dma_start3A_248 = tpu.memref_slice %arg6[%dma_start3A_243, %dma_start3A_244, %dma_start3A_246, %dma_start3A_247] : memref<4x16x20x64xf32, #tpu.memory_space<vmem>> -> memref<1x1x20x64xf32, #tpu.memory_space<vmem>>
    %dma_start3A_249 = tpu.memref_squeeze %dma_start3A_248 : memref<1x1x20x64xf32, #tpu.memory_space<vmem>> -> memref<20x64xf32, #tpu.memory_space<vmem>>
    %dma_start3A_250 = arith.constant 0 : i32
    %dma_start3A_251 = tpu.memref_slice %arg5[%dma_start3A_242, %dma_start3A_250] : memref<512x20xi32, #tpu.memory_space<vmem>> -> memref<1x20xi32, #tpu.memory_space<vmem>>
    %dma_start3A_252 = tpu.memref_squeeze %dma_start3A_251 : memref<1x20xi32, #tpu.memory_space<vmem>> -> memref<20xi32, #tpu.memory_space<vmem>>
    %dma_start3A_253 = arith.constant 0 : i32
    %dma_start3A_254 = arith.constant 0 : i32
    %dma_start3A_255 = tpu.memref_slice %arg3[%dma_start3A_253, %dma_start3A_254] : memref<1000000x64xf32, #tpu.memory_space<hbm>> -> memref<1000000x64xf32, #tpu.memory_space<hbm>>
    %dma_start3A_256 = tpu.memref_slice %arg7[%dma_start3A_245] : memref<4x!tpu.dma_semaphore, #tpu.memory_space<semaphore_mem>> -> memref<1x!tpu.dma_semaphore, #tpu.memory_space<semaphore_mem>>
    %dma_start3A_257 = tpu.memref_squeeze %dma_start3A_256 : memref<1x!tpu.dma_semaphore, #tpu.memory_space<semaphore_mem>> -> memref<!tpu.dma_semaphore, #tpu.memory_space<semaphore_mem>>
    tpu.enqueue_indirect_dma source(%dma_start3A_255 : memref<1000000x64xf32, #tpu.memory_space<hbm>>) target(%dma_start3A_249 : memref<20x64xf32, #tpu.memory_space<vmem>>) offsets(%dma_start3A_252 : memref<20xi32, #tpu.memory_space<vmem>>) semaphore(%dma_start3A_257 : memref<!tpu.dma_semaphore, #tpu.memory_space<semaphore_mem>>)
    %dma_start3A_258 = arith.constant 16 : i32
    %dma_start3A_259 = arith.constant 1 : i32
    %dma_start3A_260 = arith.constant 0 : i32
    %dma_start3A_261 = arith.constant 1 : i32
    %dma_start3A_262 = arith.constant 0 : i32
    %dma_start3A_263 = arith.constant 0 : i32
    %dma_start3A_264 = tpu.memref_slice %arg6[%dma_start3A_259, %dma_start3A_260, %dma_start3A_262, %dma_start3A_263] : memref<4x16x20x64xf32, #tpu.memory_space<vmem>> -> memref<1x1x20x64xf32, #tpu.memory_space<vmem>>
    %dma_start3A_265 = tpu.memref_squeeze %dma_start3A_264 : memref<1x1x20x64xf32, #tpu.memory_space<vmem>> -> memref<20x64xf32, #tpu.memory_space<vmem>>
    %dma_start3A_266 = arith.constant 0 : i32
    %dma_start3A_267 = tpu.memref_slice %arg5[%dma_start3A_258, %dma_start3A_266] : memref<512x20xi32, #tpu.memory_space<vmem>> -> memref<1x20xi32, #tpu.memory_space<vmem>>
    %dma_start3A_268 = tpu.memref_squeeze %dma_start3A_267 : memref<1x20xi32, #tpu.memory_space<vmem>> -> memref<20xi32, #tpu.memory_space<vmem>>
    %dma_start3A_269 = arith.constant 0 : i32
    %dma_start3A_270 = arith.constant 0 : i32
    %dma_start3A_271 = tpu.memref_slice %arg3[%dma_start3A_269, %dma_start3A_270] : memref<1000000x64xf32, #tpu.memory_space<hbm>> -> memref<1000000x64xf32, #tpu.memory_space<hbm>>
    %dma_start3A_272 = tpu.memref_slice %arg7[%dma_start3A_261] : memref<4x!tpu.dma_semaphore, #tpu.memory_space<semaphore_mem>> -> memref<1x!tpu.dma_semaphore, #tpu.memory_space<semaphore_mem>>
    %dma_start3A_273 = tpu.memref_squeeze %dma_start3A_272 : memref<1x!tpu.dma_semaphore, #tpu.memory_space<semaphore_mem>> -> memref<!tpu.dma_semaphore, #tpu.memory_space<semaphore_mem>>
    tpu.enqueue_indirect_dma source(%dma_start3A_271 : memref<1000000x64xf32, #tpu.memory_space<hbm>>) target(%dma_start3A_265 : memref<20x64xf32, #tpu.memory_space<vmem>>) offsets(%dma_start3A_268 : memref<20xi32, #tpu.memory_space<vmem>>) semaphore(%dma_start3A_273 : memref<!tpu.dma_semaphore, #tpu.memory_space<semaphore_mem>>)
    %dma_start3A_274 = arith.constant 17 : i32
    %dma_start3A_275 = arith.constant 1 : i32
    %dma_start3A_276 = arith.constant 1 : i32
    %dma_start3A_277 = arith.constant 1 : i32
    %dma_start3A_278 = arith.constant 0 : i32
    %dma_start3A_279 = arith.constant 0 : i32
    %dma_start3A_280 = tpu.memref_slice %arg6[%dma_start3A_275, %dma_start3A_276, %dma_start3A_278, %dma_start3A_279] : memref<4x16x20x64xf32, #tpu.memory_space<vmem>> -> memref<1x1x20x64xf32, #tpu.memory_space<vmem>>
    %dma_start3A_281 = tpu.memref_squeeze %dma_start3A_280 : memref<1x1x20x64xf32, #tpu.memory_space<vmem>> -> memref<20x64xf32, #tpu.memory_space<vmem>>
    %dma_start3A_282 = arith.constant 0 : i32
    %dma_start3A_283 = tpu.memref_slice %arg5[%dma_start3A_274, %dma_start3A_282] : memref<512x20xi32, #tpu.memory_space<vmem>> -> memref<1x20xi32, #tpu.memory_space<vmem>>
    %dma_start3A_284 = tpu.memref_squeeze %dma_start3A_283 : memref<1x20xi32, #tpu.memory_space<vmem>> -> memref<20xi32, #tpu.memory_space<vmem>>
    %dma_start3A_285 = arith.constant 0 : i32
    %dma_start3A_286 = arith.constant 0 : i32
    %dma_start3A_287 = tpu.memref_slice %arg3[%dma_start3A_285, %dma_start3A_286] : memref<1000000x64xf32, #tpu.memory_space<hbm>> -> memref<1000000x64xf32, #tpu.memory_space<hbm>>
    %dma_start3A_288 = tpu.memref_slice %arg7[%dma_start3A_277] : memref<4x!tpu.dma_semaphore, #tpu.memory_space<semaphore_mem>> -> memref<1x!tpu.dma_semaphore, #tpu.memory_space<semaphore_mem>>
    %dma_start3A_289 = tpu.memref_squeeze %dma_start3A_288 : memref<1x!tpu.dma_semaphore, #tpu.memory_space<semaphore_mem>> -> memref<!tpu.dma_semaphore, #tpu.memory_space<semaphore_mem>>
    tpu.enqueue_indirect_dma source(%dma_start3A_287 : memref<1000000x64xf32, #tpu.memory_space<hbm>>) target(%dma_start3A_281 : memref<20x64xf32, #tpu.memory_space<vmem>>) offsets(%dma_start3A_284 : memref<20xi32, #tpu.memory_space<vmem>>) semaphore(%dma_start3A_289 : memref<!tpu.dma_semaphore, #tpu.memory_space<semaphore_mem>>)
    %dma_start3A_290 = arith.constant 18 : i32
    %dma_start3A_291 = arith.constant 1 : i32
    %dma_start3A_292 = arith.constant 2 : i32
    %dma_start3A_293 = arith.constant 1 : i32
    %dma_start3A_294 = arith.constant 0 : i32
    %dma_start3A_295 = arith.constant 0 : i32
    %dma_start3A_296 = tpu.memref_slice %arg6[%dma_start3A_291, %dma_start3A_292, %dma_start3A_294, %dma_start3A_295] : memref<4x16x20x64xf32, #tpu.memory_space<vmem>> -> memref<1x1x20x64xf32, #tpu.memory_space<vmem>>
    %dma_start3A_297 = tpu.memref_squeeze %dma_start3A_296 : memref<1x1x20x64xf32, #tpu.memory_space<vmem>> -> memref<20x64xf32, #tpu.memory_space<vmem>>
    %dma_start3A_298 = arith.constant 0 : i32
    %dma_start3A_299 = tpu.memref_slice %arg5[%dma_start3A_290, %dma_start3A_298] : memref<512x20xi32, #tpu.memory_space<vmem>> -> memref<1x20xi32, #tpu.memory_space<vmem>>
    %dma_start3A_300 = tpu.memref_squeeze %dma_start3A_299 : memref<1x20xi32, #tpu.memory_space<vmem>> -> memref<20xi32, #tpu.memory_space<vmem>>
    %dma_start3A_301 = arith.constant 0 : i32
    %dma_start3A_302 = arith.constant 0 : i32
    %dma_start3A_303 = tpu.memref_slice %arg3[%dma_start3A_301, %dma_start3A_302] : memref<1000000x64xf32, #tpu.memory_space<hbm>> -> memref<1000000x64xf32, #tpu.memory_space<hbm>>
    %dma_start3A_304 = tpu.memref_slice %arg7[%dma_start3A_293] : memref<4x!tpu.dma_semaphore, #tpu.memory_space<semaphore_mem>> -> memref<1x!tpu.dma_semaphore, #tpu.memory_space<semaphore_mem>>
    %dma_start3A_305 = tpu.memref_squeeze %dma_start3A_304 : memref<1x!tpu.dma_semaphore, #tpu.memory_space<semaphore_mem>> -> memref<!tpu.dma_semaphore, #tpu.memory_space<semaphore_mem>>
    tpu.enqueue_indirect_dma source(%dma_start3A_303 : memref<1000000x64xf32, #tpu.memory_space<hbm>>) target(%dma_start3A_297 : memref<20x64xf32, #tpu.memory_space<vmem>>) offsets(%dma_start3A_300 : memref<20xi32, #tpu.memory_space<vmem>>) semaphore(%dma_start3A_305 : memref<!tpu.dma_semaphore, #tpu.memory_space<semaphore_mem>>)
    %dma_start3A_306 = arith.constant 19 : i32
    %dma_start3A_307 = arith.constant 1 : i32
    %dma_start3A_308 = arith.constant 3 : i32
    %dma_start3A_309 = arith.constant 1 : i32
    %dma_start3A_310 = arith.constant 0 : i32
    %dma_start3A_311 = arith.constant 0 : i32
    %dma_start3A_312 = tpu.memref_slice %arg6[%dma_start3A_307, %dma_start3A_308, %dma_start3A_310, %dma_start3A_311] : memref<4x16x20x64xf32, #tpu.memory_space<vmem>> -> memref<1x1x20x64xf32, #tpu.memory_space<vmem>>
    %dma_start3A_313 = tpu.memref_squeeze %dma_start3A_312 : memref<1x1x20x64xf32, #tpu.memory_space<vmem>> -> memref<20x64xf32, #tpu.memory_space<vmem>>
    %dma_start3A_314 = arith.constant 0 : i32
    %dma_start3A_315 = tpu.memref_slice %arg5[%dma_start3A_306, %dma_start3A_314] : memref<512x20xi32, #tpu.memory_space<vmem>> -> memref<1x20xi32, #tpu.memory_space<vmem>>
    %dma_start3A_316 = tpu.memref_squeeze %dma_start3A_315 : memref<1x20xi32, #tpu.memory_space<vmem>> -> memref<20xi32, #tpu.memory_space<vmem>>
    %dma_start3A_317 = arith.constant 0 : i32
    %dma_start3A_318 = arith.constant 0 : i32
    %dma_start3A_319 = tpu.memref_slice %arg3[%dma_start3A_317, %dma_start3A_318] : memref<1000000x64xf32, #tpu.memory_space<hbm>> -> memref<1000000x64xf32, #tpu.memory_space<hbm>>
    %dma_start3A_320 = tpu.memref_slice %arg7[%dma_start3A_309] : memref<4x!tpu.dma_semaphore, #tpu.memory_space<semaphore_mem>> -> memref<1x!tpu.dma_semaphore, #tpu.memory_space<semaphore_mem>>
    %dma_start3A_321 = tpu.memref_squeeze %dma_start3A_320 : memref<1x!tpu.dma_semaphore, #tpu.memory_space<semaphore_mem>> -> memref<!tpu.dma_semaphore, #tpu.memory_space<semaphore_mem>>
    tpu.enqueue_indirect_dma source(%dma_start3A_319 : memref<1000000x64xf32, #tpu.memory_space<hbm>>) target(%dma_start3A_313 : memref<20x64xf32, #tpu.memory_space<vmem>>) offsets(%dma_start3A_316 : memref<20xi32, #tpu.memory_space<vmem>>) semaphore(%dma_start3A_321 : memref<!tpu.dma_semaphore, #tpu.memory_space<semaphore_mem>>)
    %dma_start3A_322 = arith.constant 20 : i32
    %dma_start3A_323 = arith.constant 1 : i32
    %dma_start3A_324 = arith.constant 4 : i32
    %dma_start3A_325 = arith.constant 1 : i32
    %dma_start3A_326 = arith.constant 0 : i32
    %dma_start3A_327 = arith.constant 0 : i32
    %dma_start3A_328 = tpu.memref_slice %arg6[%dma_start3A_323, %dma_start3A_324, %dma_start3A_326, %dma_start3A_327] : memref<4x16x20x64xf32, #tpu.memory_space<vmem>> -> memref<1x1x20x64xf32, #tpu.memory_space<vmem>>
    %dma_start3A_329 = tpu.memref_squeeze %dma_start3A_328 : memref<1x1x20x64xf32, #tpu.memory_space<vmem>> -> memref<20x64xf32, #tpu.memory_space<vmem>>
    %dma_start3A_330 = arith.constant 0 : i32
    %dma_start3A_331 = tpu.memref_slice %arg5[%dma_start3A_322, %dma_start3A_330] : memref<512x20xi32, #tpu.memory_space<vmem>> -> memref<1x20xi32, #tpu.memory_space<vmem>>
    %dma_start3A_332 = tpu.memref_squeeze %dma_start3A_331 : memref<1x20xi32, #tpu.memory_space<vmem>> -> memref<20xi32, #tpu.memory_space<vmem>>
    %dma_start3A_333 = arith.constant 0 : i32
    %dma_start3A_334 = arith.constant 0 : i32
    %dma_start3A_335 = tpu.memref_slice %arg3[%dma_start3A_333, %dma_start3A_334] : memref<1000000x64xf32, #tpu.memory_space<hbm>> -> memref<1000000x64xf32, #tpu.memory_space<hbm>>
    %dma_start3A_336 = tpu.memref_slice %arg7[%dma_start3A_325] : memref<4x!tpu.dma_semaphore, #tpu.memory_space<semaphore_mem>> -> memref<1x!tpu.dma_semaphore, #tpu.memory_space<semaphore_mem>>
    %dma_start3A_337 = tpu.memref_squeeze %dma_start3A_336 : memref<1x!tpu.dma_semaphore, #tpu.memory_space<semaphore_mem>> -> memref<!tpu.dma_semaphore, #tpu.memory_space<semaphore_mem>>
    tpu.enqueue_indirect_dma source(%dma_start3A_335 : memref<1000000x64xf32, #tpu.memory_space<hbm>>) target(%dma_start3A_329 : memref<20x64xf32, #tpu.memory_space<vmem>>) offsets(%dma_start3A_332 : memref<20xi32, #tpu.memory_space<vmem>>) semaphore(%dma_start3A_337 : memref<!tpu.dma_semaphore, #tpu.memory_space<semaphore_mem>>)
    %dma_start3A_338 = arith.constant 21 : i32
    %dma_start3A_339 = arith.constant 1 : i32
    %dma_start3A_340 = arith.constant 5 : i32
    %dma_start3A_341 = arith.constant 1 : i32
    %dma_start3A_342 = arith.constant 0 : i32
    %dma_start3A_343 = arith.constant 0 : i32
    %dma_start3A_344 = tpu.memref_slice %arg6[%dma_start3A_339, %dma_start3A_340, %dma_start3A_342, %dma_start3A_343] : memref<4x16x20x64xf32, #tpu.memory_space<vmem>> -> memref<1x1x20x64xf32, #tpu.memory_space<vmem>>
    %dma_start3A_345 = tpu.memref_squeeze %dma_start3A_344 : memref<1x1x20x64xf32, #tpu.memory_space<vmem>> -> memref<20x64xf32, #tpu.memory_space<vmem>>
    %dma_start3A_346 = arith.constant 0 : i32
    %dma_start3A_347 = tpu.memref_slice %arg5[%dma_start3A_338, %dma_start3A_346] : memref<512x20xi32, #tpu.memory_space<vmem>> -> memref<1x20xi32, #tpu.memory_space<vmem>>
    %dma_start3A_348 = tpu.memref_squeeze %dma_start3A_347 : memref<1x20xi32, #tpu.memory_space<vmem>> -> memref<20xi32, #tpu.memory_space<vmem>>
    %dma_start3A_349 = arith.constant 0 : i32
    %dma_start3A_350 = arith.constant 0 : i32
    %dma_start3A_351 = tpu.memref_slice %arg3[%dma_start3A_349, %dma_start3A_350] : memref<1000000x64xf32, #tpu.memory_space<hbm>> -> memref<1000000x64xf32, #tpu.memory_space<hbm>>
    %dma_start3A_352 = tpu.memref_slice %arg7[%dma_start3A_341] : memref<4x!tpu.dma_semaphore, #tpu.memory_space<semaphore_mem>> -> memref<1x!tpu.dma_semaphore, #tpu.memory_space<semaphore_mem>>
    %dma_start3A_353 = tpu.memref_squeeze %dma_start3A_352 : memref<1x!tpu.dma_semaphore, #tpu.memory_space<semaphore_mem>> -> memref<!tpu.dma_semaphore, #tpu.memory_space<semaphore_mem>>
    tpu.enqueue_indirect_dma source(%dma_start3A_351 : memref<1000000x64xf32, #tpu.memory_space<hbm>>) target(%dma_start3A_345 : memref<20x64xf32, #tpu.memory_space<vmem>>) offsets(%dma_start3A_348 : memref<20xi32, #tpu.memory_space<vmem>>) semaphore(%dma_start3A_353 : memref<!tpu.dma_semaphore, #tpu.memory_space<semaphore_mem>>)
    %dma_start3A_354 = arith.constant 22 : i32
    %dma_start3A_355 = arith.constant 1 : i32
    %dma_start3A_356 = arith.constant 6 : i32
    %dma_start3A_357 = arith.constant 1 : i32
    %dma_start3A_358 = arith.constant 0 : i32
    %dma_start3A_359 = arith.constant 0 : i32
    %dma_start3A_360 = tpu.memref_slice %arg6[%dma_start3A_355, %dma_start3A_356, %dma_start3A_358, %dma_start3A_359] : memref<4x16x20x64xf32, #tpu.memory_space<vmem>> -> memref<1x1x20x64xf32, #tpu.memory_space<vmem>>
    %dma_start3A_361 = tpu.memref_squeeze %dma_start3A_360 : memref<1x1x20x64xf32, #tpu.memory_space<vmem>> -> memref<20x64xf32, #tpu.memory_space<vmem>>
    %dma_start3A_362 = arith.constant 0 : i32
    %dma_start3A_363 = tpu.memref_slice %arg5[%dma_start3A_354, %dma_start3A_362] : memref<512x20xi32, #tpu.memory_space<vmem>> -> memref<1x20xi32, #tpu.memory_space<vmem>>
    %dma_start3A_364 = tpu.memref_squeeze %dma_start3A_363 : memref<1x20xi32, #tpu.memory_space<vmem>> -> memref<20xi32, #tpu.memory_space<vmem>>
    %dma_start3A_365 = arith.constant 0 : i32
    %dma_start3A_366 = arith.constant 0 : i32
    %dma_start3A_367 = tpu.memref_slice %arg3[%dma_start3A_365, %dma_start3A_366] : memref<1000000x64xf32, #tpu.memory_space<hbm>> -> memref<1000000x64xf32, #tpu.memory_space<hbm>>
    %dma_start3A_368 = tpu.memref_slice %arg7[%dma_start3A_357] : memref<4x!tpu.dma_semaphore, #tpu.memory_space<semaphore_mem>> -> memref<1x!tpu.dma_semaphore, #tpu.memory_space<semaphore_mem>>
    %dma_start3A_369 = tpu.memref_squeeze %dma_start3A_368 : memref<1x!tpu.dma_semaphore, #tpu.memory_space<semaphore_mem>> -> memref<!tpu.dma_semaphore, #tpu.memory_space<semaphore_mem>>
    tpu.enqueue_indirect_dma source(%dma_start3A_367 : memref<1000000x64xf32, #tpu.memory_space<hbm>>) target(%dma_start3A_361 : memref<20x64xf32, #tpu.memory_space<vmem>>) offsets(%dma_start3A_364 : memref<20xi32, #tpu.memory_space<vmem>>) semaphore(%dma_start3A_369 : memref<!tpu.dma_semaphore, #tpu.memory_space<semaphore_mem>>)
    %dma_start3A_370 = arith.constant 23 : i32
    %dma_start3A_371 = arith.constant 1 : i32
    %dma_start3A_372 = arith.constant 7 : i32
    %dma_start3A_373 = arith.constant 1 : i32
    %dma_start3A_374 = arith.constant 0 : i32
    %dma_start3A_375 = arith.constant 0 : i32
    %dma_start3A_376 = tpu.memref_slice %arg6[%dma_start3A_371, %dma_start3A_372, %dma_start3A_374, %dma_start3A_375] : memref<4x16x20x64xf32, #tpu.memory_space<vmem>> -> memref<1x1x20x64xf32, #tpu.memory_space<vmem>>
    %dma_start3A_377 = tpu.memref_squeeze %dma_start3A_376 : memref<1x1x20x64xf32, #tpu.memory_space<vmem>> -> memref<20x64xf32, #tpu.memory_space<vmem>>
    %dma_start3A_378 = arith.constant 0 : i32
    %dma_start3A_379 = tpu.memref_slice %arg5[%dma_start3A_370, %dma_start3A_378] : memref<512x20xi32, #tpu.memory_space<vmem>> -> memref<1x20xi32, #tpu.memory_space<vmem>>
    %dma_start3A_380 = tpu.memref_squeeze %dma_start3A_379 : memref<1x20xi32, #tpu.memory_space<vmem>> -> memref<20xi32, #tpu.memory_space<vmem>>
    %dma_start3A_381 = arith.constant 0 : i32
    %dma_start3A_382 = arith.constant 0 : i32
    %dma_start3A_383 = tpu.memref_slice %arg3[%dma_start3A_381, %dma_start3A_382] : memref<1000000x64xf32, #tpu.memory_space<hbm>> -> memref<1000000x64xf32, #tpu.memory_space<hbm>>
    %dma_start3A_384 = tpu.memref_slice %arg7[%dma_start3A_373] : memref<4x!tpu.dma_semaphore, #tpu.memory_space<semaphore_mem>> -> memref<1x!tpu.dma_semaphore, #tpu.memory_space<semaphore_mem>>
    %dma_start3A_385 = tpu.memref_squeeze %dma_start3A_384 : memref<1x!tpu.dma_semaphore, #tpu.memory_space<semaphore_mem>> -> memref<!tpu.dma_semaphore, #tpu.memory_space<semaphore_mem>>
    tpu.enqueue_indirect_dma source(%dma_start3A_383 : memref<1000000x64xf32, #tpu.memory_space<hbm>>) target(%dma_start3A_377 : memref<20x64xf32, #tpu.memory_space<vmem>>) offsets(%dma_start3A_380 : memref<20xi32, #tpu.memory_space<vmem>>) semaphore(%dma_start3A_385 : memref<!tpu.dma_semaphore, #tpu.memory_space<semaphore_mem>>)
    %dma_start3A_386 = arith.constant 24 : i32
    %dma_start3A_387 = arith.constant 1 : i32
    %dma_start3A_388 = arith.constant 8 : i32
    %dma_start3A_389 = arith.constant 1 : i32
    %dma_start3A_390 = arith.constant 0 : i32
    %dma_start3A_391 = arith.constant 0 : i32
    %dma_start3A_392 = tpu.memref_slice %arg6[%dma_start3A_387, %dma_start3A_388, %dma_start3A_390, %dma_start3A_391] : memref<4x16x20x64xf32, #tpu.memory_space<vmem>> -> memref<1x1x20x64xf32, #tpu.memory_space<vmem>>
    %dma_start3A_393 = tpu.memref_squeeze %dma_start3A_392 : memref<1x1x20x64xf32, #tpu.memory_space<vmem>> -> memref<20x64xf32, #tpu.memory_space<vmem>>
    %dma_start3A_394 = arith.constant 0 : i32
    %dma_start3A_395 = tpu.memref_slice %arg5[%dma_start3A_386, %dma_start3A_394] : memref<512x20xi32, #tpu.memory_space<vmem>> -> memref<1x20xi32, #tpu.memory_space<vmem>>
    %dma_start3A_396 = tpu.memref_squeeze %dma_start3A_395 : memref<1x20xi32, #tpu.memory_space<vmem>> -> memref<20xi32, #tpu.memory_space<vmem>>
    %dma_start3A_397 = arith.constant 0 : i32
    %dma_start3A_398 = arith.constant 0 : i32
    %dma_start3A_399 = tpu.memref_slice %arg3[%dma_start3A_397, %dma_start3A_398] : memref<1000000x64xf32, #tpu.memory_space<hbm>> -> memref<1000000x64xf32, #tpu.memory_space<hbm>>
    %dma_start3A_400 = tpu.memref_slice %arg7[%dma_start3A_389] : memref<4x!tpu.dma_semaphore, #tpu.memory_space<semaphore_mem>> -> memref<1x!tpu.dma_semaphore, #tpu.memory_space<semaphore_mem>>
    %dma_start3A_401 = tpu.memref_squeeze %dma_start3A_400 : memref<1x!tpu.dma_semaphore, #tpu.memory_space<semaphore_mem>> -> memref<!tpu.dma_semaphore, #tpu.memory_space<semaphore_mem>>
    tpu.enqueue_indirect_dma source(%dma_start3A_399 : memref<1000000x64xf32, #tpu.memory_space<hbm>>) target(%dma_start3A_393 : memref<20x64xf32, #tpu.memory_space<vmem>>) offsets(%dma_start3A_396 : memref<20xi32, #tpu.memory_space<vmem>>) semaphore(%dma_start3A_401 : memref<!tpu.dma_semaphore, #tpu.memory_space<semaphore_mem>>)
    %dma_start3A_402 = arith.constant 25 : i32
    %dma_start3A_403 = arith.constant 1 : i32
    %dma_start3A_404 = arith.constant 9 : i32
    %dma_start3A_405 = arith.constant 1 : i32
    %dma_start3A_406 = arith.constant 0 : i32
    %dma_start3A_407 = arith.constant 0 : i32
    %dma_start3A_408 = tpu.memref_slice %arg6[%dma_start3A_403, %dma_start3A_404, %dma_start3A_406, %dma_start3A_407] : memref<4x16x20x64xf32, #tpu.memory_space<vmem>> -> memref<1x1x20x64xf32, #tpu.memory_space<vmem>>
    %dma_start3A_409 = tpu.memref_squeeze %dma_start3A_408 : memref<1x1x20x64xf32, #tpu.memory_space<vmem>> -> memref<20x64xf32, #tpu.memory_space<vmem>>
    %dma_start3A_410 = arith.constant 0 : i32
    %dma_start3A_411 = tpu.memref_slice %arg5[%dma_start3A_402, %dma_start3A_410] : memref<512x20xi32, #tpu.memory_space<vmem>> -> memref<1x20xi32, #tpu.memory_space<vmem>>
    %dma_start3A_412 = tpu.memref_squeeze %dma_start3A_411 : memref<1x20xi32, #tpu.memory_space<vmem>> -> memref<20xi32, #tpu.memory_space<vmem>>
    %dma_start3A_413 = arith.constant 0 : i32
    %dma_start3A_414 = arith.constant 0 : i32
    %dma_start3A_415 = tpu.memref_slice %arg3[%dma_start3A_413, %dma_start3A_414] : memref<1000000x64xf32, #tpu.memory_space<hbm>> -> memref<1000000x64xf32, #tpu.memory_space<hbm>>
    %dma_start3A_416 = tpu.memref_slice %arg7[%dma_start3A_405] : memref<4x!tpu.dma_semaphore, #tpu.memory_space<semaphore_mem>> -> memref<1x!tpu.dma_semaphore, #tpu.memory_space<semaphore_mem>>
    %dma_start3A_417 = tpu.memref_squeeze %dma_start3A_416 : memref<1x!tpu.dma_semaphore, #tpu.memory_space<semaphore_mem>> -> memref<!tpu.dma_semaphore, #tpu.memory_space<semaphore_mem>>
    tpu.enqueue_indirect_dma source(%dma_start3A_415 : memref<1000000x64xf32, #tpu.memory_space<hbm>>) target(%dma_start3A_409 : memref<20x64xf32, #tpu.memory_space<vmem>>) offsets(%dma_start3A_412 : memref<20xi32, #tpu.memory_space<vmem>>) semaphore(%dma_start3A_417 : memref<!tpu.dma_semaphore, #tpu.memory_space<semaphore_mem>>)
    %dma_start3A_418 = arith.constant 26 : i32
    %dma_start3A_419 = arith.constant 1 : i32
    %dma_start3A_420 = arith.constant 10 : i32
    %dma_start3A_421 = arith.constant 1 : i32
    %dma_start3A_422 = arith.constant 0 : i32
    %dma_start3A_423 = arith.constant 0 : i32
    %dma_start3A_424 = tpu.memref_slice %arg6[%dma_start3A_419, %dma_start3A_420, %dma_start3A_422, %dma_start3A_423] : memref<4x16x20x64xf32, #tpu.memory_space<vmem>> -> memref<1x1x20x64xf32, #tpu.memory_space<vmem>>
    %dma_start3A_425 = tpu.memref_squeeze %dma_start3A_424 : memref<1x1x20x64xf32, #tpu.memory_space<vmem>> -> memref<20x64xf32, #tpu.memory_space<vmem>>
    %dma_start3A_426 = arith.constant 0 : i32
    %dma_start3A_427 = tpu.memref_slice %arg5[%dma_start3A_418, %dma_start3A_426] : memref<512x20xi32, #tpu.memory_space<vmem>> -> memref<1x20xi32, #tpu.memory_space<vmem>>
    %dma_start3A_428 = tpu.memref_squeeze %dma_start3A_427 : memref<1x20xi32, #tpu.memory_space<vmem>> -> memref<20xi32, #tpu.memory_space<vmem>>
    %dma_start3A_429 = arith.constant 0 : i32
    %dma_start3A_430 = arith.constant 0 : i32
    %dma_start3A_431 = tpu.memref_slice %arg3[%dma_start3A_429, %dma_start3A_430] : memref<1000000x64xf32, #tpu.memory_space<hbm>> -> memref<1000000x64xf32, #tpu.memory_space<hbm>>
    %dma_start3A_432 = tpu.memref_slice %arg7[%dma_start3A_421] : memref<4x!tpu.dma_semaphore, #tpu.memory_space<semaphore_mem>> -> memref<1x!tpu.dma_semaphore, #tpu.memory_space<semaphore_mem>>
    %dma_start3A_433 = tpu.memref_squeeze %dma_start3A_432 : memref<1x!tpu.dma_semaphore, #tpu.memory_space<semaphore_mem>> -> memref<!tpu.dma_semaphore, #tpu.memory_space<semaphore_mem>>
    tpu.enqueue_indirect_dma source(%dma_start3A_431 : memref<1000000x64xf32, #tpu.memory_space<hbm>>) target(%dma_start3A_425 : memref<20x64xf32, #tpu.memory_space<vmem>>) offsets(%dma_start3A_428 : memref<20xi32, #tpu.memory_space<vmem>>) semaphore(%dma_start3A_433 : memref<!tpu.dma_semaphore, #tpu.memory_space<semaphore_mem>>)
    %dma_start3A_434 = arith.constant 27 : i32
    %dma_start3A_435 = arith.constant 1 : i32
    %dma_start3A_436 = arith.constant 11 : i32
    %dma_start3A_437 = arith.constant 1 : i32
    %dma_start3A_438 = arith.constant 0 : i32
    %dma_start3A_439 = arith.constant 0 : i32
    %dma_start3A_440 = tpu.memref_slice %arg6[%dma_start3A_435, %dma_start3A_436, %dma_start3A_438, %dma_start3A_439] : memref<4x16x20x64xf32, #tpu.memory_space<vmem>> -> memref<1x1x20x64xf32, #tpu.memory_space<vmem>>
    %dma_start3A_441 = tpu.memref_squeeze %dma_start3A_440 : memref<1x1x20x64xf32, #tpu.memory_space<vmem>> -> memref<20x64xf32, #tpu.memory_space<vmem>>
    %dma_start3A_442 = arith.constant 0 : i32
    %dma_start3A_443 = tpu.memref_slice %arg5[%dma_start3A_434, %dma_start3A_442] : memref<512x20xi32, #tpu.memory_space<vmem>> -> memref<1x20xi32, #tpu.memory_space<vmem>>
    %dma_start3A_444 = tpu.memref_squeeze %dma_start3A_443 : memref<1x20xi32, #tpu.memory_space<vmem>> -> memref<20xi32, #tpu.memory_space<vmem>>
    %dma_start3A_445 = arith.constant 0 : i32
    %dma_start3A_446 = arith.constant 0 : i32
    %dma_start3A_447 = tpu.memref_slice %arg3[%dma_start3A_445, %dma_start3A_446] : memref<1000000x64xf32, #tpu.memory_space<hbm>> -> memref<1000000x64xf32, #tpu.memory_space<hbm>>
    %dma_start3A_448 = tpu.memref_slice %arg7[%dma_start3A_437] : memref<4x!tpu.dma_semaphore, #tpu.memory_space<semaphore_mem>> -> memref<1x!tpu.dma_semaphore, #tpu.memory_space<semaphore_mem>>
    %dma_start3A_449 = tpu.memref_squeeze %dma_start3A_448 : memref<1x!tpu.dma_semaphore, #tpu.memory_space<semaphore_mem>> -> memref<!tpu.dma_semaphore, #tpu.memory_space<semaphore_mem>>
    tpu.enqueue_indirect_dma source(%dma_start3A_447 : memref<1000000x64xf32, #tpu.memory_space<hbm>>) target(%dma_start3A_441 : memref<20x64xf32, #tpu.memory_space<vmem>>) offsets(%dma_start3A_444 : memref<20xi32, #tpu.memory_space<vmem>>) semaphore(%dma_start3A_449 : memref<!tpu.dma_semaphore, #tpu.memory_space<semaphore_mem>>)
    %dma_start3A_450 = arith.constant 28 : i32
    %dma_start3A_451 = arith.constant 1 : i32
    %dma_start3A_452 = arith.constant 12 : i32
    %dma_start3A_453 = arith.constant 1 : i32
    %dma_start3A_454 = arith.constant 0 : i32
    %dma_start3A_455 = arith.constant 0 : i32
    %dma_start3A_456 = tpu.memref_slice %arg6[%dma_start3A_451, %dma_start3A_452, %dma_start3A_454, %dma_start3A_455] : memref<4x16x20x64xf32, #tpu.memory_space<vmem>> -> memref<1x1x20x64xf32, #tpu.memory_space<vmem>>
    %dma_start3A_457 = tpu.memref_squeeze %dma_start3A_456 : memref<1x1x20x64xf32, #tpu.memory_space<vmem>> -> memref<20x64xf32, #tpu.memory_space<vmem>>
    %dma_start3A_458 = arith.constant 0 : i32
    %dma_start3A_459 = tpu.memref_slice %arg5[%dma_start3A_450, %dma_start3A_458] : memref<512x20xi32, #tpu.memory_space<vmem>> -> memref<1x20xi32, #tpu.memory_space<vmem>>
    %dma_start3A_460 = tpu.memref_squeeze %dma_start3A_459 : memref<1x20xi32, #tpu.memory_space<vmem>> -> memref<20xi32, #tpu.memory_space<vmem>>
    %dma_start3A_461 = arith.constant 0 : i32
    %dma_start3A_462 = arith.constant 0 : i32
    %dma_start3A_463 = tpu.memref_slice %arg3[%dma_start3A_461, %dma_start3A_462] : memref<1000000x64xf32, #tpu.memory_space<hbm>> -> memref<1000000x64xf32, #tpu.memory_space<hbm>>
    %dma_start3A_464 = tpu.memref_slice %arg7[%dma_start3A_453] : memref<4x!tpu.dma_semaphore, #tpu.memory_space<semaphore_mem>> -> memref<1x!tpu.dma_semaphore, #tpu.memory_space<semaphore_mem>>
    %dma_start3A_465 = tpu.memref_squeeze %dma_start3A_464 : memref<1x!tpu.dma_semaphore, #tpu.memory_space<semaphore_mem>> -> memref<!tpu.dma_semaphore, #tpu.memory_space<semaphore_mem>>
    tpu.enqueue_indirect_dma source(%dma_start3A_463 : memref<1000000x64xf32, #tpu.memory_space<hbm>>) target(%dma_start3A_457 : memref<20x64xf32, #tpu.memory_space<vmem>>) offsets(%dma_start3A_460 : memref<20xi32, #tpu.memory_space<vmem>>) semaphore(%dma_start3A_465 : memref<!tpu.dma_semaphore, #tpu.memory_space<semaphore_mem>>)
    %dma_start3A_466 = arith.constant 29 : i32
    %dma_start3A_467 = arith.constant 1 : i32
    %dma_start3A_468 = arith.constant 13 : i32
    %dma_start3A_469 = arith.constant 1 : i32
    %dma_start3A_470 = arith.constant 0 : i32
    %dma_start3A_471 = arith.constant 0 : i32
    %dma_start3A_472 = tpu.memref_slice %arg6[%dma_start3A_467, %dma_start3A_468, %dma_start3A_470, %dma_start3A_471] : memref<4x16x20x64xf32, #tpu.memory_space<vmem>> -> memref<1x1x20x64xf32, #tpu.memory_space<vmem>>
    %dma_start3A_473 = tpu.memref_squeeze %dma_start3A_472 : memref<1x1x20x64xf32, #tpu.memory_space<vmem>> -> memref<20x64xf32, #tpu.memory_space<vmem>>
    %dma_start3A_474 = arith.constant 0 : i32
    %dma_start3A_475 = tpu.memref_slice %arg5[%dma_start3A_466, %dma_start3A_474] : memref<512x20xi32, #tpu.memory_space<vmem>> -> memref<1x20xi32, #tpu.memory_space<vmem>>
    %dma_start3A_476 = tpu.memref_squeeze %dma_start3A_475 : memref<1x20xi32, #tpu.memory_space<vmem>> -> memref<20xi32, #tpu.memory_space<vmem>>
    %dma_start3A_477 = arith.constant 0 : i32
    %dma_start3A_478 = arith.constant 0 : i32
    %dma_start3A_479 = tpu.memref_slice %arg3[%dma_start3A_477, %dma_start3A_478] : memref<1000000x64xf32, #tpu.memory_space<hbm>> -> memref<1000000x64xf32, #tpu.memory_space<hbm>>
    %dma_start3A_480 = tpu.memref_slice %arg7[%dma_start3A_469] : memref<4x!tpu.dma_semaphore, #tpu.memory_space<semaphore_mem>> -> memref<1x!tpu.dma_semaphore, #tpu.memory_space<semaphore_mem>>
    %dma_start3A_481 = tpu.memref_squeeze %dma_start3A_480 : memref<1x!tpu.dma_semaphore, #tpu.memory_space<semaphore_mem>> -> memref<!tpu.dma_semaphore, #tpu.memory_space<semaphore_mem>>
    tpu.enqueue_indirect_dma source(%dma_start3A_479 : memref<1000000x64xf32, #tpu.memory_space<hbm>>) target(%dma_start3A_473 : memref<20x64xf32, #tpu.memory_space<vmem>>) offsets(%dma_start3A_476 : memref<20xi32, #tpu.memory_space<vmem>>) semaphore(%dma_start3A_481 : memref<!tpu.dma_semaphore, #tpu.memory_space<semaphore_mem>>)
    %dma_start3A_482 = arith.constant 30 : i32
    %dma_start3A_483 = arith.constant 1 : i32
    %dma_start3A_484 = arith.constant 14 : i32
    %dma_start3A_485 = arith.constant 1 : i32
    %dma_start3A_486 = arith.constant 0 : i32
    %dma_start3A_487 = arith.constant 0 : i32
    %dma_start3A_488 = tpu.memref_slice %arg6[%dma_start3A_483, %dma_start3A_484, %dma_start3A_486, %dma_start3A_487] : memref<4x16x20x64xf32, #tpu.memory_space<vmem>> -> memref<1x1x20x64xf32, #tpu.memory_space<vmem>>
    %dma_start3A_489 = tpu.memref_squeeze %dma_start3A_488 : memref<1x1x20x64xf32, #tpu.memory_space<vmem>> -> memref<20x64xf32, #tpu.memory_space<vmem>>
    %dma_start3A_490 = arith.constant 0 : i32
    %dma_start3A_491 = tpu.memref_slice %arg5[%dma_start3A_482, %dma_start3A_490] : memref<512x20xi32, #tpu.memory_space<vmem>> -> memref<1x20xi32, #tpu.memory_space<vmem>>
    %dma_start3A_492 = tpu.memref_squeeze %dma_start3A_491 : memref<1x20xi32, #tpu.memory_space<vmem>> -> memref<20xi32, #tpu.memory_space<vmem>>
    %dma_start3A_493 = arith.constant 0 : i32
    %dma_start3A_494 = arith.constant 0 : i32
    %dma_start3A_495 = tpu.memref_slice %arg3[%dma_start3A_493, %dma_start3A_494] : memref<1000000x64xf32, #tpu.memory_space<hbm>> -> memref<1000000x64xf32, #tpu.memory_space<hbm>>
    %dma_start3A_496 = tpu.memref_slice %arg7[%dma_start3A_485] : memref<4x!tpu.dma_semaphore, #tpu.memory_space<semaphore_mem>> -> memref<1x!tpu.dma_semaphore, #tpu.memory_space<semaphore_mem>>
    %dma_start3A_497 = tpu.memref_squeeze %dma_start3A_496 : memref<1x!tpu.dma_semaphore, #tpu.memory_space<semaphore_mem>> -> memref<!tpu.dma_semaphore, #tpu.memory_space<semaphore_mem>>
    tpu.enqueue_indirect_dma source(%dma_start3A_495 : memref<1000000x64xf32, #tpu.memory_space<hbm>>) target(%dma_start3A_489 : memref<20x64xf32, #tpu.memory_space<vmem>>) offsets(%dma_start3A_492 : memref<20xi32, #tpu.memory_space<vmem>>) semaphore(%dma_start3A_497 : memref<!tpu.dma_semaphore, #tpu.memory_space<semaphore_mem>>)
    %dma_start3A_498 = arith.constant 31 : i32
    %dma_start3A_499 = arith.constant 1 : i32
    %dma_start3A_500 = arith.constant 15 : i32
    %dma_start3A_501 = arith.constant 1 : i32
    %dma_start3A_502 = arith.constant 0 : i32
    %dma_start3A_503 = arith.constant 0 : i32
    %dma_start3A_504 = tpu.memref_slice %arg6[%dma_start3A_499, %dma_start3A_500, %dma_start3A_502, %dma_start3A_503] : memref<4x16x20x64xf32, #tpu.memory_space<vmem>> -> memref<1x1x20x64xf32, #tpu.memory_space<vmem>>
    %dma_start3A_505 = tpu.memref_squeeze %dma_start3A_504 : memref<1x1x20x64xf32, #tpu.memory_space<vmem>> -> memref<20x64xf32, #tpu.memory_space<vmem>>
    %dma_start3A_506 = arith.constant 0 : i32
    %dma_start3A_507 = tpu.memref_slice %arg5[%dma_start3A_498, %dma_start3A_506] : memref<512x20xi32, #tpu.memory_space<vmem>> -> memref<1x20xi32, #tpu.memory_space<vmem>>
    %dma_start3A_508 = tpu.memref_squeeze %dma_start3A_507 : memref<1x20xi32, #tpu.memory_space<vmem>> -> memref<20xi32, #tpu.memory_space<vmem>>
    %dma_start3A_509 = arith.constant 0 : i32
    %dma_start3A_510 = arith.constant 0 : i32
    %dma_start3A_511 = tpu.memref_slice %arg3[%dma_start3A_509, %dma_start3A_510] : memref<1000000x64xf32, #tpu.memory_space<hbm>> -> memref<1000000x64xf32, #tpu.memory_space<hbm>>
    %dma_start3A_512 = tpu.memref_slice %arg7[%dma_start3A_501] : memref<4x!tpu.dma_semaphore, #tpu.memory_space<semaphore_mem>> -> memref<1x!tpu.dma_semaphore, #tpu.memory_space<semaphore_mem>>
    %dma_start3A_513 = tpu.memref_squeeze %dma_start3A_512 : memref<1x!tpu.dma_semaphore, #tpu.memory_space<semaphore_mem>> -> memref<!tpu.dma_semaphore, #tpu.memory_space<semaphore_mem>>
    tpu.enqueue_indirect_dma source(%dma_start3A_511 : memref<1000000x64xf32, #tpu.memory_space<hbm>>) target(%dma_start3A_505 : memref<20x64xf32, #tpu.memory_space<vmem>>) offsets(%dma_start3A_508 : memref<20xi32, #tpu.memory_space<vmem>>) semaphore(%dma_start3A_513 : memref<!tpu.dma_semaphore, #tpu.memory_space<semaphore_mem>>)
    %dma_start3A_514 = arith.constant 32 : i32
    %dma_start3A_515 = arith.constant 2 : i32
    %dma_start3A_516 = arith.constant 0 : i32
    %dma_start3A_517 = arith.constant 2 : i32
    %dma_start3A_518 = arith.constant 0 : i32
    %dma_start3A_519 = arith.constant 0 : i32
    %dma_start3A_520 = tpu.memref_slice %arg6[%dma_start3A_515, %dma_start3A_516, %dma_start3A_518, %dma_start3A_519] : memref<4x16x20x64xf32, #tpu.memory_space<vmem>> -> memref<1x1x20x64xf32, #tpu.memory_space<vmem>>
    %dma_start3A_521 = tpu.memref_squeeze %dma_start3A_520 : memref<1x1x20x64xf32, #tpu.memory_space<vmem>> -> memref<20x64xf32, #tpu.memory_space<vmem>>
    %dma_start3A_522 = arith.constant 0 : i32
    %dma_start3A_523 = tpu.memref_slice %arg5[%dma_start3A_514, %dma_start3A_522] : memref<512x20xi32, #tpu.memory_space<vmem>> -> memref<1x20xi32, #tpu.memory_space<vmem>>
    %dma_start3A_524 = tpu.memref_squeeze %dma_start3A_523 : memref<1x20xi32, #tpu.memory_space<vmem>> -> memref<20xi32, #tpu.memory_space<vmem>>
    %dma_start3A_525 = arith.constant 0 : i32
    %dma_start3A_526 = arith.constant 0 : i32
    %dma_start3A_527 = tpu.memref_slice %arg3[%dma_start3A_525, %dma_start3A_526] : memref<1000000x64xf32, #tpu.memory_space<hbm>> -> memref<1000000x64xf32, #tpu.memory_space<hbm>>
    %dma_start3A_528 = tpu.memref_slice %arg7[%dma_start3A_517] : memref<4x!tpu.dma_semaphore, #tpu.memory_space<semaphore_mem>> -> memref<1x!tpu.dma_semaphore, #tpu.memory_space<semaphore_mem>>
    %dma_start3A_529 = tpu.memref_squeeze %dma_start3A_528 : memref<1x!tpu.dma_semaphore, #tpu.memory_space<semaphore_mem>> -> memref<!tpu.dma_semaphore, #tpu.memory_space<semaphore_mem>>
    tpu.enqueue_indirect_dma source(%dma_start3A_527 : memref<1000000x64xf32, #tpu.memory_space<hbm>>) target(%dma_start3A_521 : memref<20x64xf32, #tpu.memory_space<vmem>>) offsets(%dma_start3A_524 : memref<20xi32, #tpu.memory_space<vmem>>) semaphore(%dma_start3A_529 : memref<!tpu.dma_semaphore, #tpu.memory_space<semaphore_mem>>)
    %dma_start3A_530 = arith.constant 33 : i32
    %dma_start3A_531 = arith.constant 2 : i32
    %dma_start3A_532 = arith.constant 1 : i32
    %dma_start3A_533 = arith.constant 2 : i32
    %dma_start3A_534 = arith.constant 0 : i32
    %dma_start3A_535 = arith.constant 0 : i32
    %dma_start3A_536 = tpu.memref_slice %arg6[%dma_start3A_531, %dma_start3A_532, %dma_start3A_534, %dma_start3A_535] : memref<4x16x20x64xf32, #tpu.memory_space<vmem>> -> memref<1x1x20x64xf32, #tpu.memory_space<vmem>>
    %dma_start3A_537 = tpu.memref_squeeze %dma_start3A_536 : memref<1x1x20x64xf32, #tpu.memory_space<vmem>> -> memref<20x64xf32, #tpu.memory_space<vmem>>
    %dma_start3A_538 = arith.constant 0 : i32
    %dma_start3A_539 = tpu.memref_slice %arg5[%dma_start3A_530, %dma_start3A_538] : memref<512x20xi32, #tpu.memory_space<vmem>> -> memref<1x20xi32, #tpu.memory_space<vmem>>
    %dma_start3A_540 = tpu.memref_squeeze %dma_start3A_539 : memref<1x20xi32, #tpu.memory_space<vmem>> -> memref<20xi32, #tpu.memory_space<vmem>>
    %dma_start3A_541 = arith.constant 0 : i32
    %dma_start3A_542 = arith.constant 0 : i32
    %dma_start3A_543 = tpu.memref_slice %arg3[%dma_start3A_541, %dma_start3A_542] : memref<1000000x64xf32, #tpu.memory_space<hbm>> -> memref<1000000x64xf32, #tpu.memory_space<hbm>>
    %dma_start3A_544 = tpu.memref_slice %arg7[%dma_start3A_533] : memref<4x!tpu.dma_semaphore, #tpu.memory_space<semaphore_mem>> -> memref<1x!tpu.dma_semaphore, #tpu.memory_space<semaphore_mem>>
    %dma_start3A_545 = tpu.memref_squeeze %dma_start3A_544 : memref<1x!tpu.dma_semaphore, #tpu.memory_space<semaphore_mem>> -> memref<!tpu.dma_semaphore, #tpu.memory_space<semaphore_mem>>
    tpu.enqueue_indirect_dma source(%dma_start3A_543 : memref<1000000x64xf32, #tpu.memory_space<hbm>>) target(%dma_start3A_537 : memref<20x64xf32, #tpu.memory_space<vmem>>) offsets(%dma_start3A_540 : memref<20xi32, #tpu.memory_space<vmem>>) semaphore(%dma_start3A_545 : memref<!tpu.dma_semaphore, #tpu.memory_space<semaphore_mem>>)
    %dma_start3A_546 = arith.constant 34 : i32
    %dma_start3A_547 = arith.constant 2 : i32
    %dma_start3A_548 = arith.constant 2 : i32
    %dma_start3A_549 = arith.constant 2 : i32
    %dma_start3A_550 = arith.constant 0 : i32
    %dma_start3A_551 = arith.constant 0 : i32
    %dma_start3A_552 = tpu.memref_slice %arg6[%dma_start3A_547, %dma_start3A_548, %dma_start3A_550, %dma_start3A_551] : memref<4x16x20x64xf32, #tpu.memory_space<vmem>> -> memref<1x1x20x64xf32, #tpu.memory_space<vmem>>
    %dma_start3A_553 = tpu.memref_squeeze %dma_start3A_552 : memref<1x1x20x64xf32, #tpu.memory_space<vmem>> -> memref<20x64xf32, #tpu.memory_space<vmem>>
    %dma_start3A_554 = arith.constant 0 : i32
    %dma_start3A_555 = tpu.memref_slice %arg5[%dma_start3A_546, %dma_start3A_554] : memref<512x20xi32, #tpu.memory_space<vmem>> -> memref<1x20xi32, #tpu.memory_space<vmem>>
    %dma_start3A_556 = tpu.memref_squeeze %dma_start3A_555 : memref<1x20xi32, #tpu.memory_space<vmem>> -> memref<20xi32, #tpu.memory_space<vmem>>
    %dma_start3A_557 = arith.constant 0 : i32
    %dma_start3A_558 = arith.constant 0 : i32
    %dma_start3A_559 = tpu.memref_slice %arg3[%dma_start3A_557, %dma_start3A_558] : memref<1000000x64xf32, #tpu.memory_space<hbm>> -> memref<1000000x64xf32, #tpu.memory_space<hbm>>
    %dma_start3A_560 = tpu.memref_slice %arg7[%dma_start3A_549] : memref<4x!tpu.dma_semaphore, #tpu.memory_space<semaphore_mem>> -> memref<1x!tpu.dma_semaphore, #tpu.memory_space<semaphore_mem>>
    %dma_start3A_561 = tpu.memref_squeeze %dma_start3A_560 : memref<1x!tpu.dma_semaphore, #tpu.memory_space<semaphore_mem>> -> memref<!tpu.dma_semaphore, #tpu.memory_space<semaphore_mem>>
    tpu.enqueue_indirect_dma source(%dma_start3A_559 : memref<1000000x64xf32, #tpu.memory_space<hbm>>) target(%dma_start3A_553 : memref<20x64xf32, #tpu.memory_space<vmem>>) offsets(%dma_start3A_556 : memref<20xi32, #tpu.memory_space<vmem>>) semaphore(%dma_start3A_561 : memref<!tpu.dma_semaphore, #tpu.memory_space<semaphore_mem>>)
    %dma_start3A_562 = arith.constant 35 : i32
    %dma_start3A_563 = arith.constant 2 : i32
    %dma_start3A_564 = arith.constant 3 : i32
    %dma_start3A_565 = arith.constant 2 : i32
    %dma_start3A_566 = arith.constant 0 : i32
    %dma_start3A_567 = arith.constant 0 : i32
    %dma_start3A_568 = tpu.memref_slice %arg6[%dma_start3A_563, %dma_start3A_564, %dma_start3A_566, %dma_start3A_567] : memref<4x16x20x64xf32, #tpu.memory_space<vmem>> -> memref<1x1x20x64xf32, #tpu.memory_space<vmem>>
    %dma_start3A_569 = tpu.memref_squeeze %dma_start3A_568 : memref<1x1x20x64xf32, #tpu.memory_space<vmem>> -> memref<20x64xf32, #tpu.memory_space<vmem>>
    %dma_start3A_570 = arith.constant 0 : i32
    %dma_start3A_571 = tpu.memref_slice %arg5[%dma_start3A_562, %dma_start3A_570] : memref<512x20xi32, #tpu.memory_space<vmem>> -> memref<1x20xi32, #tpu.memory_space<vmem>>
    %dma_start3A_572 = tpu.memref_squeeze %dma_start3A_571 : memref<1x20xi32, #tpu.memory_space<vmem>> -> memref<20xi32, #tpu.memory_space<vmem>>
    %dma_start3A_573 = arith.constant 0 : i32
    %dma_start3A_574 = arith.constant 0 : i32
    %dma_start3A_575 = tpu.memref_slice %arg3[%dma_start3A_573, %dma_start3A_574] : memref<1000000x64xf32, #tpu.memory_space<hbm>> -> memref<1000000x64xf32, #tpu.memory_space<hbm>>
    %dma_start3A_576 = tpu.memref_slice %arg7[%dma_start3A_565] : memref<4x!tpu.dma_semaphore, #tpu.memory_space<semaphore_mem>> -> memref<1x!tpu.dma_semaphore, #tpu.memory_space<semaphore_mem>>
    %dma_start3A_577 = tpu.memref_squeeze %dma_start3A_576 : memref<1x!tpu.dma_semaphore, #tpu.memory_space<semaphore_mem>> -> memref<!tpu.dma_semaphore, #tpu.memory_space<semaphore_mem>>
    tpu.enqueue_indirect_dma source(%dma_start3A_575 : memref<1000000x64xf32, #tpu.memory_space<hbm>>) target(%dma_start3A_569 : memref<20x64xf32, #tpu.memory_space<vmem>>) offsets(%dma_start3A_572 : memref<20xi32, #tpu.memory_space<vmem>>) semaphore(%dma_start3A_577 : memref<!tpu.dma_semaphore, #tpu.memory_space<semaphore_mem>>)
    %dma_start3A_578 = arith.constant 36 : i32
    %dma_start3A_579 = arith.constant 2 : i32
    %dma_start3A_580 = arith.constant 4 : i32
    %dma_start3A_581 = arith.constant 2 : i32
    %dma_start3A_582 = arith.constant 0 : i32
    %dma_start3A_583 = arith.constant 0 : i32
    %dma_start3A_584 = tpu.memref_slice %arg6[%dma_start3A_579, %dma_start3A_580, %dma_start3A_582, %dma_start3A_583] : memref<4x16x20x64xf32, #tpu.memory_space<vmem>> -> memref<1x1x20x64xf32, #tpu.memory_space<vmem>>
    %dma_start3A_585 = tpu.memref_squeeze %dma_start3A_584 : memref<1x1x20x64xf32, #tpu.memory_space<vmem>> -> memref<20x64xf32, #tpu.memory_space<vmem>>
    %dma_start3A_586 = arith.constant 0 : i32
    %dma_start3A_587 = tpu.memref_slice %arg5[%dma_start3A_578, %dma_start3A_586] : memref<512x20xi32, #tpu.memory_space<vmem>> -> memref<1x20xi32, #tpu.memory_space<vmem>>
    %dma_start3A_588 = tpu.memref_squeeze %dma_start3A_587 : memref<1x20xi32, #tpu.memory_space<vmem>> -> memref<20xi32, #tpu.memory_space<vmem>>
    %dma_start3A_589 = arith.constant 0 : i32
    %dma_start3A_590 = arith.constant 0 : i32
    %dma_start3A_591 = tpu.memref_slice %arg3[%dma_start3A_589, %dma_start3A_590] : memref<1000000x64xf32, #tpu.memory_space<hbm>> -> memref<1000000x64xf32, #tpu.memory_space<hbm>>
    %dma_start3A_592 = tpu.memref_slice %arg7[%dma_start3A_581] : memref<4x!tpu.dma_semaphore, #tpu.memory_space<semaphore_mem>> -> memref<1x!tpu.dma_semaphore, #tpu.memory_space<semaphore_mem>>
    %dma_start3A_593 = tpu.memref_squeeze %dma_start3A_592 : memref<1x!tpu.dma_semaphore, #tpu.memory_space<semaphore_mem>> -> memref<!tpu.dma_semaphore, #tpu.memory_space<semaphore_mem>>
    tpu.enqueue_indirect_dma source(%dma_start3A_591 : memref<1000000x64xf32, #tpu.memory_space<hbm>>) target(%dma_start3A_585 : memref<20x64xf32, #tpu.memory_space<vmem>>) offsets(%dma_start3A_588 : memref<20xi32, #tpu.memory_space<vmem>>) semaphore(%dma_start3A_593 : memref<!tpu.dma_semaphore, #tpu.memory_space<semaphore_mem>>)
    %dma_start3A_594 = arith.constant 37 : i32
    %dma_start3A_595 = arith.constant 2 : i32
    %dma_start3A_596 = arith.constant 5 : i32
    %dma_start3A_597 = arith.constant 2 : i32
    %dma_start3A_598 = arith.constant 0 : i32
    %dma_start3A_599 = arith.constant 0 : i32
    %dma_start3A_600 = tpu.memref_slice %arg6[%dma_start3A_595, %dma_start3A_596, %dma_start3A_598, %dma_start3A_599] : memref<4x16x20x64xf32, #tpu.memory_space<vmem>> -> memref<1x1x20x64xf32, #tpu.memory_space<vmem>>
    %dma_start3A_601 = tpu.memref_squeeze %dma_start3A_600 : memref<1x1x20x64xf32, #tpu.memory_space<vmem>> -> memref<20x64xf32, #tpu.memory_space<vmem>>
    %dma_start3A_602 = arith.constant 0 : i32
    %dma_start3A_603 = tpu.memref_slice %arg5[%dma_start3A_594, %dma_start3A_602] : memref<512x20xi32, #tpu.memory_space<vmem>> -> memref<1x20xi32, #tpu.memory_space<vmem>>
    %dma_start3A_604 = tpu.memref_squeeze %dma_start3A_603 : memref<1x20xi32, #tpu.memory_space<vmem>> -> memref<20xi32, #tpu.memory_space<vmem>>
    %dma_start3A_605 = arith.constant 0 : i32
    %dma_start3A_606 = arith.constant 0 : i32
    %dma_start3A_607 = tpu.memref_slice %arg3[%dma_start3A_605, %dma_start3A_606] : memref<1000000x64xf32, #tpu.memory_space<hbm>> -> memref<1000000x64xf32, #tpu.memory_space<hbm>>
    %dma_start3A_608 = tpu.memref_slice %arg7[%dma_start3A_597] : memref<4x!tpu.dma_semaphore, #tpu.memory_space<semaphore_mem>> -> memref<1x!tpu.dma_semaphore, #tpu.memory_space<semaphore_mem>>
    %dma_start3A_609 = tpu.memref_squeeze %dma_start3A_608 : memref<1x!tpu.dma_semaphore, #tpu.memory_space<semaphore_mem>> -> memref<!tpu.dma_semaphore, #tpu.memory_space<semaphore_mem>>
    tpu.enqueue_indirect_dma source(%dma_start3A_607 : memref<1000000x64xf32, #tpu.memory_space<hbm>>) target(%dma_start3A_601 : memref<20x64xf32, #tpu.memory_space<vmem>>) offsets(%dma_start3A_604 : memref<20xi32, #tpu.memory_space<vmem>>) semaphore(%dma_start3A_609 : memref<!tpu.dma_semaphore, #tpu.memory_space<semaphore_mem>>)
    %dma_start3A_610 = arith.constant 38 : i32
    %dma_start3A_611 = arith.constant 2 : i32
    %dma_start3A_612 = arith.constant 6 : i32
    %dma_start3A_613 = arith.constant 2 : i32
    %dma_start3A_614 = arith.constant 0 : i32
    %dma_start3A_615 = arith.constant 0 : i32
    %dma_start3A_616 = tpu.memref_slice %arg6[%dma_start3A_611, %dma_start3A_612, %dma_start3A_614, %dma_start3A_615] : memref<4x16x20x64xf32, #tpu.memory_space<vmem>> -> memref<1x1x20x64xf32, #tpu.memory_space<vmem>>
    %dma_start3A_617 = tpu.memref_squeeze %dma_start3A_616 : memref<1x1x20x64xf32, #tpu.memory_space<vmem>> -> memref<20x64xf32, #tpu.memory_space<vmem>>
    %dma_start3A_618 = arith.constant 0 : i32
    %dma_start3A_619 = tpu.memref_slice %arg5[%dma_start3A_610, %dma_start3A_618] : memref<512x20xi32, #tpu.memory_space<vmem>> -> memref<1x20xi32, #tpu.memory_space<vmem>>
    %dma_start3A_620 = tpu.memref_squeeze %dma_start3A_619 : memref<1x20xi32, #tpu.memory_space<vmem>> -> memref<20xi32, #tpu.memory_space<vmem>>
    %dma_start3A_621 = arith.constant 0 : i32
    %dma_start3A_622 = arith.constant 0 : i32
    %dma_start3A_623 = tpu.memref_slice %arg3[%dma_start3A_621, %dma_start3A_622] : memref<1000000x64xf32, #tpu.memory_space<hbm>> -> memref<1000000x64xf32, #tpu.memory_space<hbm>>
    %dma_start3A_624 = tpu.memref_slice %arg7[%dma_start3A_613] : memref<4x!tpu.dma_semaphore, #tpu.memory_space<semaphore_mem>> -> memref<1x!tpu.dma_semaphore, #tpu.memory_space<semaphore_mem>>
    %dma_start3A_625 = tpu.memref_squeeze %dma_start3A_624 : memref<1x!tpu.dma_semaphore, #tpu.memory_space<semaphore_mem>> -> memref<!tpu.dma_semaphore, #tpu.memory_space<semaphore_mem>>
    tpu.enqueue_indirect_dma source(%dma_start3A_623 : memref<1000000x64xf32, #tpu.memory_space<hbm>>) target(%dma_start3A_617 : memref<20x64xf32, #tpu.memory_space<vmem>>) offsets(%dma_start3A_620 : memref<20xi32, #tpu.memory_space<vmem>>) semaphore(%dma_start3A_625 : memref<!tpu.dma_semaphore, #tpu.memory_space<semaphore_mem>>)
    %dma_start3A_626 = arith.constant 39 : i32
    %dma_start3A_627 = arith.constant 2 : i32
    %dma_start3A_628 = arith.constant 7 : i32
    %dma_start3A_629 = arith.constant 2 : i32
    %dma_start3A_630 = arith.constant 0 : i32
    %dma_start3A_631 = arith.constant 0 : i32
    %dma_start3A_632 = tpu.memref_slice %arg6[%dma_start3A_627, %dma_start3A_628, %dma_start3A_630, %dma_start3A_631] : memref<4x16x20x64xf32, #tpu.memory_space<vmem>> -> memref<1x1x20x64xf32, #tpu.memory_space<vmem>>
    %dma_start3A_633 = tpu.memref_squeeze %dma_start3A_632 : memref<1x1x20x64xf32, #tpu.memory_space<vmem>> -> memref<20x64xf32, #tpu.memory_space<vmem>>
    %dma_start3A_634 = arith.constant 0 : i32
    %dma_start3A_635 = tpu.memref_slice %arg5[%dma_start3A_626, %dma_start3A_634] : memref<512x20xi32, #tpu.memory_space<vmem>> -> memref<1x20xi32, #tpu.memory_space<vmem>>
    %dma_start3A_636 = tpu.memref_squeeze %dma_start3A_635 : memref<1x20xi32, #tpu.memory_space<vmem>> -> memref<20xi32, #tpu.memory_space<vmem>>
    %dma_start3A_637 = arith.constant 0 : i32
    %dma_start3A_638 = arith.constant 0 : i32
    %dma_start3A_639 = tpu.memref_slice %arg3[%dma_start3A_637, %dma_start3A_638] : memref<1000000x64xf32, #tpu.memory_space<hbm>> -> memref<1000000x64xf32, #tpu.memory_space<hbm>>
    %dma_start3A_640 = tpu.memref_slice %arg7[%dma_start3A_629] : memref<4x!tpu.dma_semaphore, #tpu.memory_space<semaphore_mem>> -> memref<1x!tpu.dma_semaphore, #tpu.memory_space<semaphore_mem>>
    %dma_start3A_641 = tpu.memref_squeeze %dma_start3A_640 : memref<1x!tpu.dma_semaphore, #tpu.memory_space<semaphore_mem>> -> memref<!tpu.dma_semaphore, #tpu.memory_space<semaphore_mem>>
    tpu.enqueue_indirect_dma source(%dma_start3A_639 : memref<1000000x64xf32, #tpu.memory_space<hbm>>) target(%dma_start3A_633 : memref<20x64xf32, #tpu.memory_space<vmem>>) offsets(%dma_start3A_636 : memref<20xi32, #tpu.memory_space<vmem>>) semaphore(%dma_start3A_641 : memref<!tpu.dma_semaphore, #tpu.memory_space<semaphore_mem>>)
    %dma_start3A_642 = arith.constant 40 : i32
    %dma_start3A_643 = arith.constant 2 : i32
    %dma_start3A_644 = arith.constant 8 : i32
    %dma_start3A_645 = arith.constant 2 : i32
    %dma_start3A_646 = arith.constant 0 : i32
    %dma_start3A_647 = arith.constant 0 : i32
    %dma_start3A_648 = tpu.memref_slice %arg6[%dma_start3A_643, %dma_start3A_644, %dma_start3A_646, %dma_start3A_647] : memref<4x16x20x64xf32, #tpu.memory_space<vmem>> -> memref<1x1x20x64xf32, #tpu.memory_space<vmem>>
    %dma_start3A_649 = tpu.memref_squeeze %dma_start3A_648 : memref<1x1x20x64xf32, #tpu.memory_space<vmem>> -> memref<20x64xf32, #tpu.memory_space<vmem>>
    %dma_start3A_650 = arith.constant 0 : i32
    %dma_start3A_651 = tpu.memref_slice %arg5[%dma_start3A_642, %dma_start3A_650] : memref<512x20xi32, #tpu.memory_space<vmem>> -> memref<1x20xi32, #tpu.memory_space<vmem>>
    %dma_start3A_652 = tpu.memref_squeeze %dma_start3A_651 : memref<1x20xi32, #tpu.memory_space<vmem>> -> memref<20xi32, #tpu.memory_space<vmem>>
    %dma_start3A_653 = arith.constant 0 : i32
    %dma_start3A_654 = arith.constant 0 : i32
    %dma_start3A_655 = tpu.memref_slice %arg3[%dma_start3A_653, %dma_start3A_654] : memref<1000000x64xf32, #tpu.memory_space<hbm>> -> memref<1000000x64xf32, #tpu.memory_space<hbm>>
    %dma_start3A_656 = tpu.memref_slice %arg7[%dma_start3A_645] : memref<4x!tpu.dma_semaphore, #tpu.memory_space<semaphore_mem>> -> memref<1x!tpu.dma_semaphore, #tpu.memory_space<semaphore_mem>>
    %dma_start3A_657 = tpu.memref_squeeze %dma_start3A_656 : memref<1x!tpu.dma_semaphore, #tpu.memory_space<semaphore_mem>> -> memref<!tpu.dma_semaphore, #tpu.memory_space<semaphore_mem>>
    tpu.enqueue_indirect_dma source(%dma_start3A_655 : memref<1000000x64xf32, #tpu.memory_space<hbm>>) target(%dma_start3A_649 : memref<20x64xf32, #tpu.memory_space<vmem>>) offsets(%dma_start3A_652 : memref<20xi32, #tpu.memory_space<vmem>>) semaphore(%dma_start3A_657 : memref<!tpu.dma_semaphore, #tpu.memory_space<semaphore_mem>>)
    %dma_start3A_658 = arith.constant 41 : i32
    %dma_start3A_659 = arith.constant 2 : i32
    %dma_start3A_660 = arith.constant 9 : i32
    %dma_start3A_661 = arith.constant 2 : i32
    %dma_start3A_662 = arith.constant 0 : i32
    %dma_start3A_663 = arith.constant 0 : i32
    %dma_start3A_664 = tpu.memref_slice %arg6[%dma_start3A_659, %dma_start3A_660, %dma_start3A_662, %dma_start3A_663] : memref<4x16x20x64xf32, #tpu.memory_space<vmem>> -> memref<1x1x20x64xf32, #tpu.memory_space<vmem>>
    %dma_start3A_665 = tpu.memref_squeeze %dma_start3A_664 : memref<1x1x20x64xf32, #tpu.memory_space<vmem>> -> memref<20x64xf32, #tpu.memory_space<vmem>>
    %dma_start3A_666 = arith.constant 0 : i32
    %dma_start3A_667 = tpu.memref_slice %arg5[%dma_start3A_658, %dma_start3A_666] : memref<512x20xi32, #tpu.memory_space<vmem>> -> memref<1x20xi32, #tpu.memory_space<vmem>>
    %dma_start3A_668 = tpu.memref_squeeze %dma_start3A_667 : memref<1x20xi32, #tpu.memory_space<vmem>> -> memref<20xi32, #tpu.memory_space<vmem>>
    %dma_start3A_669 = arith.constant 0 : i32
    %dma_start3A_670 = arith.constant 0 : i32
    %dma_start3A_671 = tpu.memref_slice %arg3[%dma_start3A_669, %dma_start3A_670] : memref<1000000x64xf32, #tpu.memory_space<hbm>> -> memref<1000000x64xf32, #tpu.memory_space<hbm>>
    %dma_start3A_672 = tpu.memref_slice %arg7[%dma_start3A_661] : memref<4x!tpu.dma_semaphore, #tpu.memory_space<semaphore_mem>> -> memref<1x!tpu.dma_semaphore, #tpu.memory_space<semaphore_mem>>
    %dma_start3A_673 = tpu.memref_squeeze %dma_start3A_672 : memref<1x!tpu.dma_semaphore, #tpu.memory_space<semaphore_mem>> -> memref<!tpu.dma_semaphore, #tpu.memory_space<semaphore_mem>>
    tpu.enqueue_indirect_dma source(%dma_start3A_671 : memref<1000000x64xf32, #tpu.memory_space<hbm>>) target(%dma_start3A_665 : memref<20x64xf32, #tpu.memory_space<vmem>>) offsets(%dma_start3A_668 : memref<20xi32, #tpu.memory_space<vmem>>) semaphore(%dma_start3A_673 : memref<!tpu.dma_semaphore, #tpu.memory_space<semaphore_mem>>)
    %dma_start3A_674 = arith.constant 42 : i32
    %dma_start3A_675 = arith.constant 2 : i32
    %dma_start3A_676 = arith.constant 10 : i32
    %dma_start3A_677 = arith.constant 2 : i32
    %dma_start3A_678 = arith.constant 0 : i32
    %dma_start3A_679 = arith.constant 0 : i32
    %dma_start3A_680 = tpu.memref_slice %arg6[%dma_start3A_675, %dma_start3A_676, %dma_start3A_678, %dma_start3A_679] : memref<4x16x20x64xf32, #tpu.memory_space<vmem>> -> memref<1x1x20x64xf32, #tpu.memory_space<vmem>>
    %dma_start3A_681 = tpu.memref_squeeze %dma_start3A_680 : memref<1x1x20x64xf32, #tpu.memory_space<vmem>> -> memref<20x64xf32, #tpu.memory_space<vmem>>
    %dma_start3A_682 = arith.constant 0 : i32
    %dma_start3A_683 = tpu.memref_slice %arg5[%dma_start3A_674, %dma_start3A_682] : memref<512x20xi32, #tpu.memory_space<vmem>> -> memref<1x20xi32, #tpu.memory_space<vmem>>
    %dma_start3A_684 = tpu.memref_squeeze %dma_start3A_683 : memref<1x20xi32, #tpu.memory_space<vmem>> -> memref<20xi32, #tpu.memory_space<vmem>>
    %dma_start3A_685 = arith.constant 0 : i32
    %dma_start3A_686 = arith.constant 0 : i32
    %dma_start3A_687 = tpu.memref_slice %arg3[%dma_start3A_685, %dma_start3A_686] : memref<1000000x64xf32, #tpu.memory_space<hbm>> -> memref<1000000x64xf32, #tpu.memory_space<hbm>>
    %dma_start3A_688 = tpu.memref_slice %arg7[%dma_start3A_677] : memref<4x!tpu.dma_semaphore, #tpu.memory_space<semaphore_mem>> -> memref<1x!tpu.dma_semaphore, #tpu.memory_space<semaphore_mem>>
    %dma_start3A_689 = tpu.memref_squeeze %dma_start3A_688 : memref<1x!tpu.dma_semaphore, #tpu.memory_space<semaphore_mem>> -> memref<!tpu.dma_semaphore, #tpu.memory_space<semaphore_mem>>
    tpu.enqueue_indirect_dma source(%dma_start3A_687 : memref<1000000x64xf32, #tpu.memory_space<hbm>>) target(%dma_start3A_681 : memref<20x64xf32, #tpu.memory_space<vmem>>) offsets(%dma_start3A_684 : memref<20xi32, #tpu.memory_space<vmem>>) semaphore(%dma_start3A_689 : memref<!tpu.dma_semaphore, #tpu.memory_space<semaphore_mem>>)
    %dma_start3A_690 = arith.constant 43 : i32
    %dma_start3A_691 = arith.constant 2 : i32
    %dma_start3A_692 = arith.constant 11 : i32
    %dma_start3A_693 = arith.constant 2 : i32
    %dma_start3A_694 = arith.constant 0 : i32
    %dma_start3A_695 = arith.constant 0 : i32
    %dma_start3A_696 = tpu.memref_slice %arg6[%dma_start3A_691, %dma_start3A_692, %dma_start3A_694, %dma_start3A_695] : memref<4x16x20x64xf32, #tpu.memory_space<vmem>> -> memref<1x1x20x64xf32, #tpu.memory_space<vmem>>
    %dma_start3A_697 = tpu.memref_squeeze %dma_start3A_696 : memref<1x1x20x64xf32, #tpu.memory_space<vmem>> -> memref<20x64xf32, #tpu.memory_space<vmem>>
    %dma_start3A_698 = arith.constant 0 : i32
    %dma_start3A_699 = tpu.memref_slice %arg5[%dma_start3A_690, %dma_start3A_698] : memref<512x20xi32, #tpu.memory_space<vmem>> -> memref<1x20xi32, #tpu.memory_space<vmem>>
    %dma_start3A_700 = tpu.memref_squeeze %dma_start3A_699 : memref<1x20xi32, #tpu.memory_space<vmem>> -> memref<20xi32, #tpu.memory_space<vmem>>
    %dma_start3A_701 = arith.constant 0 : i32
    %dma_start3A_702 = arith.constant 0 : i32
    %dma_start3A_703 = tpu.memref_slice %arg3[%dma_start3A_701, %dma_start3A_702] : memref<1000000x64xf32, #tpu.memory_space<hbm>> -> memref<1000000x64xf32, #tpu.memory_space<hbm>>
    %dma_start3A_704 = tpu.memref_slice %arg7[%dma_start3A_693] : memref<4x!tpu.dma_semaphore, #tpu.memory_space<semaphore_mem>> -> memref<1x!tpu.dma_semaphore, #tpu.memory_space<semaphore_mem>>
    %dma_start3A_705 = tpu.memref_squeeze %dma_start3A_704 : memref<1x!tpu.dma_semaphore, #tpu.memory_space<semaphore_mem>> -> memref<!tpu.dma_semaphore, #tpu.memory_space<semaphore_mem>>
    tpu.enqueue_indirect_dma source(%dma_start3A_703 : memref<1000000x64xf32, #tpu.memory_space<hbm>>) target(%dma_start3A_697 : memref<20x64xf32, #tpu.memory_space<vmem>>) offsets(%dma_start3A_700 : memref<20xi32, #tpu.memory_space<vmem>>) semaphore(%dma_start3A_705 : memref<!tpu.dma_semaphore, #tpu.memory_space<semaphore_mem>>)
    %dma_start3A_706 = arith.constant 44 : i32
    %dma_start3A_707 = arith.constant 2 : i32
    %dma_start3A_708 = arith.constant 12 : i32
    %dma_start3A_709 = arith.constant 2 : i32
    %dma_start3A_710 = arith.constant 0 : i32
    %dma_start3A_711 = arith.constant 0 : i32
    %dma_start3A_712 = tpu.memref_slice %arg6[%dma_start3A_707, %dma_start3A_708, %dma_start3A_710, %dma_start3A_711] : memref<4x16x20x64xf32, #tpu.memory_space<vmem>> -> memref<1x1x20x64xf32, #tpu.memory_space<vmem>>
    %dma_start3A_713 = tpu.memref_squeeze %dma_start3A_712 : memref<1x1x20x64xf32, #tpu.memory_space<vmem>> -> memref<20x64xf32, #tpu.memory_space<vmem>>
    %dma_start3A_714 = arith.constant 0 : i32
    %dma_start3A_715 = tpu.memref_slice %arg5[%dma_start3A_706, %dma_start3A_714] : memref<512x20xi32, #tpu.memory_space<vmem>> -> memref<1x20xi32, #tpu.memory_space<vmem>>
    %dma_start3A_716 = tpu.memref_squeeze %dma_start3A_715 : memref<1x20xi32, #tpu.memory_space<vmem>> -> memref<20xi32, #tpu.memory_space<vmem>>
    %dma_start3A_717 = arith.constant 0 : i32
    %dma_start3A_718 = arith.constant 0 : i32
    %dma_start3A_719 = tpu.memref_slice %arg3[%dma_start3A_717, %dma_start3A_718] : memref<1000000x64xf32, #tpu.memory_space<hbm>> -> memref<1000000x64xf32, #tpu.memory_space<hbm>>
    %dma_start3A_720 = tpu.memref_slice %arg7[%dma_start3A_709] : memref<4x!tpu.dma_semaphore, #tpu.memory_space<semaphore_mem>> -> memref<1x!tpu.dma_semaphore, #tpu.memory_space<semaphore_mem>>
    %dma_start3A_721 = tpu.memref_squeeze %dma_start3A_720 : memref<1x!tpu.dma_semaphore, #tpu.memory_space<semaphore_mem>> -> memref<!tpu.dma_semaphore, #tpu.memory_space<semaphore_mem>>
    tpu.enqueue_indirect_dma source(%dma_start3A_719 : memref<1000000x64xf32, #tpu.memory_space<hbm>>) target(%dma_start3A_713 : memref<20x64xf32, #tpu.memory_space<vmem>>) offsets(%dma_start3A_716 : memref<20xi32, #tpu.memory_space<vmem>>) semaphore(%dma_start3A_721 : memref<!tpu.dma_semaphore, #tpu.memory_space<semaphore_mem>>)
    %dma_start3A_722 = arith.constant 45 : i32
    %dma_start3A_723 = arith.constant 2 : i32
    %dma_start3A_724 = arith.constant 13 : i32
    %dma_start3A_725 = arith.constant 2 : i32
    %dma_start3A_726 = arith.constant 0 : i32
    %dma_start3A_727 = arith.constant 0 : i32
    %dma_start3A_728 = tpu.memref_slice %arg6[%dma_start3A_723, %dma_start3A_724, %dma_start3A_726, %dma_start3A_727] : memref<4x16x20x64xf32, #tpu.memory_space<vmem>> -> memref<1x1x20x64xf32, #tpu.memory_space<vmem>>
    %dma_start3A_729 = tpu.memref_squeeze %dma_start3A_728 : memref<1x1x20x64xf32, #tpu.memory_space<vmem>> -> memref<20x64xf32, #tpu.memory_space<vmem>>
    %dma_start3A_730 = arith.constant 0 : i32
    %dma_start3A_731 = tpu.memref_slice %arg5[%dma_start3A_722, %dma_start3A_730] : memref<512x20xi32, #tpu.memory_space<vmem>> -> memref<1x20xi32, #tpu.memory_space<vmem>>
    %dma_start3A_732 = tpu.memref_squeeze %dma_start3A_731 : memref<1x20xi32, #tpu.memory_space<vmem>> -> memref<20xi32, #tpu.memory_space<vmem>>
    %dma_start3A_733 = arith.constant 0 : i32
    %dma_start3A_734 = arith.constant 0 : i32
    %dma_start3A_735 = tpu.memref_slice %arg3[%dma_start3A_733, %dma_start3A_734] : memref<1000000x64xf32, #tpu.memory_space<hbm>> -> memref<1000000x64xf32, #tpu.memory_space<hbm>>
    %dma_start3A_736 = tpu.memref_slice %arg7[%dma_start3A_725] : memref<4x!tpu.dma_semaphore, #tpu.memory_space<semaphore_mem>> -> memref<1x!tpu.dma_semaphore, #tpu.memory_space<semaphore_mem>>
    %dma_start3A_737 = tpu.memref_squeeze %dma_start3A_736 : memref<1x!tpu.dma_semaphore, #tpu.memory_space<semaphore_mem>> -> memref<!tpu.dma_semaphore, #tpu.memory_space<semaphore_mem>>
    tpu.enqueue_indirect_dma source(%dma_start3A_735 : memref<1000000x64xf32, #tpu.memory_space<hbm>>) target(%dma_start3A_729 : memref<20x64xf32, #tpu.memory_space<vmem>>) offsets(%dma_start3A_732 : memref<20xi32, #tpu.memory_space<vmem>>) semaphore(%dma_start3A_737 : memref<!tpu.dma_semaphore, #tpu.memory_space<semaphore_mem>>)
    %dma_start3A_738 = arith.constant 46 : i32
    %dma_start3A_739 = arith.constant 2 : i32
    %dma_start3A_740 = arith.constant 14 : i32
    %dma_start3A_741 = arith.constant 2 : i32
    %dma_start3A_742 = arith.constant 0 : i32
    %dma_start3A_743 = arith.constant 0 : i32
    %dma_start3A_744 = tpu.memref_slice %arg6[%dma_start3A_739, %dma_start3A_740, %dma_start3A_742, %dma_start3A_743] : memref<4x16x20x64xf32, #tpu.memory_space<vmem>> -> memref<1x1x20x64xf32, #tpu.memory_space<vmem>>
    %dma_start3A_745 = tpu.memref_squeeze %dma_start3A_744 : memref<1x1x20x64xf32, #tpu.memory_space<vmem>> -> memref<20x64xf32, #tpu.memory_space<vmem>>
    %dma_start3A_746 = arith.constant 0 : i32
    %dma_start3A_747 = tpu.memref_slice %arg5[%dma_start3A_738, %dma_start3A_746] : memref<512x20xi32, #tpu.memory_space<vmem>> -> memref<1x20xi32, #tpu.memory_space<vmem>>
    %dma_start3A_748 = tpu.memref_squeeze %dma_start3A_747 : memref<1x20xi32, #tpu.memory_space<vmem>> -> memref<20xi32, #tpu.memory_space<vmem>>
    %dma_start3A_749 = arith.constant 0 : i32
    %dma_start3A_750 = arith.constant 0 : i32
    %dma_start3A_751 = tpu.memref_slice %arg3[%dma_start3A_749, %dma_start3A_750] : memref<1000000x64xf32, #tpu.memory_space<hbm>> -> memref<1000000x64xf32, #tpu.memory_space<hbm>>
    %dma_start3A_752 = tpu.memref_slice %arg7[%dma_start3A_741] : memref<4x!tpu.dma_semaphore, #tpu.memory_space<semaphore_mem>> -> memref<1x!tpu.dma_semaphore, #tpu.memory_space<semaphore_mem>>
    %dma_start3A_753 = tpu.memref_squeeze %dma_start3A_752 : memref<1x!tpu.dma_semaphore, #tpu.memory_space<semaphore_mem>> -> memref<!tpu.dma_semaphore, #tpu.memory_space<semaphore_mem>>
    tpu.enqueue_indirect_dma source(%dma_start3A_751 : memref<1000000x64xf32, #tpu.memory_space<hbm>>) target(%dma_start3A_745 : memref<20x64xf32, #tpu.memory_space<vmem>>) offsets(%dma_start3A_748 : memref<20xi32, #tpu.memory_space<vmem>>) semaphore(%dma_start3A_753 : memref<!tpu.dma_semaphore, #tpu.memory_space<semaphore_mem>>)
    %dma_start3A_754 = arith.constant 47 : i32
    %dma_start3A_755 = arith.constant 2 : i32
    %dma_start3A_756 = arith.constant 15 : i32
    %dma_start3A_757 = arith.constant 2 : i32
    %dma_start3A_758 = arith.constant 0 : i32
    %dma_start3A_759 = arith.constant 0 : i32
    %dma_start3A_760 = tpu.memref_slice %arg6[%dma_start3A_755, %dma_start3A_756, %dma_start3A_758, %dma_start3A_759] : memref<4x16x20x64xf32, #tpu.memory_space<vmem>> -> memref<1x1x20x64xf32, #tpu.memory_space<vmem>>
    %dma_start3A_761 = tpu.memref_squeeze %dma_start3A_760 : memref<1x1x20x64xf32, #tpu.memory_space<vmem>> -> memref<20x64xf32, #tpu.memory_space<vmem>>
    %dma_start3A_762 = arith.constant 0 : i32
    %dma_start3A_763 = tpu.memref_slice %arg5[%dma_start3A_754, %dma_start3A_762] : memref<512x20xi32, #tpu.memory_space<vmem>> -> memref<1x20xi32, #tpu.memory_space<vmem>>
    %dma_start3A_764 = tpu.memref_squeeze %dma_start3A_763 : memref<1x20xi32, #tpu.memory_space<vmem>> -> memref<20xi32, #tpu.memory_space<vmem>>
    %dma_start3A_765 = arith.constant 0 : i32
    %dma_start3A_766 = arith.constant 0 : i32
    %dma_start3A_767 = tpu.memref_slice %arg3[%dma_start3A_765, %dma_start3A_766] : memref<1000000x64xf32, #tpu.memory_space<hbm>> -> memref<1000000x64xf32, #tpu.memory_space<hbm>>
    %dma_start3A_768 = tpu.memref_slice %arg7[%dma_start3A_757] : memref<4x!tpu.dma_semaphore, #tpu.memory_space<semaphore_mem>> -> memref<1x!tpu.dma_semaphore, #tpu.memory_space<semaphore_mem>>
    %dma_start3A_769 = tpu.memref_squeeze %dma_start3A_768 : memref<1x!tpu.dma_semaphore, #tpu.memory_space<semaphore_mem>> -> memref<!tpu.dma_semaphore, #tpu.memory_space<semaphore_mem>>
    tpu.enqueue_indirect_dma source(%dma_start3A_767 : memref<1000000x64xf32, #tpu.memory_space<hbm>>) target(%dma_start3A_761 : memref<20x64xf32, #tpu.memory_space<vmem>>) offsets(%dma_start3A_764 : memref<20xi32, #tpu.memory_space<vmem>>) semaphore(%dma_start3A_769 : memref<!tpu.dma_semaphore, #tpu.memory_space<semaphore_mem>>)
    %scan3A = arith.constant 0 : i32
    %scan3A_770 = arith.constant 0 : i32
    %scan3A_771 = arith.constant 8 : i32
    %scan3A_772 = arith.addi %scan3A_770, %scan3A_771 : i32
    %scan3A_773 = arith.constant 1 : i32
    scf.for %scan3A_862 = %scan3A_770 to %scan3A_772 step %scan3A_773  : i32 {
      %mul3A_863 = arith.constant 4 : i32
      %mul3A_864 = arith.muli %scan3A_862, %mul3A_863 : i32
      %add3A_865 = arith.constant 0 : i32
      %add3A_866 = arith.addi %mul3A_864, %add3A_865 : i32
      %dma_wait3A_867 = arith.constant 0 : i32
      %dma_wait3A_868 = arith.constant 0 : i32
      %dma_wait3A_869 = arith.constant 0 : i32
      %dma_wait3A_870 = arith.constant 0 : i32
      %dma_wait3A_871 = arith.constant 0 : i32
      %dma_wait3A_872 = tpu.memref_slice %arg6[%dma_wait3A_867, %dma_wait3A_869, %dma_wait3A_870, %dma_wait3A_871] : memref<4x16x20x64xf32, #tpu.memory_space<vmem>> -> memref<1x16x20x64xf32, #tpu.memory_space<vmem>>
      %dma_wait3A_873 = tpu.memref_squeeze %dma_wait3A_872 : memref<1x16x20x64xf32, #tpu.memory_space<vmem>> -> memref<16x20x64xf32, #tpu.memory_space<vmem>>
      %dma_wait3A_874 = arith.constant 0 : i32
      %dma_wait3A_875 = arith.constant 0 : i32
      %dma_wait3A_876 = arith.constant 0 : i32
      %dma_wait3A_877 = tpu.memref_slice %arg4[%dma_wait3A_874, %dma_wait3A_875, %dma_wait3A_876] : memref<16384x20x64xf32, #tpu.memory_space<hbm>> -> memref<16x20x64xf32, #tpu.memory_space<hbm>>
      %dma_wait3A_878 = tpu.memref_slice %arg7[%dma_wait3A_868] : memref<4x!tpu.dma_semaphore, #tpu.memory_space<semaphore_mem>> -> memref<1x!tpu.dma_semaphore, #tpu.memory_space<semaphore_mem>>
      %dma_wait3A_879 = tpu.memref_squeeze %dma_wait3A_878 : memref<1x!tpu.dma_semaphore, #tpu.memory_space<semaphore_mem>> -> memref<!tpu.dma_semaphore, #tpu.memory_space<semaphore_mem>>
      %dma_wait3A_880 = arith.constant 0 : i32
      %dma_wait3A_881 = arith.constant 0 : i32
      %dma_wait3A_882 = arith.constant 0 : i32
      %dma_wait3A_883 = tpu.memref_slice %arg6[%dma_wait3A_867, %dma_wait3A_880, %dma_wait3A_881, %dma_wait3A_882] : memref<4x16x20x64xf32, #tpu.memory_space<vmem>> -> memref<1x16x20x64xf32, #tpu.memory_space<vmem>>
      %dma_wait3A_884 = tpu.memref_squeeze %dma_wait3A_883 : memref<1x16x20x64xf32, #tpu.memory_space<vmem>> -> memref<16x20x64xf32, #tpu.memory_space<vmem>>
      %dma_wait3A_885 = arith.constant 0 : i32
      %dma_wait3A_886 = arith.constant 0 : i32
      %dma_wait3A_887 = arith.constant 0 : i32
      %dma_wait3A_888 = tpu.memref_slice %arg4[%dma_wait3A_885, %dma_wait3A_886, %dma_wait3A_887] : memref<16384x20x64xf32, #tpu.memory_space<hbm>> -> memref<16x20x64xf32, #tpu.memory_space<hbm>>
      tpu.wait_dma2 semaphore(%dma_wait3A_879 : memref<!tpu.dma_semaphore, #tpu.memory_space<semaphore_mem>>) src(%dma_wait3A_888 : memref<16x20x64xf32, #tpu.memory_space<hbm>>) dst(%dma_wait3A_884 : memref<16x20x64xf32, #tpu.memory_space<vmem>>)
      %mul3A_889 = arith.constant 16 : i32
      %mul3A_890 = arith.muli %add3A_866, %mul3A_889 : i32
      %add3A_891 = arith.addi %mul3A_2, %mul3A_890 : i32
      %dma_start3A_892 = arith.constant 0 : i32
      %dma_start3A_893 = arith.constant 0 : i32
      %dma_start3A_894 = arith.constant 0 : i32
      %dma_start3A_895 = arith.constant 0 : i32
      %dma_start3A_896 = arith.constant 0 : i32
      %dma_start3A_897 = tpu.memref_slice %arg6[%dma_start3A_892, %dma_start3A_894, %dma_start3A_895, %dma_start3A_896] : memref<4x16x20x64xf32, #tpu.memory_space<vmem>> -> memref<1x16x20x64xf32, #tpu.memory_space<vmem>>
      %dma_start3A_898 = tpu.memref_squeeze %dma_start3A_897 : memref<1x16x20x64xf32, #tpu.memory_space<vmem>> -> memref<16x20x64xf32, #tpu.memory_space<vmem>>
      %dma_start3A_899 = arith.constant 0 : i32
      %dma_start3A_900 = arith.constant 0 : i32
      %dma_start3A_901 = tpu.memref_slice %arg4[%add3A_891, %dma_start3A_899, %dma_start3A_900] : memref<16384x20x64xf32, #tpu.memory_space<hbm>> -> memref<16x20x64xf32, #tpu.memory_space<hbm>>
      %dma_start3A_902 = tpu.memref_slice %arg8[%dma_start3A_893] : memref<4x!tpu.dma_semaphore, #tpu.memory_space<semaphore_mem>> -> memref<1x!tpu.dma_semaphore, #tpu.memory_space<semaphore_mem>>
      %dma_start3A_903 = tpu.memref_squeeze %dma_start3A_902 : memref<1x!tpu.dma_semaphore, #tpu.memory_space<semaphore_mem>> -> memref<!tpu.dma_semaphore, #tpu.memory_space<semaphore_mem>>
      %dma_start3A_904 = arith.constant 0 : i32
      %dma_start3A_905 = arith.constant 0 : i32
      %dma_start3A_906 = tpu.memref_slice %arg4[%add3A_891, %dma_start3A_904, %dma_start3A_905] : memref<16384x20x64xf32, #tpu.memory_space<hbm>> -> memref<16x20x64xf32, #tpu.memory_space<hbm>>
      %dma_start3A_907 = arith.constant 0 : i32
      %dma_start3A_908 = arith.constant 0 : i32
      %dma_start3A_909 = arith.constant 0 : i32
      %dma_start3A_910 = tpu.memref_slice %arg6[%dma_start3A_892, %dma_start3A_907, %dma_start3A_908, %dma_start3A_909] : memref<4x16x20x64xf32, #tpu.memory_space<vmem>> -> memref<1x16x20x64xf32, #tpu.memory_space<vmem>>
      %dma_start3A_911 = tpu.memref_squeeze %dma_start3A_910 : memref<1x16x20x64xf32, #tpu.memory_space<vmem>> -> memref<16x20x64xf32, #tpu.memory_space<vmem>>
      tpu.enqueue_dma source(%dma_start3A_911 : memref<16x20x64xf32, #tpu.memory_space<vmem>>) target(%dma_start3A_906 : memref<16x20x64xf32, #tpu.memory_space<hbm>>) target_semaphore(%dma_start3A_903 : memref<!tpu.dma_semaphore, #tpu.memory_space<semaphore_mem>>)
      %add3A_912 = arith.constant 3 : i32
      %add3A_913 = arith.addi %add3A_866, %add3A_912 : i32
      %lt3A = arith.constant 32 : i32
      %lt3A_914 = arith.cmpi slt, %add3A_913, %lt3A : i32
      %add3A_915 = arith.constant 3 : i32
      %add3A_916 = arith.addi %add3A_866, %add3A_915 : i32
      %ge3A = arith.constant 4 : i32
      %ge3A_917 = arith.cmpi sge, %add3A_916, %ge3A : i32
      %and3A = arith.andi %lt3A_914, %ge3A_917 : i1
      %convert_element_type3A = arith.extui %and3A : i1 to i32
      %cond3A = arith.constant 0 : i32
      %cond3A_918 = arith.cmpi ne, %convert_element_type3A, %cond3A : i32
      scf.if %cond3A_918 {
        %add3A_1130 = arith.constant 3 : i32
        %add3A_1131 = arith.addi %add3A_866, %add3A_1130 : i32
        %sub3A = arith.constant 4 : i32
        %sub3A_1132 = arith.subi %add3A_1131, %sub3A : i32
        %mul3A_1133 = arith.constant 16 : i32
        %mul3A_1134 = arith.muli %sub3A_1132, %mul3A_1133 : i32
        %add3A_1135 = arith.addi %mul3A_2, %mul3A_1134 : i32
        %dma_wait3A_1136 = arith.constant 3 : i32
        %dma_wait3A_1137 = arith.constant 3 : i32
        %dma_wait3A_1138 = arith.constant 0 : i32
        %dma_wait3A_1139 = arith.constant 0 : i32
        %dma_wait3A_1140 = arith.constant 0 : i32
        %dma_wait3A_1141 = tpu.memref_slice %arg6[%dma_wait3A_1136, %dma_wait3A_1138, %dma_wait3A_1139, %dma_wait3A_1140] : memref<4x16x20x64xf32, #tpu.memory_space<vmem>> -> memref<1x16x20x64xf32, #tpu.memory_space<vmem>>
        %dma_wait3A_1142 = tpu.memref_squeeze %dma_wait3A_1141 : memref<1x16x20x64xf32, #tpu.memory_space<vmem>> -> memref<16x20x64xf32, #tpu.memory_space<vmem>>
        %dma_wait3A_1143 = arith.constant 0 : i32
        %dma_wait3A_1144 = arith.constant 0 : i32
        %dma_wait3A_1145 = tpu.memref_slice %arg4[%add3A_1135, %dma_wait3A_1143, %dma_wait3A_1144] : memref<16384x20x64xf32, #tpu.memory_space<hbm>> -> memref<16x20x64xf32, #tpu.memory_space<hbm>>
        %dma_wait3A_1146 = tpu.memref_slice %arg8[%dma_wait3A_1137] : memref<4x!tpu.dma_semaphore, #tpu.memory_space<semaphore_mem>> -> memref<1x!tpu.dma_semaphore, #tpu.memory_space<semaphore_mem>>
        %dma_wait3A_1147 = tpu.memref_squeeze %dma_wait3A_1146 : memref<1x!tpu.dma_semaphore, #tpu.memory_space<semaphore_mem>> -> memref<!tpu.dma_semaphore, #tpu.memory_space<semaphore_mem>>
        %dma_wait3A_1148 = arith.constant 0 : i32
        %dma_wait3A_1149 = arith.constant 0 : i32
        %dma_wait3A_1150 = tpu.memref_slice %arg4[%add3A_1135, %dma_wait3A_1148, %dma_wait3A_1149] : memref<16384x20x64xf32, #tpu.memory_space<hbm>> -> memref<16x20x64xf32, #tpu.memory_space<hbm>>
        %dma_wait3A_1151 = arith.constant 0 : i32
        %dma_wait3A_1152 = arith.constant 0 : i32
        %dma_wait3A_1153 = arith.constant 0 : i32
        %dma_wait3A_1154 = tpu.memref_slice %arg6[%dma_wait3A_1136, %dma_wait3A_1151, %dma_wait3A_1152, %dma_wait3A_1153] : memref<4x16x20x64xf32, #tpu.memory_space<vmem>> -> memref<1x16x20x64xf32, #tpu.memory_space<vmem>>
        %dma_wait3A_1155 = tpu.memref_squeeze %dma_wait3A_1154 : memref<1x16x20x64xf32, #tpu.memory_space<vmem>> -> memref<16x20x64xf32, #tpu.memory_space<vmem>>
        tpu.wait_dma2 semaphore(%dma_wait3A_1147 : memref<!tpu.dma_semaphore, #tpu.memory_space<semaphore_mem>>) src(%dma_wait3A_1155 : memref<16x20x64xf32, #tpu.memory_space<vmem>>) dst(%dma_wait3A_1150 : memref<16x20x64xf32, #tpu.memory_space<hbm>>)
      } else {
      }
      %add3A_919 = arith.constant 3 : i32
      %add3A_920 = arith.addi %add3A_866, %add3A_919 : i32
      %lt3A_921 = arith.constant 32 : i32
      %lt3A_922 = arith.cmpi slt, %add3A_920, %lt3A_921 : i32
      %convert_element_type3A_923 = arith.extui %lt3A_922 : i1 to i32
      %cond3A_924 = arith.constant 0 : i32
      %cond3A_925 = arith.cmpi ne, %convert_element_type3A_923, %cond3A_924 : i32
      scf.if %cond3A_925 {
        %add3A_1130 = arith.constant 3 : i32
        %add3A_1131 = arith.addi %add3A_866, %add3A_1130 : i32
        %mul3A_1132 = arith.constant 16 : i32
        %mul3A_1133 = arith.muli %add3A_1131, %mul3A_1132 : i32
        %add3A_1134 = arith.constant 0 : i32
        %add3A_1135 = arith.addi %mul3A_1133, %add3A_1134 : i32
        %dma_start3A_1136 = arith.constant 3 : i32
        %dma_start3A_1137 = arith.constant 0 : i32
        %dma_start3A_1138 = arith.constant 3 : i32
        %dma_start3A_1139 = arith.constant 0 : i32
        %dma_start3A_1140 = arith.constant 0 : i32
        %dma_start3A_1141 = tpu.memref_slice %arg6[%dma_start3A_1136, %dma_start3A_1137, %dma_start3A_1139, %dma_start3A_1140] : memref<4x16x20x64xf32, #tpu.memory_space<vmem>> -> memref<1x1x20x64xf32, #tpu.memory_space<vmem>>
        %dma_start3A_1142 = tpu.memref_squeeze %dma_start3A_1141 : memref<1x1x20x64xf32, #tpu.memory_space<vmem>> -> memref<20x64xf32, #tpu.memory_space<vmem>>
        %dma_start3A_1143 = arith.constant 0 : i32
        %dma_start3A_1144 = tpu.memref_slice %arg5[%add3A_1135, %dma_start3A_1143] : memref<512x20xi32, #tpu.memory_space<vmem>> -> memref<1x20xi32, #tpu.memory_space<vmem>>
        %dma_start3A_1145 = tpu.memref_squeeze %dma_start3A_1144 : memref<1x20xi32, #tpu.memory_space<vmem>> -> memref<20xi32, #tpu.memory_space<vmem>>
        %dma_start3A_1146 = arith.constant 0 : i32
        %dma_start3A_1147 = arith.constant 0 : i32
        %dma_start3A_1148 = tpu.memref_slice %arg3[%dma_start3A_1146, %dma_start3A_1147] : memref<1000000x64xf32, #tpu.memory_space<hbm>> -> memref<1000000x64xf32, #tpu.memory_space<hbm>>
        %dma_start3A_1149 = tpu.memref_slice %arg7[%dma_start3A_1138] : memref<4x!tpu.dma_semaphore, #tpu.memory_space<semaphore_mem>> -> memref<1x!tpu.dma_semaphore, #tpu.memory_space<semaphore_mem>>
        %dma_start3A_1150 = tpu.memref_squeeze %dma_start3A_1149 : memref<1x!tpu.dma_semaphore, #tpu.memory_space<semaphore_mem>> -> memref<!tpu.dma_semaphore, #tpu.memory_space<semaphore_mem>>
        tpu.enqueue_indirect_dma source(%dma_start3A_1148 : memref<1000000x64xf32, #tpu.memory_space<hbm>>) target(%dma_start3A_1142 : memref<20x64xf32, #tpu.memory_space<vmem>>) offsets(%dma_start3A_1145 : memref<20xi32, #tpu.memory_space<vmem>>) semaphore(%dma_start3A_1150 : memref<!tpu.dma_semaphore, #tpu.memory_space<semaphore_mem>>)
        %mul3A_1151 = arith.constant 16 : i32
        %mul3A_1152 = arith.muli %add3A_1131, %mul3A_1151 : i32
        %add3A_1153 = arith.constant 1 : i32
        %add3A_1154 = arith.addi %mul3A_1152, %add3A_1153 : i32
        %dma_start3A_1155 = arith.constant 3 : i32
        %dma_start3A_1156 = arith.constant 1 : i32
        %dma_start3A_1157 = arith.constant 3 : i32
        %dma_start3A_1158 = arith.constant 0 : i32
        %dma_start3A_1159 = arith.constant 0 : i32
        %dma_start3A_1160 = tpu.memref_slice %arg6[%dma_start3A_1155, %dma_start3A_1156, %dma_start3A_1158, %dma_start3A_1159] : memref<4x16x20x64xf32, #tpu.memory_space<vmem>> -> memref<1x1x20x64xf32, #tpu.memory_space<vmem>>
        %dma_start3A_1161 = tpu.memref_squeeze %dma_start3A_1160 : memref<1x1x20x64xf32, #tpu.memory_space<vmem>> -> memref<20x64xf32, #tpu.memory_space<vmem>>
        %dma_start3A_1162 = arith.constant 0 : i32
        %dma_start3A_1163 = tpu.memref_slice %arg5[%add3A_1154, %dma_start3A_1162] : memref<512x20xi32, #tpu.memory_space<vmem>> -> memref<1x20xi32, #tpu.memory_space<vmem>>
        %dma_start3A_1164 = tpu.memref_squeeze %dma_start3A_1163 : memref<1x20xi32, #tpu.memory_space<vmem>> -> memref<20xi32, #tpu.memory_space<vmem>>
        %dma_start3A_1165 = arith.constant 0 : i32
        %dma_start3A_1166 = arith.constant 0 : i32
        %dma_start3A_1167 = tpu.memref_slice %arg3[%dma_start3A_1165, %dma_start3A_1166] : memref<1000000x64xf32, #tpu.memory_space<hbm>> -> memref<1000000x64xf32, #tpu.memory_space<hbm>>
        %dma_start3A_1168 = tpu.memref_slice %arg7[%dma_start3A_1157] : memref<4x!tpu.dma_semaphore, #tpu.memory_space<semaphore_mem>> -> memref<1x!tpu.dma_semaphore, #tpu.memory_space<semaphore_mem>>
        %dma_start3A_1169 = tpu.memref_squeeze %dma_start3A_1168 : memref<1x!tpu.dma_semaphore, #tpu.memory_space<semaphore_mem>> -> memref<!tpu.dma_semaphore, #tpu.memory_space<semaphore_mem>>
        tpu.enqueue_indirect_dma source(%dma_start3A_1167 : memref<1000000x64xf32, #tpu.memory_space<hbm>>) target(%dma_start3A_1161 : memref<20x64xf32, #tpu.memory_space<vmem>>) offsets(%dma_start3A_1164 : memref<20xi32, #tpu.memory_space<vmem>>) semaphore(%dma_start3A_1169 : memref<!tpu.dma_semaphore, #tpu.memory_space<semaphore_mem>>)
        %mul3A_1170 = arith.constant 16 : i32
        %mul3A_1171 = arith.muli %add3A_1131, %mul3A_1170 : i32
        %add3A_1172 = arith.constant 2 : i32
        %add3A_1173 = arith.addi %mul3A_1171, %add3A_1172 : i32
        %dma_start3A_1174 = arith.constant 3 : i32
        %dma_start3A_1175 = arith.constant 2 : i32
        %dma_start3A_1176 = arith.constant 3 : i32
        %dma_start3A_1177 = arith.constant 0 : i32
        %dma_start3A_1178 = arith.constant 0 : i32
        %dma_start3A_1179 = tpu.memref_slice %arg6[%dma_start3A_1174, %dma_start3A_1175, %dma_start3A_1177, %dma_start3A_1178] : memref<4x16x20x64xf32, #tpu.memory_space<vmem>> -> memref<1x1x20x64xf32, #tpu.memory_space<vmem>>
        %dma_start3A_1180 = tpu.memref_squeeze %dma_start3A_1179 : memref<1x1x20x64xf32, #tpu.memory_space<vmem>> -> memref<20x64xf32, #tpu.memory_space<vmem>>
        %dma_start3A_1181 = arith.constant 0 : i32
        %dma_start3A_1182 = tpu.memref_slice %arg5[%add3A_1173, %dma_start3A_1181] : memref<512x20xi32, #tpu.memory_space<vmem>> -> memref<1x20xi32, #tpu.memory_space<vmem>>
        %dma_start3A_1183 = tpu.memref_squeeze %dma_start3A_1182 : memref<1x20xi32, #tpu.memory_space<vmem>> -> memref<20xi32, #tpu.memory_space<vmem>>
        %dma_start3A_1184 = arith.constant 0 : i32
        %dma_start3A_1185 = arith.constant 0 : i32
        %dma_start3A_1186 = tpu.memref_slice %arg3[%dma_start3A_1184, %dma_start3A_1185] : memref<1000000x64xf32, #tpu.memory_space<hbm>> -> memref<1000000x64xf32, #tpu.memory_space<hbm>>
        %dma_start3A_1187 = tpu.memref_slice %arg7[%dma_start3A_1176] : memref<4x!tpu.dma_semaphore, #tpu.memory_space<semaphore_mem>> -> memref<1x!tpu.dma_semaphore, #tpu.memory_space<semaphore_mem>>
        %dma_start3A_1188 = tpu.memref_squeeze %dma_start3A_1187 : memref<1x!tpu.dma_semaphore, #tpu.memory_space<semaphore_mem>> -> memref<!tpu.dma_semaphore, #tpu.memory_space<semaphore_mem>>
        tpu.enqueue_indirect_dma source(%dma_start3A_1186 : memref<1000000x64xf32, #tpu.memory_space<hbm>>) target(%dma_start3A_1180 : memref<20x64xf32, #tpu.memory_space<vmem>>) offsets(%dma_start3A_1183 : memref<20xi32, #tpu.memory_space<vmem>>) semaphore(%dma_start3A_1188 : memref<!tpu.dma_semaphore, #tpu.memory_space<semaphore_mem>>)
        %mul3A_1189 = arith.constant 16 : i32
        %mul3A_1190 = arith.muli %add3A_1131, %mul3A_1189 : i32
        %add3A_1191 = arith.constant 3 : i32
        %add3A_1192 = arith.addi %mul3A_1190, %add3A_1191 : i32
        %dma_start3A_1193 = arith.constant 3 : i32
        %dma_start3A_1194 = arith.constant 3 : i32
        %dma_start3A_1195 = arith.constant 3 : i32
        %dma_start3A_1196 = arith.constant 0 : i32
        %dma_start3A_1197 = arith.constant 0 : i32
        %dma_start3A_1198 = tpu.memref_slice %arg6[%dma_start3A_1193, %dma_start3A_1194, %dma_start3A_1196, %dma_start3A_1197] : memref<4x16x20x64xf32, #tpu.memory_space<vmem>> -> memref<1x1x20x64xf32, #tpu.memory_space<vmem>>
        %dma_start3A_1199 = tpu.memref_squeeze %dma_start3A_1198 : memref<1x1x20x64xf32, #tpu.memory_space<vmem>> -> memref<20x64xf32, #tpu.memory_space<vmem>>
        %dma_start3A_1200 = arith.constant 0 : i32
        %dma_start3A_1201 = tpu.memref_slice %arg5[%add3A_1192, %dma_start3A_1200] : memref<512x20xi32, #tpu.memory_space<vmem>> -> memref<1x20xi32, #tpu.memory_space<vmem>>
        %dma_start3A_1202 = tpu.memref_squeeze %dma_start3A_1201 : memref<1x20xi32, #tpu.memory_space<vmem>> -> memref<20xi32, #tpu.memory_space<vmem>>
        %dma_start3A_1203 = arith.constant 0 : i32
        %dma_start3A_1204 = arith.constant 0 : i32
        %dma_start3A_1205 = tpu.memref_slice %arg3[%dma_start3A_1203, %dma_start3A_1204] : memref<1000000x64xf32, #tpu.memory_space<hbm>> -> memref<1000000x64xf32, #tpu.memory_space<hbm>>
        %dma_start3A_1206 = tpu.memref_slice %arg7[%dma_start3A_1195] : memref<4x!tpu.dma_semaphore, #tpu.memory_space<semaphore_mem>> -> memref<1x!tpu.dma_semaphore, #tpu.memory_space<semaphore_mem>>
        %dma_start3A_1207 = tpu.memref_squeeze %dma_start3A_1206 : memref<1x!tpu.dma_semaphore, #tpu.memory_space<semaphore_mem>> -> memref<!tpu.dma_semaphore, #tpu.memory_space<semaphore_mem>>
        tpu.enqueue_indirect_dma source(%dma_start3A_1205 : memref<1000000x64xf32, #tpu.memory_space<hbm>>) target(%dma_start3A_1199 : memref<20x64xf32, #tpu.memory_space<vmem>>) offsets(%dma_start3A_1202 : memref<20xi32, #tpu.memory_space<vmem>>) semaphore(%dma_start3A_1207 : memref<!tpu.dma_semaphore, #tpu.memory_space<semaphore_mem>>)
        %mul3A_1208 = arith.constant 16 : i32
        %mul3A_1209 = arith.muli %add3A_1131, %mul3A_1208 : i32
        %add3A_1210 = arith.constant 4 : i32
        %add3A_1211 = arith.addi %mul3A_1209, %add3A_1210 : i32
        %dma_start3A_1212 = arith.constant 3 : i32
        %dma_start3A_1213 = arith.constant 4 : i32
        %dma_start3A_1214 = arith.constant 3 : i32
        %dma_start3A_1215 = arith.constant 0 : i32
        %dma_start3A_1216 = arith.constant 0 : i32
        %dma_start3A_1217 = tpu.memref_slice %arg6[%dma_start3A_1212, %dma_start3A_1213, %dma_start3A_1215, %dma_start3A_1216] : memref<4x16x20x64xf32, #tpu.memory_space<vmem>> -> memref<1x1x20x64xf32, #tpu.memory_space<vmem>>
        %dma_start3A_1218 = tpu.memref_squeeze %dma_start3A_1217 : memref<1x1x20x64xf32, #tpu.memory_space<vmem>> -> memref<20x64xf32, #tpu.memory_space<vmem>>
        %dma_start3A_1219 = arith.constant 0 : i32
        %dma_start3A_1220 = tpu.memref_slice %arg5[%add3A_1211, %dma_start3A_1219] : memref<512x20xi32, #tpu.memory_space<vmem>> -> memref<1x20xi32, #tpu.memory_space<vmem>>
        %dma_start3A_1221 = tpu.memref_squeeze %dma_start3A_1220 : memref<1x20xi32, #tpu.memory_space<vmem>> -> memref<20xi32, #tpu.memory_space<vmem>>
        %dma_start3A_1222 = arith.constant 0 : i32
        %dma_start3A_1223 = arith.constant 0 : i32
        %dma_start3A_1224 = tpu.memref_slice %arg3[%dma_start3A_1222, %dma_start3A_1223] : memref<1000000x64xf32, #tpu.memory_space<hbm>> -> memref<1000000x64xf32, #tpu.memory_space<hbm>>
        %dma_start3A_1225 = tpu.memref_slice %arg7[%dma_start3A_1214] : memref<4x!tpu.dma_semaphore, #tpu.memory_space<semaphore_mem>> -> memref<1x!tpu.dma_semaphore, #tpu.memory_space<semaphore_mem>>
        %dma_start3A_1226 = tpu.memref_squeeze %dma_start3A_1225 : memref<1x!tpu.dma_semaphore, #tpu.memory_space<semaphore_mem>> -> memref<!tpu.dma_semaphore, #tpu.memory_space<semaphore_mem>>
        tpu.enqueue_indirect_dma source(%dma_start3A_1224 : memref<1000000x64xf32, #tpu.memory_space<hbm>>) target(%dma_start3A_1218 : memref<20x64xf32, #tpu.memory_space<vmem>>) offsets(%dma_start3A_1221 : memref<20xi32, #tpu.memory_space<vmem>>) semaphore(%dma_start3A_1226 : memref<!tpu.dma_semaphore, #tpu.memory_space<semaphore_mem>>)
        %mul3A_1227 = arith.constant 16 : i32
        %mul3A_1228 = arith.muli %add3A_1131, %mul3A_1227 : i32
        %add3A_1229 = arith.constant 5 : i32
        %add3A_1230 = arith.addi %mul3A_1228, %add3A_1229 : i32
        %dma_start3A_1231 = arith.constant 3 : i32
        %dma_start3A_1232 = arith.constant 5 : i32
        %dma_start3A_1233 = arith.constant 3 : i32
        %dma_start3A_1234 = arith.constant 0 : i32
        %dma_start3A_1235 = arith.constant 0 : i32
        %dma_start3A_1236 = tpu.memref_slice %arg6[%dma_start3A_1231, %dma_start3A_1232, %dma_start3A_1234, %dma_start3A_1235] : memref<4x16x20x64xf32, #tpu.memory_space<vmem>> -> memref<1x1x20x64xf32, #tpu.memory_space<vmem>>
        %dma_start3A_1237 = tpu.memref_squeeze %dma_start3A_1236 : memref<1x1x20x64xf32, #tpu.memory_space<vmem>> -> memref<20x64xf32, #tpu.memory_space<vmem>>
        %dma_start3A_1238 = arith.constant 0 : i32
        %dma_start3A_1239 = tpu.memref_slice %arg5[%add3A_1230, %dma_start3A_1238] : memref<512x20xi32, #tpu.memory_space<vmem>> -> memref<1x20xi32, #tpu.memory_space<vmem>>
        %dma_start3A_1240 = tpu.memref_squeeze %dma_start3A_1239 : memref<1x20xi32, #tpu.memory_space<vmem>> -> memref<20xi32, #tpu.memory_space<vmem>>
        %dma_start3A_1241 = arith.constant 0 : i32
        %dma_start3A_1242 = arith.constant 0 : i32
        %dma_start3A_1243 = tpu.memref_slice %arg3[%dma_start3A_1241, %dma_start3A_1242] : memref<1000000x64xf32, #tpu.memory_space<hbm>> -> memref<1000000x64xf32, #tpu.memory_space<hbm>>
        %dma_start3A_1244 = tpu.memref_slice %arg7[%dma_start3A_1233] : memref<4x!tpu.dma_semaphore, #tpu.memory_space<semaphore_mem>> -> memref<1x!tpu.dma_semaphore, #tpu.memory_space<semaphore_mem>>
        %dma_start3A_1245 = tpu.memref_squeeze %dma_start3A_1244 : memref<1x!tpu.dma_semaphore, #tpu.memory_space<semaphore_mem>> -> memref<!tpu.dma_semaphore, #tpu.memory_space<semaphore_mem>>
        tpu.enqueue_indirect_dma source(%dma_start3A_1243 : memref<1000000x64xf32, #tpu.memory_space<hbm>>) target(%dma_start3A_1237 : memref<20x64xf32, #tpu.memory_space<vmem>>) offsets(%dma_start3A_1240 : memref<20xi32, #tpu.memory_space<vmem>>) semaphore(%dma_start3A_1245 : memref<!tpu.dma_semaphore, #tpu.memory_space<semaphore_mem>>)
        %mul3A_1246 = arith.constant 16 : i32
        %mul3A_1247 = arith.muli %add3A_1131, %mul3A_1246 : i32
        %add3A_1248 = arith.constant 6 : i32
        %add3A_1249 = arith.addi %mul3A_1247, %add3A_1248 : i32
        %dma_start3A_1250 = arith.constant 3 : i32
        %dma_start3A_1251 = arith.constant 6 : i32
        %dma_start3A_1252 = arith.constant 3 : i32
        %dma_start3A_1253 = arith.constant 0 : i32
        %dma_start3A_1254 = arith.constant 0 : i32
        %dma_start3A_1255 = tpu.memref_slice %arg6[%dma_start3A_1250, %dma_start3A_1251, %dma_start3A_1253, %dma_start3A_1254] : memref<4x16x20x64xf32, #tpu.memory_space<vmem>> -> memref<1x1x20x64xf32, #tpu.memory_space<vmem>>
        %dma_start3A_1256 = tpu.memref_squeeze %dma_start3A_1255 : memref<1x1x20x64xf32, #tpu.memory_space<vmem>> -> memref<20x64xf32, #tpu.memory_space<vmem>>
        %dma_start3A_1257 = arith.constant 0 : i32
        %dma_start3A_1258 = tpu.memref_slice %arg5[%add3A_1249, %dma_start3A_1257] : memref<512x20xi32, #tpu.memory_space<vmem>> -> memref<1x20xi32, #tpu.memory_space<vmem>>
        %dma_start3A_1259 = tpu.memref_squeeze %dma_start3A_1258 : memref<1x20xi32, #tpu.memory_space<vmem>> -> memref<20xi32, #tpu.memory_space<vmem>>
        %dma_start3A_1260 = arith.constant 0 : i32
        %dma_start3A_1261 = arith.constant 0 : i32
        %dma_start3A_1262 = tpu.memref_slice %arg3[%dma_start3A_1260, %dma_start3A_1261] : memref<1000000x64xf32, #tpu.memory_space<hbm>> -> memref<1000000x64xf32, #tpu.memory_space<hbm>>
        %dma_start3A_1263 = tpu.memref_slice %arg7[%dma_start3A_1252] : memref<4x!tpu.dma_semaphore, #tpu.memory_space<semaphore_mem>> -> memref<1x!tpu.dma_semaphore, #tpu.memory_space<semaphore_mem>>
        %dma_start3A_1264 = tpu.memref_squeeze %dma_start3A_1263 : memref<1x!tpu.dma_semaphore, #tpu.memory_space<semaphore_mem>> -> memref<!tpu.dma_semaphore, #tpu.memory_space<semaphore_mem>>
        tpu.enqueue_indirect_dma source(%dma_start3A_1262 : memref<1000000x64xf32, #tpu.memory_space<hbm>>) target(%dma_start3A_1256 : memref<20x64xf32, #tpu.memory_space<vmem>>) offsets(%dma_start3A_1259 : memref<20xi32, #tpu.memory_space<vmem>>) semaphore(%dma_start3A_1264 : memref<!tpu.dma_semaphore, #tpu.memory_space<semaphore_mem>>)
        %mul3A_1265 = arith.constant 16 : i32
        %mul3A_1266 = arith.muli %add3A_1131, %mul3A_1265 : i32
        %add3A_1267 = arith.constant 7 : i32
        %add3A_1268 = arith.addi %mul3A_1266, %add3A_1267 : i32
        %dma_start3A_1269 = arith.constant 3 : i32
        %dma_start3A_1270 = arith.constant 7 : i32
        %dma_start3A_1271 = arith.constant 3 : i32
        %dma_start3A_1272 = arith.constant 0 : i32
        %dma_start3A_1273 = arith.constant 0 : i32
        %dma_start3A_1274 = tpu.memref_slice %arg6[%dma_start3A_1269, %dma_start3A_1270, %dma_start3A_1272, %dma_start3A_1273] : memref<4x16x20x64xf32, #tpu.memory_space<vmem>> -> memref<1x1x20x64xf32, #tpu.memory_space<vmem>>
        %dma_start3A_1275 = tpu.memref_squeeze %dma_start3A_1274 : memref<1x1x20x64xf32, #tpu.memory_space<vmem>> -> memref<20x64xf32, #tpu.memory_space<vmem>>
        %dma_start3A_1276 = arith.constant 0 : i32
        %dma_start3A_1277 = tpu.memref_slice %arg5[%add3A_1268, %dma_start3A_1276] : memref<512x20xi32, #tpu.memory_space<vmem>> -> memref<1x20xi32, #tpu.memory_space<vmem>>
        %dma_start3A_1278 = tpu.memref_squeeze %dma_start3A_1277 : memref<1x20xi32, #tpu.memory_space<vmem>> -> memref<20xi32, #tpu.memory_space<vmem>>
        %dma_start3A_1279 = arith.constant 0 : i32
        %dma_start3A_1280 = arith.constant 0 : i32
        %dma_start3A_1281 = tpu.memref_slice %arg3[%dma_start3A_1279, %dma_start3A_1280] : memref<1000000x64xf32, #tpu.memory_space<hbm>> -> memref<1000000x64xf32, #tpu.memory_space<hbm>>
        %dma_start3A_1282 = tpu.memref_slice %arg7[%dma_start3A_1271] : memref<4x!tpu.dma_semaphore, #tpu.memory_space<semaphore_mem>> -> memref<1x!tpu.dma_semaphore, #tpu.memory_space<semaphore_mem>>
        %dma_start3A_1283 = tpu.memref_squeeze %dma_start3A_1282 : memref<1x!tpu.dma_semaphore, #tpu.memory_space<semaphore_mem>> -> memref<!tpu.dma_semaphore, #tpu.memory_space<semaphore_mem>>
        tpu.enqueue_indirect_dma source(%dma_start3A_1281 : memref<1000000x64xf32, #tpu.memory_space<hbm>>) target(%dma_start3A_1275 : memref<20x64xf32, #tpu.memory_space<vmem>>) offsets(%dma_start3A_1278 : memref<20xi32, #tpu.memory_space<vmem>>) semaphore(%dma_start3A_1283 : memref<!tpu.dma_semaphore, #tpu.memory_space<semaphore_mem>>)
        %mul3A_1284 = arith.constant 16 : i32
        %mul3A_1285 = arith.muli %add3A_1131, %mul3A_1284 : i32
        %add3A_1286 = arith.constant 8 : i32
        %add3A_1287 = arith.addi %mul3A_1285, %add3A_1286 : i32
        %dma_start3A_1288 = arith.constant 3 : i32
        %dma_start3A_1289 = arith.constant 8 : i32
        %dma_start3A_1290 = arith.constant 3 : i32
        %dma_start3A_1291 = arith.constant 0 : i32
        %dma_start3A_1292 = arith.constant 0 : i32
        %dma_start3A_1293 = tpu.memref_slice %arg6[%dma_start3A_1288, %dma_start3A_1289, %dma_start3A_1291, %dma_start3A_1292] : memref<4x16x20x64xf32, #tpu.memory_space<vmem>> -> memref<1x1x20x64xf32, #tpu.memory_space<vmem>>
        %dma_start3A_1294 = tpu.memref_squeeze %dma_start3A_1293 : memref<1x1x20x64xf32, #tpu.memory_space<vmem>> -> memref<20x64xf32, #tpu.memory_space<vmem>>
        %dma_start3A_1295 = arith.constant 0 : i32
        %dma_start3A_1296 = tpu.memref_slice %arg5[%add3A_1287, %dma_start3A_1295] : memref<512x20xi32, #tpu.memory_space<vmem>> -> memref<1x20xi32, #tpu.memory_space<vmem>>
        %dma_start3A_1297 = tpu.memref_squeeze %dma_start3A_1296 : memref<1x20xi32, #tpu.memory_space<vmem>> -> memref<20xi32, #tpu.memory_space<vmem>>
        %dma_start3A_1298 = arith.constant 0 : i32
        %dma_start3A_1299 = arith.constant 0 : i32
        %dma_start3A_1300 = tpu.memref_slice %arg3[%dma_start3A_1298, %dma_start3A_1299] : memref<1000000x64xf32, #tpu.memory_space<hbm>> -> memref<1000000x64xf32, #tpu.memory_space<hbm>>
        %dma_start3A_1301 = tpu.memref_slice %arg7[%dma_start3A_1290] : memref<4x!tpu.dma_semaphore, #tpu.memory_space<semaphore_mem>> -> memref<1x!tpu.dma_semaphore, #tpu.memory_space<semaphore_mem>>
        %dma_start3A_1302 = tpu.memref_squeeze %dma_start3A_1301 : memref<1x!tpu.dma_semaphore, #tpu.memory_space<semaphore_mem>> -> memref<!tpu.dma_semaphore, #tpu.memory_space<semaphore_mem>>
        tpu.enqueue_indirect_dma source(%dma_start3A_1300 : memref<1000000x64xf32, #tpu.memory_space<hbm>>) target(%dma_start3A_1294 : memref<20x64xf32, #tpu.memory_space<vmem>>) offsets(%dma_start3A_1297 : memref<20xi32, #tpu.memory_space<vmem>>) semaphore(%dma_start3A_1302 : memref<!tpu.dma_semaphore, #tpu.memory_space<semaphore_mem>>)
        %mul3A_1303 = arith.constant 16 : i32
        %mul3A_1304 = arith.muli %add3A_1131, %mul3A_1303 : i32
        %add3A_1305 = arith.constant 9 : i32
        %add3A_1306 = arith.addi %mul3A_1304, %add3A_1305 : i32
        %dma_start3A_1307 = arith.constant 3 : i32
        %dma_start3A_1308 = arith.constant 9 : i32
        %dma_start3A_1309 = arith.constant 3 : i32
        %dma_start3A_1310 = arith.constant 0 : i32
        %dma_start3A_1311 = arith.constant 0 : i32
        %dma_start3A_1312 = tpu.memref_slice %arg6[%dma_start3A_1307, %dma_start3A_1308, %dma_start3A_1310, %dma_start3A_1311] : memref<4x16x20x64xf32, #tpu.memory_space<vmem>> -> memref<1x1x20x64xf32, #tpu.memory_space<vmem>>
        %dma_start3A_1313 = tpu.memref_squeeze %dma_start3A_1312 : memref<1x1x20x64xf32, #tpu.memory_space<vmem>> -> memref<20x64xf32, #tpu.memory_space<vmem>>
        %dma_start3A_1314 = arith.constant 0 : i32
        %dma_start3A_1315 = tpu.memref_slice %arg5[%add3A_1306, %dma_start3A_1314] : memref<512x20xi32, #tpu.memory_space<vmem>> -> memref<1x20xi32, #tpu.memory_space<vmem>>
        %dma_start3A_1316 = tpu.memref_squeeze %dma_start3A_1315 : memref<1x20xi32, #tpu.memory_space<vmem>> -> memref<20xi32, #tpu.memory_space<vmem>>
        %dma_start3A_1317 = arith.constant 0 : i32
        %dma_start3A_1318 = arith.constant 0 : i32
        %dma_start3A_1319 = tpu.memref_slice %arg3[%dma_start3A_1317, %dma_start3A_1318] : memref<1000000x64xf32, #tpu.memory_space<hbm>> -> memref<1000000x64xf32, #tpu.memory_space<hbm>>
        %dma_start3A_1320 = tpu.memref_slice %arg7[%dma_start3A_1309] : memref<4x!tpu.dma_semaphore, #tpu.memory_space<semaphore_mem>> -> memref<1x!tpu.dma_semaphore, #tpu.memory_space<semaphore_mem>>
        %dma_start3A_1321 = tpu.memref_squeeze %dma_start3A_1320 : memref<1x!tpu.dma_semaphore, #tpu.memory_space<semaphore_mem>> -> memref<!tpu.dma_semaphore, #tpu.memory_space<semaphore_mem>>
        tpu.enqueue_indirect_dma source(%dma_start3A_1319 : memref<1000000x64xf32, #tpu.memory_space<hbm>>) target(%dma_start3A_1313 : memref<20x64xf32, #tpu.memory_space<vmem>>) offsets(%dma_start3A_1316 : memref<20xi32, #tpu.memory_space<vmem>>) semaphore(%dma_start3A_1321 : memref<!tpu.dma_semaphore, #tpu.memory_space<semaphore_mem>>)
        %mul3A_1322 = arith.constant 16 : i32
        %mul3A_1323 = arith.muli %add3A_1131, %mul3A_1322 : i32
        %add3A_1324 = arith.constant 10 : i32
        %add3A_1325 = arith.addi %mul3A_1323, %add3A_1324 : i32
        %dma_start3A_1326 = arith.constant 3 : i32
        %dma_start3A_1327 = arith.constant 10 : i32
        %dma_start3A_1328 = arith.constant 3 : i32
        %dma_start3A_1329 = arith.constant 0 : i32
        %dma_start3A_1330 = arith.constant 0 : i32
        %dma_start3A_1331 = tpu.memref_slice %arg6[%dma_start3A_1326, %dma_start3A_1327, %dma_start3A_1329, %dma_start3A_1330] : memref<4x16x20x64xf32, #tpu.memory_space<vmem>> -> memref<1x1x20x64xf32, #tpu.memory_space<vmem>>
        %dma_start3A_1332 = tpu.memref_squeeze %dma_start3A_1331 : memref<1x1x20x64xf32, #tpu.memory_space<vmem>> -> memref<20x64xf32, #tpu.memory_space<vmem>>
        %dma_start3A_1333 = arith.constant 0 : i32
        %dma_start3A_1334 = tpu.memref_slice %arg5[%add3A_1325, %dma_start3A_1333] : memref<512x20xi32, #tpu.memory_space<vmem>> -> memref<1x20xi32, #tpu.memory_space<vmem>>
        %dma_start3A_1335 = tpu.memref_squeeze %dma_start3A_1334 : memref<1x20xi32, #tpu.memory_space<vmem>> -> memref<20xi32, #tpu.memory_space<vmem>>
        %dma_start3A_1336 = arith.constant 0 : i32
        %dma_start3A_1337 = arith.constant 0 : i32
        %dma_start3A_1338 = tpu.memref_slice %arg3[%dma_start3A_1336, %dma_start3A_1337] : memref<1000000x64xf32, #tpu.memory_space<hbm>> -> memref<1000000x64xf32, #tpu.memory_space<hbm>>
        %dma_start3A_1339 = tpu.memref_slice %arg7[%dma_start3A_1328] : memref<4x!tpu.dma_semaphore, #tpu.memory_space<semaphore_mem>> -> memref<1x!tpu.dma_semaphore, #tpu.memory_space<semaphore_mem>>
        %dma_start3A_1340 = tpu.memref_squeeze %dma_start3A_1339 : memref<1x!tpu.dma_semaphore, #tpu.memory_space<semaphore_mem>> -> memref<!tpu.dma_semaphore, #tpu.memory_space<semaphore_mem>>
        tpu.enqueue_indirect_dma source(%dma_start3A_1338 : memref<1000000x64xf32, #tpu.memory_space<hbm>>) target(%dma_start3A_1332 : memref<20x64xf32, #tpu.memory_space<vmem>>) offsets(%dma_start3A_1335 : memref<20xi32, #tpu.memory_space<vmem>>) semaphore(%dma_start3A_1340 : memref<!tpu.dma_semaphore, #tpu.memory_space<semaphore_mem>>)
        %mul3A_1341 = arith.constant 16 : i32
        %mul3A_1342 = arith.muli %add3A_1131, %mul3A_1341 : i32
        %add3A_1343 = arith.constant 11 : i32
        %add3A_1344 = arith.addi %mul3A_1342, %add3A_1343 : i32
        %dma_start3A_1345 = arith.constant 3 : i32
        %dma_start3A_1346 = arith.constant 11 : i32
        %dma_start3A_1347 = arith.constant 3 : i32
        %dma_start3A_1348 = arith.constant 0 : i32
        %dma_start3A_1349 = arith.constant 0 : i32
        %dma_start3A_1350 = tpu.memref_slice %arg6[%dma_start3A_1345, %dma_start3A_1346, %dma_start3A_1348, %dma_start3A_1349] : memref<4x16x20x64xf32, #tpu.memory_space<vmem>> -> memref<1x1x20x64xf32, #tpu.memory_space<vmem>>
        %dma_start3A_1351 = tpu.memref_squeeze %dma_start3A_1350 : memref<1x1x20x64xf32, #tpu.memory_space<vmem>> -> memref<20x64xf32, #tpu.memory_space<vmem>>
        %dma_start3A_1352 = arith.constant 0 : i32
        %dma_start3A_1353 = tpu.memref_slice %arg5[%add3A_1344, %dma_start3A_1352] : memref<512x20xi32, #tpu.memory_space<vmem>> -> memref<1x20xi32, #tpu.memory_space<vmem>>
        %dma_start3A_1354 = tpu.memref_squeeze %dma_start3A_1353 : memref<1x20xi32, #tpu.memory_space<vmem>> -> memref<20xi32, #tpu.memory_space<vmem>>
        %dma_start3A_1355 = arith.constant 0 : i32
        %dma_start3A_1356 = arith.constant 0 : i32
        %dma_start3A_1357 = tpu.memref_slice %arg3[%dma_start3A_1355, %dma_start3A_1356] : memref<1000000x64xf32, #tpu.memory_space<hbm>> -> memref<1000000x64xf32, #tpu.memory_space<hbm>>
        %dma_start3A_1358 = tpu.memref_slice %arg7[%dma_start3A_1347] : memref<4x!tpu.dma_semaphore, #tpu.memory_space<semaphore_mem>> -> memref<1x!tpu.dma_semaphore, #tpu.memory_space<semaphore_mem>>
        %dma_start3A_1359 = tpu.memref_squeeze %dma_start3A_1358 : memref<1x!tpu.dma_semaphore, #tpu.memory_space<semaphore_mem>> -> memref<!tpu.dma_semaphore, #tpu.memory_space<semaphore_mem>>
        tpu.enqueue_indirect_dma source(%dma_start3A_1357 : memref<1000000x64xf32, #tpu.memory_space<hbm>>) target(%dma_start3A_1351 : memref<20x64xf32, #tpu.memory_space<vmem>>) offsets(%dma_start3A_1354 : memref<20xi32, #tpu.memory_space<vmem>>) semaphore(%dma_start3A_1359 : memref<!tpu.dma_semaphore, #tpu.memory_space<semaphore_mem>>)
        %mul3A_1360 = arith.constant 16 : i32
        %mul3A_1361 = arith.muli %add3A_1131, %mul3A_1360 : i32
        %add3A_1362 = arith.constant 12 : i32
        %add3A_1363 = arith.addi %mul3A_1361, %add3A_1362 : i32
        %dma_start3A_1364 = arith.constant 3 : i32
        %dma_start3A_1365 = arith.constant 12 : i32
        %dma_start3A_1366 = arith.constant 3 : i32
        %dma_start3A_1367 = arith.constant 0 : i32
        %dma_start3A_1368 = arith.constant 0 : i32
        %dma_start3A_1369 = tpu.memref_slice %arg6[%dma_start3A_1364, %dma_start3A_1365, %dma_start3A_1367, %dma_start3A_1368] : memref<4x16x20x64xf32, #tpu.memory_space<vmem>> -> memref<1x1x20x64xf32, #tpu.memory_space<vmem>>
        %dma_start3A_1370 = tpu.memref_squeeze %dma_start3A_1369 : memref<1x1x20x64xf32, #tpu.memory_space<vmem>> -> memref<20x64xf32, #tpu.memory_space<vmem>>
        %dma_start3A_1371 = arith.constant 0 : i32
        %dma_start3A_1372 = tpu.memref_slice %arg5[%add3A_1363, %dma_start3A_1371] : memref<512x20xi32, #tpu.memory_space<vmem>> -> memref<1x20xi32, #tpu.memory_space<vmem>>
        %dma_start3A_1373 = tpu.memref_squeeze %dma_start3A_1372 : memref<1x20xi32, #tpu.memory_space<vmem>> -> memref<20xi32, #tpu.memory_space<vmem>>
        %dma_start3A_1374 = arith.constant 0 : i32
        %dma_start3A_1375 = arith.constant 0 : i32
        %dma_start3A_1376 = tpu.memref_slice %arg3[%dma_start3A_1374, %dma_start3A_1375] : memref<1000000x64xf32, #tpu.memory_space<hbm>> -> memref<1000000x64xf32, #tpu.memory_space<hbm>>
        %dma_start3A_1377 = tpu.memref_slice %arg7[%dma_start3A_1366] : memref<4x!tpu.dma_semaphore, #tpu.memory_space<semaphore_mem>> -> memref<1x!tpu.dma_semaphore, #tpu.memory_space<semaphore_mem>>
        %dma_start3A_1378 = tpu.memref_squeeze %dma_start3A_1377 : memref<1x!tpu.dma_semaphore, #tpu.memory_space<semaphore_mem>> -> memref<!tpu.dma_semaphore, #tpu.memory_space<semaphore_mem>>
        tpu.enqueue_indirect_dma source(%dma_start3A_1376 : memref<1000000x64xf32, #tpu.memory_space<hbm>>) target(%dma_start3A_1370 : memref<20x64xf32, #tpu.memory_space<vmem>>) offsets(%dma_start3A_1373 : memref<20xi32, #tpu.memory_space<vmem>>) semaphore(%dma_start3A_1378 : memref<!tpu.dma_semaphore, #tpu.memory_space<semaphore_mem>>)
        %mul3A_1379 = arith.constant 16 : i32
        %mul3A_1380 = arith.muli %add3A_1131, %mul3A_1379 : i32
        %add3A_1381 = arith.constant 13 : i32
        %add3A_1382 = arith.addi %mul3A_1380, %add3A_1381 : i32
        %dma_start3A_1383 = arith.constant 3 : i32
        %dma_start3A_1384 = arith.constant 13 : i32
        %dma_start3A_1385 = arith.constant 3 : i32
        %dma_start3A_1386 = arith.constant 0 : i32
        %dma_start3A_1387 = arith.constant 0 : i32
        %dma_start3A_1388 = tpu.memref_slice %arg6[%dma_start3A_1383, %dma_start3A_1384, %dma_start3A_1386, %dma_start3A_1387] : memref<4x16x20x64xf32, #tpu.memory_space<vmem>> -> memref<1x1x20x64xf32, #tpu.memory_space<vmem>>
        %dma_start3A_1389 = tpu.memref_squeeze %dma_start3A_1388 : memref<1x1x20x64xf32, #tpu.memory_space<vmem>> -> memref<20x64xf32, #tpu.memory_space<vmem>>
        %dma_start3A_1390 = arith.constant 0 : i32
        %dma_start3A_1391 = tpu.memref_slice %arg5[%add3A_1382, %dma_start3A_1390] : memref<512x20xi32, #tpu.memory_space<vmem>> -> memref<1x20xi32, #tpu.memory_space<vmem>>
        %dma_start3A_1392 = tpu.memref_squeeze %dma_start3A_1391 : memref<1x20xi32, #tpu.memory_space<vmem>> -> memref<20xi32, #tpu.memory_space<vmem>>
        %dma_start3A_1393 = arith.constant 0 : i32
        %dma_start3A_1394 = arith.constant 0 : i32
        %dma_start3A_1395 = tpu.memref_slice %arg3[%dma_start3A_1393, %dma_start3A_1394] : memref<1000000x64xf32, #tpu.memory_space<hbm>> -> memref<1000000x64xf32, #tpu.memory_space<hbm>>
        %dma_start3A_1396 = tpu.memref_slice %arg7[%dma_start3A_1385] : memref<4x!tpu.dma_semaphore, #tpu.memory_space<semaphore_mem>> -> memref<1x!tpu.dma_semaphore, #tpu.memory_space<semaphore_mem>>
        %dma_start3A_1397 = tpu.memref_squeeze %dma_start3A_1396 : memref<1x!tpu.dma_semaphore, #tpu.memory_space<semaphore_mem>> -> memref<!tpu.dma_semaphore, #tpu.memory_space<semaphore_mem>>
        tpu.enqueue_indirect_dma source(%dma_start3A_1395 : memref<1000000x64xf32, #tpu.memory_space<hbm>>) target(%dma_start3A_1389 : memref<20x64xf32, #tpu.memory_space<vmem>>) offsets(%dma_start3A_1392 : memref<20xi32, #tpu.memory_space<vmem>>) semaphore(%dma_start3A_1397 : memref<!tpu.dma_semaphore, #tpu.memory_space<semaphore_mem>>)
        %mul3A_1398 = arith.constant 16 : i32
        %mul3A_1399 = arith.muli %add3A_1131, %mul3A_1398 : i32
        %add3A_1400 = arith.constant 14 : i32
        %add3A_1401 = arith.addi %mul3A_1399, %add3A_1400 : i32
        %dma_start3A_1402 = arith.constant 3 : i32
        %dma_start3A_1403 = arith.constant 14 : i32
        %dma_start3A_1404 = arith.constant 3 : i32
        %dma_start3A_1405 = arith.constant 0 : i32
        %dma_start3A_1406 = arith.constant 0 : i32
        %dma_start3A_1407 = tpu.memref_slice %arg6[%dma_start3A_1402, %dma_start3A_1403, %dma_start3A_1405, %dma_start3A_1406] : memref<4x16x20x64xf32, #tpu.memory_space<vmem>> -> memref<1x1x20x64xf32, #tpu.memory_space<vmem>>
        %dma_start3A_1408 = tpu.memref_squeeze %dma_start3A_1407 : memref<1x1x20x64xf32, #tpu.memory_space<vmem>> -> memref<20x64xf32, #tpu.memory_space<vmem>>
        %dma_start3A_1409 = arith.constant 0 : i32
        %dma_start3A_1410 = tpu.memref_slice %arg5[%add3A_1401, %dma_start3A_1409] : memref<512x20xi32, #tpu.memory_space<vmem>> -> memref<1x20xi32, #tpu.memory_space<vmem>>
        %dma_start3A_1411 = tpu.memref_squeeze %dma_start3A_1410 : memref<1x20xi32, #tpu.memory_space<vmem>> -> memref<20xi32, #tpu.memory_space<vmem>>
        %dma_start3A_1412 = arith.constant 0 : i32
        %dma_start3A_1413 = arith.constant 0 : i32
        %dma_start3A_1414 = tpu.memref_slice %arg3[%dma_start3A_1412, %dma_start3A_1413] : memref<1000000x64xf32, #tpu.memory_space<hbm>> -> memref<1000000x64xf32, #tpu.memory_space<hbm>>
        %dma_start3A_1415 = tpu.memref_slice %arg7[%dma_start3A_1404] : memref<4x!tpu.dma_semaphore, #tpu.memory_space<semaphore_mem>> -> memref<1x!tpu.dma_semaphore, #tpu.memory_space<semaphore_mem>>
        %dma_start3A_1416 = tpu.memref_squeeze %dma_start3A_1415 : memref<1x!tpu.dma_semaphore, #tpu.memory_space<semaphore_mem>> -> memref<!tpu.dma_semaphore, #tpu.memory_space<semaphore_mem>>
        tpu.enqueue_indirect_dma source(%dma_start3A_1414 : memref<1000000x64xf32, #tpu.memory_space<hbm>>) target(%dma_start3A_1408 : memref<20x64xf32, #tpu.memory_space<vmem>>) offsets(%dma_start3A_1411 : memref<20xi32, #tpu.memory_space<vmem>>) semaphore(%dma_start3A_1416 : memref<!tpu.dma_semaphore, #tpu.memory_space<semaphore_mem>>)
        %mul3A_1417 = arith.constant 16 : i32
        %mul3A_1418 = arith.muli %add3A_1131, %mul3A_1417 : i32
        %add3A_1419 = arith.constant 15 : i32
        %add3A_1420 = arith.addi %mul3A_1418, %add3A_1419 : i32
        %dma_start3A_1421 = arith.constant 3 : i32
        %dma_start3A_1422 = arith.constant 15 : i32
        %dma_start3A_1423 = arith.constant 3 : i32
        %dma_start3A_1424 = arith.constant 0 : i32
        %dma_start3A_1425 = arith.constant 0 : i32
        %dma_start3A_1426 = tpu.memref_slice %arg6[%dma_start3A_1421, %dma_start3A_1422, %dma_start3A_1424, %dma_start3A_1425] : memref<4x16x20x64xf32, #tpu.memory_space<vmem>> -> memref<1x1x20x64xf32, #tpu.memory_space<vmem>>
        %dma_start3A_1427 = tpu.memref_squeeze %dma_start3A_1426 : memref<1x1x20x64xf32, #tpu.memory_space<vmem>> -> memref<20x64xf32, #tpu.memory_space<vmem>>
        %dma_start3A_1428 = arith.constant 0 : i32
        %dma_start3A_1429 = tpu.memref_slice %arg5[%add3A_1420, %dma_start3A_1428] : memref<512x20xi32, #tpu.memory_space<vmem>> -> memref<1x20xi32, #tpu.memory_space<vmem>>
        %dma_start3A_1430 = tpu.memref_squeeze %dma_start3A_1429 : memref<1x20xi32, #tpu.memory_space<vmem>> -> memref<20xi32, #tpu.memory_space<vmem>>
        %dma_start3A_1431 = arith.constant 0 : i32
        %dma_start3A_1432 = arith.constant 0 : i32
        %dma_start3A_1433 = tpu.memref_slice %arg3[%dma_start3A_1431, %dma_start3A_1432] : memref<1000000x64xf32, #tpu.memory_space<hbm>> -> memref<1000000x64xf32, #tpu.memory_space<hbm>>
        %dma_start3A_1434 = tpu.memref_slice %arg7[%dma_start3A_1423] : memref<4x!tpu.dma_semaphore, #tpu.memory_space<semaphore_mem>> -> memref<1x!tpu.dma_semaphore, #tpu.memory_space<semaphore_mem>>
        %dma_start3A_1435 = tpu.memref_squeeze %dma_start3A_1434 : memref<1x!tpu.dma_semaphore, #tpu.memory_space<semaphore_mem>> -> memref<!tpu.dma_semaphore, #tpu.memory_space<semaphore_mem>>
        tpu.enqueue_indirect_dma source(%dma_start3A_1433 : memref<1000000x64xf32, #tpu.memory_space<hbm>>) target(%dma_start3A_1427 : memref<20x64xf32, #tpu.memory_space<vmem>>) offsets(%dma_start3A_1430 : memref<20xi32, #tpu.memory_space<vmem>>) semaphore(%dma_start3A_1435 : memref<!tpu.dma_semaphore, #tpu.memory_space<semaphore_mem>>)
      } else {
      }
      %mul3A_926 = arith.constant 4 : i32
      %mul3A_927 = arith.muli %scan3A_862, %mul3A_926 : i32
      %add3A_928 = arith.constant 1 : i32
      %add3A_929 = arith.addi %mul3A_927, %add3A_928 : i32
      %dma_wait3A_930 = arith.constant 1 : i32
      %dma_wait3A_931 = arith.constant 1 : i32
      %dma_wait3A_932 = arith.constant 0 : i32
      %dma_wait3A_933 = arith.constant 0 : i32
      %dma_wait3A_934 = arith.constant 0 : i32
      %dma_wait3A_935 = tpu.memref_slice %arg6[%dma_wait3A_930, %dma_wait3A_932, %dma_wait3A_933, %dma_wait3A_934] : memref<4x16x20x64xf32, #tpu.memory_space<vmem>> -> memref<1x16x20x64xf32, #tpu.memory_space<vmem>>
      %dma_wait3A_936 = tpu.memref_squeeze %dma_wait3A_935 : memref<1x16x20x64xf32, #tpu.memory_space<vmem>> -> memref<16x20x64xf32, #tpu.memory_space<vmem>>
      %dma_wait3A_937 = arith.constant 0 : i32
      %dma_wait3A_938 = arith.constant 0 : i32
      %dma_wait3A_939 = arith.constant 0 : i32
      %dma_wait3A_940 = tpu.memref_slice %arg4[%dma_wait3A_937, %dma_wait3A_938, %dma_wait3A_939] : memref<16384x20x64xf32, #tpu.memory_space<hbm>> -> memref<16x20x64xf32, #tpu.memory_space<hbm>>
      %dma_wait3A_941 = tpu.memref_slice %arg7[%dma_wait3A_931] : memref<4x!tpu.dma_semaphore, #tpu.memory_space<semaphore_mem>> -> memref<1x!tpu.dma_semaphore, #tpu.memory_space<semaphore_mem>>
      %dma_wait3A_942 = tpu.memref_squeeze %dma_wait3A_941 : memref<1x!tpu.dma_semaphore, #tpu.memory_space<semaphore_mem>> -> memref<!tpu.dma_semaphore, #tpu.memory_space<semaphore_mem>>
      %dma_wait3A_943 = arith.constant 0 : i32
      %dma_wait3A_944 = arith.constant 0 : i32
      %dma_wait3A_945 = arith.constant 0 : i32
      %dma_wait3A_946 = tpu.memref_slice %arg6[%dma_wait3A_930, %dma_wait3A_943, %dma_wait3A_944, %dma_wait3A_945] : memref<4x16x20x64xf32, #tpu.memory_space<vmem>> -> memref<1x16x20x64xf32, #tpu.memory_space<vmem>>
      %dma_wait3A_947 = tpu.memref_squeeze %dma_wait3A_946 : memref<1x16x20x64xf32, #tpu.memory_space<vmem>> -> memref<16x20x64xf32, #tpu.memory_space<vmem>>
      %dma_wait3A_948 = arith.constant 0 : i32
      %dma_wait3A_949 = arith.constant 0 : i32
      %dma_wait3A_950 = arith.constant 0 : i32
      %dma_wait3A_951 = tpu.memref_slice %arg4[%dma_wait3A_948, %dma_wait3A_949, %dma_wait3A_950] : memref<16384x20x64xf32, #tpu.memory_space<hbm>> -> memref<16x20x64xf32, #tpu.memory_space<hbm>>
      tpu.wait_dma2 semaphore(%dma_wait3A_942 : memref<!tpu.dma_semaphore, #tpu.memory_space<semaphore_mem>>) src(%dma_wait3A_951 : memref<16x20x64xf32, #tpu.memory_space<hbm>>) dst(%dma_wait3A_947 : memref<16x20x64xf32, #tpu.memory_space<vmem>>)
      %mul3A_952 = arith.constant 16 : i32
      %mul3A_953 = arith.muli %add3A_929, %mul3A_952 : i32
      %add3A_954 = arith.addi %mul3A_2, %mul3A_953 : i32
      %dma_start3A_955 = arith.constant 1 : i32
      %dma_start3A_956 = arith.constant 1 : i32
      %dma_start3A_957 = arith.constant 0 : i32
      %dma_start3A_958 = arith.constant 0 : i32
      %dma_start3A_959 = arith.constant 0 : i32
      %dma_start3A_960 = tpu.memref_slice %arg6[%dma_start3A_955, %dma_start3A_957, %dma_start3A_958, %dma_start3A_959] : memref<4x16x20x64xf32, #tpu.memory_space<vmem>> -> memref<1x16x20x64xf32, #tpu.memory_space<vmem>>
      %dma_start3A_961 = tpu.memref_squeeze %dma_start3A_960 : memref<1x16x20x64xf32, #tpu.memory_space<vmem>> -> memref<16x20x64xf32, #tpu.memory_space<vmem>>
      %dma_start3A_962 = arith.constant 0 : i32
      %dma_start3A_963 = arith.constant 0 : i32
      %dma_start3A_964 = tpu.memref_slice %arg4[%add3A_954, %dma_start3A_962, %dma_start3A_963] : memref<16384x20x64xf32, #tpu.memory_space<hbm>> -> memref<16x20x64xf32, #tpu.memory_space<hbm>>
      %dma_start3A_965 = tpu.memref_slice %arg8[%dma_start3A_956] : memref<4x!tpu.dma_semaphore, #tpu.memory_space<semaphore_mem>> -> memref<1x!tpu.dma_semaphore, #tpu.memory_space<semaphore_mem>>
      %dma_start3A_966 = tpu.memref_squeeze %dma_start3A_965 : memref<1x!tpu.dma_semaphore, #tpu.memory_space<semaphore_mem>> -> memref<!tpu.dma_semaphore, #tpu.memory_space<semaphore_mem>>
      %dma_start3A_967 = arith.constant 0 : i32
      %dma_start3A_968 = arith.constant 0 : i32
      %dma_start3A_969 = tpu.memref_slice %arg4[%add3A_954, %dma_start3A_967, %dma_start3A_968] : memref<16384x20x64xf32, #tpu.memory_space<hbm>> -> memref<16x20x64xf32, #tpu.memory_space<hbm>>
      %dma_start3A_970 = arith.constant 0 : i32
      %dma_start3A_971 = arith.constant 0 : i32
      %dma_start3A_972 = arith.constant 0 : i32
      %dma_start3A_973 = tpu.memref_slice %arg6[%dma_start3A_955, %dma_start3A_970, %dma_start3A_971, %dma_start3A_972] : memref<4x16x20x64xf32, #tpu.memory_space<vmem>> -> memref<1x16x20x64xf32, #tpu.memory_space<vmem>>
      %dma_start3A_974 = tpu.memref_squeeze %dma_start3A_973 : memref<1x16x20x64xf32, #tpu.memory_space<vmem>> -> memref<16x20x64xf32, #tpu.memory_space<vmem>>
      tpu.enqueue_dma source(%dma_start3A_974 : memref<16x20x64xf32, #tpu.memory_space<vmem>>) target(%dma_start3A_969 : memref<16x20x64xf32, #tpu.memory_space<hbm>>) target_semaphore(%dma_start3A_966 : memref<!tpu.dma_semaphore, #tpu.memory_space<semaphore_mem>>)
      %add3A_975 = arith.constant 3 : i32
      %add3A_976 = arith.addi %add3A_929, %add3A_975 : i32
      %lt3A_977 = arith.constant 32 : i32
      %lt3A_978 = arith.cmpi slt, %add3A_976, %lt3A_977 : i32
      %add3A_979 = arith.constant 3 : i32
      %add3A_980 = arith.addi %add3A_929, %add3A_979 : i32
      %ge3A_981 = arith.constant 4 : i32
      %ge3A_982 = arith.cmpi sge, %add3A_980, %ge3A_981 : i32
      %and3A_983 = arith.andi %lt3A_978, %ge3A_982 : i1
      %convert_element_type3A_984 = arith.extui %and3A_983 : i1 to i32
      %cond3A_985 = arith.constant 0 : i32
      %cond3A_986 = arith.cmpi ne, %convert_element_type3A_984, %cond3A_985 : i32
      scf.if %cond3A_986 {
        %add3A_1130 = arith.constant 3 : i32
        %add3A_1131 = arith.addi %add3A_929, %add3A_1130 : i32
        %sub3A = arith.constant 4 : i32
        %sub3A_1132 = arith.subi %add3A_1131, %sub3A : i32
        %mul3A_1133 = arith.constant 16 : i32
        %mul3A_1134 = arith.muli %sub3A_1132, %mul3A_1133 : i32
        %add3A_1135 = arith.addi %mul3A_2, %mul3A_1134 : i32
        %dma_wait3A_1136 = arith.constant 0 : i32
        %dma_wait3A_1137 = arith.constant 0 : i32
        %dma_wait3A_1138 = arith.constant 0 : i32
        %dma_wait3A_1139 = arith.constant 0 : i32
        %dma_wait3A_1140 = arith.constant 0 : i32
        %dma_wait3A_1141 = tpu.memref_slice %arg6[%dma_wait3A_1136, %dma_wait3A_1138, %dma_wait3A_1139, %dma_wait3A_1140] : memref<4x16x20x64xf32, #tpu.memory_space<vmem>> -> memref<1x16x20x64xf32, #tpu.memory_space<vmem>>
        %dma_wait3A_1142 = tpu.memref_squeeze %dma_wait3A_1141 : memref<1x16x20x64xf32, #tpu.memory_space<vmem>> -> memref<16x20x64xf32, #tpu.memory_space<vmem>>
        %dma_wait3A_1143 = arith.constant 0 : i32
        %dma_wait3A_1144 = arith.constant 0 : i32
        %dma_wait3A_1145 = tpu.memref_slice %arg4[%add3A_1135, %dma_wait3A_1143, %dma_wait3A_1144] : memref<16384x20x64xf32, #tpu.memory_space<hbm>> -> memref<16x20x64xf32, #tpu.memory_space<hbm>>
        %dma_wait3A_1146 = tpu.memref_slice %arg8[%dma_wait3A_1137] : memref<4x!tpu.dma_semaphore, #tpu.memory_space<semaphore_mem>> -> memref<1x!tpu.dma_semaphore, #tpu.memory_space<semaphore_mem>>
        %dma_wait3A_1147 = tpu.memref_squeeze %dma_wait3A_1146 : memref<1x!tpu.dma_semaphore, #tpu.memory_space<semaphore_mem>> -> memref<!tpu.dma_semaphore, #tpu.memory_space<semaphore_mem>>
        %dma_wait3A_1148 = arith.constant 0 : i32
        %dma_wait3A_1149 = arith.constant 0 : i32
        %dma_wait3A_1150 = tpu.memref_slice %arg4[%add3A_1135, %dma_wait3A_1148, %dma_wait3A_1149] : memref<16384x20x64xf32, #tpu.memory_space<hbm>> -> memref<16x20x64xf32, #tpu.memory_space<hbm>>
        %dma_wait3A_1151 = arith.constant 0 : i32
        %dma_wait3A_1152 = arith.constant 0 : i32
        %dma_wait3A_1153 = arith.constant 0 : i32
        %dma_wait3A_1154 = tpu.memref_slice %arg6[%dma_wait3A_1136, %dma_wait3A_1151, %dma_wait3A_1152, %dma_wait3A_1153] : memref<4x16x20x64xf32, #tpu.memory_space<vmem>> -> memref<1x16x20x64xf32, #tpu.memory_space<vmem>>
        %dma_wait3A_1155 = tpu.memref_squeeze %dma_wait3A_1154 : memref<1x16x20x64xf32, #tpu.memory_space<vmem>> -> memref<16x20x64xf32, #tpu.memory_space<vmem>>
        tpu.wait_dma2 semaphore(%dma_wait3A_1147 : memref<!tpu.dma_semaphore, #tpu.memory_space<semaphore_mem>>) src(%dma_wait3A_1155 : memref<16x20x64xf32, #tpu.memory_space<vmem>>) dst(%dma_wait3A_1150 : memref<16x20x64xf32, #tpu.memory_space<hbm>>)
      } else {
      }
      %add3A_987 = arith.constant 3 : i32
      %add3A_988 = arith.addi %add3A_929, %add3A_987 : i32
      %lt3A_989 = arith.constant 32 : i32
      %lt3A_990 = arith.cmpi slt, %add3A_988, %lt3A_989 : i32
      %convert_element_type3A_991 = arith.extui %lt3A_990 : i1 to i32
      %cond3A_992 = arith.constant 0 : i32
      %cond3A_993 = arith.cmpi ne, %convert_element_type3A_991, %cond3A_992 : i32
      scf.if %cond3A_993 {
        %add3A_1130 = arith.constant 3 : i32
        %add3A_1131 = arith.addi %add3A_929, %add3A_1130 : i32
        %mul3A_1132 = arith.constant 16 : i32
        %mul3A_1133 = arith.muli %add3A_1131, %mul3A_1132 : i32
        %add3A_1134 = arith.constant 0 : i32
        %add3A_1135 = arith.addi %mul3A_1133, %add3A_1134 : i32
        %dma_start3A_1136 = arith.constant 0 : i32
        %dma_start3A_1137 = arith.constant 0 : i32
        %dma_start3A_1138 = arith.constant 0 : i32
        %dma_start3A_1139 = arith.constant 0 : i32
        %dma_start3A_1140 = arith.constant 0 : i32
        %dma_start3A_1141 = tpu.memref_slice %arg6[%dma_start3A_1136, %dma_start3A_1137, %dma_start3A_1139, %dma_start3A_1140] : memref<4x16x20x64xf32, #tpu.memory_space<vmem>> -> memref<1x1x20x64xf32, #tpu.memory_space<vmem>>
        %dma_start3A_1142 = tpu.memref_squeeze %dma_start3A_1141 : memref<1x1x20x64xf32, #tpu.memory_space<vmem>> -> memref<20x64xf32, #tpu.memory_space<vmem>>
        %dma_start3A_1143 = arith.constant 0 : i32
        %dma_start3A_1144 = tpu.memref_slice %arg5[%add3A_1135, %dma_start3A_1143] : memref<512x20xi32, #tpu.memory_space<vmem>> -> memref<1x20xi32, #tpu.memory_space<vmem>>
        %dma_start3A_1145 = tpu.memref_squeeze %dma_start3A_1144 : memref<1x20xi32, #tpu.memory_space<vmem>> -> memref<20xi32, #tpu.memory_space<vmem>>
        %dma_start3A_1146 = arith.constant 0 : i32
        %dma_start3A_1147 = arith.constant 0 : i32
        %dma_start3A_1148 = tpu.memref_slice %arg3[%dma_start3A_1146, %dma_start3A_1147] : memref<1000000x64xf32, #tpu.memory_space<hbm>> -> memref<1000000x64xf32, #tpu.memory_space<hbm>>
        %dma_start3A_1149 = tpu.memref_slice %arg7[%dma_start3A_1138] : memref<4x!tpu.dma_semaphore, #tpu.memory_space<semaphore_mem>> -> memref<1x!tpu.dma_semaphore, #tpu.memory_space<semaphore_mem>>
        %dma_start3A_1150 = tpu.memref_squeeze %dma_start3A_1149 : memref<1x!tpu.dma_semaphore, #tpu.memory_space<semaphore_mem>> -> memref<!tpu.dma_semaphore, #tpu.memory_space<semaphore_mem>>
        tpu.enqueue_indirect_dma source(%dma_start3A_1148 : memref<1000000x64xf32, #tpu.memory_space<hbm>>) target(%dma_start3A_1142 : memref<20x64xf32, #tpu.memory_space<vmem>>) offsets(%dma_start3A_1145 : memref<20xi32, #tpu.memory_space<vmem>>) semaphore(%dma_start3A_1150 : memref<!tpu.dma_semaphore, #tpu.memory_space<semaphore_mem>>)
        %mul3A_1151 = arith.constant 16 : i32
        %mul3A_1152 = arith.muli %add3A_1131, %mul3A_1151 : i32
        %add3A_1153 = arith.constant 1 : i32
        %add3A_1154 = arith.addi %mul3A_1152, %add3A_1153 : i32
        %dma_start3A_1155 = arith.constant 0 : i32
        %dma_start3A_1156 = arith.constant 1 : i32
        %dma_start3A_1157 = arith.constant 0 : i32
        %dma_start3A_1158 = arith.constant 0 : i32
        %dma_start3A_1159 = arith.constant 0 : i32
        %dma_start3A_1160 = tpu.memref_slice %arg6[%dma_start3A_1155, %dma_start3A_1156, %dma_start3A_1158, %dma_start3A_1159] : memref<4x16x20x64xf32, #tpu.memory_space<vmem>> -> memref<1x1x20x64xf32, #tpu.memory_space<vmem>>
        %dma_start3A_1161 = tpu.memref_squeeze %dma_start3A_1160 : memref<1x1x20x64xf32, #tpu.memory_space<vmem>> -> memref<20x64xf32, #tpu.memory_space<vmem>>
        %dma_start3A_1162 = arith.constant 0 : i32
        %dma_start3A_1163 = tpu.memref_slice %arg5[%add3A_1154, %dma_start3A_1162] : memref<512x20xi32, #tpu.memory_space<vmem>> -> memref<1x20xi32, #tpu.memory_space<vmem>>
        %dma_start3A_1164 = tpu.memref_squeeze %dma_start3A_1163 : memref<1x20xi32, #tpu.memory_space<vmem>> -> memref<20xi32, #tpu.memory_space<vmem>>
        %dma_start3A_1165 = arith.constant 0 : i32
        %dma_start3A_1166 = arith.constant 0 : i32
        %dma_start3A_1167 = tpu.memref_slice %arg3[%dma_start3A_1165, %dma_start3A_1166] : memref<1000000x64xf32, #tpu.memory_space<hbm>> -> memref<1000000x64xf32, #tpu.memory_space<hbm>>
        %dma_start3A_1168 = tpu.memref_slice %arg7[%dma_start3A_1157] : memref<4x!tpu.dma_semaphore, #tpu.memory_space<semaphore_mem>> -> memref<1x!tpu.dma_semaphore, #tpu.memory_space<semaphore_mem>>
        %dma_start3A_1169 = tpu.memref_squeeze %dma_start3A_1168 : memref<1x!tpu.dma_semaphore, #tpu.memory_space<semaphore_mem>> -> memref<!tpu.dma_semaphore, #tpu.memory_space<semaphore_mem>>
        tpu.enqueue_indirect_dma source(%dma_start3A_1167 : memref<1000000x64xf32, #tpu.memory_space<hbm>>) target(%dma_start3A_1161 : memref<20x64xf32, #tpu.memory_space<vmem>>) offsets(%dma_start3A_1164 : memref<20xi32, #tpu.memory_space<vmem>>) semaphore(%dma_start3A_1169 : memref<!tpu.dma_semaphore, #tpu.memory_space<semaphore_mem>>)
        %mul3A_1170 = arith.constant 16 : i32
        %mul3A_1171 = arith.muli %add3A_1131, %mul3A_1170 : i32
        %add3A_1172 = arith.constant 2 : i32
        %add3A_1173 = arith.addi %mul3A_1171, %add3A_1172 : i32
        %dma_start3A_1174 = arith.constant 0 : i32
        %dma_start3A_1175 = arith.constant 2 : i32
        %dma_start3A_1176 = arith.constant 0 : i32
        %dma_start3A_1177 = arith.constant 0 : i32
        %dma_start3A_1178 = arith.constant 0 : i32
        %dma_start3A_1179 = tpu.memref_slice %arg6[%dma_start3A_1174, %dma_start3A_1175, %dma_start3A_1177, %dma_start3A_1178] : memref<4x16x20x64xf32, #tpu.memory_space<vmem>> -> memref<1x1x20x64xf32, #tpu.memory_space<vmem>>
        %dma_start3A_1180 = tpu.memref_squeeze %dma_start3A_1179 : memref<1x1x20x64xf32, #tpu.memory_space<vmem>> -> memref<20x64xf32, #tpu.memory_space<vmem>>
        %dma_start3A_1181 = arith.constant 0 : i32
        %dma_start3A_1182 = tpu.memref_slice %arg5[%add3A_1173, %dma_start3A_1181] : memref<512x20xi32, #tpu.memory_space<vmem>> -> memref<1x20xi32, #tpu.memory_space<vmem>>
        %dma_start3A_1183 = tpu.memref_squeeze %dma_start3A_1182 : memref<1x20xi32, #tpu.memory_space<vmem>> -> memref<20xi32, #tpu.memory_space<vmem>>
        %dma_start3A_1184 = arith.constant 0 : i32
        %dma_start3A_1185 = arith.constant 0 : i32
        %dma_start3A_1186 = tpu.memref_slice %arg3[%dma_start3A_1184, %dma_start3A_1185] : memref<1000000x64xf32, #tpu.memory_space<hbm>> -> memref<1000000x64xf32, #tpu.memory_space<hbm>>
        %dma_start3A_1187 = tpu.memref_slice %arg7[%dma_start3A_1176] : memref<4x!tpu.dma_semaphore, #tpu.memory_space<semaphore_mem>> -> memref<1x!tpu.dma_semaphore, #tpu.memory_space<semaphore_mem>>
        %dma_start3A_1188 = tpu.memref_squeeze %dma_start3A_1187 : memref<1x!tpu.dma_semaphore, #tpu.memory_space<semaphore_mem>> -> memref<!tpu.dma_semaphore, #tpu.memory_space<semaphore_mem>>
        tpu.enqueue_indirect_dma source(%dma_start3A_1186 : memref<1000000x64xf32, #tpu.memory_space<hbm>>) target(%dma_start3A_1180 : memref<20x64xf32, #tpu.memory_space<vmem>>) offsets(%dma_start3A_1183 : memref<20xi32, #tpu.memory_space<vmem>>) semaphore(%dma_start3A_1188 : memref<!tpu.dma_semaphore, #tpu.memory_space<semaphore_mem>>)
        %mul3A_1189 = arith.constant 16 : i32
        %mul3A_1190 = arith.muli %add3A_1131, %mul3A_1189 : i32
        %add3A_1191 = arith.constant 3 : i32
        %add3A_1192 = arith.addi %mul3A_1190, %add3A_1191 : i32
        %dma_start3A_1193 = arith.constant 0 : i32
        %dma_start3A_1194 = arith.constant 3 : i32
        %dma_start3A_1195 = arith.constant 0 : i32
        %dma_start3A_1196 = arith.constant 0 : i32
        %dma_start3A_1197 = arith.constant 0 : i32
        %dma_start3A_1198 = tpu.memref_slice %arg6[%dma_start3A_1193, %dma_start3A_1194, %dma_start3A_1196, %dma_start3A_1197] : memref<4x16x20x64xf32, #tpu.memory_space<vmem>> -> memref<1x1x20x64xf32, #tpu.memory_space<vmem>>
        %dma_start3A_1199 = tpu.memref_squeeze %dma_start3A_1198 : memref<1x1x20x64xf32, #tpu.memory_space<vmem>> -> memref<20x64xf32, #tpu.memory_space<vmem>>
        %dma_start3A_1200 = arith.constant 0 : i32
        %dma_start3A_1201 = tpu.memref_slice %arg5[%add3A_1192, %dma_start3A_1200] : memref<512x20xi32, #tpu.memory_space<vmem>> -> memref<1x20xi32, #tpu.memory_space<vmem>>
        %dma_start3A_1202 = tpu.memref_squeeze %dma_start3A_1201 : memref<1x20xi32, #tpu.memory_space<vmem>> -> memref<20xi32, #tpu.memory_space<vmem>>
        %dma_start3A_1203 = arith.constant 0 : i32
        %dma_start3A_1204 = arith.constant 0 : i32
        %dma_start3A_1205 = tpu.memref_slice %arg3[%dma_start3A_1203, %dma_start3A_1204] : memref<1000000x64xf32, #tpu.memory_space<hbm>> -> memref<1000000x64xf32, #tpu.memory_space<hbm>>
        %dma_start3A_1206 = tpu.memref_slice %arg7[%dma_start3A_1195] : memref<4x!tpu.dma_semaphore, #tpu.memory_space<semaphore_mem>> -> memref<1x!tpu.dma_semaphore, #tpu.memory_space<semaphore_mem>>
        %dma_start3A_1207 = tpu.memref_squeeze %dma_start3A_1206 : memref<1x!tpu.dma_semaphore, #tpu.memory_space<semaphore_mem>> -> memref<!tpu.dma_semaphore, #tpu.memory_space<semaphore_mem>>
        tpu.enqueue_indirect_dma source(%dma_start3A_1205 : memref<1000000x64xf32, #tpu.memory_space<hbm>>) target(%dma_start3A_1199 : memref<20x64xf32, #tpu.memory_space<vmem>>) offsets(%dma_start3A_1202 : memref<20xi32, #tpu.memory_space<vmem>>) semaphore(%dma_start3A_1207 : memref<!tpu.dma_semaphore, #tpu.memory_space<semaphore_mem>>)
        %mul3A_1208 = arith.constant 16 : i32
        %mul3A_1209 = arith.muli %add3A_1131, %mul3A_1208 : i32
        %add3A_1210 = arith.constant 4 : i32
        %add3A_1211 = arith.addi %mul3A_1209, %add3A_1210 : i32
        %dma_start3A_1212 = arith.constant 0 : i32
        %dma_start3A_1213 = arith.constant 4 : i32
        %dma_start3A_1214 = arith.constant 0 : i32
        %dma_start3A_1215 = arith.constant 0 : i32
        %dma_start3A_1216 = arith.constant 0 : i32
        %dma_start3A_1217 = tpu.memref_slice %arg6[%dma_start3A_1212, %dma_start3A_1213, %dma_start3A_1215, %dma_start3A_1216] : memref<4x16x20x64xf32, #tpu.memory_space<vmem>> -> memref<1x1x20x64xf32, #tpu.memory_space<vmem>>
        %dma_start3A_1218 = tpu.memref_squeeze %dma_start3A_1217 : memref<1x1x20x64xf32, #tpu.memory_space<vmem>> -> memref<20x64xf32, #tpu.memory_space<vmem>>
        %dma_start3A_1219 = arith.constant 0 : i32
        %dma_start3A_1220 = tpu.memref_slice %arg5[%add3A_1211, %dma_start3A_1219] : memref<512x20xi32, #tpu.memory_space<vmem>> -> memref<1x20xi32, #tpu.memory_space<vmem>>
        %dma_start3A_1221 = tpu.memref_squeeze %dma_start3A_1220 : memref<1x20xi32, #tpu.memory_space<vmem>> -> memref<20xi32, #tpu.memory_space<vmem>>
        %dma_start3A_1222 = arith.constant 0 : i32
        %dma_start3A_1223 = arith.constant 0 : i32
        %dma_start3A_1224 = tpu.memref_slice %arg3[%dma_start3A_1222, %dma_start3A_1223] : memref<1000000x64xf32, #tpu.memory_space<hbm>> -> memref<1000000x64xf32, #tpu.memory_space<hbm>>
        %dma_start3A_1225 = tpu.memref_slice %arg7[%dma_start3A_1214] : memref<4x!tpu.dma_semaphore, #tpu.memory_space<semaphore_mem>> -> memref<1x!tpu.dma_semaphore, #tpu.memory_space<semaphore_mem>>
        %dma_start3A_1226 = tpu.memref_squeeze %dma_start3A_1225 : memref<1x!tpu.dma_semaphore, #tpu.memory_space<semaphore_mem>> -> memref<!tpu.dma_semaphore, #tpu.memory_space<semaphore_mem>>
        tpu.enqueue_indirect_dma source(%dma_start3A_1224 : memref<1000000x64xf32, #tpu.memory_space<hbm>>) target(%dma_start3A_1218 : memref<20x64xf32, #tpu.memory_space<vmem>>) offsets(%dma_start3A_1221 : memref<20xi32, #tpu.memory_space<vmem>>) semaphore(%dma_start3A_1226 : memref<!tpu.dma_semaphore, #tpu.memory_space<semaphore_mem>>)
        %mul3A_1227 = arith.constant 16 : i32
        %mul3A_1228 = arith.muli %add3A_1131, %mul3A_1227 : i32
        %add3A_1229 = arith.constant 5 : i32
        %add3A_1230 = arith.addi %mul3A_1228, %add3A_1229 : i32
        %dma_start3A_1231 = arith.constant 0 : i32
        %dma_start3A_1232 = arith.constant 5 : i32
        %dma_start3A_1233 = arith.constant 0 : i32
        %dma_start3A_1234 = arith.constant 0 : i32
        %dma_start3A_1235 = arith.constant 0 : i32
        %dma_start3A_1236 = tpu.memref_slice %arg6[%dma_start3A_1231, %dma_start3A_1232, %dma_start3A_1234, %dma_start3A_1235] : memref<4x16x20x64xf32, #tpu.memory_space<vmem>> -> memref<1x1x20x64xf32, #tpu.memory_space<vmem>>
        %dma_start3A_1237 = tpu.memref_squeeze %dma_start3A_1236 : memref<1x1x20x64xf32, #tpu.memory_space<vmem>> -> memref<20x64xf32, #tpu.memory_space<vmem>>
        %dma_start3A_1238 = arith.constant 0 : i32
        %dma_start3A_1239 = tpu.memref_slice %arg5[%add3A_1230, %dma_start3A_1238] : memref<512x20xi32, #tpu.memory_space<vmem>> -> memref<1x20xi32, #tpu.memory_space<vmem>>
        %dma_start3A_1240 = tpu.memref_squeeze %dma_start3A_1239 : memref<1x20xi32, #tpu.memory_space<vmem>> -> memref<20xi32, #tpu.memory_space<vmem>>
        %dma_start3A_1241 = arith.constant 0 : i32
        %dma_start3A_1242 = arith.constant 0 : i32
        %dma_start3A_1243 = tpu.memref_slice %arg3[%dma_start3A_1241, %dma_start3A_1242] : memref<1000000x64xf32, #tpu.memory_space<hbm>> -> memref<1000000x64xf32, #tpu.memory_space<hbm>>
        %dma_start3A_1244 = tpu.memref_slice %arg7[%dma_start3A_1233] : memref<4x!tpu.dma_semaphore, #tpu.memory_space<semaphore_mem>> -> memref<1x!tpu.dma_semaphore, #tpu.memory_space<semaphore_mem>>
        %dma_start3A_1245 = tpu.memref_squeeze %dma_start3A_1244 : memref<1x!tpu.dma_semaphore, #tpu.memory_space<semaphore_mem>> -> memref<!tpu.dma_semaphore, #tpu.memory_space<semaphore_mem>>
        tpu.enqueue_indirect_dma source(%dma_start3A_1243 : memref<1000000x64xf32, #tpu.memory_space<hbm>>) target(%dma_start3A_1237 : memref<20x64xf32, #tpu.memory_space<vmem>>) offsets(%dma_start3A_1240 : memref<20xi32, #tpu.memory_space<vmem>>) semaphore(%dma_start3A_1245 : memref<!tpu.dma_semaphore, #tpu.memory_space<semaphore_mem>>)
        %mul3A_1246 = arith.constant 16 : i32
        %mul3A_1247 = arith.muli %add3A_1131, %mul3A_1246 : i32
        %add3A_1248 = arith.constant 6 : i32
        %add3A_1249 = arith.addi %mul3A_1247, %add3A_1248 : i32
        %dma_start3A_1250 = arith.constant 0 : i32
        %dma_start3A_1251 = arith.constant 6 : i32
        %dma_start3A_1252 = arith.constant 0 : i32
        %dma_start3A_1253 = arith.constant 0 : i32
        %dma_start3A_1254 = arith.constant 0 : i32
        %dma_start3A_1255 = tpu.memref_slice %arg6[%dma_start3A_1250, %dma_start3A_1251, %dma_start3A_1253, %dma_start3A_1254] : memref<4x16x20x64xf32, #tpu.memory_space<vmem>> -> memref<1x1x20x64xf32, #tpu.memory_space<vmem>>
        %dma_start3A_1256 = tpu.memref_squeeze %dma_start3A_1255 : memref<1x1x20x64xf32, #tpu.memory_space<vmem>> -> memref<20x64xf32, #tpu.memory_space<vmem>>
        %dma_start3A_1257 = arith.constant 0 : i32
        %dma_start3A_1258 = tpu.memref_slice %arg5[%add3A_1249, %dma_start3A_1257] : memref<512x20xi32, #tpu.memory_space<vmem>> -> memref<1x20xi32, #tpu.memory_space<vmem>>
        %dma_start3A_1259 = tpu.memref_squeeze %dma_start3A_1258 : memref<1x20xi32, #tpu.memory_space<vmem>> -> memref<20xi32, #tpu.memory_space<vmem>>
        %dma_start3A_1260 = arith.constant 0 : i32
        %dma_start3A_1261 = arith.constant 0 : i32
        %dma_start3A_1262 = tpu.memref_slice %arg3[%dma_start3A_1260, %dma_start3A_1261] : memref<1000000x64xf32, #tpu.memory_space<hbm>> -> memref<1000000x64xf32, #tpu.memory_space<hbm>>
        %dma_start3A_1263 = tpu.memref_slice %arg7[%dma_start3A_1252] : memref<4x!tpu.dma_semaphore, #tpu.memory_space<semaphore_mem>> -> memref<1x!tpu.dma_semaphore, #tpu.memory_space<semaphore_mem>>
        %dma_start3A_1264 = tpu.memref_squeeze %dma_start3A_1263 : memref<1x!tpu.dma_semaphore, #tpu.memory_space<semaphore_mem>> -> memref<!tpu.dma_semaphore, #tpu.memory_space<semaphore_mem>>
        tpu.enqueue_indirect_dma source(%dma_start3A_1262 : memref<1000000x64xf32, #tpu.memory_space<hbm>>) target(%dma_start3A_1256 : memref<20x64xf32, #tpu.memory_space<vmem>>) offsets(%dma_start3A_1259 : memref<20xi32, #tpu.memory_space<vmem>>) semaphore(%dma_start3A_1264 : memref<!tpu.dma_semaphore, #tpu.memory_space<semaphore_mem>>)
        %mul3A_1265 = arith.constant 16 : i32
        %mul3A_1266 = arith.muli %add3A_1131, %mul3A_1265 : i32
        %add3A_1267 = arith.constant 7 : i32
        %add3A_1268 = arith.addi %mul3A_1266, %add3A_1267 : i32
        %dma_start3A_1269 = arith.constant 0 : i32
        %dma_start3A_1270 = arith.constant 7 : i32
        %dma_start3A_1271 = arith.constant 0 : i32
        %dma_start3A_1272 = arith.constant 0 : i32
        %dma_start3A_1273 = arith.constant 0 : i32
        %dma_start3A_1274 = tpu.memref_slice %arg6[%dma_start3A_1269, %dma_start3A_1270, %dma_start3A_1272, %dma_start3A_1273] : memref<4x16x20x64xf32, #tpu.memory_space<vmem>> -> memref<1x1x20x64xf32, #tpu.memory_space<vmem>>
        %dma_start3A_1275 = tpu.memref_squeeze %dma_start3A_1274 : memref<1x1x20x64xf32, #tpu.memory_space<vmem>> -> memref<20x64xf32, #tpu.memory_space<vmem>>
        %dma_start3A_1276 = arith.constant 0 : i32
        %dma_start3A_1277 = tpu.memref_slice %arg5[%add3A_1268, %dma_start3A_1276] : memref<512x20xi32, #tpu.memory_space<vmem>> -> memref<1x20xi32, #tpu.memory_space<vmem>>
        %dma_start3A_1278 = tpu.memref_squeeze %dma_start3A_1277 : memref<1x20xi32, #tpu.memory_space<vmem>> -> memref<20xi32, #tpu.memory_space<vmem>>
        %dma_start3A_1279 = arith.constant 0 : i32
        %dma_start3A_1280 = arith.constant 0 : i32
        %dma_start3A_1281 = tpu.memref_slice %arg3[%dma_start3A_1279, %dma_start3A_1280] : memref<1000000x64xf32, #tpu.memory_space<hbm>> -> memref<1000000x64xf32, #tpu.memory_space<hbm>>
        %dma_start3A_1282 = tpu.memref_slice %arg7[%dma_start3A_1271] : memref<4x!tpu.dma_semaphore, #tpu.memory_space<semaphore_mem>> -> memref<1x!tpu.dma_semaphore, #tpu.memory_space<semaphore_mem>>
        %dma_start3A_1283 = tpu.memref_squeeze %dma_start3A_1282 : memref<1x!tpu.dma_semaphore, #tpu.memory_space<semaphore_mem>> -> memref<!tpu.dma_semaphore, #tpu.memory_space<semaphore_mem>>
        tpu.enqueue_indirect_dma source(%dma_start3A_1281 : memref<1000000x64xf32, #tpu.memory_space<hbm>>) target(%dma_start3A_1275 : memref<20x64xf32, #tpu.memory_space<vmem>>) offsets(%dma_start3A_1278 : memref<20xi32, #tpu.memory_space<vmem>>) semaphore(%dma_start3A_1283 : memref<!tpu.dma_semaphore, #tpu.memory_space<semaphore_mem>>)
        %mul3A_1284 = arith.constant 16 : i32
        %mul3A_1285 = arith.muli %add3A_1131, %mul3A_1284 : i32
        %add3A_1286 = arith.constant 8 : i32
        %add3A_1287 = arith.addi %mul3A_1285, %add3A_1286 : i32
        %dma_start3A_1288 = arith.constant 0 : i32
        %dma_start3A_1289 = arith.constant 8 : i32
        %dma_start3A_1290 = arith.constant 0 : i32
        %dma_start3A_1291 = arith.constant 0 : i32
        %dma_start3A_1292 = arith.constant 0 : i32
        %dma_start3A_1293 = tpu.memref_slice %arg6[%dma_start3A_1288, %dma_start3A_1289, %dma_start3A_1291, %dma_start3A_1292] : memref<4x16x20x64xf32, #tpu.memory_space<vmem>> -> memref<1x1x20x64xf32, #tpu.memory_space<vmem>>
        %dma_start3A_1294 = tpu.memref_squeeze %dma_start3A_1293 : memref<1x1x20x64xf32, #tpu.memory_space<vmem>> -> memref<20x64xf32, #tpu.memory_space<vmem>>
        %dma_start3A_1295 = arith.constant 0 : i32
        %dma_start3A_1296 = tpu.memref_slice %arg5[%add3A_1287, %dma_start3A_1295] : memref<512x20xi32, #tpu.memory_space<vmem>> -> memref<1x20xi32, #tpu.memory_space<vmem>>
        %dma_start3A_1297 = tpu.memref_squeeze %dma_start3A_1296 : memref<1x20xi32, #tpu.memory_space<vmem>> -> memref<20xi32, #tpu.memory_space<vmem>>
        %dma_start3A_1298 = arith.constant 0 : i32
        %dma_start3A_1299 = arith.constant 0 : i32
        %dma_start3A_1300 = tpu.memref_slice %arg3[%dma_start3A_1298, %dma_start3A_1299] : memref<1000000x64xf32, #tpu.memory_space<hbm>> -> memref<1000000x64xf32, #tpu.memory_space<hbm>>
        %dma_start3A_1301 = tpu.memref_slice %arg7[%dma_start3A_1290] : memref<4x!tpu.dma_semaphore, #tpu.memory_space<semaphore_mem>> -> memref<1x!tpu.dma_semaphore, #tpu.memory_space<semaphore_mem>>
        %dma_start3A_1302 = tpu.memref_squeeze %dma_start3A_1301 : memref<1x!tpu.dma_semaphore, #tpu.memory_space<semaphore_mem>> -> memref<!tpu.dma_semaphore, #tpu.memory_space<semaphore_mem>>
        tpu.enqueue_indirect_dma source(%dma_start3A_1300 : memref<1000000x64xf32, #tpu.memory_space<hbm>>) target(%dma_start3A_1294 : memref<20x64xf32, #tpu.memory_space<vmem>>) offsets(%dma_start3A_1297 : memref<20xi32, #tpu.memory_space<vmem>>) semaphore(%dma_start3A_1302 : memref<!tpu.dma_semaphore, #tpu.memory_space<semaphore_mem>>)
        %mul3A_1303 = arith.constant 16 : i32
        %mul3A_1304 = arith.muli %add3A_1131, %mul3A_1303 : i32
        %add3A_1305 = arith.constant 9 : i32
        %add3A_1306 = arith.addi %mul3A_1304, %add3A_1305 : i32
        %dma_start3A_1307 = arith.constant 0 : i32
        %dma_start3A_1308 = arith.constant 9 : i32
        %dma_start3A_1309 = arith.constant 0 : i32
        %dma_start3A_1310 = arith.constant 0 : i32
        %dma_start3A_1311 = arith.constant 0 : i32
        %dma_start3A_1312 = tpu.memref_slice %arg6[%dma_start3A_1307, %dma_start3A_1308, %dma_start3A_1310, %dma_start3A_1311] : memref<4x16x20x64xf32, #tpu.memory_space<vmem>> -> memref<1x1x20x64xf32, #tpu.memory_space<vmem>>
        %dma_start3A_1313 = tpu.memref_squeeze %dma_start3A_1312 : memref<1x1x20x64xf32, #tpu.memory_space<vmem>> -> memref<20x64xf32, #tpu.memory_space<vmem>>
        %dma_start3A_1314 = arith.constant 0 : i32
        %dma_start3A_1315 = tpu.memref_slice %arg5[%add3A_1306, %dma_start3A_1314] : memref<512x20xi32, #tpu.memory_space<vmem>> -> memref<1x20xi32, #tpu.memory_space<vmem>>
        %dma_start3A_1316 = tpu.memref_squeeze %dma_start3A_1315 : memref<1x20xi32, #tpu.memory_space<vmem>> -> memref<20xi32, #tpu.memory_space<vmem>>
        %dma_start3A_1317 = arith.constant 0 : i32
        %dma_start3A_1318 = arith.constant 0 : i32
        %dma_start3A_1319 = tpu.memref_slice %arg3[%dma_start3A_1317, %dma_start3A_1318] : memref<1000000x64xf32, #tpu.memory_space<hbm>> -> memref<1000000x64xf32, #tpu.memory_space<hbm>>
        %dma_start3A_1320 = tpu.memref_slice %arg7[%dma_start3A_1309] : memref<4x!tpu.dma_semaphore, #tpu.memory_space<semaphore_mem>> -> memref<1x!tpu.dma_semaphore, #tpu.memory_space<semaphore_mem>>
        %dma_start3A_1321 = tpu.memref_squeeze %dma_start3A_1320 : memref<1x!tpu.dma_semaphore, #tpu.memory_space<semaphore_mem>> -> memref<!tpu.dma_semaphore, #tpu.memory_space<semaphore_mem>>
        tpu.enqueue_indirect_dma source(%dma_start3A_1319 : memref<1000000x64xf32, #tpu.memory_space<hbm>>) target(%dma_start3A_1313 : memref<20x64xf32, #tpu.memory_space<vmem>>) offsets(%dma_start3A_1316 : memref<20xi32, #tpu.memory_space<vmem>>) semaphore(%dma_start3A_1321 : memref<!tpu.dma_semaphore, #tpu.memory_space<semaphore_mem>>)
        %mul3A_1322 = arith.constant 16 : i32
        %mul3A_1323 = arith.muli %add3A_1131, %mul3A_1322 : i32
        %add3A_1324 = arith.constant 10 : i32
        %add3A_1325 = arith.addi %mul3A_1323, %add3A_1324 : i32
        %dma_start3A_1326 = arith.constant 0 : i32
        %dma_start3A_1327 = arith.constant 10 : i32
        %dma_start3A_1328 = arith.constant 0 : i32
        %dma_start3A_1329 = arith.constant 0 : i32
        %dma_start3A_1330 = arith.constant 0 : i32
        %dma_start3A_1331 = tpu.memref_slice %arg6[%dma_start3A_1326, %dma_start3A_1327, %dma_start3A_1329, %dma_start3A_1330] : memref<4x16x20x64xf32, #tpu.memory_space<vmem>> -> memref<1x1x20x64xf32, #tpu.memory_space<vmem>>
        %dma_start3A_1332 = tpu.memref_squeeze %dma_start3A_1331 : memref<1x1x20x64xf32, #tpu.memory_space<vmem>> -> memref<20x64xf32, #tpu.memory_space<vmem>>
        %dma_start3A_1333 = arith.constant 0 : i32
        %dma_start3A_1334 = tpu.memref_slice %arg5[%add3A_1325, %dma_start3A_1333] : memref<512x20xi32, #tpu.memory_space<vmem>> -> memref<1x20xi32, #tpu.memory_space<vmem>>
        %dma_start3A_1335 = tpu.memref_squeeze %dma_start3A_1334 : memref<1x20xi32, #tpu.memory_space<vmem>> -> memref<20xi32, #tpu.memory_space<vmem>>
        %dma_start3A_1336 = arith.constant 0 : i32
        %dma_start3A_1337 = arith.constant 0 : i32
        %dma_start3A_1338 = tpu.memref_slice %arg3[%dma_start3A_1336, %dma_start3A_1337] : memref<1000000x64xf32, #tpu.memory_space<hbm>> -> memref<1000000x64xf32, #tpu.memory_space<hbm>>
        %dma_start3A_1339 = tpu.memref_slice %arg7[%dma_start3A_1328] : memref<4x!tpu.dma_semaphore, #tpu.memory_space<semaphore_mem>> -> memref<1x!tpu.dma_semaphore, #tpu.memory_space<semaphore_mem>>
        %dma_start3A_1340 = tpu.memref_squeeze %dma_start3A_1339 : memref<1x!tpu.dma_semaphore, #tpu.memory_space<semaphore_mem>> -> memref<!tpu.dma_semaphore, #tpu.memory_space<semaphore_mem>>
        tpu.enqueue_indirect_dma source(%dma_start3A_1338 : memref<1000000x64xf32, #tpu.memory_space<hbm>>) target(%dma_start3A_1332 : memref<20x64xf32, #tpu.memory_space<vmem>>) offsets(%dma_start3A_1335 : memref<20xi32, #tpu.memory_space<vmem>>) semaphore(%dma_start3A_1340 : memref<!tpu.dma_semaphore, #tpu.memory_space<semaphore_mem>>)
        %mul3A_1341 = arith.constant 16 : i32
        %mul3A_1342 = arith.muli %add3A_1131, %mul3A_1341 : i32
        %add3A_1343 = arith.constant 11 : i32
        %add3A_1344 = arith.addi %mul3A_1342, %add3A_1343 : i32
        %dma_start3A_1345 = arith.constant 0 : i32
        %dma_start3A_1346 = arith.constant 11 : i32
        %dma_start3A_1347 = arith.constant 0 : i32
        %dma_start3A_1348 = arith.constant 0 : i32
        %dma_start3A_1349 = arith.constant 0 : i32
        %dma_start3A_1350 = tpu.memref_slice %arg6[%dma_start3A_1345, %dma_start3A_1346, %dma_start3A_1348, %dma_start3A_1349] : memref<4x16x20x64xf32, #tpu.memory_space<vmem>> -> memref<1x1x20x64xf32, #tpu.memory_space<vmem>>
        %dma_start3A_1351 = tpu.memref_squeeze %dma_start3A_1350 : memref<1x1x20x64xf32, #tpu.memory_space<vmem>> -> memref<20x64xf32, #tpu.memory_space<vmem>>
        %dma_start3A_1352 = arith.constant 0 : i32
        %dma_start3A_1353 = tpu.memref_slice %arg5[%add3A_1344, %dma_start3A_1352] : memref<512x20xi32, #tpu.memory_space<vmem>> -> memref<1x20xi32, #tpu.memory_space<vmem>>
        %dma_start3A_1354 = tpu.memref_squeeze %dma_start3A_1353 : memref<1x20xi32, #tpu.memory_space<vmem>> -> memref<20xi32, #tpu.memory_space<vmem>>
        %dma_start3A_1355 = arith.constant 0 : i32
        %dma_start3A_1356 = arith.constant 0 : i32
        %dma_start3A_1357 = tpu.memref_slice %arg3[%dma_start3A_1355, %dma_start3A_1356] : memref<1000000x64xf32, #tpu.memory_space<hbm>> -> memref<1000000x64xf32, #tpu.memory_space<hbm>>
        %dma_start3A_1358 = tpu.memref_slice %arg7[%dma_start3A_1347] : memref<4x!tpu.dma_semaphore, #tpu.memory_space<semaphore_mem>> -> memref<1x!tpu.dma_semaphore, #tpu.memory_space<semaphore_mem>>
        %dma_start3A_1359 = tpu.memref_squeeze %dma_start3A_1358 : memref<1x!tpu.dma_semaphore, #tpu.memory_space<semaphore_mem>> -> memref<!tpu.dma_semaphore, #tpu.memory_space<semaphore_mem>>
        tpu.enqueue_indirect_dma source(%dma_start3A_1357 : memref<1000000x64xf32, #tpu.memory_space<hbm>>) target(%dma_start3A_1351 : memref<20x64xf32, #tpu.memory_space<vmem>>) offsets(%dma_start3A_1354 : memref<20xi32, #tpu.memory_space<vmem>>) semaphore(%dma_start3A_1359 : memref<!tpu.dma_semaphore, #tpu.memory_space<semaphore_mem>>)
        %mul3A_1360 = arith.constant 16 : i32
        %mul3A_1361 = arith.muli %add3A_1131, %mul3A_1360 : i32
        %add3A_1362 = arith.constant 12 : i32
        %add3A_1363 = arith.addi %mul3A_1361, %add3A_1362 : i32
        %dma_start3A_1364 = arith.constant 0 : i32
        %dma_start3A_1365 = arith.constant 12 : i32
        %dma_start3A_1366 = arith.constant 0 : i32
        %dma_start3A_1367 = arith.constant 0 : i32
        %dma_start3A_1368 = arith.constant 0 : i32
        %dma_start3A_1369 = tpu.memref_slice %arg6[%dma_start3A_1364, %dma_start3A_1365, %dma_start3A_1367, %dma_start3A_1368] : memref<4x16x20x64xf32, #tpu.memory_space<vmem>> -> memref<1x1x20x64xf32, #tpu.memory_space<vmem>>
        %dma_start3A_1370 = tpu.memref_squeeze %dma_start3A_1369 : memref<1x1x20x64xf32, #tpu.memory_space<vmem>> -> memref<20x64xf32, #tpu.memory_space<vmem>>
        %dma_start3A_1371 = arith.constant 0 : i32
        %dma_start3A_1372 = tpu.memref_slice %arg5[%add3A_1363, %dma_start3A_1371] : memref<512x20xi32, #tpu.memory_space<vmem>> -> memref<1x20xi32, #tpu.memory_space<vmem>>
        %dma_start3A_1373 = tpu.memref_squeeze %dma_start3A_1372 : memref<1x20xi32, #tpu.memory_space<vmem>> -> memref<20xi32, #tpu.memory_space<vmem>>
        %dma_start3A_1374 = arith.constant 0 : i32
        %dma_start3A_1375 = arith.constant 0 : i32
        %dma_start3A_1376 = tpu.memref_slice %arg3[%dma_start3A_1374, %dma_start3A_1375] : memref<1000000x64xf32, #tpu.memory_space<hbm>> -> memref<1000000x64xf32, #tpu.memory_space<hbm>>
        %dma_start3A_1377 = tpu.memref_slice %arg7[%dma_start3A_1366] : memref<4x!tpu.dma_semaphore, #tpu.memory_space<semaphore_mem>> -> memref<1x!tpu.dma_semaphore, #tpu.memory_space<semaphore_mem>>
        %dma_start3A_1378 = tpu.memref_squeeze %dma_start3A_1377 : memref<1x!tpu.dma_semaphore, #tpu.memory_space<semaphore_mem>> -> memref<!tpu.dma_semaphore, #tpu.memory_space<semaphore_mem>>
        tpu.enqueue_indirect_dma source(%dma_start3A_1376 : memref<1000000x64xf32, #tpu.memory_space<hbm>>) target(%dma_start3A_1370 : memref<20x64xf32, #tpu.memory_space<vmem>>) offsets(%dma_start3A_1373 : memref<20xi32, #tpu.memory_space<vmem>>) semaphore(%dma_start3A_1378 : memref<!tpu.dma_semaphore, #tpu.memory_space<semaphore_mem>>)
        %mul3A_1379 = arith.constant 16 : i32
        %mul3A_1380 = arith.muli %add3A_1131, %mul3A_1379 : i32
        %add3A_1381 = arith.constant 13 : i32
        %add3A_1382 = arith.addi %mul3A_1380, %add3A_1381 : i32
        %dma_start3A_1383 = arith.constant 0 : i32
        %dma_start3A_1384 = arith.constant 13 : i32
        %dma_start3A_1385 = arith.constant 0 : i32
        %dma_start3A_1386 = arith.constant 0 : i32
        %dma_start3A_1387 = arith.constant 0 : i32
        %dma_start3A_1388 = tpu.memref_slice %arg6[%dma_start3A_1383, %dma_start3A_1384, %dma_start3A_1386, %dma_start3A_1387] : memref<4x16x20x64xf32, #tpu.memory_space<vmem>> -> memref<1x1x20x64xf32, #tpu.memory_space<vmem>>
        %dma_start3A_1389 = tpu.memref_squeeze %dma_start3A_1388 : memref<1x1x20x64xf32, #tpu.memory_space<vmem>> -> memref<20x64xf32, #tpu.memory_space<vmem>>
        %dma_start3A_1390 = arith.constant 0 : i32
        %dma_start3A_1391 = tpu.memref_slice %arg5[%add3A_1382, %dma_start3A_1390] : memref<512x20xi32, #tpu.memory_space<vmem>> -> memref<1x20xi32, #tpu.memory_space<vmem>>
        %dma_start3A_1392 = tpu.memref_squeeze %dma_start3A_1391 : memref<1x20xi32, #tpu.memory_space<vmem>> -> memref<20xi32, #tpu.memory_space<vmem>>
        %dma_start3A_1393 = arith.constant 0 : i32
        %dma_start3A_1394 = arith.constant 0 : i32
        %dma_start3A_1395 = tpu.memref_slice %arg3[%dma_start3A_1393, %dma_start3A_1394] : memref<1000000x64xf32, #tpu.memory_space<hbm>> -> memref<1000000x64xf32, #tpu.memory_space<hbm>>
        %dma_start3A_1396 = tpu.memref_slice %arg7[%dma_start3A_1385] : memref<4x!tpu.dma_semaphore, #tpu.memory_space<semaphore_mem>> -> memref<1x!tpu.dma_semaphore, #tpu.memory_space<semaphore_mem>>
        %dma_start3A_1397 = tpu.memref_squeeze %dma_start3A_1396 : memref<1x!tpu.dma_semaphore, #tpu.memory_space<semaphore_mem>> -> memref<!tpu.dma_semaphore, #tpu.memory_space<semaphore_mem>>
        tpu.enqueue_indirect_dma source(%dma_start3A_1395 : memref<1000000x64xf32, #tpu.memory_space<hbm>>) target(%dma_start3A_1389 : memref<20x64xf32, #tpu.memory_space<vmem>>) offsets(%dma_start3A_1392 : memref<20xi32, #tpu.memory_space<vmem>>) semaphore(%dma_start3A_1397 : memref<!tpu.dma_semaphore, #tpu.memory_space<semaphore_mem>>)
        %mul3A_1398 = arith.constant 16 : i32
        %mul3A_1399 = arith.muli %add3A_1131, %mul3A_1398 : i32
        %add3A_1400 = arith.constant 14 : i32
        %add3A_1401 = arith.addi %mul3A_1399, %add3A_1400 : i32
        %dma_start3A_1402 = arith.constant 0 : i32
        %dma_start3A_1403 = arith.constant 14 : i32
        %dma_start3A_1404 = arith.constant 0 : i32
        %dma_start3A_1405 = arith.constant 0 : i32
        %dma_start3A_1406 = arith.constant 0 : i32
        %dma_start3A_1407 = tpu.memref_slice %arg6[%dma_start3A_1402, %dma_start3A_1403, %dma_start3A_1405, %dma_start3A_1406] : memref<4x16x20x64xf32, #tpu.memory_space<vmem>> -> memref<1x1x20x64xf32, #tpu.memory_space<vmem>>
        %dma_start3A_1408 = tpu.memref_squeeze %dma_start3A_1407 : memref<1x1x20x64xf32, #tpu.memory_space<vmem>> -> memref<20x64xf32, #tpu.memory_space<vmem>>
        %dma_start3A_1409 = arith.constant 0 : i32
        %dma_start3A_1410 = tpu.memref_slice %arg5[%add3A_1401, %dma_start3A_1409] : memref<512x20xi32, #tpu.memory_space<vmem>> -> memref<1x20xi32, #tpu.memory_space<vmem>>
        %dma_start3A_1411 = tpu.memref_squeeze %dma_start3A_1410 : memref<1x20xi32, #tpu.memory_space<vmem>> -> memref<20xi32, #tpu.memory_space<vmem>>
        %dma_start3A_1412 = arith.constant 0 : i32
        %dma_start3A_1413 = arith.constant 0 : i32
        %dma_start3A_1414 = tpu.memref_slice %arg3[%dma_start3A_1412, %dma_start3A_1413] : memref<1000000x64xf32, #tpu.memory_space<hbm>> -> memref<1000000x64xf32, #tpu.memory_space<hbm>>
        %dma_start3A_1415 = tpu.memref_slice %arg7[%dma_start3A_1404] : memref<4x!tpu.dma_semaphore, #tpu.memory_space<semaphore_mem>> -> memref<1x!tpu.dma_semaphore, #tpu.memory_space<semaphore_mem>>
        %dma_start3A_1416 = tpu.memref_squeeze %dma_start3A_1415 : memref<1x!tpu.dma_semaphore, #tpu.memory_space<semaphore_mem>> -> memref<!tpu.dma_semaphore, #tpu.memory_space<semaphore_mem>>
        tpu.enqueue_indirect_dma source(%dma_start3A_1414 : memref<1000000x64xf32, #tpu.memory_space<hbm>>) target(%dma_start3A_1408 : memref<20x64xf32, #tpu.memory_space<vmem>>) offsets(%dma_start3A_1411 : memref<20xi32, #tpu.memory_space<vmem>>) semaphore(%dma_start3A_1416 : memref<!tpu.dma_semaphore, #tpu.memory_space<semaphore_mem>>)
        %mul3A_1417 = arith.constant 16 : i32
        %mul3A_1418 = arith.muli %add3A_1131, %mul3A_1417 : i32
        %add3A_1419 = arith.constant 15 : i32
        %add3A_1420 = arith.addi %mul3A_1418, %add3A_1419 : i32
        %dma_start3A_1421 = arith.constant 0 : i32
        %dma_start3A_1422 = arith.constant 15 : i32
        %dma_start3A_1423 = arith.constant 0 : i32
        %dma_start3A_1424 = arith.constant 0 : i32
        %dma_start3A_1425 = arith.constant 0 : i32
        %dma_start3A_1426 = tpu.memref_slice %arg6[%dma_start3A_1421, %dma_start3A_1422, %dma_start3A_1424, %dma_start3A_1425] : memref<4x16x20x64xf32, #tpu.memory_space<vmem>> -> memref<1x1x20x64xf32, #tpu.memory_space<vmem>>
        %dma_start3A_1427 = tpu.memref_squeeze %dma_start3A_1426 : memref<1x1x20x64xf32, #tpu.memory_space<vmem>> -> memref<20x64xf32, #tpu.memory_space<vmem>>
        %dma_start3A_1428 = arith.constant 0 : i32
        %dma_start3A_1429 = tpu.memref_slice %arg5[%add3A_1420, %dma_start3A_1428] : memref<512x20xi32, #tpu.memory_space<vmem>> -> memref<1x20xi32, #tpu.memory_space<vmem>>
        %dma_start3A_1430 = tpu.memref_squeeze %dma_start3A_1429 : memref<1x20xi32, #tpu.memory_space<vmem>> -> memref<20xi32, #tpu.memory_space<vmem>>
        %dma_start3A_1431 = arith.constant 0 : i32
        %dma_start3A_1432 = arith.constant 0 : i32
        %dma_start3A_1433 = tpu.memref_slice %arg3[%dma_start3A_1431, %dma_start3A_1432] : memref<1000000x64xf32, #tpu.memory_space<hbm>> -> memref<1000000x64xf32, #tpu.memory_space<hbm>>
        %dma_start3A_1434 = tpu.memref_slice %arg7[%dma_start3A_1423] : memref<4x!tpu.dma_semaphore, #tpu.memory_space<semaphore_mem>> -> memref<1x!tpu.dma_semaphore, #tpu.memory_space<semaphore_mem>>
        %dma_start3A_1435 = tpu.memref_squeeze %dma_start3A_1434 : memref<1x!tpu.dma_semaphore, #tpu.memory_space<semaphore_mem>> -> memref<!tpu.dma_semaphore, #tpu.memory_space<semaphore_mem>>
        tpu.enqueue_indirect_dma source(%dma_start3A_1433 : memref<1000000x64xf32, #tpu.memory_space<hbm>>) target(%dma_start3A_1427 : memref<20x64xf32, #tpu.memory_space<vmem>>) offsets(%dma_start3A_1430 : memref<20xi32, #tpu.memory_space<vmem>>) semaphore(%dma_start3A_1435 : memref<!tpu.dma_semaphore, #tpu.memory_space<semaphore_mem>>)
      } else {
      }
      %mul3A_994 = arith.constant 4 : i32
      %mul3A_995 = arith.muli %scan3A_862, %mul3A_994 : i32
      %add3A_996 = arith.constant 2 : i32
      %add3A_997 = arith.addi %mul3A_995, %add3A_996 : i32
      %dma_wait3A_998 = arith.constant 2 : i32
      %dma_wait3A_999 = arith.constant 2 : i32
      %dma_wait3A_1000 = arith.constant 0 : i32
      %dma_wait3A_1001 = arith.constant 0 : i32
      %dma_wait3A_1002 = arith.constant 0 : i32
      %dma_wait3A_1003 = tpu.memref_slice %arg6[%dma_wait3A_998, %dma_wait3A_1000, %dma_wait3A_1001, %dma_wait3A_1002] : memref<4x16x20x64xf32, #tpu.memory_space<vmem>> -> memref<1x16x20x64xf32, #tpu.memory_space<vmem>>
      %dma_wait3A_1004 = tpu.memref_squeeze %dma_wait3A_1003 : memref<1x16x20x64xf32, #tpu.memory_space<vmem>> -> memref<16x20x64xf32, #tpu.memory_space<vmem>>
      %dma_wait3A_1005 = arith.constant 0 : i32
      %dma_wait3A_1006 = arith.constant 0 : i32
      %dma_wait3A_1007 = arith.constant 0 : i32
      %dma_wait3A_1008 = tpu.memref_slice %arg4[%dma_wait3A_1005, %dma_wait3A_1006, %dma_wait3A_1007] : memref<16384x20x64xf32, #tpu.memory_space<hbm>> -> memref<16x20x64xf32, #tpu.memory_space<hbm>>
      %dma_wait3A_1009 = tpu.memref_slice %arg7[%dma_wait3A_999] : memref<4x!tpu.dma_semaphore, #tpu.memory_space<semaphore_mem>> -> memref<1x!tpu.dma_semaphore, #tpu.memory_space<semaphore_mem>>
      %dma_wait3A_1010 = tpu.memref_squeeze %dma_wait3A_1009 : memref<1x!tpu.dma_semaphore, #tpu.memory_space<semaphore_mem>> -> memref<!tpu.dma_semaphore, #tpu.memory_space<semaphore_mem>>
      %dma_wait3A_1011 = arith.constant 0 : i32
      %dma_wait3A_1012 = arith.constant 0 : i32
      %dma_wait3A_1013 = arith.constant 0 : i32
      %dma_wait3A_1014 = tpu.memref_slice %arg6[%dma_wait3A_998, %dma_wait3A_1011, %dma_wait3A_1012, %dma_wait3A_1013] : memref<4x16x20x64xf32, #tpu.memory_space<vmem>> -> memref<1x16x20x64xf32, #tpu.memory_space<vmem>>
      %dma_wait3A_1015 = tpu.memref_squeeze %dma_wait3A_1014 : memref<1x16x20x64xf32, #tpu.memory_space<vmem>> -> memref<16x20x64xf32, #tpu.memory_space<vmem>>
      %dma_wait3A_1016 = arith.constant 0 : i32
      %dma_wait3A_1017 = arith.constant 0 : i32
      %dma_wait3A_1018 = arith.constant 0 : i32
      %dma_wait3A_1019 = tpu.memref_slice %arg4[%dma_wait3A_1016, %dma_wait3A_1017, %dma_wait3A_1018] : memref<16384x20x64xf32, #tpu.memory_space<hbm>> -> memref<16x20x64xf32, #tpu.memory_space<hbm>>
      tpu.wait_dma2 semaphore(%dma_wait3A_1010 : memref<!tpu.dma_semaphore, #tpu.memory_space<semaphore_mem>>) src(%dma_wait3A_1019 : memref<16x20x64xf32, #tpu.memory_space<hbm>>) dst(%dma_wait3A_1015 : memref<16x20x64xf32, #tpu.memory_space<vmem>>)
      %mul3A_1020 = arith.constant 16 : i32
      %mul3A_1021 = arith.muli %add3A_997, %mul3A_1020 : i32
      %add3A_1022 = arith.addi %mul3A_2, %mul3A_1021 : i32
      %dma_start3A_1023 = arith.constant 2 : i32
      %dma_start3A_1024 = arith.constant 2 : i32
      %dma_start3A_1025 = arith.constant 0 : i32
      %dma_start3A_1026 = arith.constant 0 : i32
      %dma_start3A_1027 = arith.constant 0 : i32
      %dma_start3A_1028 = tpu.memref_slice %arg6[%dma_start3A_1023, %dma_start3A_1025, %dma_start3A_1026, %dma_start3A_1027] : memref<4x16x20x64xf32, #tpu.memory_space<vmem>> -> memref<1x16x20x64xf32, #tpu.memory_space<vmem>>
      %dma_start3A_1029 = tpu.memref_squeeze %dma_start3A_1028 : memref<1x16x20x64xf32, #tpu.memory_space<vmem>> -> memref<16x20x64xf32, #tpu.memory_space<vmem>>
      %dma_start3A_1030 = arith.constant 0 : i32
      %dma_start3A_1031 = arith.constant 0 : i32
      %dma_start3A_1032 = tpu.memref_slice %arg4[%add3A_1022, %dma_start3A_1030, %dma_start3A_1031] : memref<16384x20x64xf32, #tpu.memory_space<hbm>> -> memref<16x20x64xf32, #tpu.memory_space<hbm>>
      %dma_start3A_1033 = tpu.memref_slice %arg8[%dma_start3A_1024] : memref<4x!tpu.dma_semaphore, #tpu.memory_space<semaphore_mem>> -> memref<1x!tpu.dma_semaphore, #tpu.memory_space<semaphore_mem>>
      %dma_start3A_1034 = tpu.memref_squeeze %dma_start3A_1033 : memref<1x!tpu.dma_semaphore, #tpu.memory_space<semaphore_mem>> -> memref<!tpu.dma_semaphore, #tpu.memory_space<semaphore_mem>>
      %dma_start3A_1035 = arith.constant 0 : i32
      %dma_start3A_1036 = arith.constant 0 : i32
      %dma_start3A_1037 = tpu.memref_slice %arg4[%add3A_1022, %dma_start3A_1035, %dma_start3A_1036] : memref<16384x20x64xf32, #tpu.memory_space<hbm>> -> memref<16x20x64xf32, #tpu.memory_space<hbm>>
      %dma_start3A_1038 = arith.constant 0 : i32
      %dma_start3A_1039 = arith.constant 0 : i32
      %dma_start3A_1040 = arith.constant 0 : i32
      %dma_start3A_1041 = tpu.memref_slice %arg6[%dma_start3A_1023, %dma_start3A_1038, %dma_start3A_1039, %dma_start3A_1040] : memref<4x16x20x64xf32, #tpu.memory_space<vmem>> -> memref<1x16x20x64xf32, #tpu.memory_space<vmem>>
      %dma_start3A_1042 = tpu.memref_squeeze %dma_start3A_1041 : memref<1x16x20x64xf32, #tpu.memory_space<vmem>> -> memref<16x20x64xf32, #tpu.memory_space<vmem>>
      tpu.enqueue_dma source(%dma_start3A_1042 : memref<16x20x64xf32, #tpu.memory_space<vmem>>) target(%dma_start3A_1037 : memref<16x20x64xf32, #tpu.memory_space<hbm>>) target_semaphore(%dma_start3A_1034 : memref<!tpu.dma_semaphore, #tpu.memory_space<semaphore_mem>>)
      %add3A_1043 = arith.constant 3 : i32
      %add3A_1044 = arith.addi %add3A_997, %add3A_1043 : i32
      %lt3A_1045 = arith.constant 32 : i32
      %lt3A_1046 = arith.cmpi slt, %add3A_1044, %lt3A_1045 : i32
      %add3A_1047 = arith.constant 3 : i32
      %add3A_1048 = arith.addi %add3A_997, %add3A_1047 : i32
      %ge3A_1049 = arith.constant 4 : i32
      %ge3A_1050 = arith.cmpi sge, %add3A_1048, %ge3A_1049 : i32
      %and3A_1051 = arith.andi %lt3A_1046, %ge3A_1050 : i1
      %convert_element_type3A_1052 = arith.extui %and3A_1051 : i1 to i32
      %cond3A_1053 = arith.constant 0 : i32
      %cond3A_1054 = arith.cmpi ne, %convert_element_type3A_1052, %cond3A_1053 : i32
      scf.if %cond3A_1054 {
        %add3A_1130 = arith.constant 3 : i32
        %add3A_1131 = arith.addi %add3A_997, %add3A_1130 : i32
        %sub3A = arith.constant 4 : i32
        %sub3A_1132 = arith.subi %add3A_1131, %sub3A : i32
        %mul3A_1133 = arith.constant 16 : i32
        %mul3A_1134 = arith.muli %sub3A_1132, %mul3A_1133 : i32
        %add3A_1135 = arith.addi %mul3A_2, %mul3A_1134 : i32
        %dma_wait3A_1136 = arith.constant 1 : i32
        %dma_wait3A_1137 = arith.constant 1 : i32
        %dma_wait3A_1138 = arith.constant 0 : i32
        %dma_wait3A_1139 = arith.constant 0 : i32
        %dma_wait3A_1140 = arith.constant 0 : i32
        %dma_wait3A_1141 = tpu.memref_slice %arg6[%dma_wait3A_1136, %dma_wait3A_1138, %dma_wait3A_1139, %dma_wait3A_1140] : memref<4x16x20x64xf32, #tpu.memory_space<vmem>> -> memref<1x16x20x64xf32, #tpu.memory_space<vmem>>
        %dma_wait3A_1142 = tpu.memref_squeeze %dma_wait3A_1141 : memref<1x16x20x64xf32, #tpu.memory_space<vmem>> -> memref<16x20x64xf32, #tpu.memory_space<vmem>>
        %dma_wait3A_1143 = arith.constant 0 : i32
        %dma_wait3A_1144 = arith.constant 0 : i32
        %dma_wait3A_1145 = tpu.memref_slice %arg4[%add3A_1135, %dma_wait3A_1143, %dma_wait3A_1144] : memref<16384x20x64xf32, #tpu.memory_space<hbm>> -> memref<16x20x64xf32, #tpu.memory_space<hbm>>
        %dma_wait3A_1146 = tpu.memref_slice %arg8[%dma_wait3A_1137] : memref<4x!tpu.dma_semaphore, #tpu.memory_space<semaphore_mem>> -> memref<1x!tpu.dma_semaphore, #tpu.memory_space<semaphore_mem>>
        %dma_wait3A_1147 = tpu.memref_squeeze %dma_wait3A_1146 : memref<1x!tpu.dma_semaphore, #tpu.memory_space<semaphore_mem>> -> memref<!tpu.dma_semaphore, #tpu.memory_space<semaphore_mem>>
        %dma_wait3A_1148 = arith.constant 0 : i32
        %dma_wait3A_1149 = arith.constant 0 : i32
        %dma_wait3A_1150 = tpu.memref_slice %arg4[%add3A_1135, %dma_wait3A_1148, %dma_wait3A_1149] : memref<16384x20x64xf32, #tpu.memory_space<hbm>> -> memref<16x20x64xf32, #tpu.memory_space<hbm>>
        %dma_wait3A_1151 = arith.constant 0 : i32
        %dma_wait3A_1152 = arith.constant 0 : i32
        %dma_wait3A_1153 = arith.constant 0 : i32
        %dma_wait3A_1154 = tpu.memref_slice %arg6[%dma_wait3A_1136, %dma_wait3A_1151, %dma_wait3A_1152, %dma_wait3A_1153] : memref<4x16x20x64xf32, #tpu.memory_space<vmem>> -> memref<1x16x20x64xf32, #tpu.memory_space<vmem>>
        %dma_wait3A_1155 = tpu.memref_squeeze %dma_wait3A_1154 : memref<1x16x20x64xf32, #tpu.memory_space<vmem>> -> memref<16x20x64xf32, #tpu.memory_space<vmem>>
        tpu.wait_dma2 semaphore(%dma_wait3A_1147 : memref<!tpu.dma_semaphore, #tpu.memory_space<semaphore_mem>>) src(%dma_wait3A_1155 : memref<16x20x64xf32, #tpu.memory_space<vmem>>) dst(%dma_wait3A_1150 : memref<16x20x64xf32, #tpu.memory_space<hbm>>)
      } else {
      }
      %add3A_1055 = arith.constant 3 : i32
      %add3A_1056 = arith.addi %add3A_997, %add3A_1055 : i32
      %lt3A_1057 = arith.constant 32 : i32
      %lt3A_1058 = arith.cmpi slt, %add3A_1056, %lt3A_1057 : i32
      %convert_element_type3A_1059 = arith.extui %lt3A_1058 : i1 to i32
      %cond3A_1060 = arith.constant 0 : i32
      %cond3A_1061 = arith.cmpi ne, %convert_element_type3A_1059, %cond3A_1060 : i32
      scf.if %cond3A_1061 {
        %add3A_1130 = arith.constant 3 : i32
        %add3A_1131 = arith.addi %add3A_997, %add3A_1130 : i32
        %mul3A_1132 = arith.constant 16 : i32
        %mul3A_1133 = arith.muli %add3A_1131, %mul3A_1132 : i32
        %add3A_1134 = arith.constant 0 : i32
        %add3A_1135 = arith.addi %mul3A_1133, %add3A_1134 : i32
        %dma_start3A_1136 = arith.constant 1 : i32
        %dma_start3A_1137 = arith.constant 0 : i32
        %dma_start3A_1138 = arith.constant 1 : i32
        %dma_start3A_1139 = arith.constant 0 : i32
        %dma_start3A_1140 = arith.constant 0 : i32
        %dma_start3A_1141 = tpu.memref_slice %arg6[%dma_start3A_1136, %dma_start3A_1137, %dma_start3A_1139, %dma_start3A_1140] : memref<4x16x20x64xf32, #tpu.memory_space<vmem>> -> memref<1x1x20x64xf32, #tpu.memory_space<vmem>>
        %dma_start3A_1142 = tpu.memref_squeeze %dma_start3A_1141 : memref<1x1x20x64xf32, #tpu.memory_space<vmem>> -> memref<20x64xf32, #tpu.memory_space<vmem>>
        %dma_start3A_1143 = arith.constant 0 : i32
        %dma_start3A_1144 = tpu.memref_slice %arg5[%add3A_1135, %dma_start3A_1143] : memref<512x20xi32, #tpu.memory_space<vmem>> -> memref<1x20xi32, #tpu.memory_space<vmem>>
        %dma_start3A_1145 = tpu.memref_squeeze %dma_start3A_1144 : memref<1x20xi32, #tpu.memory_space<vmem>> -> memref<20xi32, #tpu.memory_space<vmem>>
        %dma_start3A_1146 = arith.constant 0 : i32
        %dma_start3A_1147 = arith.constant 0 : i32
        %dma_start3A_1148 = tpu.memref_slice %arg3[%dma_start3A_1146, %dma_start3A_1147] : memref<1000000x64xf32, #tpu.memory_space<hbm>> -> memref<1000000x64xf32, #tpu.memory_space<hbm>>
        %dma_start3A_1149 = tpu.memref_slice %arg7[%dma_start3A_1138] : memref<4x!tpu.dma_semaphore, #tpu.memory_space<semaphore_mem>> -> memref<1x!tpu.dma_semaphore, #tpu.memory_space<semaphore_mem>>
        %dma_start3A_1150 = tpu.memref_squeeze %dma_start3A_1149 : memref<1x!tpu.dma_semaphore, #tpu.memory_space<semaphore_mem>> -> memref<!tpu.dma_semaphore, #tpu.memory_space<semaphore_mem>>
        tpu.enqueue_indirect_dma source(%dma_start3A_1148 : memref<1000000x64xf32, #tpu.memory_space<hbm>>) target(%dma_start3A_1142 : memref<20x64xf32, #tpu.memory_space<vmem>>) offsets(%dma_start3A_1145 : memref<20xi32, #tpu.memory_space<vmem>>) semaphore(%dma_start3A_1150 : memref<!tpu.dma_semaphore, #tpu.memory_space<semaphore_mem>>)
        %mul3A_1151 = arith.constant 16 : i32
        %mul3A_1152 = arith.muli %add3A_1131, %mul3A_1151 : i32
        %add3A_1153 = arith.constant 1 : i32
        %add3A_1154 = arith.addi %mul3A_1152, %add3A_1153 : i32
        %dma_start3A_1155 = arith.constant 1 : i32
        %dma_start3A_1156 = arith.constant 1 : i32
        %dma_start3A_1157 = arith.constant 1 : i32
        %dma_start3A_1158 = arith.constant 0 : i32
        %dma_start3A_1159 = arith.constant 0 : i32
        %dma_start3A_1160 = tpu.memref_slice %arg6[%dma_start3A_1155, %dma_start3A_1156, %dma_start3A_1158, %dma_start3A_1159] : memref<4x16x20x64xf32, #tpu.memory_space<vmem>> -> memref<1x1x20x64xf32, #tpu.memory_space<vmem>>
        %dma_start3A_1161 = tpu.memref_squeeze %dma_start3A_1160 : memref<1x1x20x64xf32, #tpu.memory_space<vmem>> -> memref<20x64xf32, #tpu.memory_space<vmem>>
        %dma_start3A_1162 = arith.constant 0 : i32
        %dma_start3A_1163 = tpu.memref_slice %arg5[%add3A_1154, %dma_start3A_1162] : memref<512x20xi32, #tpu.memory_space<vmem>> -> memref<1x20xi32, #tpu.memory_space<vmem>>
        %dma_start3A_1164 = tpu.memref_squeeze %dma_start3A_1163 : memref<1x20xi32, #tpu.memory_space<vmem>> -> memref<20xi32, #tpu.memory_space<vmem>>
        %dma_start3A_1165 = arith.constant 0 : i32
        %dma_start3A_1166 = arith.constant 0 : i32
        %dma_start3A_1167 = tpu.memref_slice %arg3[%dma_start3A_1165, %dma_start3A_1166] : memref<1000000x64xf32, #tpu.memory_space<hbm>> -> memref<1000000x64xf32, #tpu.memory_space<hbm>>
        %dma_start3A_1168 = tpu.memref_slice %arg7[%dma_start3A_1157] : memref<4x!tpu.dma_semaphore, #tpu.memory_space<semaphore_mem>> -> memref<1x!tpu.dma_semaphore, #tpu.memory_space<semaphore_mem>>
        %dma_start3A_1169 = tpu.memref_squeeze %dma_start3A_1168 : memref<1x!tpu.dma_semaphore, #tpu.memory_space<semaphore_mem>> -> memref<!tpu.dma_semaphore, #tpu.memory_space<semaphore_mem>>
        tpu.enqueue_indirect_dma source(%dma_start3A_1167 : memref<1000000x64xf32, #tpu.memory_space<hbm>>) target(%dma_start3A_1161 : memref<20x64xf32, #tpu.memory_space<vmem>>) offsets(%dma_start3A_1164 : memref<20xi32, #tpu.memory_space<vmem>>) semaphore(%dma_start3A_1169 : memref<!tpu.dma_semaphore, #tpu.memory_space<semaphore_mem>>)
        %mul3A_1170 = arith.constant 16 : i32
        %mul3A_1171 = arith.muli %add3A_1131, %mul3A_1170 : i32
        %add3A_1172 = arith.constant 2 : i32
        %add3A_1173 = arith.addi %mul3A_1171, %add3A_1172 : i32
        %dma_start3A_1174 = arith.constant 1 : i32
        %dma_start3A_1175 = arith.constant 2 : i32
        %dma_start3A_1176 = arith.constant 1 : i32
        %dma_start3A_1177 = arith.constant 0 : i32
        %dma_start3A_1178 = arith.constant 0 : i32
        %dma_start3A_1179 = tpu.memref_slice %arg6[%dma_start3A_1174, %dma_start3A_1175, %dma_start3A_1177, %dma_start3A_1178] : memref<4x16x20x64xf32, #tpu.memory_space<vmem>> -> memref<1x1x20x64xf32, #tpu.memory_space<vmem>>
        %dma_start3A_1180 = tpu.memref_squeeze %dma_start3A_1179 : memref<1x1x20x64xf32, #tpu.memory_space<vmem>> -> memref<20x64xf32, #tpu.memory_space<vmem>>
        %dma_start3A_1181 = arith.constant 0 : i32
        %dma_start3A_1182 = tpu.memref_slice %arg5[%add3A_1173, %dma_start3A_1181] : memref<512x20xi32, #tpu.memory_space<vmem>> -> memref<1x20xi32, #tpu.memory_space<vmem>>
        %dma_start3A_1183 = tpu.memref_squeeze %dma_start3A_1182 : memref<1x20xi32, #tpu.memory_space<vmem>> -> memref<20xi32, #tpu.memory_space<vmem>>
        %dma_start3A_1184 = arith.constant 0 : i32
        %dma_start3A_1185 = arith.constant 0 : i32
        %dma_start3A_1186 = tpu.memref_slice %arg3[%dma_start3A_1184, %dma_start3A_1185] : memref<1000000x64xf32, #tpu.memory_space<hbm>> -> memref<1000000x64xf32, #tpu.memory_space<hbm>>
        %dma_start3A_1187 = tpu.memref_slice %arg7[%dma_start3A_1176] : memref<4x!tpu.dma_semaphore, #tpu.memory_space<semaphore_mem>> -> memref<1x!tpu.dma_semaphore, #tpu.memory_space<semaphore_mem>>
        %dma_start3A_1188 = tpu.memref_squeeze %dma_start3A_1187 : memref<1x!tpu.dma_semaphore, #tpu.memory_space<semaphore_mem>> -> memref<!tpu.dma_semaphore, #tpu.memory_space<semaphore_mem>>
        tpu.enqueue_indirect_dma source(%dma_start3A_1186 : memref<1000000x64xf32, #tpu.memory_space<hbm>>) target(%dma_start3A_1180 : memref<20x64xf32, #tpu.memory_space<vmem>>) offsets(%dma_start3A_1183 : memref<20xi32, #tpu.memory_space<vmem>>) semaphore(%dma_start3A_1188 : memref<!tpu.dma_semaphore, #tpu.memory_space<semaphore_mem>>)
        %mul3A_1189 = arith.constant 16 : i32
        %mul3A_1190 = arith.muli %add3A_1131, %mul3A_1189 : i32
        %add3A_1191 = arith.constant 3 : i32
        %add3A_1192 = arith.addi %mul3A_1190, %add3A_1191 : i32
        %dma_start3A_1193 = arith.constant 1 : i32
        %dma_start3A_1194 = arith.constant 3 : i32
        %dma_start3A_1195 = arith.constant 1 : i32
        %dma_start3A_1196 = arith.constant 0 : i32
        %dma_start3A_1197 = arith.constant 0 : i32
        %dma_start3A_1198 = tpu.memref_slice %arg6[%dma_start3A_1193, %dma_start3A_1194, %dma_start3A_1196, %dma_start3A_1197] : memref<4x16x20x64xf32, #tpu.memory_space<vmem>> -> memref<1x1x20x64xf32, #tpu.memory_space<vmem>>
        %dma_start3A_1199 = tpu.memref_squeeze %dma_start3A_1198 : memref<1x1x20x64xf32, #tpu.memory_space<vmem>> -> memref<20x64xf32, #tpu.memory_space<vmem>>
        %dma_start3A_1200 = arith.constant 0 : i32
        %dma_start3A_1201 = tpu.memref_slice %arg5[%add3A_1192, %dma_start3A_1200] : memref<512x20xi32, #tpu.memory_space<vmem>> -> memref<1x20xi32, #tpu.memory_space<vmem>>
        %dma_start3A_1202 = tpu.memref_squeeze %dma_start3A_1201 : memref<1x20xi32, #tpu.memory_space<vmem>> -> memref<20xi32, #tpu.memory_space<vmem>>
        %dma_start3A_1203 = arith.constant 0 : i32
        %dma_start3A_1204 = arith.constant 0 : i32
        %dma_start3A_1205 = tpu.memref_slice %arg3[%dma_start3A_1203, %dma_start3A_1204] : memref<1000000x64xf32, #tpu.memory_space<hbm>> -> memref<1000000x64xf32, #tpu.memory_space<hbm>>
        %dma_start3A_1206 = tpu.memref_slice %arg7[%dma_start3A_1195] : memref<4x!tpu.dma_semaphore, #tpu.memory_space<semaphore_mem>> -> memref<1x!tpu.dma_semaphore, #tpu.memory_space<semaphore_mem>>
        %dma_start3A_1207 = tpu.memref_squeeze %dma_start3A_1206 : memref<1x!tpu.dma_semaphore, #tpu.memory_space<semaphore_mem>> -> memref<!tpu.dma_semaphore, #tpu.memory_space<semaphore_mem>>
        tpu.enqueue_indirect_dma source(%dma_start3A_1205 : memref<1000000x64xf32, #tpu.memory_space<hbm>>) target(%dma_start3A_1199 : memref<20x64xf32, #tpu.memory_space<vmem>>) offsets(%dma_start3A_1202 : memref<20xi32, #tpu.memory_space<vmem>>) semaphore(%dma_start3A_1207 : memref<!tpu.dma_semaphore, #tpu.memory_space<semaphore_mem>>)
        %mul3A_1208 = arith.constant 16 : i32
        %mul3A_1209 = arith.muli %add3A_1131, %mul3A_1208 : i32
        %add3A_1210 = arith.constant 4 : i32
        %add3A_1211 = arith.addi %mul3A_1209, %add3A_1210 : i32
        %dma_start3A_1212 = arith.constant 1 : i32
        %dma_start3A_1213 = arith.constant 4 : i32
        %dma_start3A_1214 = arith.constant 1 : i32
        %dma_start3A_1215 = arith.constant 0 : i32
        %dma_start3A_1216 = arith.constant 0 : i32
        %dma_start3A_1217 = tpu.memref_slice %arg6[%dma_start3A_1212, %dma_start3A_1213, %dma_start3A_1215, %dma_start3A_1216] : memref<4x16x20x64xf32, #tpu.memory_space<vmem>> -> memref<1x1x20x64xf32, #tpu.memory_space<vmem>>
        %dma_start3A_1218 = tpu.memref_squeeze %dma_start3A_1217 : memref<1x1x20x64xf32, #tpu.memory_space<vmem>> -> memref<20x64xf32, #tpu.memory_space<vmem>>
        %dma_start3A_1219 = arith.constant 0 : i32
        %dma_start3A_1220 = tpu.memref_slice %arg5[%add3A_1211, %dma_start3A_1219] : memref<512x20xi32, #tpu.memory_space<vmem>> -> memref<1x20xi32, #tpu.memory_space<vmem>>
        %dma_start3A_1221 = tpu.memref_squeeze %dma_start3A_1220 : memref<1x20xi32, #tpu.memory_space<vmem>> -> memref<20xi32, #tpu.memory_space<vmem>>
        %dma_start3A_1222 = arith.constant 0 : i32
        %dma_start3A_1223 = arith.constant 0 : i32
        %dma_start3A_1224 = tpu.memref_slice %arg3[%dma_start3A_1222, %dma_start3A_1223] : memref<1000000x64xf32, #tpu.memory_space<hbm>> -> memref<1000000x64xf32, #tpu.memory_space<hbm>>
        %dma_start3A_1225 = tpu.memref_slice %arg7[%dma_start3A_1214] : memref<4x!tpu.dma_semaphore, #tpu.memory_space<semaphore_mem>> -> memref<1x!tpu.dma_semaphore, #tpu.memory_space<semaphore_mem>>
        %dma_start3A_1226 = tpu.memref_squeeze %dma_start3A_1225 : memref<1x!tpu.dma_semaphore, #tpu.memory_space<semaphore_mem>> -> memref<!tpu.dma_semaphore, #tpu.memory_space<semaphore_mem>>
        tpu.enqueue_indirect_dma source(%dma_start3A_1224 : memref<1000000x64xf32, #tpu.memory_space<hbm>>) target(%dma_start3A_1218 : memref<20x64xf32, #tpu.memory_space<vmem>>) offsets(%dma_start3A_1221 : memref<20xi32, #tpu.memory_space<vmem>>) semaphore(%dma_start3A_1226 : memref<!tpu.dma_semaphore, #tpu.memory_space<semaphore_mem>>)
        %mul3A_1227 = arith.constant 16 : i32
        %mul3A_1228 = arith.muli %add3A_1131, %mul3A_1227 : i32
        %add3A_1229 = arith.constant 5 : i32
        %add3A_1230 = arith.addi %mul3A_1228, %add3A_1229 : i32
        %dma_start3A_1231 = arith.constant 1 : i32
        %dma_start3A_1232 = arith.constant 5 : i32
        %dma_start3A_1233 = arith.constant 1 : i32
        %dma_start3A_1234 = arith.constant 0 : i32
        %dma_start3A_1235 = arith.constant 0 : i32
        %dma_start3A_1236 = tpu.memref_slice %arg6[%dma_start3A_1231, %dma_start3A_1232, %dma_start3A_1234, %dma_start3A_1235] : memref<4x16x20x64xf32, #tpu.memory_space<vmem>> -> memref<1x1x20x64xf32, #tpu.memory_space<vmem>>
        %dma_start3A_1237 = tpu.memref_squeeze %dma_start3A_1236 : memref<1x1x20x64xf32, #tpu.memory_space<vmem>> -> memref<20x64xf32, #tpu.memory_space<vmem>>
        %dma_start3A_1238 = arith.constant 0 : i32
        %dma_start3A_1239 = tpu.memref_slice %arg5[%add3A_1230, %dma_start3A_1238] : memref<512x20xi32, #tpu.memory_space<vmem>> -> memref<1x20xi32, #tpu.memory_space<vmem>>
        %dma_start3A_1240 = tpu.memref_squeeze %dma_start3A_1239 : memref<1x20xi32, #tpu.memory_space<vmem>> -> memref<20xi32, #tpu.memory_space<vmem>>
        %dma_start3A_1241 = arith.constant 0 : i32
        %dma_start3A_1242 = arith.constant 0 : i32
        %dma_start3A_1243 = tpu.memref_slice %arg3[%dma_start3A_1241, %dma_start3A_1242] : memref<1000000x64xf32, #tpu.memory_space<hbm>> -> memref<1000000x64xf32, #tpu.memory_space<hbm>>
        %dma_start3A_1244 = tpu.memref_slice %arg7[%dma_start3A_1233] : memref<4x!tpu.dma_semaphore, #tpu.memory_space<semaphore_mem>> -> memref<1x!tpu.dma_semaphore, #tpu.memory_space<semaphore_mem>>
        %dma_start3A_1245 = tpu.memref_squeeze %dma_start3A_1244 : memref<1x!tpu.dma_semaphore, #tpu.memory_space<semaphore_mem>> -> memref<!tpu.dma_semaphore, #tpu.memory_space<semaphore_mem>>
        tpu.enqueue_indirect_dma source(%dma_start3A_1243 : memref<1000000x64xf32, #tpu.memory_space<hbm>>) target(%dma_start3A_1237 : memref<20x64xf32, #tpu.memory_space<vmem>>) offsets(%dma_start3A_1240 : memref<20xi32, #tpu.memory_space<vmem>>) semaphore(%dma_start3A_1245 : memref<!tpu.dma_semaphore, #tpu.memory_space<semaphore_mem>>)
        %mul3A_1246 = arith.constant 16 : i32
        %mul3A_1247 = arith.muli %add3A_1131, %mul3A_1246 : i32
        %add3A_1248 = arith.constant 6 : i32
        %add3A_1249 = arith.addi %mul3A_1247, %add3A_1248 : i32
        %dma_start3A_1250 = arith.constant 1 : i32
        %dma_start3A_1251 = arith.constant 6 : i32
        %dma_start3A_1252 = arith.constant 1 : i32
        %dma_start3A_1253 = arith.constant 0 : i32
        %dma_start3A_1254 = arith.constant 0 : i32
        %dma_start3A_1255 = tpu.memref_slice %arg6[%dma_start3A_1250, %dma_start3A_1251, %dma_start3A_1253, %dma_start3A_1254] : memref<4x16x20x64xf32, #tpu.memory_space<vmem>> -> memref<1x1x20x64xf32, #tpu.memory_space<vmem>>
        %dma_start3A_1256 = tpu.memref_squeeze %dma_start3A_1255 : memref<1x1x20x64xf32, #tpu.memory_space<vmem>> -> memref<20x64xf32, #tpu.memory_space<vmem>>
        %dma_start3A_1257 = arith.constant 0 : i32
        %dma_start3A_1258 = tpu.memref_slice %arg5[%add3A_1249, %dma_start3A_1257] : memref<512x20xi32, #tpu.memory_space<vmem>> -> memref<1x20xi32, #tpu.memory_space<vmem>>
        %dma_start3A_1259 = tpu.memref_squeeze %dma_start3A_1258 : memref<1x20xi32, #tpu.memory_space<vmem>> -> memref<20xi32, #tpu.memory_space<vmem>>
        %dma_start3A_1260 = arith.constant 0 : i32
        %dma_start3A_1261 = arith.constant 0 : i32
        %dma_start3A_1262 = tpu.memref_slice %arg3[%dma_start3A_1260, %dma_start3A_1261] : memref<1000000x64xf32, #tpu.memory_space<hbm>> -> memref<1000000x64xf32, #tpu.memory_space<hbm>>
        %dma_start3A_1263 = tpu.memref_slice %arg7[%dma_start3A_1252] : memref<4x!tpu.dma_semaphore, #tpu.memory_space<semaphore_mem>> -> memref<1x!tpu.dma_semaphore, #tpu.memory_space<semaphore_mem>>
        %dma_start3A_1264 = tpu.memref_squeeze %dma_start3A_1263 : memref<1x!tpu.dma_semaphore, #tpu.memory_space<semaphore_mem>> -> memref<!tpu.dma_semaphore, #tpu.memory_space<semaphore_mem>>
        tpu.enqueue_indirect_dma source(%dma_start3A_1262 : memref<1000000x64xf32, #tpu.memory_space<hbm>>) target(%dma_start3A_1256 : memref<20x64xf32, #tpu.memory_space<vmem>>) offsets(%dma_start3A_1259 : memref<20xi32, #tpu.memory_space<vmem>>) semaphore(%dma_start3A_1264 : memref<!tpu.dma_semaphore, #tpu.memory_space<semaphore_mem>>)
        %mul3A_1265 = arith.constant 16 : i32
        %mul3A_1266 = arith.muli %add3A_1131, %mul3A_1265 : i32
        %add3A_1267 = arith.constant 7 : i32
        %add3A_1268 = arith.addi %mul3A_1266, %add3A_1267 : i32
        %dma_start3A_1269 = arith.constant 1 : i32
        %dma_start3A_1270 = arith.constant 7 : i32
        %dma_start3A_1271 = arith.constant 1 : i32
        %dma_start3A_1272 = arith.constant 0 : i32
        %dma_start3A_1273 = arith.constant 0 : i32
        %dma_start3A_1274 = tpu.memref_slice %arg6[%dma_start3A_1269, %dma_start3A_1270, %dma_start3A_1272, %dma_start3A_1273] : memref<4x16x20x64xf32, #tpu.memory_space<vmem>> -> memref<1x1x20x64xf32, #tpu.memory_space<vmem>>
        %dma_start3A_1275 = tpu.memref_squeeze %dma_start3A_1274 : memref<1x1x20x64xf32, #tpu.memory_space<vmem>> -> memref<20x64xf32, #tpu.memory_space<vmem>>
        %dma_start3A_1276 = arith.constant 0 : i32
        %dma_start3A_1277 = tpu.memref_slice %arg5[%add3A_1268, %dma_start3A_1276] : memref<512x20xi32, #tpu.memory_space<vmem>> -> memref<1x20xi32, #tpu.memory_space<vmem>>
        %dma_start3A_1278 = tpu.memref_squeeze %dma_start3A_1277 : memref<1x20xi32, #tpu.memory_space<vmem>> -> memref<20xi32, #tpu.memory_space<vmem>>
        %dma_start3A_1279 = arith.constant 0 : i32
        %dma_start3A_1280 = arith.constant 0 : i32
        %dma_start3A_1281 = tpu.memref_slice %arg3[%dma_start3A_1279, %dma_start3A_1280] : memref<1000000x64xf32, #tpu.memory_space<hbm>> -> memref<1000000x64xf32, #tpu.memory_space<hbm>>
        %dma_start3A_1282 = tpu.memref_slice %arg7[%dma_start3A_1271] : memref<4x!tpu.dma_semaphore, #tpu.memory_space<semaphore_mem>> -> memref<1x!tpu.dma_semaphore, #tpu.memory_space<semaphore_mem>>
        %dma_start3A_1283 = tpu.memref_squeeze %dma_start3A_1282 : memref<1x!tpu.dma_semaphore, #tpu.memory_space<semaphore_mem>> -> memref<!tpu.dma_semaphore, #tpu.memory_space<semaphore_mem>>
        tpu.enqueue_indirect_dma source(%dma_start3A_1281 : memref<1000000x64xf32, #tpu.memory_space<hbm>>) target(%dma_start3A_1275 : memref<20x64xf32, #tpu.memory_space<vmem>>) offsets(%dma_start3A_1278 : memref<20xi32, #tpu.memory_space<vmem>>) semaphore(%dma_start3A_1283 : memref<!tpu.dma_semaphore, #tpu.memory_space<semaphore_mem>>)
        %mul3A_1284 = arith.constant 16 : i32
        %mul3A_1285 = arith.muli %add3A_1131, %mul3A_1284 : i32
        %add3A_1286 = arith.constant 8 : i32
        %add3A_1287 = arith.addi %mul3A_1285, %add3A_1286 : i32
        %dma_start3A_1288 = arith.constant 1 : i32
        %dma_start3A_1289 = arith.constant 8 : i32
        %dma_start3A_1290 = arith.constant 1 : i32
        %dma_start3A_1291 = arith.constant 0 : i32
        %dma_start3A_1292 = arith.constant 0 : i32
        %dma_start3A_1293 = tpu.memref_slice %arg6[%dma_start3A_1288, %dma_start3A_1289, %dma_start3A_1291, %dma_start3A_1292] : memref<4x16x20x64xf32, #tpu.memory_space<vmem>> -> memref<1x1x20x64xf32, #tpu.memory_space<vmem>>
        %dma_start3A_1294 = tpu.memref_squeeze %dma_start3A_1293 : memref<1x1x20x64xf32, #tpu.memory_space<vmem>> -> memref<20x64xf32, #tpu.memory_space<vmem>>
        %dma_start3A_1295 = arith.constant 0 : i32
        %dma_start3A_1296 = tpu.memref_slice %arg5[%add3A_1287, %dma_start3A_1295] : memref<512x20xi32, #tpu.memory_space<vmem>> -> memref<1x20xi32, #tpu.memory_space<vmem>>
        %dma_start3A_1297 = tpu.memref_squeeze %dma_start3A_1296 : memref<1x20xi32, #tpu.memory_space<vmem>> -> memref<20xi32, #tpu.memory_space<vmem>>
        %dma_start3A_1298 = arith.constant 0 : i32
        %dma_start3A_1299 = arith.constant 0 : i32
        %dma_start3A_1300 = tpu.memref_slice %arg3[%dma_start3A_1298, %dma_start3A_1299] : memref<1000000x64xf32, #tpu.memory_space<hbm>> -> memref<1000000x64xf32, #tpu.memory_space<hbm>>
        %dma_start3A_1301 = tpu.memref_slice %arg7[%dma_start3A_1290] : memref<4x!tpu.dma_semaphore, #tpu.memory_space<semaphore_mem>> -> memref<1x!tpu.dma_semaphore, #tpu.memory_space<semaphore_mem>>
        %dma_start3A_1302 = tpu.memref_squeeze %dma_start3A_1301 : memref<1x!tpu.dma_semaphore, #tpu.memory_space<semaphore_mem>> -> memref<!tpu.dma_semaphore, #tpu.memory_space<semaphore_mem>>
        tpu.enqueue_indirect_dma source(%dma_start3A_1300 : memref<1000000x64xf32, #tpu.memory_space<hbm>>) target(%dma_start3A_1294 : memref<20x64xf32, #tpu.memory_space<vmem>>) offsets(%dma_start3A_1297 : memref<20xi32, #tpu.memory_space<vmem>>) semaphore(%dma_start3A_1302 : memref<!tpu.dma_semaphore, #tpu.memory_space<semaphore_mem>>)
        %mul3A_1303 = arith.constant 16 : i32
        %mul3A_1304 = arith.muli %add3A_1131, %mul3A_1303 : i32
        %add3A_1305 = arith.constant 9 : i32
        %add3A_1306 = arith.addi %mul3A_1304, %add3A_1305 : i32
        %dma_start3A_1307 = arith.constant 1 : i32
        %dma_start3A_1308 = arith.constant 9 : i32
        %dma_start3A_1309 = arith.constant 1 : i32
        %dma_start3A_1310 = arith.constant 0 : i32
        %dma_start3A_1311 = arith.constant 0 : i32
        %dma_start3A_1312 = tpu.memref_slice %arg6[%dma_start3A_1307, %dma_start3A_1308, %dma_start3A_1310, %dma_start3A_1311] : memref<4x16x20x64xf32, #tpu.memory_space<vmem>> -> memref<1x1x20x64xf32, #tpu.memory_space<vmem>>
        %dma_start3A_1313 = tpu.memref_squeeze %dma_start3A_1312 : memref<1x1x20x64xf32, #tpu.memory_space<vmem>> -> memref<20x64xf32, #tpu.memory_space<vmem>>
        %dma_start3A_1314 = arith.constant 0 : i32
        %dma_start3A_1315 = tpu.memref_slice %arg5[%add3A_1306, %dma_start3A_1314] : memref<512x20xi32, #tpu.memory_space<vmem>> -> memref<1x20xi32, #tpu.memory_space<vmem>>
        %dma_start3A_1316 = tpu.memref_squeeze %dma_start3A_1315 : memref<1x20xi32, #tpu.memory_space<vmem>> -> memref<20xi32, #tpu.memory_space<vmem>>
        %dma_start3A_1317 = arith.constant 0 : i32
        %dma_start3A_1318 = arith.constant 0 : i32
        %dma_start3A_1319 = tpu.memref_slice %arg3[%dma_start3A_1317, %dma_start3A_1318] : memref<1000000x64xf32, #tpu.memory_space<hbm>> -> memref<1000000x64xf32, #tpu.memory_space<hbm>>
        %dma_start3A_1320 = tpu.memref_slice %arg7[%dma_start3A_1309] : memref<4x!tpu.dma_semaphore, #tpu.memory_space<semaphore_mem>> -> memref<1x!tpu.dma_semaphore, #tpu.memory_space<semaphore_mem>>
        %dma_start3A_1321 = tpu.memref_squeeze %dma_start3A_1320 : memref<1x!tpu.dma_semaphore, #tpu.memory_space<semaphore_mem>> -> memref<!tpu.dma_semaphore, #tpu.memory_space<semaphore_mem>>
        tpu.enqueue_indirect_dma source(%dma_start3A_1319 : memref<1000000x64xf32, #tpu.memory_space<hbm>>) target(%dma_start3A_1313 : memref<20x64xf32, #tpu.memory_space<vmem>>) offsets(%dma_start3A_1316 : memref<20xi32, #tpu.memory_space<vmem>>) semaphore(%dma_start3A_1321 : memref<!tpu.dma_semaphore, #tpu.memory_space<semaphore_mem>>)
        %mul3A_1322 = arith.constant 16 : i32
        %mul3A_1323 = arith.muli %add3A_1131, %mul3A_1322 : i32
        %add3A_1324 = arith.constant 10 : i32
        %add3A_1325 = arith.addi %mul3A_1323, %add3A_1324 : i32
        %dma_start3A_1326 = arith.constant 1 : i32
        %dma_start3A_1327 = arith.constant 10 : i32
        %dma_start3A_1328 = arith.constant 1 : i32
        %dma_start3A_1329 = arith.constant 0 : i32
        %dma_start3A_1330 = arith.constant 0 : i32
        %dma_start3A_1331 = tpu.memref_slice %arg6[%dma_start3A_1326, %dma_start3A_1327, %dma_start3A_1329, %dma_start3A_1330] : memref<4x16x20x64xf32, #tpu.memory_space<vmem>> -> memref<1x1x20x64xf32, #tpu.memory_space<vmem>>
        %dma_start3A_1332 = tpu.memref_squeeze %dma_start3A_1331 : memref<1x1x20x64xf32, #tpu.memory_space<vmem>> -> memref<20x64xf32, #tpu.memory_space<vmem>>
        %dma_start3A_1333 = arith.constant 0 : i32
        %dma_start3A_1334 = tpu.memref_slice %arg5[%add3A_1325, %dma_start3A_1333] : memref<512x20xi32, #tpu.memory_space<vmem>> -> memref<1x20xi32, #tpu.memory_space<vmem>>
        %dma_start3A_1335 = tpu.memref_squeeze %dma_start3A_1334 : memref<1x20xi32, #tpu.memory_space<vmem>> -> memref<20xi32, #tpu.memory_space<vmem>>
        %dma_start3A_1336 = arith.constant 0 : i32
        %dma_start3A_1337 = arith.constant 0 : i32
        %dma_start3A_1338 = tpu.memref_slice %arg3[%dma_start3A_1336, %dma_start3A_1337] : memref<1000000x64xf32, #tpu.memory_space<hbm>> -> memref<1000000x64xf32, #tpu.memory_space<hbm>>
        %dma_start3A_1339 = tpu.memref_slice %arg7[%dma_start3A_1328] : memref<4x!tpu.dma_semaphore, #tpu.memory_space<semaphore_mem>> -> memref<1x!tpu.dma_semaphore, #tpu.memory_space<semaphore_mem>>
        %dma_start3A_1340 = tpu.memref_squeeze %dma_start3A_1339 : memref<1x!tpu.dma_semaphore, #tpu.memory_space<semaphore_mem>> -> memref<!tpu.dma_semaphore, #tpu.memory_space<semaphore_mem>>
        tpu.enqueue_indirect_dma source(%dma_start3A_1338 : memref<1000000x64xf32, #tpu.memory_space<hbm>>) target(%dma_start3A_1332 : memref<20x64xf32, #tpu.memory_space<vmem>>) offsets(%dma_start3A_1335 : memref<20xi32, #tpu.memory_space<vmem>>) semaphore(%dma_start3A_1340 : memref<!tpu.dma_semaphore, #tpu.memory_space<semaphore_mem>>)
        %mul3A_1341 = arith.constant 16 : i32
        %mul3A_1342 = arith.muli %add3A_1131, %mul3A_1341 : i32
        %add3A_1343 = arith.constant 11 : i32
        %add3A_1344 = arith.addi %mul3A_1342, %add3A_1343 : i32
        %dma_start3A_1345 = arith.constant 1 : i32
        %dma_start3A_1346 = arith.constant 11 : i32
        %dma_start3A_1347 = arith.constant 1 : i32
        %dma_start3A_1348 = arith.constant 0 : i32
        %dma_start3A_1349 = arith.constant 0 : i32
        %dma_start3A_1350 = tpu.memref_slice %arg6[%dma_start3A_1345, %dma_start3A_1346, %dma_start3A_1348, %dma_start3A_1349] : memref<4x16x20x64xf32, #tpu.memory_space<vmem>> -> memref<1x1x20x64xf32, #tpu.memory_space<vmem>>
        %dma_start3A_1351 = tpu.memref_squeeze %dma_start3A_1350 : memref<1x1x20x64xf32, #tpu.memory_space<vmem>> -> memref<20x64xf32, #tpu.memory_space<vmem>>
        %dma_start3A_1352 = arith.constant 0 : i32
        %dma_start3A_1353 = tpu.memref_slice %arg5[%add3A_1344, %dma_start3A_1352] : memref<512x20xi32, #tpu.memory_space<vmem>> -> memref<1x20xi32, #tpu.memory_space<vmem>>
        %dma_start3A_1354 = tpu.memref_squeeze %dma_start3A_1353 : memref<1x20xi32, #tpu.memory_space<vmem>> -> memref<20xi32, #tpu.memory_space<vmem>>
        %dma_start3A_1355 = arith.constant 0 : i32
        %dma_start3A_1356 = arith.constant 0 : i32
        %dma_start3A_1357 = tpu.memref_slice %arg3[%dma_start3A_1355, %dma_start3A_1356] : memref<1000000x64xf32, #tpu.memory_space<hbm>> -> memref<1000000x64xf32, #tpu.memory_space<hbm>>
        %dma_start3A_1358 = tpu.memref_slice %arg7[%dma_start3A_1347] : memref<4x!tpu.dma_semaphore, #tpu.memory_space<semaphore_mem>> -> memref<1x!tpu.dma_semaphore, #tpu.memory_space<semaphore_mem>>
        %dma_start3A_1359 = tpu.memref_squeeze %dma_start3A_1358 : memref<1x!tpu.dma_semaphore, #tpu.memory_space<semaphore_mem>> -> memref<!tpu.dma_semaphore, #tpu.memory_space<semaphore_mem>>
        tpu.enqueue_indirect_dma source(%dma_start3A_1357 : memref<1000000x64xf32, #tpu.memory_space<hbm>>) target(%dma_start3A_1351 : memref<20x64xf32, #tpu.memory_space<vmem>>) offsets(%dma_start3A_1354 : memref<20xi32, #tpu.memory_space<vmem>>) semaphore(%dma_start3A_1359 : memref<!tpu.dma_semaphore, #tpu.memory_space<semaphore_mem>>)
        %mul3A_1360 = arith.constant 16 : i32
        %mul3A_1361 = arith.muli %add3A_1131, %mul3A_1360 : i32
        %add3A_1362 = arith.constant 12 : i32
        %add3A_1363 = arith.addi %mul3A_1361, %add3A_1362 : i32
        %dma_start3A_1364 = arith.constant 1 : i32
        %dma_start3A_1365 = arith.constant 12 : i32
        %dma_start3A_1366 = arith.constant 1 : i32
        %dma_start3A_1367 = arith.constant 0 : i32
        %dma_start3A_1368 = arith.constant 0 : i32
        %dma_start3A_1369 = tpu.memref_slice %arg6[%dma_start3A_1364, %dma_start3A_1365, %dma_start3A_1367, %dma_start3A_1368] : memref<4x16x20x64xf32, #tpu.memory_space<vmem>> -> memref<1x1x20x64xf32, #tpu.memory_space<vmem>>
        %dma_start3A_1370 = tpu.memref_squeeze %dma_start3A_1369 : memref<1x1x20x64xf32, #tpu.memory_space<vmem>> -> memref<20x64xf32, #tpu.memory_space<vmem>>
        %dma_start3A_1371 = arith.constant 0 : i32
        %dma_start3A_1372 = tpu.memref_slice %arg5[%add3A_1363, %dma_start3A_1371] : memref<512x20xi32, #tpu.memory_space<vmem>> -> memref<1x20xi32, #tpu.memory_space<vmem>>
        %dma_start3A_1373 = tpu.memref_squeeze %dma_start3A_1372 : memref<1x20xi32, #tpu.memory_space<vmem>> -> memref<20xi32, #tpu.memory_space<vmem>>
        %dma_start3A_1374 = arith.constant 0 : i32
        %dma_start3A_1375 = arith.constant 0 : i32
        %dma_start3A_1376 = tpu.memref_slice %arg3[%dma_start3A_1374, %dma_start3A_1375] : memref<1000000x64xf32, #tpu.memory_space<hbm>> -> memref<1000000x64xf32, #tpu.memory_space<hbm>>
        %dma_start3A_1377 = tpu.memref_slice %arg7[%dma_start3A_1366] : memref<4x!tpu.dma_semaphore, #tpu.memory_space<semaphore_mem>> -> memref<1x!tpu.dma_semaphore, #tpu.memory_space<semaphore_mem>>
        %dma_start3A_1378 = tpu.memref_squeeze %dma_start3A_1377 : memref<1x!tpu.dma_semaphore, #tpu.memory_space<semaphore_mem>> -> memref<!tpu.dma_semaphore, #tpu.memory_space<semaphore_mem>>
        tpu.enqueue_indirect_dma source(%dma_start3A_1376 : memref<1000000x64xf32, #tpu.memory_space<hbm>>) target(%dma_start3A_1370 : memref<20x64xf32, #tpu.memory_space<vmem>>) offsets(%dma_start3A_1373 : memref<20xi32, #tpu.memory_space<vmem>>) semaphore(%dma_start3A_1378 : memref<!tpu.dma_semaphore, #tpu.memory_space<semaphore_mem>>)
        %mul3A_1379 = arith.constant 16 : i32
        %mul3A_1380 = arith.muli %add3A_1131, %mul3A_1379 : i32
        %add3A_1381 = arith.constant 13 : i32
        %add3A_1382 = arith.addi %mul3A_1380, %add3A_1381 : i32
        %dma_start3A_1383 = arith.constant 1 : i32
        %dma_start3A_1384 = arith.constant 13 : i32
        %dma_start3A_1385 = arith.constant 1 : i32
        %dma_start3A_1386 = arith.constant 0 : i32
        %dma_start3A_1387 = arith.constant 0 : i32
        %dma_start3A_1388 = tpu.memref_slice %arg6[%dma_start3A_1383, %dma_start3A_1384, %dma_start3A_1386, %dma_start3A_1387] : memref<4x16x20x64xf32, #tpu.memory_space<vmem>> -> memref<1x1x20x64xf32, #tpu.memory_space<vmem>>
        %dma_start3A_1389 = tpu.memref_squeeze %dma_start3A_1388 : memref<1x1x20x64xf32, #tpu.memory_space<vmem>> -> memref<20x64xf32, #tpu.memory_space<vmem>>
        %dma_start3A_1390 = arith.constant 0 : i32
        %dma_start3A_1391 = tpu.memref_slice %arg5[%add3A_1382, %dma_start3A_1390] : memref<512x20xi32, #tpu.memory_space<vmem>> -> memref<1x20xi32, #tpu.memory_space<vmem>>
        %dma_start3A_1392 = tpu.memref_squeeze %dma_start3A_1391 : memref<1x20xi32, #tpu.memory_space<vmem>> -> memref<20xi32, #tpu.memory_space<vmem>>
        %dma_start3A_1393 = arith.constant 0 : i32
        %dma_start3A_1394 = arith.constant 0 : i32
        %dma_start3A_1395 = tpu.memref_slice %arg3[%dma_start3A_1393, %dma_start3A_1394] : memref<1000000x64xf32, #tpu.memory_space<hbm>> -> memref<1000000x64xf32, #tpu.memory_space<hbm>>
        %dma_start3A_1396 = tpu.memref_slice %arg7[%dma_start3A_1385] : memref<4x!tpu.dma_semaphore, #tpu.memory_space<semaphore_mem>> -> memref<1x!tpu.dma_semaphore, #tpu.memory_space<semaphore_mem>>
        %dma_start3A_1397 = tpu.memref_squeeze %dma_start3A_1396 : memref<1x!tpu.dma_semaphore, #tpu.memory_space<semaphore_mem>> -> memref<!tpu.dma_semaphore, #tpu.memory_space<semaphore_mem>>
        tpu.enqueue_indirect_dma source(%dma_start3A_1395 : memref<1000000x64xf32, #tpu.memory_space<hbm>>) target(%dma_start3A_1389 : memref<20x64xf32, #tpu.memory_space<vmem>>) offsets(%dma_start3A_1392 : memref<20xi32, #tpu.memory_space<vmem>>) semaphore(%dma_start3A_1397 : memref<!tpu.dma_semaphore, #tpu.memory_space<semaphore_mem>>)
        %mul3A_1398 = arith.constant 16 : i32
        %mul3A_1399 = arith.muli %add3A_1131, %mul3A_1398 : i32
        %add3A_1400 = arith.constant 14 : i32
        %add3A_1401 = arith.addi %mul3A_1399, %add3A_1400 : i32
        %dma_start3A_1402 = arith.constant 1 : i32
        %dma_start3A_1403 = arith.constant 14 : i32
        %dma_start3A_1404 = arith.constant 1 : i32
        %dma_start3A_1405 = arith.constant 0 : i32
        %dma_start3A_1406 = arith.constant 0 : i32
        %dma_start3A_1407 = tpu.memref_slice %arg6[%dma_start3A_1402, %dma_start3A_1403, %dma_start3A_1405, %dma_start3A_1406] : memref<4x16x20x64xf32, #tpu.memory_space<vmem>> -> memref<1x1x20x64xf32, #tpu.memory_space<vmem>>
        %dma_start3A_1408 = tpu.memref_squeeze %dma_start3A_1407 : memref<1x1x20x64xf32, #tpu.memory_space<vmem>> -> memref<20x64xf32, #tpu.memory_space<vmem>>
        %dma_start3A_1409 = arith.constant 0 : i32
        %dma_start3A_1410 = tpu.memref_slice %arg5[%add3A_1401, %dma_start3A_1409] : memref<512x20xi32, #tpu.memory_space<vmem>> -> memref<1x20xi32, #tpu.memory_space<vmem>>
        %dma_start3A_1411 = tpu.memref_squeeze %dma_start3A_1410 : memref<1x20xi32, #tpu.memory_space<vmem>> -> memref<20xi32, #tpu.memory_space<vmem>>
        %dma_start3A_1412 = arith.constant 0 : i32
        %dma_start3A_1413 = arith.constant 0 : i32
        %dma_start3A_1414 = tpu.memref_slice %arg3[%dma_start3A_1412, %dma_start3A_1413] : memref<1000000x64xf32, #tpu.memory_space<hbm>> -> memref<1000000x64xf32, #tpu.memory_space<hbm>>
        %dma_start3A_1415 = tpu.memref_slice %arg7[%dma_start3A_1404] : memref<4x!tpu.dma_semaphore, #tpu.memory_space<semaphore_mem>> -> memref<1x!tpu.dma_semaphore, #tpu.memory_space<semaphore_mem>>
        %dma_start3A_1416 = tpu.memref_squeeze %dma_start3A_1415 : memref<1x!tpu.dma_semaphore, #tpu.memory_space<semaphore_mem>> -> memref<!tpu.dma_semaphore, #tpu.memory_space<semaphore_mem>>
        tpu.enqueue_indirect_dma source(%dma_start3A_1414 : memref<1000000x64xf32, #tpu.memory_space<hbm>>) target(%dma_start3A_1408 : memref<20x64xf32, #tpu.memory_space<vmem>>) offsets(%dma_start3A_1411 : memref<20xi32, #tpu.memory_space<vmem>>) semaphore(%dma_start3A_1416 : memref<!tpu.dma_semaphore, #tpu.memory_space<semaphore_mem>>)
        %mul3A_1417 = arith.constant 16 : i32
        %mul3A_1418 = arith.muli %add3A_1131, %mul3A_1417 : i32
        %add3A_1419 = arith.constant 15 : i32
        %add3A_1420 = arith.addi %mul3A_1418, %add3A_1419 : i32
        %dma_start3A_1421 = arith.constant 1 : i32
        %dma_start3A_1422 = arith.constant 15 : i32
        %dma_start3A_1423 = arith.constant 1 : i32
        %dma_start3A_1424 = arith.constant 0 : i32
        %dma_start3A_1425 = arith.constant 0 : i32
        %dma_start3A_1426 = tpu.memref_slice %arg6[%dma_start3A_1421, %dma_start3A_1422, %dma_start3A_1424, %dma_start3A_1425] : memref<4x16x20x64xf32, #tpu.memory_space<vmem>> -> memref<1x1x20x64xf32, #tpu.memory_space<vmem>>
        %dma_start3A_1427 = tpu.memref_squeeze %dma_start3A_1426 : memref<1x1x20x64xf32, #tpu.memory_space<vmem>> -> memref<20x64xf32, #tpu.memory_space<vmem>>
        %dma_start3A_1428 = arith.constant 0 : i32
        %dma_start3A_1429 = tpu.memref_slice %arg5[%add3A_1420, %dma_start3A_1428] : memref<512x20xi32, #tpu.memory_space<vmem>> -> memref<1x20xi32, #tpu.memory_space<vmem>>
        %dma_start3A_1430 = tpu.memref_squeeze %dma_start3A_1429 : memref<1x20xi32, #tpu.memory_space<vmem>> -> memref<20xi32, #tpu.memory_space<vmem>>
        %dma_start3A_1431 = arith.constant 0 : i32
        %dma_start3A_1432 = arith.constant 0 : i32
        %dma_start3A_1433 = tpu.memref_slice %arg3[%dma_start3A_1431, %dma_start3A_1432] : memref<1000000x64xf32, #tpu.memory_space<hbm>> -> memref<1000000x64xf32, #tpu.memory_space<hbm>>
        %dma_start3A_1434 = tpu.memref_slice %arg7[%dma_start3A_1423] : memref<4x!tpu.dma_semaphore, #tpu.memory_space<semaphore_mem>> -> memref<1x!tpu.dma_semaphore, #tpu.memory_space<semaphore_mem>>
        %dma_start3A_1435 = tpu.memref_squeeze %dma_start3A_1434 : memref<1x!tpu.dma_semaphore, #tpu.memory_space<semaphore_mem>> -> memref<!tpu.dma_semaphore, #tpu.memory_space<semaphore_mem>>
        tpu.enqueue_indirect_dma source(%dma_start3A_1433 : memref<1000000x64xf32, #tpu.memory_space<hbm>>) target(%dma_start3A_1427 : memref<20x64xf32, #tpu.memory_space<vmem>>) offsets(%dma_start3A_1430 : memref<20xi32, #tpu.memory_space<vmem>>) semaphore(%dma_start3A_1435 : memref<!tpu.dma_semaphore, #tpu.memory_space<semaphore_mem>>)
      } else {
      }
      %mul3A_1062 = arith.constant 4 : i32
      %mul3A_1063 = arith.muli %scan3A_862, %mul3A_1062 : i32
      %add3A_1064 = arith.constant 3 : i32
      %add3A_1065 = arith.addi %mul3A_1063, %add3A_1064 : i32
      %dma_wait3A_1066 = arith.constant 3 : i32
      %dma_wait3A_1067 = arith.constant 3 : i32
      %dma_wait3A_1068 = arith.constant 0 : i32
      %dma_wait3A_1069 = arith.constant 0 : i32
      %dma_wait3A_1070 = arith.constant 0 : i32
      %dma_wait3A_1071 = tpu.memref_slice %arg6[%dma_wait3A_1066, %dma_wait3A_1068, %dma_wait3A_1069, %dma_wait3A_1070] : memref<4x16x20x64xf32, #tpu.memory_space<vmem>> -> memref<1x16x20x64xf32, #tpu.memory_space<vmem>>
      %dma_wait3A_1072 = tpu.memref_squeeze %dma_wait3A_1071 : memref<1x16x20x64xf32, #tpu.memory_space<vmem>> -> memref<16x20x64xf32, #tpu.memory_space<vmem>>
      %dma_wait3A_1073 = arith.constant 0 : i32
      %dma_wait3A_1074 = arith.constant 0 : i32
      %dma_wait3A_1075 = arith.constant 0 : i32
      %dma_wait3A_1076 = tpu.memref_slice %arg4[%dma_wait3A_1073, %dma_wait3A_1074, %dma_wait3A_1075] : memref<16384x20x64xf32, #tpu.memory_space<hbm>> -> memref<16x20x64xf32, #tpu.memory_space<hbm>>
      %dma_wait3A_1077 = tpu.memref_slice %arg7[%dma_wait3A_1067] : memref<4x!tpu.dma_semaphore, #tpu.memory_space<semaphore_mem>> -> memref<1x!tpu.dma_semaphore, #tpu.memory_space<semaphore_mem>>
      %dma_wait3A_1078 = tpu.memref_squeeze %dma_wait3A_1077 : memref<1x!tpu.dma_semaphore, #tpu.memory_space<semaphore_mem>> -> memref<!tpu.dma_semaphore, #tpu.memory_space<semaphore_mem>>
      %dma_wait3A_1079 = arith.constant 0 : i32
      %dma_wait3A_1080 = arith.constant 0 : i32
      %dma_wait3A_1081 = arith.constant 0 : i32
      %dma_wait3A_1082 = tpu.memref_slice %arg6[%dma_wait3A_1066, %dma_wait3A_1079, %dma_wait3A_1080, %dma_wait3A_1081] : memref<4x16x20x64xf32, #tpu.memory_space<vmem>> -> memref<1x16x20x64xf32, #tpu.memory_space<vmem>>
      %dma_wait3A_1083 = tpu.memref_squeeze %dma_wait3A_1082 : memref<1x16x20x64xf32, #tpu.memory_space<vmem>> -> memref<16x20x64xf32, #tpu.memory_space<vmem>>
      %dma_wait3A_1084 = arith.constant 0 : i32
      %dma_wait3A_1085 = arith.constant 0 : i32
      %dma_wait3A_1086 = arith.constant 0 : i32
      %dma_wait3A_1087 = tpu.memref_slice %arg4[%dma_wait3A_1084, %dma_wait3A_1085, %dma_wait3A_1086] : memref<16384x20x64xf32, #tpu.memory_space<hbm>> -> memref<16x20x64xf32, #tpu.memory_space<hbm>>
      tpu.wait_dma2 semaphore(%dma_wait3A_1078 : memref<!tpu.dma_semaphore, #tpu.memory_space<semaphore_mem>>) src(%dma_wait3A_1087 : memref<16x20x64xf32, #tpu.memory_space<hbm>>) dst(%dma_wait3A_1083 : memref<16x20x64xf32, #tpu.memory_space<vmem>>)
      %mul3A_1088 = arith.constant 16 : i32
      %mul3A_1089 = arith.muli %add3A_1065, %mul3A_1088 : i32
      %add3A_1090 = arith.addi %mul3A_2, %mul3A_1089 : i32
      %dma_start3A_1091 = arith.constant 3 : i32
      %dma_start3A_1092 = arith.constant 3 : i32
      %dma_start3A_1093 = arith.constant 0 : i32
      %dma_start3A_1094 = arith.constant 0 : i32
      %dma_start3A_1095 = arith.constant 0 : i32
      %dma_start3A_1096 = tpu.memref_slice %arg6[%dma_start3A_1091, %dma_start3A_1093, %dma_start3A_1094, %dma_start3A_1095] : memref<4x16x20x64xf32, #tpu.memory_space<vmem>> -> memref<1x16x20x64xf32, #tpu.memory_space<vmem>>
      %dma_start3A_1097 = tpu.memref_squeeze %dma_start3A_1096 : memref<1x16x20x64xf32, #tpu.memory_space<vmem>> -> memref<16x20x64xf32, #tpu.memory_space<vmem>>
      %dma_start3A_1098 = arith.constant 0 : i32
      %dma_start3A_1099 = arith.constant 0 : i32
      %dma_start3A_1100 = tpu.memref_slice %arg4[%add3A_1090, %dma_start3A_1098, %dma_start3A_1099] : memref<16384x20x64xf32, #tpu.memory_space<hbm>> -> memref<16x20x64xf32, #tpu.memory_space<hbm>>
      %dma_start3A_1101 = tpu.memref_slice %arg8[%dma_start3A_1092] : memref<4x!tpu.dma_semaphore, #tpu.memory_space<semaphore_mem>> -> memref<1x!tpu.dma_semaphore, #tpu.memory_space<semaphore_mem>>
      %dma_start3A_1102 = tpu.memref_squeeze %dma_start3A_1101 : memref<1x!tpu.dma_semaphore, #tpu.memory_space<semaphore_mem>> -> memref<!tpu.dma_semaphore, #tpu.memory_space<semaphore_mem>>
      %dma_start3A_1103 = arith.constant 0 : i32
      %dma_start3A_1104 = arith.constant 0 : i32
      %dma_start3A_1105 = tpu.memref_slice %arg4[%add3A_1090, %dma_start3A_1103, %dma_start3A_1104] : memref<16384x20x64xf32, #tpu.memory_space<hbm>> -> memref<16x20x64xf32, #tpu.memory_space<hbm>>
      %dma_start3A_1106 = arith.constant 0 : i32
      %dma_start3A_1107 = arith.constant 0 : i32
      %dma_start3A_1108 = arith.constant 0 : i32
      %dma_start3A_1109 = tpu.memref_slice %arg6[%dma_start3A_1091, %dma_start3A_1106, %dma_start3A_1107, %dma_start3A_1108] : memref<4x16x20x64xf32, #tpu.memory_space<vmem>> -> memref<1x16x20x64xf32, #tpu.memory_space<vmem>>
      %dma_start3A_1110 = tpu.memref_squeeze %dma_start3A_1109 : memref<1x16x20x64xf32, #tpu.memory_space<vmem>> -> memref<16x20x64xf32, #tpu.memory_space<vmem>>
      tpu.enqueue_dma source(%dma_start3A_1110 : memref<16x20x64xf32, #tpu.memory_space<vmem>>) target(%dma_start3A_1105 : memref<16x20x64xf32, #tpu.memory_space<hbm>>) target_semaphore(%dma_start3A_1102 : memref<!tpu.dma_semaphore, #tpu.memory_space<semaphore_mem>>)
      %add3A_1111 = arith.constant 3 : i32
      %add3A_1112 = arith.addi %add3A_1065, %add3A_1111 : i32
      %lt3A_1113 = arith.constant 32 : i32
      %lt3A_1114 = arith.cmpi slt, %add3A_1112, %lt3A_1113 : i32
      %add3A_1115 = arith.constant 3 : i32
      %add3A_1116 = arith.addi %add3A_1065, %add3A_1115 : i32
      %ge3A_1117 = arith.constant 4 : i32
      %ge3A_1118 = arith.cmpi sge, %add3A_1116, %ge3A_1117 : i32
      %and3A_1119 = arith.andi %lt3A_1114, %ge3A_1118 : i1
      %convert_element_type3A_1120 = arith.extui %and3A_1119 : i1 to i32
      %cond3A_1121 = arith.constant 0 : i32
      %cond3A_1122 = arith.cmpi ne, %convert_element_type3A_1120, %cond3A_1121 : i32
      scf.if %cond3A_1122 {
        %add3A_1130 = arith.constant 3 : i32
        %add3A_1131 = arith.addi %add3A_1065, %add3A_1130 : i32
        %sub3A = arith.constant 4 : i32
        %sub3A_1132 = arith.subi %add3A_1131, %sub3A : i32
        %mul3A_1133 = arith.constant 16 : i32
        %mul3A_1134 = arith.muli %sub3A_1132, %mul3A_1133 : i32
        %add3A_1135 = arith.addi %mul3A_2, %mul3A_1134 : i32
        %dma_wait3A_1136 = arith.constant 2 : i32
        %dma_wait3A_1137 = arith.constant 2 : i32
        %dma_wait3A_1138 = arith.constant 0 : i32
        %dma_wait3A_1139 = arith.constant 0 : i32
        %dma_wait3A_1140 = arith.constant 0 : i32
        %dma_wait3A_1141 = tpu.memref_slice %arg6[%dma_wait3A_1136, %dma_wait3A_1138, %dma_wait3A_1139, %dma_wait3A_1140] : memref<4x16x20x64xf32, #tpu.memory_space<vmem>> -> memref<1x16x20x64xf32, #tpu.memory_space<vmem>>
        %dma_wait3A_1142 = tpu.memref_squeeze %dma_wait3A_1141 : memref<1x16x20x64xf32, #tpu.memory_space<vmem>> -> memref<16x20x64xf32, #tpu.memory_space<vmem>>
        %dma_wait3A_1143 = arith.constant 0 : i32
        %dma_wait3A_1144 = arith.constant 0 : i32
        %dma_wait3A_1145 = tpu.memref_slice %arg4[%add3A_1135, %dma_wait3A_1143, %dma_wait3A_1144] : memref<16384x20x64xf32, #tpu.memory_space<hbm>> -> memref<16x20x64xf32, #tpu.memory_space<hbm>>
        %dma_wait3A_1146 = tpu.memref_slice %arg8[%dma_wait3A_1137] : memref<4x!tpu.dma_semaphore, #tpu.memory_space<semaphore_mem>> -> memref<1x!tpu.dma_semaphore, #tpu.memory_space<semaphore_mem>>
        %dma_wait3A_1147 = tpu.memref_squeeze %dma_wait3A_1146 : memref<1x!tpu.dma_semaphore, #tpu.memory_space<semaphore_mem>> -> memref<!tpu.dma_semaphore, #tpu.memory_space<semaphore_mem>>
        %dma_wait3A_1148 = arith.constant 0 : i32
        %dma_wait3A_1149 = arith.constant 0 : i32
        %dma_wait3A_1150 = tpu.memref_slice %arg4[%add3A_1135, %dma_wait3A_1148, %dma_wait3A_1149] : memref<16384x20x64xf32, #tpu.memory_space<hbm>> -> memref<16x20x64xf32, #tpu.memory_space<hbm>>
        %dma_wait3A_1151 = arith.constant 0 : i32
        %dma_wait3A_1152 = arith.constant 0 : i32
        %dma_wait3A_1153 = arith.constant 0 : i32
        %dma_wait3A_1154 = tpu.memref_slice %arg6[%dma_wait3A_1136, %dma_wait3A_1151, %dma_wait3A_1152, %dma_wait3A_1153] : memref<4x16x20x64xf32, #tpu.memory_space<vmem>> -> memref<1x16x20x64xf32, #tpu.memory_space<vmem>>
        %dma_wait3A_1155 = tpu.memref_squeeze %dma_wait3A_1154 : memref<1x16x20x64xf32, #tpu.memory_space<vmem>> -> memref<16x20x64xf32, #tpu.memory_space<vmem>>
        tpu.wait_dma2 semaphore(%dma_wait3A_1147 : memref<!tpu.dma_semaphore, #tpu.memory_space<semaphore_mem>>) src(%dma_wait3A_1155 : memref<16x20x64xf32, #tpu.memory_space<vmem>>) dst(%dma_wait3A_1150 : memref<16x20x64xf32, #tpu.memory_space<hbm>>)
      } else {
      }
      %add3A_1123 = arith.constant 3 : i32
      %add3A_1124 = arith.addi %add3A_1065, %add3A_1123 : i32
      %lt3A_1125 = arith.constant 32 : i32
      %lt3A_1126 = arith.cmpi slt, %add3A_1124, %lt3A_1125 : i32
      %convert_element_type3A_1127 = arith.extui %lt3A_1126 : i1 to i32
      %cond3A_1128 = arith.constant 0 : i32
      %cond3A_1129 = arith.cmpi ne, %convert_element_type3A_1127, %cond3A_1128 : i32
      scf.if %cond3A_1129 {
        %add3A_1130 = arith.constant 3 : i32
        %add3A_1131 = arith.addi %add3A_1065, %add3A_1130 : i32
        %mul3A_1132 = arith.constant 16 : i32
        %mul3A_1133 = arith.muli %add3A_1131, %mul3A_1132 : i32
        %add3A_1134 = arith.constant 0 : i32
        %add3A_1135 = arith.addi %mul3A_1133, %add3A_1134 : i32
        %dma_start3A_1136 = arith.constant 2 : i32
        %dma_start3A_1137 = arith.constant 0 : i32
        %dma_start3A_1138 = arith.constant 2 : i32
        %dma_start3A_1139 = arith.constant 0 : i32
        %dma_start3A_1140 = arith.constant 0 : i32
        %dma_start3A_1141 = tpu.memref_slice %arg6[%dma_start3A_1136, %dma_start3A_1137, %dma_start3A_1139, %dma_start3A_1140] : memref<4x16x20x64xf32, #tpu.memory_space<vmem>> -> memref<1x1x20x64xf32, #tpu.memory_space<vmem>>
        %dma_start3A_1142 = tpu.memref_squeeze %dma_start3A_1141 : memref<1x1x20x64xf32, #tpu.memory_space<vmem>> -> memref<20x64xf32, #tpu.memory_space<vmem>>
        %dma_start3A_1143 = arith.constant 0 : i32
        %dma_start3A_1144 = tpu.memref_slice %arg5[%add3A_1135, %dma_start3A_1143] : memref<512x20xi32, #tpu.memory_space<vmem>> -> memref<1x20xi32, #tpu.memory_space<vmem>>
        %dma_start3A_1145 = tpu.memref_squeeze %dma_start3A_1144 : memref<1x20xi32, #tpu.memory_space<vmem>> -> memref<20xi32, #tpu.memory_space<vmem>>
        %dma_start3A_1146 = arith.constant 0 : i32
        %dma_start3A_1147 = arith.constant 0 : i32
        %dma_start3A_1148 = tpu.memref_slice %arg3[%dma_start3A_1146, %dma_start3A_1147] : memref<1000000x64xf32, #tpu.memory_space<hbm>> -> memref<1000000x64xf32, #tpu.memory_space<hbm>>
        %dma_start3A_1149 = tpu.memref_slice %arg7[%dma_start3A_1138] : memref<4x!tpu.dma_semaphore, #tpu.memory_space<semaphore_mem>> -> memref<1x!tpu.dma_semaphore, #tpu.memory_space<semaphore_mem>>
        %dma_start3A_1150 = tpu.memref_squeeze %dma_start3A_1149 : memref<1x!tpu.dma_semaphore, #tpu.memory_space<semaphore_mem>> -> memref<!tpu.dma_semaphore, #tpu.memory_space<semaphore_mem>>
        tpu.enqueue_indirect_dma source(%dma_start3A_1148 : memref<1000000x64xf32, #tpu.memory_space<hbm>>) target(%dma_start3A_1142 : memref<20x64xf32, #tpu.memory_space<vmem>>) offsets(%dma_start3A_1145 : memref<20xi32, #tpu.memory_space<vmem>>) semaphore(%dma_start3A_1150 : memref<!tpu.dma_semaphore, #tpu.memory_space<semaphore_mem>>)
        %mul3A_1151 = arith.constant 16 : i32
        %mul3A_1152 = arith.muli %add3A_1131, %mul3A_1151 : i32
        %add3A_1153 = arith.constant 1 : i32
        %add3A_1154 = arith.addi %mul3A_1152, %add3A_1153 : i32
        %dma_start3A_1155 = arith.constant 2 : i32
        %dma_start3A_1156 = arith.constant 1 : i32
        %dma_start3A_1157 = arith.constant 2 : i32
        %dma_start3A_1158 = arith.constant 0 : i32
        %dma_start3A_1159 = arith.constant 0 : i32
        %dma_start3A_1160 = tpu.memref_slice %arg6[%dma_start3A_1155, %dma_start3A_1156, %dma_start3A_1158, %dma_start3A_1159] : memref<4x16x20x64xf32, #tpu.memory_space<vmem>> -> memref<1x1x20x64xf32, #tpu.memory_space<vmem>>
        %dma_start3A_1161 = tpu.memref_squeeze %dma_start3A_1160 : memref<1x1x20x64xf32, #tpu.memory_space<vmem>> -> memref<20x64xf32, #tpu.memory_space<vmem>>
        %dma_start3A_1162 = arith.constant 0 : i32
        %dma_start3A_1163 = tpu.memref_slice %arg5[%add3A_1154, %dma_start3A_1162] : memref<512x20xi32, #tpu.memory_space<vmem>> -> memref<1x20xi32, #tpu.memory_space<vmem>>
        %dma_start3A_1164 = tpu.memref_squeeze %dma_start3A_1163 : memref<1x20xi32, #tpu.memory_space<vmem>> -> memref<20xi32, #tpu.memory_space<vmem>>
        %dma_start3A_1165 = arith.constant 0 : i32
        %dma_start3A_1166 = arith.constant 0 : i32
        %dma_start3A_1167 = tpu.memref_slice %arg3[%dma_start3A_1165, %dma_start3A_1166] : memref<1000000x64xf32, #tpu.memory_space<hbm>> -> memref<1000000x64xf32, #tpu.memory_space<hbm>>
        %dma_start3A_1168 = tpu.memref_slice %arg7[%dma_start3A_1157] : memref<4x!tpu.dma_semaphore, #tpu.memory_space<semaphore_mem>> -> memref<1x!tpu.dma_semaphore, #tpu.memory_space<semaphore_mem>>
        %dma_start3A_1169 = tpu.memref_squeeze %dma_start3A_1168 : memref<1x!tpu.dma_semaphore, #tpu.memory_space<semaphore_mem>> -> memref<!tpu.dma_semaphore, #tpu.memory_space<semaphore_mem>>
        tpu.enqueue_indirect_dma source(%dma_start3A_1167 : memref<1000000x64xf32, #tpu.memory_space<hbm>>) target(%dma_start3A_1161 : memref<20x64xf32, #tpu.memory_space<vmem>>) offsets(%dma_start3A_1164 : memref<20xi32, #tpu.memory_space<vmem>>) semaphore(%dma_start3A_1169 : memref<!tpu.dma_semaphore, #tpu.memory_space<semaphore_mem>>)
        %mul3A_1170 = arith.constant 16 : i32
        %mul3A_1171 = arith.muli %add3A_1131, %mul3A_1170 : i32
        %add3A_1172 = arith.constant 2 : i32
        %add3A_1173 = arith.addi %mul3A_1171, %add3A_1172 : i32
        %dma_start3A_1174 = arith.constant 2 : i32
        %dma_start3A_1175 = arith.constant 2 : i32
        %dma_start3A_1176 = arith.constant 2 : i32
        %dma_start3A_1177 = arith.constant 0 : i32
        %dma_start3A_1178 = arith.constant 0 : i32
        %dma_start3A_1179 = tpu.memref_slice %arg6[%dma_start3A_1174, %dma_start3A_1175, %dma_start3A_1177, %dma_start3A_1178] : memref<4x16x20x64xf32, #tpu.memory_space<vmem>> -> memref<1x1x20x64xf32, #tpu.memory_space<vmem>>
        %dma_start3A_1180 = tpu.memref_squeeze %dma_start3A_1179 : memref<1x1x20x64xf32, #tpu.memory_space<vmem>> -> memref<20x64xf32, #tpu.memory_space<vmem>>
        %dma_start3A_1181 = arith.constant 0 : i32
        %dma_start3A_1182 = tpu.memref_slice %arg5[%add3A_1173, %dma_start3A_1181] : memref<512x20xi32, #tpu.memory_space<vmem>> -> memref<1x20xi32, #tpu.memory_space<vmem>>
        %dma_start3A_1183 = tpu.memref_squeeze %dma_start3A_1182 : memref<1x20xi32, #tpu.memory_space<vmem>> -> memref<20xi32, #tpu.memory_space<vmem>>
        %dma_start3A_1184 = arith.constant 0 : i32
        %dma_start3A_1185 = arith.constant 0 : i32
        %dma_start3A_1186 = tpu.memref_slice %arg3[%dma_start3A_1184, %dma_start3A_1185] : memref<1000000x64xf32, #tpu.memory_space<hbm>> -> memref<1000000x64xf32, #tpu.memory_space<hbm>>
        %dma_start3A_1187 = tpu.memref_slice %arg7[%dma_start3A_1176] : memref<4x!tpu.dma_semaphore, #tpu.memory_space<semaphore_mem>> -> memref<1x!tpu.dma_semaphore, #tpu.memory_space<semaphore_mem>>
        %dma_start3A_1188 = tpu.memref_squeeze %dma_start3A_1187 : memref<1x!tpu.dma_semaphore, #tpu.memory_space<semaphore_mem>> -> memref<!tpu.dma_semaphore, #tpu.memory_space<semaphore_mem>>
        tpu.enqueue_indirect_dma source(%dma_start3A_1186 : memref<1000000x64xf32, #tpu.memory_space<hbm>>) target(%dma_start3A_1180 : memref<20x64xf32, #tpu.memory_space<vmem>>) offsets(%dma_start3A_1183 : memref<20xi32, #tpu.memory_space<vmem>>) semaphore(%dma_start3A_1188 : memref<!tpu.dma_semaphore, #tpu.memory_space<semaphore_mem>>)
        %mul3A_1189 = arith.constant 16 : i32
        %mul3A_1190 = arith.muli %add3A_1131, %mul3A_1189 : i32
        %add3A_1191 = arith.constant 3 : i32
        %add3A_1192 = arith.addi %mul3A_1190, %add3A_1191 : i32
        %dma_start3A_1193 = arith.constant 2 : i32
        %dma_start3A_1194 = arith.constant 3 : i32
        %dma_start3A_1195 = arith.constant 2 : i32
        %dma_start3A_1196 = arith.constant 0 : i32
        %dma_start3A_1197 = arith.constant 0 : i32
        %dma_start3A_1198 = tpu.memref_slice %arg6[%dma_start3A_1193, %dma_start3A_1194, %dma_start3A_1196, %dma_start3A_1197] : memref<4x16x20x64xf32, #tpu.memory_space<vmem>> -> memref<1x1x20x64xf32, #tpu.memory_space<vmem>>
        %dma_start3A_1199 = tpu.memref_squeeze %dma_start3A_1198 : memref<1x1x20x64xf32, #tpu.memory_space<vmem>> -> memref<20x64xf32, #tpu.memory_space<vmem>>
        %dma_start3A_1200 = arith.constant 0 : i32
        %dma_start3A_1201 = tpu.memref_slice %arg5[%add3A_1192, %dma_start3A_1200] : memref<512x20xi32, #tpu.memory_space<vmem>> -> memref<1x20xi32, #tpu.memory_space<vmem>>
        %dma_start3A_1202 = tpu.memref_squeeze %dma_start3A_1201 : memref<1x20xi32, #tpu.memory_space<vmem>> -> memref<20xi32, #tpu.memory_space<vmem>>
        %dma_start3A_1203 = arith.constant 0 : i32
        %dma_start3A_1204 = arith.constant 0 : i32
        %dma_start3A_1205 = tpu.memref_slice %arg3[%dma_start3A_1203, %dma_start3A_1204] : memref<1000000x64xf32, #tpu.memory_space<hbm>> -> memref<1000000x64xf32, #tpu.memory_space<hbm>>
        %dma_start3A_1206 = tpu.memref_slice %arg7[%dma_start3A_1195] : memref<4x!tpu.dma_semaphore, #tpu.memory_space<semaphore_mem>> -> memref<1x!tpu.dma_semaphore, #tpu.memory_space<semaphore_mem>>
        %dma_start3A_1207 = tpu.memref_squeeze %dma_start3A_1206 : memref<1x!tpu.dma_semaphore, #tpu.memory_space<semaphore_mem>> -> memref<!tpu.dma_semaphore, #tpu.memory_space<semaphore_mem>>
        tpu.enqueue_indirect_dma source(%dma_start3A_1205 : memref<1000000x64xf32, #tpu.memory_space<hbm>>) target(%dma_start3A_1199 : memref<20x64xf32, #tpu.memory_space<vmem>>) offsets(%dma_start3A_1202 : memref<20xi32, #tpu.memory_space<vmem>>) semaphore(%dma_start3A_1207 : memref<!tpu.dma_semaphore, #tpu.memory_space<semaphore_mem>>)
        %mul3A_1208 = arith.constant 16 : i32
        %mul3A_1209 = arith.muli %add3A_1131, %mul3A_1208 : i32
        %add3A_1210 = arith.constant 4 : i32
        %add3A_1211 = arith.addi %mul3A_1209, %add3A_1210 : i32
        %dma_start3A_1212 = arith.constant 2 : i32
        %dma_start3A_1213 = arith.constant 4 : i32
        %dma_start3A_1214 = arith.constant 2 : i32
        %dma_start3A_1215 = arith.constant 0 : i32
        %dma_start3A_1216 = arith.constant 0 : i32
        %dma_start3A_1217 = tpu.memref_slice %arg6[%dma_start3A_1212, %dma_start3A_1213, %dma_start3A_1215, %dma_start3A_1216] : memref<4x16x20x64xf32, #tpu.memory_space<vmem>> -> memref<1x1x20x64xf32, #tpu.memory_space<vmem>>
        %dma_start3A_1218 = tpu.memref_squeeze %dma_start3A_1217 : memref<1x1x20x64xf32, #tpu.memory_space<vmem>> -> memref<20x64xf32, #tpu.memory_space<vmem>>
        %dma_start3A_1219 = arith.constant 0 : i32
        %dma_start3A_1220 = tpu.memref_slice %arg5[%add3A_1211, %dma_start3A_1219] : memref<512x20xi32, #tpu.memory_space<vmem>> -> memref<1x20xi32, #tpu.memory_space<vmem>>
        %dma_start3A_1221 = tpu.memref_squeeze %dma_start3A_1220 : memref<1x20xi32, #tpu.memory_space<vmem>> -> memref<20xi32, #tpu.memory_space<vmem>>
        %dma_start3A_1222 = arith.constant 0 : i32
        %dma_start3A_1223 = arith.constant 0 : i32
        %dma_start3A_1224 = tpu.memref_slice %arg3[%dma_start3A_1222, %dma_start3A_1223] : memref<1000000x64xf32, #tpu.memory_space<hbm>> -> memref<1000000x64xf32, #tpu.memory_space<hbm>>
        %dma_start3A_1225 = tpu.memref_slice %arg7[%dma_start3A_1214] : memref<4x!tpu.dma_semaphore, #tpu.memory_space<semaphore_mem>> -> memref<1x!tpu.dma_semaphore, #tpu.memory_space<semaphore_mem>>
        %dma_start3A_1226 = tpu.memref_squeeze %dma_start3A_1225 : memref<1x!tpu.dma_semaphore, #tpu.memory_space<semaphore_mem>> -> memref<!tpu.dma_semaphore, #tpu.memory_space<semaphore_mem>>
        tpu.enqueue_indirect_dma source(%dma_start3A_1224 : memref<1000000x64xf32, #tpu.memory_space<hbm>>) target(%dma_start3A_1218 : memref<20x64xf32, #tpu.memory_space<vmem>>) offsets(%dma_start3A_1221 : memref<20xi32, #tpu.memory_space<vmem>>) semaphore(%dma_start3A_1226 : memref<!tpu.dma_semaphore, #tpu.memory_space<semaphore_mem>>)
        %mul3A_1227 = arith.constant 16 : i32
        %mul3A_1228 = arith.muli %add3A_1131, %mul3A_1227 : i32
        %add3A_1229 = arith.constant 5 : i32
        %add3A_1230 = arith.addi %mul3A_1228, %add3A_1229 : i32
        %dma_start3A_1231 = arith.constant 2 : i32
        %dma_start3A_1232 = arith.constant 5 : i32
        %dma_start3A_1233 = arith.constant 2 : i32
        %dma_start3A_1234 = arith.constant 0 : i32
        %dma_start3A_1235 = arith.constant 0 : i32
        %dma_start3A_1236 = tpu.memref_slice %arg6[%dma_start3A_1231, %dma_start3A_1232, %dma_start3A_1234, %dma_start3A_1235] : memref<4x16x20x64xf32, #tpu.memory_space<vmem>> -> memref<1x1x20x64xf32, #tpu.memory_space<vmem>>
        %dma_start3A_1237 = tpu.memref_squeeze %dma_start3A_1236 : memref<1x1x20x64xf32, #tpu.memory_space<vmem>> -> memref<20x64xf32, #tpu.memory_space<vmem>>
        %dma_start3A_1238 = arith.constant 0 : i32
        %dma_start3A_1239 = tpu.memref_slice %arg5[%add3A_1230, %dma_start3A_1238] : memref<512x20xi32, #tpu.memory_space<vmem>> -> memref<1x20xi32, #tpu.memory_space<vmem>>
        %dma_start3A_1240 = tpu.memref_squeeze %dma_start3A_1239 : memref<1x20xi32, #tpu.memory_space<vmem>> -> memref<20xi32, #tpu.memory_space<vmem>>
        %dma_start3A_1241 = arith.constant 0 : i32
        %dma_start3A_1242 = arith.constant 0 : i32
        %dma_start3A_1243 = tpu.memref_slice %arg3[%dma_start3A_1241, %dma_start3A_1242] : memref<1000000x64xf32, #tpu.memory_space<hbm>> -> memref<1000000x64xf32, #tpu.memory_space<hbm>>
        %dma_start3A_1244 = tpu.memref_slice %arg7[%dma_start3A_1233] : memref<4x!tpu.dma_semaphore, #tpu.memory_space<semaphore_mem>> -> memref<1x!tpu.dma_semaphore, #tpu.memory_space<semaphore_mem>>
        %dma_start3A_1245 = tpu.memref_squeeze %dma_start3A_1244 : memref<1x!tpu.dma_semaphore, #tpu.memory_space<semaphore_mem>> -> memref<!tpu.dma_semaphore, #tpu.memory_space<semaphore_mem>>
        tpu.enqueue_indirect_dma source(%dma_start3A_1243 : memref<1000000x64xf32, #tpu.memory_space<hbm>>) target(%dma_start3A_1237 : memref<20x64xf32, #tpu.memory_space<vmem>>) offsets(%dma_start3A_1240 : memref<20xi32, #tpu.memory_space<vmem>>) semaphore(%dma_start3A_1245 : memref<!tpu.dma_semaphore, #tpu.memory_space<semaphore_mem>>)
        %mul3A_1246 = arith.constant 16 : i32
        %mul3A_1247 = arith.muli %add3A_1131, %mul3A_1246 : i32
        %add3A_1248 = arith.constant 6 : i32
        %add3A_1249 = arith.addi %mul3A_1247, %add3A_1248 : i32
        %dma_start3A_1250 = arith.constant 2 : i32
        %dma_start3A_1251 = arith.constant 6 : i32
        %dma_start3A_1252 = arith.constant 2 : i32
        %dma_start3A_1253 = arith.constant 0 : i32
        %dma_start3A_1254 = arith.constant 0 : i32
        %dma_start3A_1255 = tpu.memref_slice %arg6[%dma_start3A_1250, %dma_start3A_1251, %dma_start3A_1253, %dma_start3A_1254] : memref<4x16x20x64xf32, #tpu.memory_space<vmem>> -> memref<1x1x20x64xf32, #tpu.memory_space<vmem>>
        %dma_start3A_1256 = tpu.memref_squeeze %dma_start3A_1255 : memref<1x1x20x64xf32, #tpu.memory_space<vmem>> -> memref<20x64xf32, #tpu.memory_space<vmem>>
        %dma_start3A_1257 = arith.constant 0 : i32
        %dma_start3A_1258 = tpu.memref_slice %arg5[%add3A_1249, %dma_start3A_1257] : memref<512x20xi32, #tpu.memory_space<vmem>> -> memref<1x20xi32, #tpu.memory_space<vmem>>
        %dma_start3A_1259 = tpu.memref_squeeze %dma_start3A_1258 : memref<1x20xi32, #tpu.memory_space<vmem>> -> memref<20xi32, #tpu.memory_space<vmem>>
        %dma_start3A_1260 = arith.constant 0 : i32
        %dma_start3A_1261 = arith.constant 0 : i32
        %dma_start3A_1262 = tpu.memref_slice %arg3[%dma_start3A_1260, %dma_start3A_1261] : memref<1000000x64xf32, #tpu.memory_space<hbm>> -> memref<1000000x64xf32, #tpu.memory_space<hbm>>
        %dma_start3A_1263 = tpu.memref_slice %arg7[%dma_start3A_1252] : memref<4x!tpu.dma_semaphore, #tpu.memory_space<semaphore_mem>> -> memref<1x!tpu.dma_semaphore, #tpu.memory_space<semaphore_mem>>
        %dma_start3A_1264 = tpu.memref_squeeze %dma_start3A_1263 : memref<1x!tpu.dma_semaphore, #tpu.memory_space<semaphore_mem>> -> memref<!tpu.dma_semaphore, #tpu.memory_space<semaphore_mem>>
        tpu.enqueue_indirect_dma source(%dma_start3A_1262 : memref<1000000x64xf32, #tpu.memory_space<hbm>>) target(%dma_start3A_1256 : memref<20x64xf32, #tpu.memory_space<vmem>>) offsets(%dma_start3A_1259 : memref<20xi32, #tpu.memory_space<vmem>>) semaphore(%dma_start3A_1264 : memref<!tpu.dma_semaphore, #tpu.memory_space<semaphore_mem>>)
        %mul3A_1265 = arith.constant 16 : i32
        %mul3A_1266 = arith.muli %add3A_1131, %mul3A_1265 : i32
        %add3A_1267 = arith.constant 7 : i32
        %add3A_1268 = arith.addi %mul3A_1266, %add3A_1267 : i32
        %dma_start3A_1269 = arith.constant 2 : i32
        %dma_start3A_1270 = arith.constant 7 : i32
        %dma_start3A_1271 = arith.constant 2 : i32
        %dma_start3A_1272 = arith.constant 0 : i32
        %dma_start3A_1273 = arith.constant 0 : i32
        %dma_start3A_1274 = tpu.memref_slice %arg6[%dma_start3A_1269, %dma_start3A_1270, %dma_start3A_1272, %dma_start3A_1273] : memref<4x16x20x64xf32, #tpu.memory_space<vmem>> -> memref<1x1x20x64xf32, #tpu.memory_space<vmem>>
        %dma_start3A_1275 = tpu.memref_squeeze %dma_start3A_1274 : memref<1x1x20x64xf32, #tpu.memory_space<vmem>> -> memref<20x64xf32, #tpu.memory_space<vmem>>
        %dma_start3A_1276 = arith.constant 0 : i32
        %dma_start3A_1277 = tpu.memref_slice %arg5[%add3A_1268, %dma_start3A_1276] : memref<512x20xi32, #tpu.memory_space<vmem>> -> memref<1x20xi32, #tpu.memory_space<vmem>>
        %dma_start3A_1278 = tpu.memref_squeeze %dma_start3A_1277 : memref<1x20xi32, #tpu.memory_space<vmem>> -> memref<20xi32, #tpu.memory_space<vmem>>
        %dma_start3A_1279 = arith.constant 0 : i32
        %dma_start3A_1280 = arith.constant 0 : i32
        %dma_start3A_1281 = tpu.memref_slice %arg3[%dma_start3A_1279, %dma_start3A_1280] : memref<1000000x64xf32, #tpu.memory_space<hbm>> -> memref<1000000x64xf32, #tpu.memory_space<hbm>>
        %dma_start3A_1282 = tpu.memref_slice %arg7[%dma_start3A_1271] : memref<4x!tpu.dma_semaphore, #tpu.memory_space<semaphore_mem>> -> memref<1x!tpu.dma_semaphore, #tpu.memory_space<semaphore_mem>>
        %dma_start3A_1283 = tpu.memref_squeeze %dma_start3A_1282 : memref<1x!tpu.dma_semaphore, #tpu.memory_space<semaphore_mem>> -> memref<!tpu.dma_semaphore, #tpu.memory_space<semaphore_mem>>
        tpu.enqueue_indirect_dma source(%dma_start3A_1281 : memref<1000000x64xf32, #tpu.memory_space<hbm>>) target(%dma_start3A_1275 : memref<20x64xf32, #tpu.memory_space<vmem>>) offsets(%dma_start3A_1278 : memref<20xi32, #tpu.memory_space<vmem>>) semaphore(%dma_start3A_1283 : memref<!tpu.dma_semaphore, #tpu.memory_space<semaphore_mem>>)
        %mul3A_1284 = arith.constant 16 : i32
        %mul3A_1285 = arith.muli %add3A_1131, %mul3A_1284 : i32
        %add3A_1286 = arith.constant 8 : i32
        %add3A_1287 = arith.addi %mul3A_1285, %add3A_1286 : i32
        %dma_start3A_1288 = arith.constant 2 : i32
        %dma_start3A_1289 = arith.constant 8 : i32
        %dma_start3A_1290 = arith.constant 2 : i32
        %dma_start3A_1291 = arith.constant 0 : i32
        %dma_start3A_1292 = arith.constant 0 : i32
        %dma_start3A_1293 = tpu.memref_slice %arg6[%dma_start3A_1288, %dma_start3A_1289, %dma_start3A_1291, %dma_start3A_1292] : memref<4x16x20x64xf32, #tpu.memory_space<vmem>> -> memref<1x1x20x64xf32, #tpu.memory_space<vmem>>
        %dma_start3A_1294 = tpu.memref_squeeze %dma_start3A_1293 : memref<1x1x20x64xf32, #tpu.memory_space<vmem>> -> memref<20x64xf32, #tpu.memory_space<vmem>>
        %dma_start3A_1295 = arith.constant 0 : i32
        %dma_start3A_1296 = tpu.memref_slice %arg5[%add3A_1287, %dma_start3A_1295] : memref<512x20xi32, #tpu.memory_space<vmem>> -> memref<1x20xi32, #tpu.memory_space<vmem>>
        %dma_start3A_1297 = tpu.memref_squeeze %dma_start3A_1296 : memref<1x20xi32, #tpu.memory_space<vmem>> -> memref<20xi32, #tpu.memory_space<vmem>>
        %dma_start3A_1298 = arith.constant 0 : i32
        %dma_start3A_1299 = arith.constant 0 : i32
        %dma_start3A_1300 = tpu.memref_slice %arg3[%dma_start3A_1298, %dma_start3A_1299] : memref<1000000x64xf32, #tpu.memory_space<hbm>> -> memref<1000000x64xf32, #tpu.memory_space<hbm>>
        %dma_start3A_1301 = tpu.memref_slice %arg7[%dma_start3A_1290] : memref<4x!tpu.dma_semaphore, #tpu.memory_space<semaphore_mem>> -> memref<1x!tpu.dma_semaphore, #tpu.memory_space<semaphore_mem>>
        %dma_start3A_1302 = tpu.memref_squeeze %dma_start3A_1301 : memref<1x!tpu.dma_semaphore, #tpu.memory_space<semaphore_mem>> -> memref<!tpu.dma_semaphore, #tpu.memory_space<semaphore_mem>>
        tpu.enqueue_indirect_dma source(%dma_start3A_1300 : memref<1000000x64xf32, #tpu.memory_space<hbm>>) target(%dma_start3A_1294 : memref<20x64xf32, #tpu.memory_space<vmem>>) offsets(%dma_start3A_1297 : memref<20xi32, #tpu.memory_space<vmem>>) semaphore(%dma_start3A_1302 : memref<!tpu.dma_semaphore, #tpu.memory_space<semaphore_mem>>)
        %mul3A_1303 = arith.constant 16 : i32
        %mul3A_1304 = arith.muli %add3A_1131, %mul3A_1303 : i32
        %add3A_1305 = arith.constant 9 : i32
        %add3A_1306 = arith.addi %mul3A_1304, %add3A_1305 : i32
        %dma_start3A_1307 = arith.constant 2 : i32
        %dma_start3A_1308 = arith.constant 9 : i32
        %dma_start3A_1309 = arith.constant 2 : i32
        %dma_start3A_1310 = arith.constant 0 : i32
        %dma_start3A_1311 = arith.constant 0 : i32
        %dma_start3A_1312 = tpu.memref_slice %arg6[%dma_start3A_1307, %dma_start3A_1308, %dma_start3A_1310, %dma_start3A_1311] : memref<4x16x20x64xf32, #tpu.memory_space<vmem>> -> memref<1x1x20x64xf32, #tpu.memory_space<vmem>>
        %dma_start3A_1313 = tpu.memref_squeeze %dma_start3A_1312 : memref<1x1x20x64xf32, #tpu.memory_space<vmem>> -> memref<20x64xf32, #tpu.memory_space<vmem>>
        %dma_start3A_1314 = arith.constant 0 : i32
        %dma_start3A_1315 = tpu.memref_slice %arg5[%add3A_1306, %dma_start3A_1314] : memref<512x20xi32, #tpu.memory_space<vmem>> -> memref<1x20xi32, #tpu.memory_space<vmem>>
        %dma_start3A_1316 = tpu.memref_squeeze %dma_start3A_1315 : memref<1x20xi32, #tpu.memory_space<vmem>> -> memref<20xi32, #tpu.memory_space<vmem>>
        %dma_start3A_1317 = arith.constant 0 : i32
        %dma_start3A_1318 = arith.constant 0 : i32
        %dma_start3A_1319 = tpu.memref_slice %arg3[%dma_start3A_1317, %dma_start3A_1318] : memref<1000000x64xf32, #tpu.memory_space<hbm>> -> memref<1000000x64xf32, #tpu.memory_space<hbm>>
        %dma_start3A_1320 = tpu.memref_slice %arg7[%dma_start3A_1309] : memref<4x!tpu.dma_semaphore, #tpu.memory_space<semaphore_mem>> -> memref<1x!tpu.dma_semaphore, #tpu.memory_space<semaphore_mem>>
        %dma_start3A_1321 = tpu.memref_squeeze %dma_start3A_1320 : memref<1x!tpu.dma_semaphore, #tpu.memory_space<semaphore_mem>> -> memref<!tpu.dma_semaphore, #tpu.memory_space<semaphore_mem>>
        tpu.enqueue_indirect_dma source(%dma_start3A_1319 : memref<1000000x64xf32, #tpu.memory_space<hbm>>) target(%dma_start3A_1313 : memref<20x64xf32, #tpu.memory_space<vmem>>) offsets(%dma_start3A_1316 : memref<20xi32, #tpu.memory_space<vmem>>) semaphore(%dma_start3A_1321 : memref<!tpu.dma_semaphore, #tpu.memory_space<semaphore_mem>>)
        %mul3A_1322 = arith.constant 16 : i32
        %mul3A_1323 = arith.muli %add3A_1131, %mul3A_1322 : i32
        %add3A_1324 = arith.constant 10 : i32
        %add3A_1325 = arith.addi %mul3A_1323, %add3A_1324 : i32
        %dma_start3A_1326 = arith.constant 2 : i32
        %dma_start3A_1327 = arith.constant 10 : i32
        %dma_start3A_1328 = arith.constant 2 : i32
        %dma_start3A_1329 = arith.constant 0 : i32
        %dma_start3A_1330 = arith.constant 0 : i32
        %dma_start3A_1331 = tpu.memref_slice %arg6[%dma_start3A_1326, %dma_start3A_1327, %dma_start3A_1329, %dma_start3A_1330] : memref<4x16x20x64xf32, #tpu.memory_space<vmem>> -> memref<1x1x20x64xf32, #tpu.memory_space<vmem>>
        %dma_start3A_1332 = tpu.memref_squeeze %dma_start3A_1331 : memref<1x1x20x64xf32, #tpu.memory_space<vmem>> -> memref<20x64xf32, #tpu.memory_space<vmem>>
        %dma_start3A_1333 = arith.constant 0 : i32
        %dma_start3A_1334 = tpu.memref_slice %arg5[%add3A_1325, %dma_start3A_1333] : memref<512x20xi32, #tpu.memory_space<vmem>> -> memref<1x20xi32, #tpu.memory_space<vmem>>
        %dma_start3A_1335 = tpu.memref_squeeze %dma_start3A_1334 : memref<1x20xi32, #tpu.memory_space<vmem>> -> memref<20xi32, #tpu.memory_space<vmem>>
        %dma_start3A_1336 = arith.constant 0 : i32
        %dma_start3A_1337 = arith.constant 0 : i32
        %dma_start3A_1338 = tpu.memref_slice %arg3[%dma_start3A_1336, %dma_start3A_1337] : memref<1000000x64xf32, #tpu.memory_space<hbm>> -> memref<1000000x64xf32, #tpu.memory_space<hbm>>
        %dma_start3A_1339 = tpu.memref_slice %arg7[%dma_start3A_1328] : memref<4x!tpu.dma_semaphore, #tpu.memory_space<semaphore_mem>> -> memref<1x!tpu.dma_semaphore, #tpu.memory_space<semaphore_mem>>
        %dma_start3A_1340 = tpu.memref_squeeze %dma_start3A_1339 : memref<1x!tpu.dma_semaphore, #tpu.memory_space<semaphore_mem>> -> memref<!tpu.dma_semaphore, #tpu.memory_space<semaphore_mem>>
        tpu.enqueue_indirect_dma source(%dma_start3A_1338 : memref<1000000x64xf32, #tpu.memory_space<hbm>>) target(%dma_start3A_1332 : memref<20x64xf32, #tpu.memory_space<vmem>>) offsets(%dma_start3A_1335 : memref<20xi32, #tpu.memory_space<vmem>>) semaphore(%dma_start3A_1340 : memref<!tpu.dma_semaphore, #tpu.memory_space<semaphore_mem>>)
        %mul3A_1341 = arith.constant 16 : i32
        %mul3A_1342 = arith.muli %add3A_1131, %mul3A_1341 : i32
        %add3A_1343 = arith.constant 11 : i32
        %add3A_1344 = arith.addi %mul3A_1342, %add3A_1343 : i32
        %dma_start3A_1345 = arith.constant 2 : i32
        %dma_start3A_1346 = arith.constant 11 : i32
        %dma_start3A_1347 = arith.constant 2 : i32
        %dma_start3A_1348 = arith.constant 0 : i32
        %dma_start3A_1349 = arith.constant 0 : i32
        %dma_start3A_1350 = tpu.memref_slice %arg6[%dma_start3A_1345, %dma_start3A_1346, %dma_start3A_1348, %dma_start3A_1349] : memref<4x16x20x64xf32, #tpu.memory_space<vmem>> -> memref<1x1x20x64xf32, #tpu.memory_space<vmem>>
        %dma_start3A_1351 = tpu.memref_squeeze %dma_start3A_1350 : memref<1x1x20x64xf32, #tpu.memory_space<vmem>> -> memref<20x64xf32, #tpu.memory_space<vmem>>
        %dma_start3A_1352 = arith.constant 0 : i32
        %dma_start3A_1353 = tpu.memref_slice %arg5[%add3A_1344, %dma_start3A_1352] : memref<512x20xi32, #tpu.memory_space<vmem>> -> memref<1x20xi32, #tpu.memory_space<vmem>>
        %dma_start3A_1354 = tpu.memref_squeeze %dma_start3A_1353 : memref<1x20xi32, #tpu.memory_space<vmem>> -> memref<20xi32, #tpu.memory_space<vmem>>
        %dma_start3A_1355 = arith.constant 0 : i32
        %dma_start3A_1356 = arith.constant 0 : i32
        %dma_start3A_1357 = tpu.memref_slice %arg3[%dma_start3A_1355, %dma_start3A_1356] : memref<1000000x64xf32, #tpu.memory_space<hbm>> -> memref<1000000x64xf32, #tpu.memory_space<hbm>>
        %dma_start3A_1358 = tpu.memref_slice %arg7[%dma_start3A_1347] : memref<4x!tpu.dma_semaphore, #tpu.memory_space<semaphore_mem>> -> memref<1x!tpu.dma_semaphore, #tpu.memory_space<semaphore_mem>>
        %dma_start3A_1359 = tpu.memref_squeeze %dma_start3A_1358 : memref<1x!tpu.dma_semaphore, #tpu.memory_space<semaphore_mem>> -> memref<!tpu.dma_semaphore, #tpu.memory_space<semaphore_mem>>
        tpu.enqueue_indirect_dma source(%dma_start3A_1357 : memref<1000000x64xf32, #tpu.memory_space<hbm>>) target(%dma_start3A_1351 : memref<20x64xf32, #tpu.memory_space<vmem>>) offsets(%dma_start3A_1354 : memref<20xi32, #tpu.memory_space<vmem>>) semaphore(%dma_start3A_1359 : memref<!tpu.dma_semaphore, #tpu.memory_space<semaphore_mem>>)
        %mul3A_1360 = arith.constant 16 : i32
        %mul3A_1361 = arith.muli %add3A_1131, %mul3A_1360 : i32
        %add3A_1362 = arith.constant 12 : i32
        %add3A_1363 = arith.addi %mul3A_1361, %add3A_1362 : i32
        %dma_start3A_1364 = arith.constant 2 : i32
        %dma_start3A_1365 = arith.constant 12 : i32
        %dma_start3A_1366 = arith.constant 2 : i32
        %dma_start3A_1367 = arith.constant 0 : i32
        %dma_start3A_1368 = arith.constant 0 : i32
        %dma_start3A_1369 = tpu.memref_slice %arg6[%dma_start3A_1364, %dma_start3A_1365, %dma_start3A_1367, %dma_start3A_1368] : memref<4x16x20x64xf32, #tpu.memory_space<vmem>> -> memref<1x1x20x64xf32, #tpu.memory_space<vmem>>
        %dma_start3A_1370 = tpu.memref_squeeze %dma_start3A_1369 : memref<1x1x20x64xf32, #tpu.memory_space<vmem>> -> memref<20x64xf32, #tpu.memory_space<vmem>>
        %dma_start3A_1371 = arith.constant 0 : i32
        %dma_start3A_1372 = tpu.memref_slice %arg5[%add3A_1363, %dma_start3A_1371] : memref<512x20xi32, #tpu.memory_space<vmem>> -> memref<1x20xi32, #tpu.memory_space<vmem>>
        %dma_start3A_1373 = tpu.memref_squeeze %dma_start3A_1372 : memref<1x20xi32, #tpu.memory_space<vmem>> -> memref<20xi32, #tpu.memory_space<vmem>>
        %dma_start3A_1374 = arith.constant 0 : i32
        %dma_start3A_1375 = arith.constant 0 : i32
        %dma_start3A_1376 = tpu.memref_slice %arg3[%dma_start3A_1374, %dma_start3A_1375] : memref<1000000x64xf32, #tpu.memory_space<hbm>> -> memref<1000000x64xf32, #tpu.memory_space<hbm>>
        %dma_start3A_1377 = tpu.memref_slice %arg7[%dma_start3A_1366] : memref<4x!tpu.dma_semaphore, #tpu.memory_space<semaphore_mem>> -> memref<1x!tpu.dma_semaphore, #tpu.memory_space<semaphore_mem>>
        %dma_start3A_1378 = tpu.memref_squeeze %dma_start3A_1377 : memref<1x!tpu.dma_semaphore, #tpu.memory_space<semaphore_mem>> -> memref<!tpu.dma_semaphore, #tpu.memory_space<semaphore_mem>>
        tpu.enqueue_indirect_dma source(%dma_start3A_1376 : memref<1000000x64xf32, #tpu.memory_space<hbm>>) target(%dma_start3A_1370 : memref<20x64xf32, #tpu.memory_space<vmem>>) offsets(%dma_start3A_1373 : memref<20xi32, #tpu.memory_space<vmem>>) semaphore(%dma_start3A_1378 : memref<!tpu.dma_semaphore, #tpu.memory_space<semaphore_mem>>)
        %mul3A_1379 = arith.constant 16 : i32
        %mul3A_1380 = arith.muli %add3A_1131, %mul3A_1379 : i32
        %add3A_1381 = arith.constant 13 : i32
        %add3A_1382 = arith.addi %mul3A_1380, %add3A_1381 : i32
        %dma_start3A_1383 = arith.constant 2 : i32
        %dma_start3A_1384 = arith.constant 13 : i32
        %dma_start3A_1385 = arith.constant 2 : i32
        %dma_start3A_1386 = arith.constant 0 : i32
        %dma_start3A_1387 = arith.constant 0 : i32
        %dma_start3A_1388 = tpu.memref_slice %arg6[%dma_start3A_1383, %dma_start3A_1384, %dma_start3A_1386, %dma_start3A_1387] : memref<4x16x20x64xf32, #tpu.memory_space<vmem>> -> memref<1x1x20x64xf32, #tpu.memory_space<vmem>>
        %dma_start3A_1389 = tpu.memref_squeeze %dma_start3A_1388 : memref<1x1x20x64xf32, #tpu.memory_space<vmem>> -> memref<20x64xf32, #tpu.memory_space<vmem>>
        %dma_start3A_1390 = arith.constant 0 : i32
        %dma_start3A_1391 = tpu.memref_slice %arg5[%add3A_1382, %dma_start3A_1390] : memref<512x20xi32, #tpu.memory_space<vmem>> -> memref<1x20xi32, #tpu.memory_space<vmem>>
        %dma_start3A_1392 = tpu.memref_squeeze %dma_start3A_1391 : memref<1x20xi32, #tpu.memory_space<vmem>> -> memref<20xi32, #tpu.memory_space<vmem>>
        %dma_start3A_1393 = arith.constant 0 : i32
        %dma_start3A_1394 = arith.constant 0 : i32
        %dma_start3A_1395 = tpu.memref_slice %arg3[%dma_start3A_1393, %dma_start3A_1394] : memref<1000000x64xf32, #tpu.memory_space<hbm>> -> memref<1000000x64xf32, #tpu.memory_space<hbm>>
        %dma_start3A_1396 = tpu.memref_slice %arg7[%dma_start3A_1385] : memref<4x!tpu.dma_semaphore, #tpu.memory_space<semaphore_mem>> -> memref<1x!tpu.dma_semaphore, #tpu.memory_space<semaphore_mem>>
        %dma_start3A_1397 = tpu.memref_squeeze %dma_start3A_1396 : memref<1x!tpu.dma_semaphore, #tpu.memory_space<semaphore_mem>> -> memref<!tpu.dma_semaphore, #tpu.memory_space<semaphore_mem>>
        tpu.enqueue_indirect_dma source(%dma_start3A_1395 : memref<1000000x64xf32, #tpu.memory_space<hbm>>) target(%dma_start3A_1389 : memref<20x64xf32, #tpu.memory_space<vmem>>) offsets(%dma_start3A_1392 : memref<20xi32, #tpu.memory_space<vmem>>) semaphore(%dma_start3A_1397 : memref<!tpu.dma_semaphore, #tpu.memory_space<semaphore_mem>>)
        %mul3A_1398 = arith.constant 16 : i32
        %mul3A_1399 = arith.muli %add3A_1131, %mul3A_1398 : i32
        %add3A_1400 = arith.constant 14 : i32
        %add3A_1401 = arith.addi %mul3A_1399, %add3A_1400 : i32
        %dma_start3A_1402 = arith.constant 2 : i32
        %dma_start3A_1403 = arith.constant 14 : i32
        %dma_start3A_1404 = arith.constant 2 : i32
        %dma_start3A_1405 = arith.constant 0 : i32
        %dma_start3A_1406 = arith.constant 0 : i32
        %dma_start3A_1407 = tpu.memref_slice %arg6[%dma_start3A_1402, %dma_start3A_1403, %dma_start3A_1405, %dma_start3A_1406] : memref<4x16x20x64xf32, #tpu.memory_space<vmem>> -> memref<1x1x20x64xf32, #tpu.memory_space<vmem>>
        %dma_start3A_1408 = tpu.memref_squeeze %dma_start3A_1407 : memref<1x1x20x64xf32, #tpu.memory_space<vmem>> -> memref<20x64xf32, #tpu.memory_space<vmem>>
        %dma_start3A_1409 = arith.constant 0 : i32
        %dma_start3A_1410 = tpu.memref_slice %arg5[%add3A_1401, %dma_start3A_1409] : memref<512x20xi32, #tpu.memory_space<vmem>> -> memref<1x20xi32, #tpu.memory_space<vmem>>
        %dma_start3A_1411 = tpu.memref_squeeze %dma_start3A_1410 : memref<1x20xi32, #tpu.memory_space<vmem>> -> memref<20xi32, #tpu.memory_space<vmem>>
        %dma_start3A_1412 = arith.constant 0 : i32
        %dma_start3A_1413 = arith.constant 0 : i32
        %dma_start3A_1414 = tpu.memref_slice %arg3[%dma_start3A_1412, %dma_start3A_1413] : memref<1000000x64xf32, #tpu.memory_space<hbm>> -> memref<1000000x64xf32, #tpu.memory_space<hbm>>
        %dma_start3A_1415 = tpu.memref_slice %arg7[%dma_start3A_1404] : memref<4x!tpu.dma_semaphore, #tpu.memory_space<semaphore_mem>> -> memref<1x!tpu.dma_semaphore, #tpu.memory_space<semaphore_mem>>
        %dma_start3A_1416 = tpu.memref_squeeze %dma_start3A_1415 : memref<1x!tpu.dma_semaphore, #tpu.memory_space<semaphore_mem>> -> memref<!tpu.dma_semaphore, #tpu.memory_space<semaphore_mem>>
        tpu.enqueue_indirect_dma source(%dma_start3A_1414 : memref<1000000x64xf32, #tpu.memory_space<hbm>>) target(%dma_start3A_1408 : memref<20x64xf32, #tpu.memory_space<vmem>>) offsets(%dma_start3A_1411 : memref<20xi32, #tpu.memory_space<vmem>>) semaphore(%dma_start3A_1416 : memref<!tpu.dma_semaphore, #tpu.memory_space<semaphore_mem>>)
        %mul3A_1417 = arith.constant 16 : i32
        %mul3A_1418 = arith.muli %add3A_1131, %mul3A_1417 : i32
        %add3A_1419 = arith.constant 15 : i32
        %add3A_1420 = arith.addi %mul3A_1418, %add3A_1419 : i32
        %dma_start3A_1421 = arith.constant 2 : i32
        %dma_start3A_1422 = arith.constant 15 : i32
        %dma_start3A_1423 = arith.constant 2 : i32
        %dma_start3A_1424 = arith.constant 0 : i32
        %dma_start3A_1425 = arith.constant 0 : i32
        %dma_start3A_1426 = tpu.memref_slice %arg6[%dma_start3A_1421, %dma_start3A_1422, %dma_start3A_1424, %dma_start3A_1425] : memref<4x16x20x64xf32, #tpu.memory_space<vmem>> -> memref<1x1x20x64xf32, #tpu.memory_space<vmem>>
        %dma_start3A_1427 = tpu.memref_squeeze %dma_start3A_1426 : memref<1x1x20x64xf32, #tpu.memory_space<vmem>> -> memref<20x64xf32, #tpu.memory_space<vmem>>
        %dma_start3A_1428 = arith.constant 0 : i32
        %dma_start3A_1429 = tpu.memref_slice %arg5[%add3A_1420, %dma_start3A_1428] : memref<512x20xi32, #tpu.memory_space<vmem>> -> memref<1x20xi32, #tpu.memory_space<vmem>>
        %dma_start3A_1430 = tpu.memref_squeeze %dma_start3A_1429 : memref<1x20xi32, #tpu.memory_space<vmem>> -> memref<20xi32, #tpu.memory_space<vmem>>
        %dma_start3A_1431 = arith.constant 0 : i32
        %dma_start3A_1432 = arith.constant 0 : i32
        %dma_start3A_1433 = tpu.memref_slice %arg3[%dma_start3A_1431, %dma_start3A_1432] : memref<1000000x64xf32, #tpu.memory_space<hbm>> -> memref<1000000x64xf32, #tpu.memory_space<hbm>>
        %dma_start3A_1434 = tpu.memref_slice %arg7[%dma_start3A_1423] : memref<4x!tpu.dma_semaphore, #tpu.memory_space<semaphore_mem>> -> memref<1x!tpu.dma_semaphore, #tpu.memory_space<semaphore_mem>>
        %dma_start3A_1435 = tpu.memref_squeeze %dma_start3A_1434 : memref<1x!tpu.dma_semaphore, #tpu.memory_space<semaphore_mem>> -> memref<!tpu.dma_semaphore, #tpu.memory_space<semaphore_mem>>
        tpu.enqueue_indirect_dma source(%dma_start3A_1433 : memref<1000000x64xf32, #tpu.memory_space<hbm>>) target(%dma_start3A_1427 : memref<20x64xf32, #tpu.memory_space<vmem>>) offsets(%dma_start3A_1430 : memref<20xi32, #tpu.memory_space<vmem>>) semaphore(%dma_start3A_1435 : memref<!tpu.dma_semaphore, #tpu.memory_space<semaphore_mem>>)
      } else {
      }
    }
    %scan3A_774 = arith.constant 8 : i32
    %add3A_775 = arith.constant 448 : i32
    %add3A_776 = arith.addi %mul3A_2, %add3A_775 : i32
    %dma_wait3A = arith.constant 0 : i32
    %dma_wait3A_777 = arith.constant 0 : i32
    %dma_wait3A_778 = arith.constant 0 : i32
    %dma_wait3A_779 = arith.constant 0 : i32
    %dma_wait3A_780 = arith.constant 0 : i32
    %dma_wait3A_781 = tpu.memref_slice %arg6[%dma_wait3A, %dma_wait3A_778, %dma_wait3A_779, %dma_wait3A_780] : memref<4x16x20x64xf32, #tpu.memory_space<vmem>> -> memref<1x16x20x64xf32, #tpu.memory_space<vmem>>
    %dma_wait3A_782 = tpu.memref_squeeze %dma_wait3A_781 : memref<1x16x20x64xf32, #tpu.memory_space<vmem>> -> memref<16x20x64xf32, #tpu.memory_space<vmem>>
    %dma_wait3A_783 = arith.constant 0 : i32
    %dma_wait3A_784 = arith.constant 0 : i32
    %dma_wait3A_785 = tpu.memref_slice %arg4[%add3A_776, %dma_wait3A_783, %dma_wait3A_784] : memref<16384x20x64xf32, #tpu.memory_space<hbm>> -> memref<16x20x64xf32, #tpu.memory_space<hbm>>
    %dma_wait3A_786 = tpu.memref_slice %arg8[%dma_wait3A_777] : memref<4x!tpu.dma_semaphore, #tpu.memory_space<semaphore_mem>> -> memref<1x!tpu.dma_semaphore, #tpu.memory_space<semaphore_mem>>
    %dma_wait3A_787 = tpu.memref_squeeze %dma_wait3A_786 : memref<1x!tpu.dma_semaphore, #tpu.memory_space<semaphore_mem>> -> memref<!tpu.dma_semaphore, #tpu.memory_space<semaphore_mem>>
    %dma_wait3A_788 = arith.constant 0 : i32
    %dma_wait3A_789 = arith.constant 0 : i32
    %dma_wait3A_790 = tpu.memref_slice %arg4[%add3A_776, %dma_wait3A_788, %dma_wait3A_789] : memref<16384x20x64xf32, #tpu.memory_space<hbm>> -> memref<16x20x64xf32, #tpu.memory_space<hbm>>
    %dma_wait3A_791 = arith.constant 0 : i32
    %dma_wait3A_792 = arith.constant 0 : i32
    %dma_wait3A_793 = arith.constant 0 : i32
    %dma_wait3A_794 = tpu.memref_slice %arg6[%dma_wait3A, %dma_wait3A_791, %dma_wait3A_792, %dma_wait3A_793] : memref<4x16x20x64xf32, #tpu.memory_space<vmem>> -> memref<1x16x20x64xf32, #tpu.memory_space<vmem>>
    %dma_wait3A_795 = tpu.memref_squeeze %dma_wait3A_794 : memref<1x16x20x64xf32, #tpu.memory_space<vmem>> -> memref<16x20x64xf32, #tpu.memory_space<vmem>>
    tpu.wait_dma2 semaphore(%dma_wait3A_787 : memref<!tpu.dma_semaphore, #tpu.memory_space<semaphore_mem>>) src(%dma_wait3A_795 : memref<16x20x64xf32, #tpu.memory_space<vmem>>) dst(%dma_wait3A_790 : memref<16x20x64xf32, #tpu.memory_space<hbm>>)
    %add3A_796 = arith.constant 464 : i32
    %add3A_797 = arith.addi %mul3A_2, %add3A_796 : i32
    %dma_wait3A_798 = arith.constant 1 : i32
    %dma_wait3A_799 = arith.constant 1 : i32
    %dma_wait3A_800 = arith.constant 0 : i32
    %dma_wait3A_801 = arith.constant 0 : i32
    %dma_wait3A_802 = arith.constant 0 : i32
    %dma_wait3A_803 = tpu.memref_slice %arg6[%dma_wait3A_798, %dma_wait3A_800, %dma_wait3A_801, %dma_wait3A_802] : memref<4x16x20x64xf32, #tpu.memory_space<vmem>> -> memref<1x16x20x64xf32, #tpu.memory_space<vmem>>
    %dma_wait3A_804 = tpu.memref_squeeze %dma_wait3A_803 : memref<1x16x20x64xf32, #tpu.memory_space<vmem>> -> memref<16x20x64xf32, #tpu.memory_space<vmem>>
    %dma_wait3A_805 = arith.constant 0 : i32
    %dma_wait3A_806 = arith.constant 0 : i32
    %dma_wait3A_807 = tpu.memref_slice %arg4[%add3A_797, %dma_wait3A_805, %dma_wait3A_806] : memref<16384x20x64xf32, #tpu.memory_space<hbm>> -> memref<16x20x64xf32, #tpu.memory_space<hbm>>
    %dma_wait3A_808 = tpu.memref_slice %arg8[%dma_wait3A_799] : memref<4x!tpu.dma_semaphore, #tpu.memory_space<semaphore_mem>> -> memref<1x!tpu.dma_semaphore, #tpu.memory_space<semaphore_mem>>
    %dma_wait3A_809 = tpu.memref_squeeze %dma_wait3A_808 : memref<1x!tpu.dma_semaphore, #tpu.memory_space<semaphore_mem>> -> memref<!tpu.dma_semaphore, #tpu.memory_space<semaphore_mem>>
    %dma_wait3A_810 = arith.constant 0 : i32
    %dma_wait3A_811 = arith.constant 0 : i32
    %dma_wait3A_812 = tpu.memref_slice %arg4[%add3A_797, %dma_wait3A_810, %dma_wait3A_811] : memref<16384x20x64xf32, #tpu.memory_space<hbm>> -> memref<16x20x64xf32, #tpu.memory_space<hbm>>
    %dma_wait3A_813 = arith.constant 0 : i32
    %dma_wait3A_814 = arith.constant 0 : i32
    %dma_wait3A_815 = arith.constant 0 : i32
    %dma_wait3A_816 = tpu.memref_slice %arg6[%dma_wait3A_798, %dma_wait3A_813, %dma_wait3A_814, %dma_wait3A_815] : memref<4x16x20x64xf32, #tpu.memory_space<vmem>> -> memref<1x16x20x64xf32, #tpu.memory_space<vmem>>
    %dma_wait3A_817 = tpu.memref_squeeze %dma_wait3A_816 : memref<1x16x20x64xf32, #tpu.memory_space<vmem>> -> memref<16x20x64xf32, #tpu.memory_space<vmem>>
    tpu.wait_dma2 semaphore(%dma_wait3A_809 : memref<!tpu.dma_semaphore, #tpu.memory_space<semaphore_mem>>) src(%dma_wait3A_817 : memref<16x20x64xf32, #tpu.memory_space<vmem>>) dst(%dma_wait3A_812 : memref<16x20x64xf32, #tpu.memory_space<hbm>>)
    %add3A_818 = arith.constant 480 : i32
    %add3A_819 = arith.addi %mul3A_2, %add3A_818 : i32
    %dma_wait3A_820 = arith.constant 2 : i32
    %dma_wait3A_821 = arith.constant 2 : i32
    %dma_wait3A_822 = arith.constant 0 : i32
    %dma_wait3A_823 = arith.constant 0 : i32
    %dma_wait3A_824 = arith.constant 0 : i32
    %dma_wait3A_825 = tpu.memref_slice %arg6[%dma_wait3A_820, %dma_wait3A_822, %dma_wait3A_823, %dma_wait3A_824] : memref<4x16x20x64xf32, #tpu.memory_space<vmem>> -> memref<1x16x20x64xf32, #tpu.memory_space<vmem>>
    %dma_wait3A_826 = tpu.memref_squeeze %dma_wait3A_825 : memref<1x16x20x64xf32, #tpu.memory_space<vmem>> -> memref<16x20x64xf32, #tpu.memory_space<vmem>>
    %dma_wait3A_827 = arith.constant 0 : i32
    %dma_wait3A_828 = arith.constant 0 : i32
    %dma_wait3A_829 = tpu.memref_slice %arg4[%add3A_819, %dma_wait3A_827, %dma_wait3A_828] : memref<16384x20x64xf32, #tpu.memory_space<hbm>> -> memref<16x20x64xf32, #tpu.memory_space<hbm>>
    %dma_wait3A_830 = tpu.memref_slice %arg8[%dma_wait3A_821] : memref<4x!tpu.dma_semaphore, #tpu.memory_space<semaphore_mem>> -> memref<1x!tpu.dma_semaphore, #tpu.memory_space<semaphore_mem>>
    %dma_wait3A_831 = tpu.memref_squeeze %dma_wait3A_830 : memref<1x!tpu.dma_semaphore, #tpu.memory_space<semaphore_mem>> -> memref<!tpu.dma_semaphore, #tpu.memory_space<semaphore_mem>>
    %dma_wait3A_832 = arith.constant 0 : i32
    %dma_wait3A_833 = arith.constant 0 : i32
    %dma_wait3A_834 = tpu.memref_slice %arg4[%add3A_819, %dma_wait3A_832, %dma_wait3A_833] : memref<16384x20x64xf32, #tpu.memory_space<hbm>> -> memref<16x20x64xf32, #tpu.memory_space<hbm>>
    %dma_wait3A_835 = arith.constant 0 : i32
    %dma_wait3A_836 = arith.constant 0 : i32
    %dma_wait3A_837 = arith.constant 0 : i32
    %dma_wait3A_838 = tpu.memref_slice %arg6[%dma_wait3A_820, %dma_wait3A_835, %dma_wait3A_836, %dma_wait3A_837] : memref<4x16x20x64xf32, #tpu.memory_space<vmem>> -> memref<1x16x20x64xf32, #tpu.memory_space<vmem>>
    %dma_wait3A_839 = tpu.memref_squeeze %dma_wait3A_838 : memref<1x16x20x64xf32, #tpu.memory_space<vmem>> -> memref<16x20x64xf32, #tpu.memory_space<vmem>>
    tpu.wait_dma2 semaphore(%dma_wait3A_831 : memref<!tpu.dma_semaphore, #tpu.memory_space<semaphore_mem>>) src(%dma_wait3A_839 : memref<16x20x64xf32, #tpu.memory_space<vmem>>) dst(%dma_wait3A_834 : memref<16x20x64xf32, #tpu.memory_space<hbm>>)
    %add3A_840 = arith.constant 496 : i32
    %add3A_841 = arith.addi %mul3A_2, %add3A_840 : i32
    %dma_wait3A_842 = arith.constant 3 : i32
    %dma_wait3A_843 = arith.constant 3 : i32
    %dma_wait3A_844 = arith.constant 0 : i32
    %dma_wait3A_845 = arith.constant 0 : i32
    %dma_wait3A_846 = arith.constant 0 : i32
    %dma_wait3A_847 = tpu.memref_slice %arg6[%dma_wait3A_842, %dma_wait3A_844, %dma_wait3A_845, %dma_wait3A_846] : memref<4x16x20x64xf32, #tpu.memory_space<vmem>> -> memref<1x16x20x64xf32, #tpu.memory_space<vmem>>
    %dma_wait3A_848 = tpu.memref_squeeze %dma_wait3A_847 : memref<1x16x20x64xf32, #tpu.memory_space<vmem>> -> memref<16x20x64xf32, #tpu.memory_space<vmem>>
    %dma_wait3A_849 = arith.constant 0 : i32
    %dma_wait3A_850 = arith.constant 0 : i32
    %dma_wait3A_851 = tpu.memref_slice %arg4[%add3A_841, %dma_wait3A_849, %dma_wait3A_850] : memref<16384x20x64xf32, #tpu.memory_space<hbm>> -> memref<16x20x64xf32, #tpu.memory_space<hbm>>
    %dma_wait3A_852 = tpu.memref_slice %arg8[%dma_wait3A_843] : memref<4x!tpu.dma_semaphore, #tpu.memory_space<semaphore_mem>> -> memref<1x!tpu.dma_semaphore, #tpu.memory_space<semaphore_mem>>
    %dma_wait3A_853 = tpu.memref_squeeze %dma_wait3A_852 : memref<1x!tpu.dma_semaphore, #tpu.memory_space<semaphore_mem>> -> memref<!tpu.dma_semaphore, #tpu.memory_space<semaphore_mem>>
    %dma_wait3A_854 = arith.constant 0 : i32
    %dma_wait3A_855 = arith.constant 0 : i32
    %dma_wait3A_856 = tpu.memref_slice %arg4[%add3A_841, %dma_wait3A_854, %dma_wait3A_855] : memref<16384x20x64xf32, #tpu.memory_space<hbm>> -> memref<16x20x64xf32, #tpu.memory_space<hbm>>
    %dma_wait3A_857 = arith.constant 0 : i32
    %dma_wait3A_858 = arith.constant 0 : i32
    %dma_wait3A_859 = arith.constant 0 : i32
    %dma_wait3A_860 = tpu.memref_slice %arg6[%dma_wait3A_842, %dma_wait3A_857, %dma_wait3A_858, %dma_wait3A_859] : memref<4x16x20x64xf32, #tpu.memory_space<vmem>> -> memref<1x16x20x64xf32, #tpu.memory_space<vmem>>
    %dma_wait3A_861 = tpu.memref_squeeze %dma_wait3A_860 : memref<1x16x20x64xf32, #tpu.memory_space<vmem>> -> memref<16x20x64xf32, #tpu.memory_space<vmem>>
    tpu.wait_dma2 semaphore(%dma_wait3A_853 : memref<!tpu.dma_semaphore, #tpu.memory_space<semaphore_mem>>) src(%dma_wait3A_861 : memref<16x20x64xf32, #tpu.memory_space<vmem>>) dst(%dma_wait3A_856 : memref<16x20x64xf32, #tpu.memory_space<hbm>>)
    return
  }
}

</mosaic_0001>

<sc_bundles>
// kernel: kernel.3.cloned.1.call-start
scs
__scs_entry_jumppad:
0x0: {  	(pc) =	sbr.rel $0x88, $3  }
0x1: {  	(tag) =	ssettag $0x0;
	lr =	simm.s32 $0x1  }
0x2: {  	[smem:$0x3F9F] =	sst lr;
	_ =	strace $0xD0000000  }
0x3: {  	_ = 	snop  }
0x4: {  	_ = 	snop  }
0x5: {  	_ = 	snop  }
0x6: {  	_ = 	snop  }
0x7: {  	_ = 	snop  }
__scs_overlays_trampoline_lowered:
0x8: {  	[smem:$0x3FAE] =	sst s0  }
0x9: {  	[smem:$0x3FAF] =	sst s1  }
0xa: {  	[smem:$0x3FB0] =	sst s2  }
0xb: {  	[smem:$0x3FB1] =	sst s3  }
0xc: {  	[smem:$0x3FB2] =	sst s4  }
0xd: {  	[smem:$0x3FB3] =	sst s5  }
0xe: {  	[smem:$0x3FB4] =	sst s6  }
0xf: {  	[smem:$0x3FB5] =	sst s7  }
0x10: {  	[smem:$0x3FB6] =	sst s8  }
0x11: {  	[smem:$0x3FB7] =	sst s9;
	s0 =	simm.s32 @!p0 $0x0  }
0x12: {  	s1 =	sld [smem:$0x3F9D];
	s0 =	simm.s32 @p0 $0x1  }
0x13: {  	[smem:$0x3FB8] =	sst s0;
	s0 =	simm.s32 @!p1 $0x0  }
0x14: {  	s2 =	sld [smem:$0x3F9C];
	s0 =	simm.s32 @p1 $0x1  }
0x15: {  	[smem:$0x3FB9] =	sst s0;
	s0 =	simm.s32 @!p2 $0x0  }
0x16: {  	s3 =	sld [smem:$0x3FDB];
	s0 =	simm.s32 @p2 $0x1  }
0x17: {  	s4 =	simm.s32 $0x1BF5;
	[smem:$0x3FBB] =	sst s0  }
0x18: {  	s0 =	sld [smem:$0x3F9E];
	_ =	swait.ge [sflag:s4], $0x0  }
0x19: {  	s7 =	sld [smem:$0x3F9F]  }
0x1a: {  	s8 =	sadd.s32 $0xFFFFE003, lr  }
0x1b: {  	s9 =	sadd.s32 $0xFFFFFEF7, lr;
	s5 =	simm.s32 $0xFFFFFFFF;
	p2 =	slt.u32 s8, $0xFFFFF086  }
0x1c: {  	p1 =	slt.u32 s9, $0xF7A;
	s5 =	simm.s32 @!p2 $0x0  }
0x1d: {  	s5 =	simm.s32 @p1 $0x1;
	p0 =	seq.s32 s7, s2  }
0x1e: {  	s7 =	smul.u32 @!p0 $0xF7A, s2;
	p2 =	seq.s32 @!p0 s5, $0x0  }
0x1f: {  	s9 =	smul.u32 $0xF7A, s1;
	s8 =	simm.s32 @!p0 $0x1BF5;
	p2 =	por !p2, p0  }
0x20: {  	[sflag:s8] =	ssyncset.s32 @!p0 $0xFFFFF086;
	s6 =	sadd.s32 @!p0 s3, s7;
	s7 =	simm.s32 @!p0 $0x108  }
0x21: {  	s3 =	sadd.s32 s3, s9;
	s6 =	sadd.s32 @!p0 $0x88, s6;
	s7 =	simm.s32 @p2 $0x1082  }
0x22: {  	[simem:s7], [sflag:s8] =	dma.local @!p0 [hbm:s6], $0xF7A  }
0x23: {  	s9 =	sor.u32 $0xD0000000, s2;
	s6 =	simm.s32 $0x108;
	_ =	swait.ge @!p0 [sflag:s8], $0x0  }
0x24: {  	s3 =	sadd.s32 $0x88, s3;
	s6 =	simm.s32 @!p1 $0x1082;
	[sflag:s4] =	ssyncset.s32 $0xFFFFF086  }
0x25: {  	[simem:s6], [sflag:s4] =	dma.local [hbm:s3], $0xF7A  }
0x26: {  	[smem:$0x3F9F] =	sst s1;
	(tag) =	ssettag s2;
	_ =	strace s9  }
0x27: {  	s1 =	sld [smem:$0x3FAF]  }
0x28: {  	s2 =	sld [smem:$0x3FB0]  }
0x29: {  	s4 =	sld [smem:$0x3FB2]  }
0x2a: {  	p0 =	seq.s32 s5, $0x0;
	s5 =	sld [smem:$0x3FB3]  }
0x2b: {  	s6 =	sld [smem:$0x3FB4]  }
0x2c: {  	s7 =	sld [smem:$0x3FB5]  }
0x2d: {  	s3 =	simm.s32 $0x108;
	s8 =	sld [smem:$0x3FB6]  }
0x2e: {  	s3 =	simm.s32 @!p0 $0x1082;
	s9 =	sld [smem:$0x3FB7]  }
0x2f: {  	lr =	sadd.s32 s0, s3;
	s0 =	sld [smem:$0x3FAE]  }
0x30: {  	s3 =	sld [smem:$0x3FB1]  }
0x31: {  	[smem:$0x3FBA] =	sst s10  }
0x32: {  	s10 =	sld [smem:$0x3FB8];
	_ =	sdelay $0x3  }
0x33: {  	p0 =	seq.s32 s10, $0x1;
	s10 =	sld [smem:$0x3FBA];
	_ =	sdelay $0x3  }
0x34: {  	[smem:$0x3FBA] =	sst s10  }
0x35: {  	s10 =	sld [smem:$0x3FB9];
	_ =	sdelay $0x3  }
0x36: {  	p1 =	seq.s32 s10, $0x1;
	s10 =	sld [smem:$0x3FBA];
	_ =	sdelay $0x3  }
0x37: {  	[smem:$0x3FBA] =	sst s10  }
0x38: {  	s10 =	sld [smem:$0x3FBB]  }
0x39: {  	_ = 	snop;
	(pc) =	sbr.ind lr, $3  }
0x3a: {  	_ = 	snop  }
0x3b: {  	_ = 	snop  }
0x3c: {  	p2 =	seq.s32 s10, $0x1;
	s10 =	sld [smem:$0x3FBA]  }
0x3d: {  	_ =	shalt  }
0x3e: {  	_ =	shalt  }
0x3f: {  	_ =	shalt  }
0x40: {  	_ =	shalt  }
0x41: {  	_ =	shalt  }
0x42: {  	_ =	shalt  }
0x43: {  	_ =	shalt  }
0x44: {  	_ =	shalt  }
0x45: {  	_ =	shalt  }
0x46: {  	_ =	shalt  }
0x47: {  	_ =	shalt  }
0x48: {  	_ =	shalt  }
0x49: {  	_ =	shalt  }
0x4a: {  	_ =	shalt  }
0x4b: {  	_ =	shalt  }
0x4c: {  	_ =	shalt  }
0x4d: {  	_ =	shalt  }
0x4e: {  	_ =	shalt  }
0x4f: {  	_ =	shalt  }
0x50: {  	_ =	shalt  }
0x51: {  	_ =	shalt  }
0x52: {  	_ =	shalt  }
0x53: {  	_ =	shalt  }
0x54: {  	_ =	shalt  }
0x55: {  	_ =	shalt  }
0x56: {  	_ =	shalt  }
0x57: {  	_ =	shalt  }
0x58: {  	_ =	shalt  }
0x59: {  	_ =	shalt  }
0x5a: {  	_ =	shalt  }
0x5b: {  	_ =	shalt  }
0x5c: {  	_ =	shalt  }
0x5d: {  	_ =	shalt  }
0x5e: {  	_ =	shalt  }
0x5f: {  	_ =	shalt  }
0x60: {  	_ =	shalt  }
0x61: {  	_ =	shalt  }
0x62: {  	_ =	shalt  }
0x63: {  	_ =	shalt  }
0x64: {  	_ =	shalt  }
0x65: {  	_ =	shalt  }
0x66: {  	_ =	shalt  }
0x67: {  	_ =	shalt  }
0x68: {  	_ =	shalt  }
0x69: {  	_ =	shalt  }
0x6a: {  	_ =	shalt  }
0x6b: {  	_ =	shalt  }
0x6c: {  	_ =	shalt  }
0x6d: {  	_ =	shalt  }
0x6e: {  	_ =	shalt  }
0x6f: {  	_ =	shalt  }
0x70: {  	_ =	shalt  }
0x71: {  	_ =	shalt  }
0x72: {  	_ =	shalt  }
0x73: {  	_ =	shalt  }
0x74: {  	_ =	shalt  }
0x75: {  	_ =	shalt  }
0x76: {  	_ =	shalt  }
0x77: {  	_ =	shalt  }
0x78: {  	_ =	shalt  }
0x79: {  	_ =	shalt  }
0x7a: {  	_ =	shalt  }
0x7b: {  	_ =	shalt  }
0x7c: {  	_ =	shalt  }
0x7d: {  	_ =	shalt  }
0x7e: {  	_ =	shalt  }
0x7f: {  	_ =	shalt  }
0x80: {  	_ =	shalt  }
0x81: {  	_ =	shalt  }
0x82: {  	_ =	shalt  }
0x83: {  	_ =	shalt  }
0x84: {  	_ =	shalt  }
0x85: {  	_ =	shalt  }
0x86: {  	_ =	shalt  }
0x87: {  	_ =	shalt  }
.Lfunc_end0:
.L_simem_size_0:
called_computation.1_lowered:
.L_overlay_start_0:
0x88: {  	s2 =	sld [smem:$0x3FD9]  }
0x89: {  	s3 =	sld [smem:$0x3FFE];
	_ =	sdelay $0x1  }
0x8a: {  	s1 =	srdreg.scid  }
0x8b: {  	s0 =	sand.u32 $0x1, s1  }
0x8c: {  	s17 =	sshll.u32 s0, $0xA;
	s2 =	sadd.s32 s3, s2  }
0x8d: {  	s2 =	sadd.s32 s2, s17  }
0x8e: {  	[smem:$0x3FC6] =	sst s2  }
0x8f: {  	_ = 	snop  }
0x90: {  	s2 =	sld [smem:$0x3FD0];
	(tm) =	ssettm $0x1  }
0x91: {  	s18 =	sld [smem:$0x3FFB];
	_ =	sdelay $0x3  }
0x92: {  	_ =	strace s18  }
0x93: {  	s3 =	sld [smem:$0x3FFC];
	_ =	sdelay $0x3  }
0x94: {  	_ =	strace s3  }
0x95: {  	s3 =	sld [smem:$0x3FFD];
	_ =	sdelay $0x3  }
0x96: {  	_ =	strace s3  }
0x97: {  	_ =	strace $0x8FFFFFFF  }
0x98: {  	s19 =	sld [smem:$0x3FDB];
	_ =	sdelay $0x1  }
0x99: {  	s4 =	simm.s32 $_scs_section_size  }
0x9a: {  	s5 =	simm.s32 $_size__tile_overlayer_lowered;
	s6 =	simm.s32 $_tile_overlayer_lowered  }
0x9b: {  	s22 =	simm.s32 $0x1BFF;
	s21 =	sshll.u32 s6, $0x1;
	s3 =	sadd.s32 s4, s19  }
0x9c: {  	s7 =	simm.s32 $0x0;
	s20 =	sshll.u32 s5, $0x1;
	s5 =	sadd.s32 s21, s3  }
0x9d: {  	[timem:s7], [sflag:s22] =	dma.local [hbm:s5], s20  }
0x9e: {  	_ =	swait.ge [sflag:s22], s20  }
0x9f: {  	s4 =	ssub.s32 $0x0, s20;
	[sflag:s22] =	ssyncset.done $0x0  }
0xa0: {  	[sflag:s22] =	ssyncadd.s32 s4;
	_ =	sdelay $0x1  }
0xa1: {  	s23 =	simm.s32 $0x1B8B  }
0xa2: {  	_ =	swait.ge [sflag:s23], $0x1  }
0xa3: {  	[sflag:s23] =	ssyncset.done $0x0  }
0xa4: {  	s25 =	simm.s32 $0x1B8E;
	s24 =	sld [smem:$0x3FFE];
	[sflag:s23] =	ssyncadd.s32 $0xFFFFFFFF  }
0xa5: {  	s26 =	simm.s32 $execute0_lowered;
	[smem:$0x3FD2] =	sst s25  }
0xa6: {  	s5 =	sshll.u32 s26, $0x1;
	_ =	strace $0x80000046;
	[dreg:$0x1] =	wrdreg $0xFFFFFFFF  }
0xa7: {  	s28 =	simm.s32 $_size_execute0_lowered;
	s3 =	sadd.s32 s3, s5;
	[dreg:$0x0] =	wrdreg $0x0  }
0xa8: {  	s5 =	sshll.u32 s28, $0x1;
	[dreg:$0x2] =	wrdreg s3  }
0xa9: {  	[dreg:$0x3] =	wrdreg s5  }
0xaa: {  	[dreg:$0x4] =	wrdreg $0xC0  }
0xab: {  	_ =	task [dreg:s7], $0x5FFFF  }
0xac: {  	[dreg:$0x1] =	wrdreg $0xFFFFFFFF  }
0xad: {  	[dreg:$0x0] =	wrdreg $0x60  }
0xae: {  	[dreg:$0x2] =	wrdreg s24  }
0xaf: {  	[dreg:$0x3] =	wrdreg s2  }
0xb0: {  	[dreg:$0x4] =	wrdreg $0x9  }
0xb1: {  	_ =	task.clear_ibuf [dreg:s7], $0x5FFFF;
	_ =	strace $0x90000046  }
0xb2: {  	s29 =	simm.s32 $0x9;
	_ =	strace $0x80000048  }
0xb3: {  	_ =	swait.ge [sflag:s29], $0x1  }
0xb4: {  	[sflag:s29] =	ssyncadd.s32 $0xFFFFFFFF  }
0xb5: {  	_ =	strace $0x90000048  }
0xb6: {  	_ =	sfence  }
0xb7: {  	s30 =	sld [smem:$0x0];
	_ =	sdelay $0x2  }
0xb8: {  	s31 =	sshll.u32 s1, $0xD;
	s1 =	sshrl.u32 s1, $0x2  }
0xb9: {  	s3 =	sand.u32 $0x4000, s31;
	s1 =	sadd.s32 s1, s30  }
0xba: {  	s0 =	sor.u32 s3, s0;
	s1 =	sshll.u32 s1, $0x11  }
0xbb: {  	s0 =	sor.u32 s1, s0  }
0xbc: {  	s0 =	sadd.s32 $0x8F2B, s0  }
0xbd: {  	[sflag:s0] =	ssyncadd.remote.s32 $0x1  }
0xbe: {  	_ =	sfence.sel $0xFFFF  }
0xbf: {  	[dreg:$0x0] =	wrdreg $0xFFFFFFFF;
	(pc) =	sbr.abs _section_cstart, $3  }
0xc0: {  	[dreg:$0x1] =	wrdreg $0xFFFFFFFF  }
0xc1: {  	_ =	task.clear_ibuf [dreg:s7], $0x2FFFF;
	_ =	strace $0x9FFFFFFF  }
0xc2: {  	(tm) =	ssettm $0x7FFFFFFF  }
0xc3: {  	_ =	shalt  }
tec
execute0_lowered:
.L_overlay_start_1:
0x0: {  	(tag) =	ssettag $0x1  }
0x1: {  	s0 =	srdreg.scid;
	s1 =	rddreg [dreg:$0x0]  }
0x2: {  	s8 =	stileid.u32;
	s4 =	rddreg [dreg:$0x1];
	s2 =	simm.s32 $0x0  }
0x3: {  	s29 =	simm.s32 $0xD000;
	s28 =	simm.s32 $0x12000;
	s12 =	simm.s32 $0x12A00  }
0x4: {  	s16 =	simm.s32 $0x12F00;
	s21 =	simm.s32 $0x13400;
	s9 =	simm.s32 $0x14D00  }
0x5: {  	s18 =	simm.s32 $0x15200;
	s31 =	simm.s32 $0x15700;
	s11 =	simm.s32 $0x16100  }
0x6: {  	s13 =	simm.s32 $0x16600;
	s15 =	simm.s32 $0x16B00;
	s17 =	simm.s32 $0x2  }
0x7: {  	s20 =	simm.s32 $0x3;
	s22 =	simm.s32 $0x4;
	s14 =	simm.s32 $0x0  }
0x8: {  	s0 =	sand.u32 $0x1, s0;
	s3 =	sshll.u32 s8, $0xA;
	[smem:$0x7FF] =	sst s2  }
0x9: {  	s8 =	smul.u32 $0x28000, s8;
	s5 =	sshll.u32 s0, $0x9;
	_ =	strace $0x80000047  }
0xa: {  	s24 =	ssub.s32 $0x2, s0;
	s0 =	smul.u32 $0x14000, s0;
	s3 =	sor.u32 s5, s3  }
0xb: {  	s7 =	sshrl.u32 s24, $0x1;
	s30 =	sadd.s32 s8, s4;
	s8 =	simm.s32 $0x14  }
0xc: {  	s4 =	simm.s32 $0x13900;
	s5 =	simm.s32 $0x13E00;
	s3 =	smul.u32 $0x3, s3  }
.Ltmp0:
0xd: {  	s25 =	ssub.s32 s24, s7;
	s0 =	sadd.s32 s0, s30;
	(pc) =	sbr.rel .LBB2_1-.Ltmp0, $4  }
0xe: {  	s7 =	simm.s32 $0x14800;
	s24 =	simm.s32 $0x7;
	[dreg:$0x5] =	wrdreg s0  }
0xf: {  	s6 =	sadd.s32 s3, s1;
	s3 =	sadd.s32 $0xC800, s1;
	s1 =	smax.u32 s25, $0x1  }
0x10: {  	s0 =	simm.s32 $0x15C00;
	s26 =	sadd.s32 $0x800, s6;
	[dreg:$0x4] =	wrdreg s1  }
0x11: {  	s25 =	simm.s32 $0x1;
	s6 =	simm.s32 $0x14300;
	[dreg:$0x3] =	wrdreg s26  }
.LBB2_4:
0x12: {  	s1 =	simm.s32 $0x5  }
0x13: {  	_ =	swait.ge [sflag:s1], $0x5000  }
0x14: {  	[sflag:s1] =	ssyncset.done $0x0  }
0x15: {  	s26 =	simm.s32 $0x6;
	[sflag:s1] =	ssyncadd.s32 $0xFFFFB000  }
0x16: {  	_ =	swait.ge [sflag:s26], $0x5000  }
0x17: {  	[sflag:s26] =	ssyncset.done $0x0  }
0x18: {  	[sflag:s26] =	ssyncadd.s32 $0xFFFFB000  }
0x19: {  	_ =	swait.ge [sflag:s24], $0x5000  }
0x1a: {  	[sflag:s24] =	ssyncset.done $0x0  }
0x1b: {  	s10 =	simm.s32 $0x8;
	[sflag:s24] =	ssyncadd.s32 $0xFFFFB000  }
0x1c: {  	_ =	swait.ge [sflag:s10], $0x5000  }
0x1d: {  	s14 =	rddreg [dreg:$0x6]  }
0x1e: {  	s30 =	rddreg [dreg:$0x4];
	s14 =	sadd.s32 $0x1, s14  }
0x1f: {  	p0 =	sne.s32 s14, s30  }
.Ltmp1:
0x20: {  	_ = 	snop;
	(pc) =	sbr.rel @!p0 .LBB2_5-.Ltmp1, $3  }
0x21: {  	_ =	sdelay $0x1  }
0x22: {  	[sflag:s10] =	ssyncset.done $0x0  }
0x23: {  	[sflag:s10] =	ssyncadd.s32 $0xFFFFB000  }
.LBB2_1:
0x24: {  	[dreg:$0x6] =	wrdreg s14  }
0x25: {  	s1 =	rddreg [dreg:$0x3];
	s10 =	simm.s32 $0x9  }
0x26: {  	[tilespmem:s2], [sflag:$0x9] =	stream.linear.gather [hbm4b:s1+s2], $0x3000, $0x38;
	[tilespmem:$0x17000] =	vst v63  }
0x27: {  	_ =	swait.ge [sflag:s10], $0x3000  }
0x28: {  	[sflag:s10] =	ssyncset.done $0x0  }
0x29: {  	s14 =	simm.s32 $0x3000;
	[sflag:s10] =	ssyncadd.s32 $0xFFFFD000  }
0x2a: {  	[tilespmem:s14], [sflag:$0x1] =	stream.indirect.gather [hbm4b:s3+s8], $0x40, s2, s8, $0xb8;
	[tilespmem:$0x17000] =	vst v63  }
0x2b: {  	s19 =	simm.s32 $0x18;
	s10 =	simm.s32 $0x3500  }
0x2c: {  	[tilespmem:s10], [sflag:$0x1] =	stream.indirect.gather [hbm4b:s3+s8], $0x40, s19, s8, $0xb8;
	[tilespmem:$0x17000] =	vst v63  }
0x2d: {  	s23 =	simm.s32 $0x30;
	s26 =	simm.s32 $0x3A00  }
0x2e: {  	[tilespmem:s26], [sflag:$0x1] =	stream.indirect.gather [hbm4b:s3+s8], $0x40, s23, s8, $0xb8;
	[tilespmem:$0x17000] =	vst v63  }
0x2f: {  	s14 =	simm.s32 $0x48;
	s19 =	simm.s32 $0x3F00  }
0x30: {  	[tilespmem:s19], [sflag:$0x1] =	stream.indirect.gather [hbm4b:s3+s8], $0x40, s14, s8, $0xb8;
	[tilespmem:$0x17000] =	vst v63  }
0x31: {  	s23 =	simm.s32 $0x60;
	s26 =	simm.s32 $0x4400  }
0x32: {  	[tilespmem:s26], [sflag:$0x1] =	stream.indirect.gather [hbm4b:s3+s8], $0x40, s23, s8, $0xb8;
	[tilespmem:$0x17000] =	vst v63  }
0x33: {  	s14 =	simm.s32 $0x78;
	s19 =	simm.s32 $0x4900  }
0x34: {  	[tilespmem:s19], [sflag:$0x1] =	stream.indirect.gather [hbm4b:s3+s8], $0x40, s14, s8, $0xb8;
	[tilespmem:$0x17000] =	vst v63  }
0x35: {  	s23 =	simm.s32 $0x90;
	s26 =	simm.s32 $0x4E00  }
0x36: {  	[tilespmem:s26], [sflag:$0x1] =	stream.indirect.gather [hbm4b:s3+s8], $0x40, s23, s8, $0xb8;
	[tilespmem:$0x17000] =	vst v63  }
0x37: {  	s14 =	simm.s32 $0xA8;
	s19 =	simm.s32 $0x5300  }
0x38: {  	[tilespmem:s19], [sflag:$0x1] =	stream.indirect.gather [hbm4b:s3+s8], $0x40, s14, s8, $0xb8;
	[tilespmem:$0x17000] =	vst v63  }
0x39: {  	s23 =	simm.s32 $0xC0;
	s26 =	simm.s32 $0x5800  }
0x3a: {  	[tilespmem:s26], [sflag:$0x1] =	stream.indirect.gather [hbm4b:s3+s8], $0x40, s23, s8, $0xb8;
	[tilespmem:$0x17000] =	vst v63  }
0x3b: {  	s14 =	simm.s32 $0xD8;
	s19 =	simm.s32 $0x5D00  }
0x3c: {  	[tilespmem:s19], [sflag:$0x1] =	stream.indirect.gather [hbm4b:s3+s8], $0x40, s14, s8, $0xb8;
	[tilespmem:$0x17000] =	vst v63  }
0x3d: {  	s23 =	simm.s32 $0xF0;
	s26 =	simm.s32 $0x6200  }
0x3e: {  	[tilespmem:s26], [sflag:$0x1] =	stream.indirect.gather [hbm4b:s3+s8], $0x40, s23, s8, $0xb8;
	[tilespmem:$0x17000] =	vst v63  }
0x3f: {  	s14 =	simm.s32 $0x108;
	s19 =	simm.s32 $0x6700  }
0x40: {  	[tilespmem:s19], [sflag:$0x1] =	stream.indirect.gather [hbm4b:s3+s8], $0x40, s14, s8, $0xb8;
	[tilespmem:$0x17000] =	vst v63  }
0x41: {  	s23 =	simm.s32 $0x120;
	s26 =	simm.s32 $0x6C00  }
0x42: {  	[tilespmem:s26], [sflag:$0x1] =	stream.indirect.gather [hbm4b:s3+s8], $0x40, s23, s8, $0xb8;
	[tilespmem:$0x17000] =	vst v63  }
0x43: {  	s14 =	simm.s32 $0x138;
	s19 =	simm.s32 $0x7100  }
0x44: {  	[tilespmem:s19], [sflag:$0x1] =	stream.indirect.gather [hbm4b:s3+s8], $0x40, s14, s8, $0xb8;
	[tilespmem:$0x17000] =	vst v63  }
0x45: {  	s23 =	simm.s32 $0x150;
	s26 =	simm.s32 $0x7600  }
0x46: {  	[tilespmem:s26], [sflag:$0x1] =	stream.indirect.gather [hbm4b:s3+s8], $0x40, s23, s8, $0xb8;
	[tilespmem:$0x17000] =	vst v63  }
0x47: {  	s14 =	simm.s32 $0x168;
	s19 =	simm.s32 $0x7B00  }
0x48: {  	[tilespmem:s19], [sflag:$0x1] =	stream.indirect.gather [hbm4b:s3+s8], $0x40, s14, s8, $0xb8;
	[tilespmem:$0x17000] =	vst v63  }
0x49: {  	s23 =	simm.s32 $0x180;
	s26 =	simm.s32 $0x8000  }
0x4a: {  	[tilespmem:s26], [sflag:$0x2] =	stream.indirect.gather [hbm4b:s3+s8], $0x40, s23, s8, $0xb8;
	[tilespmem:$0x17000] =	vst v63  }
0x4b: {  	s14 =	simm.s32 $0x198;
	s19 =	simm.s32 $0x8500  }
0x4c: {  	[tilespmem:s19], [sflag:$0x2] =	stream.indirect.gather [hbm4b:s3+s8], $0x40, s14, s8, $0xb8;
	[tilespmem:$0x17000] =	vst v63  }
0x4d: {  	s23 =	simm.s32 $0x1B0;
	s26 =	simm.s32 $0x8A00  }
0x4e: {  	[tilespmem:s26], [sflag:$0x2] =	stream.indirect.gather [hbm4b:s3+s8], $0x40, s23, s8, $0xb8;
	[tilespmem:$0x17000] =	vst v63  }
0x4f: {  	s14 =	simm.s32 $0x1C8;
	s19 =	simm.s32 $0x8F00  }
0x50: {  	[tilespmem:s19], [sflag:$0x2] =	stream.indirect.gather [hbm4b:s3+s8], $0x40, s14, s8, $0xb8;
	[tilespmem:$0x17000] =	vst v63  }
0x51: {  	s23 =	simm.s32 $0x1E0;
	s26 =	simm.s32 $0x9400  }
0x52: {  	[tilespmem:s26], [sflag:$0x2] =	stream.indirect.gather [hbm4b:s3+s8], $0x40, s23, s8, $0xb8;
	[tilespmem:$0x17000] =	vst v63  }
0x53: {  	s14 =	simm.s32 $0x1F8;
	s19 =	simm.s32 $0x9900  }
0x54: {  	[tilespmem:s19], [sflag:$0x2] =	stream.indirect.gather [hbm4b:s3+s8], $0x40, s14, s8, $0xb8;
	[tilespmem:$0x17000] =	vst v63  }
0x55: {  	s23 =	simm.s32 $0x210;
	s26 =	simm.s32 $0x9E00  }
0x56: {  	[tilespmem:s26], [sflag:$0x2] =	stream.indirect.gather [hbm4b:s3+s8], $0x40, s23, s8, $0xb8;
	[tilespmem:$0x17000] =	vst v63  }
0x57: {  	s14 =	simm.s32 $0x228;
	s19 =	simm.s32 $0xA300  }
0x58: {  	[tilespmem:s19], [sflag:$0x2] =	stream.indirect.gather [hbm4b:s3+s8], $0x40, s14, s8, $0xb8;
	[tilespmem:$0x17000] =	vst v63  }
0x59: {  	s23 =	simm.s32 $0x240;
	s26 =	simm.s32 $0xA800  }
0x5a: {  	[tilespmem:s26], [sflag:$0x2] =	stream.indirect.gather [hbm4b:s3+s8], $0x40, s23, s8, $0xb8;
	[tilespmem:$0x17000] =	vst v63  }
0x5b: {  	s14 =	simm.s32 $0x258;
	s19 =	simm.s32 $0xAD00  }
0x5c: {  	[tilespmem:s19], [sflag:$0x2] =	stream.indirect.gather [hbm4b:s3+s8], $0x40, s14, s8, $0xb8;
	[tilespmem:$0x17000] =	vst v63  }
0x5d: {  	s23 =	simm.s32 $0x270;
	s26 =	simm.s32 $0xB200  }
0x5e: {  	[tilespmem:s26], [sflag:$0x2] =	stream.indirect.gather [hbm4b:s3+s8], $0x40, s23, s8, $0xb8;
	[tilespmem:$0x17000] =	vst v63  }
0x5f: {  	s14 =	simm.s32 $0x288;
	s19 =	simm.s32 $0xB700  }
0x60: {  	[tilespmem:s19], [sflag:$0x2] =	stream.indirect.gather [hbm4b:s3+s8], $0x40, s14, s8, $0xb8;
	[tilespmem:$0x17000] =	vst v63  }
0x61: {  	s23 =	simm.s32 $0x2A0;
	s26 =	simm.s32 $0xBC00  }
0x62: {  	[tilespmem:s26], [sflag:$0x2] =	stream.indirect.gather [hbm4b:s3+s8], $0x40, s23, s8, $0xb8;
	[tilespmem:$0x17000] =	vst v63  }
0x63: {  	s14 =	simm.s32 $0x2B8;
	s19 =	simm.s32 $0xC100  }
0x64: {  	[tilespmem:s19], [sflag:$0x2] =	stream.indirect.gather [hbm4b:s3+s8], $0x40, s14, s8, $0xb8;
	[tilespmem:$0x17000] =	vst v63  }
0x65: {  	s23 =	simm.s32 $0x2D0;
	s26 =	simm.s32 $0xC600  }
0x66: {  	[tilespmem:s26], [sflag:$0x2] =	stream.indirect.gather [hbm4b:s3+s8], $0x40, s23, s8, $0xb8;
	[tilespmem:$0x17000] =	vst v63  }
0x67: {  	s10 =	simm.s32 $0x2E8;
	s14 =	simm.s32 $0xCB00  }
0x68: {  	[tilespmem:s14], [sflag:$0x2] =	stream.indirect.gather [hbm4b:s3+s8], $0x40, s10, s8, $0xb8;
	[tilespmem:$0x17000] =	vst v63  }
0x69: {  	s19 =	simm.s32 $0x300  }
0x6a: {  	[tilespmem:s29], [sflag:$0x3] =	stream.indirect.gather [hbm4b:s3+s8], $0x40, s19, s8, $0xb8;
	[tilespmem:$0x17000] =	vst v63  }
0x6b: {  	s23 =	simm.s32 $0x318;
	s26 =	simm.s32 $0xD500  }
0x6c: {  	[tilespmem:s26], [sflag:$0x3] =	stream.indirect.gather [hbm4b:s3+s8], $0x40, s23, s8, $0xb8;
	[tilespmem:$0x17000] =	vst v63  }
0x6d: {  	s14 =	simm.s32 $0x330;
	s19 =	simm.s32 $0xDA00  }
0x6e: {  	[tilespmem:s19], [sflag:$0x3] =	stream.indirect.gather [hbm4b:s3+s8], $0x40, s14, s8, $0xb8;
	[tilespmem:$0x17000] =	vst v63  }
0x6f: {  	s23 =	simm.s32 $0x348;
	s26 =	simm.s32 $0xDF00  }
0x70: {  	[tilespmem:s26], [sflag:$0x3] =	stream.indirect.gather [hbm4b:s3+s8], $0x40, s23, s8, $0xb8;
	[tilespmem:$0x17000] =	vst v63  }
0x71: {  	s14 =	simm.s32 $0x360;
	s19 =	simm.s32 $0xE400  }
0x72: {  	[tilespmem:s19], [sflag:$0x3] =	stream.indirect.gather [hbm4b:s3+s8], $0x40, s14, s8, $0xb8;
	[tilespmem:$0x17000] =	vst v63  }
0x73: {  	s23 =	simm.s32 $0x378;
	s26 =	simm.s32 $0xE900  }
0x74: {  	[tilespmem:s26], [sflag:$0x3] =	stream.indirect.gather [hbm4b:s3+s8], $0x40, s23, s8, $0xb8;
	[tilespmem:$0x17000] =	vst v63  }
0x75: {  	s14 =	simm.s32 $0x390;
	s19 =	simm.s32 $0xEE00  }
0x76: {  	[tilespmem:s19], [sflag:$0x3] =	stream.indirect.gather [hbm4b:s3+s8], $0x40, s14, s8, $0xb8;
	[tilespmem:$0x17000] =	vst v63  }
0x77: {  	s23 =	simm.s32 $0x3A8;
	s26 =	simm.s32 $0xF300  }
0x78: {  	[tilespmem:s26], [sflag:$0x3] =	stream.indirect.gather [hbm4b:s3+s8], $0x40, s23, s8, $0xb8;
	[tilespmem:$0x17000] =	vst v63  }
0x79: {  	s14 =	simm.s32 $0x3C0;
	s19 =	simm.s32 $0xF800  }
0x7a: {  	[tilespmem:s19], [sflag:$0x3] =	stream.indirect.gather [hbm4b:s3+s8], $0x40, s14, s8, $0xb8;
	[tilespmem:$0x17000] =	vst v63  }
0x7b: {  	s23 =	simm.s32 $0x3D8;
	s26 =	simm.s32 $0xFD00  }
0x7c: {  	[tilespmem:s26], [sflag:$0x3] =	stream.indirect.gather [hbm4b:s3+s8], $0x40, s23, s8, $0xb8;
	[tilespmem:$0x17000] =	vst v63  }
0x7d: {  	s14 =	simm.s32 $0x3F0;
	s19 =	simm.s32 $0x10200  }
0x7e: {  	[tilespmem:s19], [sflag:$0x3] =	stream.indirect.gather [hbm4b:s3+s8], $0x40, s14, s8, $0xb8;
	[tilespmem:$0x17000] =	vst v63  }
0x7f: {  	s23 =	simm.s32 $0x408;
	s26 =	simm.s32 $0x10700  }
0x80: {  	[tilespmem:s26], [sflag:$0x3] =	stream.indirect.gather [hbm4b:s3+s8], $0x40, s23, s8, $0xb8;
	[tilespmem:$0x17000] =	vst v63  }
0x81: {  	s14 =	simm.s32 $0x420;
	s19 =	simm.s32 $0x10C00  }
0x82: {  	[tilespmem:s19], [sflag:$0x3] =	stream.indirect.gather [hbm4b:s3+s8], $0x40, s14, s8, $0xb8;
	[tilespmem:$0x17000] =	vst v63  }
0x83: {  	s23 =	simm.s32 $0x438;
	s26 =	simm.s32 $0x11100  }
0x84: {  	[tilespmem:s26], [sflag:$0x3] =	stream.indirect.gather [hbm4b:s3+s8], $0x40, s23, s8, $0xb8;
	[tilespmem:$0x17000] =	vst v63  }
0x85: {  	s14 =	simm.s32 $0x450;
	s19 =	simm.s32 $0x11600  }
0x86: {  	[tilespmem:s19], [sflag:$0x3] =	stream.indirect.gather [hbm4b:s3+s8], $0x40, s14, s8, $0xb8;
	[tilespmem:$0x17000] =	vst v63  }
0x87: {  	s23 =	simm.s32 $0x468;
	s26 =	simm.s32 $0x11B00  }
0x88: {  	[tilespmem:s26], [sflag:$0x3] =	stream.indirect.gather [hbm4b:s3+s8], $0x40, s23, s8, $0xb8;
	[tilespmem:$0x17000] =	vst v63  }
0x89: {  	s30 =	simm.s32 $0x0;
	s26 =	rddreg [dreg:$0x5]  }
.LBB2_2:
0x8a: {  	_ =	swait.ge [sflag:s25], $0x5000  }
0x8b: {  	p0 =	seq.s32 s30, $0x0;
	[sflag:s25] =	ssyncset.done $0x0  }
0x8c: {  	s1 =	simm.s32 $0x3000;
	s14 =	simm.s32 @!p0 $0x8;
	[sflag:s25] =	ssyncadd.s32 $0xFFFFB000  }
0x8d: {  	[hbm4b:s26+s2] =	stream.linear.scatter [tilespmem:s1], [sflag:$0x5], $0x5000, $0x38;
	[tilespmem:$0x17000] =	vst v63  }
0x8e: {  	_ =	swait.ge @!p0 [sflag:s14], $0x5000  }
0x8f: {  	s10 =	sshra.s32 s30, $0x2;
	[sflag:s14] =	ssyncset.done @!p0 $0x0  }
0x90: {  	s1 =	sadd.s32 $0x480, s10;
	[sflag:s14] =	ssyncadd.s32 @!p0 $0xFFFFB000  }
0x91: {  	[tilespmem:s28], [sflag:$0x4] =	stream.indirect.gather [hbm4b:s3+s8], $0x40, s1, s8, $0xb8;
	[tilespmem:$0x17000] =	vst v63  }
0x92: {  	s23 =	simm.s32 $0x12500;
	s19 =	sadd.s32 $0x498, s10  }
0x93: {  	[tilespmem:s23], [sflag:$0x4] =	stream.indirect.gather [hbm4b:s3+s8], $0x40, s19, s8, $0xb8;
	[tilespmem:$0x17000] =	vst v63  }
0x94: {  	s19 =	sadd.s32 $0x4B0, s10  }
0x95: {  	[tilespmem:s12], [sflag:$0x4] =	stream.indirect.gather [hbm4b:s3+s8], $0x40, s19, s8, $0xb8;
	[tilespmem:$0x17000] =	vst v63  }
0x96: {  	s23 =	sadd.s32 $0x4C8, s10  }
0x97: {  	[tilespmem:s16], [sflag:$0x4] =	stream.indirect.gather [hbm4b:s3+s8], $0x40, s23, s8, $0xb8;
	[tilespmem:$0x17000] =	vst v63  }
0x98: {  	s1 =	sadd.s32 $0x4E0, s10  }
0x99: {  	[tilespmem:s21], [sflag:$0x4] =	stream.indirect.gather [hbm4b:s3+s8], $0x40, s1, s8, $0xb8;
	[tilespmem:$0x17000] =	vst v63  }
0x9a: {  	s19 =	sadd.s32 $0x4F8, s10  }
0x9b: {  	[tilespmem:s4], [sflag:$0x4] =	stream.indirect.gather [hbm4b:s3+s8], $0x40, s19, s8, $0xb8;
	[tilespmem:$0x17000] =	vst v63  }
0x9c: {  	s23 =	sadd.s32 $0x510, s10  }
0x9d: {  	[tilespmem:s5], [sflag:$0x4] =	stream.indirect.gather [hbm4b:s3+s8], $0x40, s23, s8, $0xb8;
	[tilespmem:$0x17000] =	vst v63  }
0x9e: {  	s1 =	sadd.s32 $0x528, s10  }
0x9f: {  	[tilespmem:s6], [sflag:$0x4] =	stream.indirect.gather [hbm4b:s3+s8], $0x40, s1, s8, $0xb8;
	[tilespmem:$0x17000] =	vst v63  }
0xa0: {  	s19 =	sadd.s32 $0x540, s10  }
0xa1: {  	[tilespmem:s7], [sflag:$0x4] =	stream.indirect.gather [hbm4b:s3+s8], $0x40, s19, s8, $0xb8;
	[tilespmem:$0x17000] =	vst v63  }
0xa2: {  	s23 =	sadd.s32 $0x558, s10  }
0xa3: {  	[tilespmem:s9], [sflag:$0x4] =	stream.indirect.gather [hbm4b:s3+s8], $0x40, s23, s8, $0xb8;
	[tilespmem:$0x17000] =	vst v63  }
0xa4: {  	s1 =	sadd.s32 $0x570, s10  }
0xa5: {  	[tilespmem:s18], [sflag:$0x4] =	stream.indirect.gather [hbm4b:s3+s8], $0x40, s1, s8, $0xb8;
	[tilespmem:$0x17000] =	vst v63  }
0xa6: {  	s19 =	sadd.s32 $0x588, s10  }
0xa7: {  	[tilespmem:s31], [sflag:$0x4] =	stream.indirect.gather [hbm4b:s3+s8], $0x40, s19, s8, $0xb8;
	[tilespmem:$0x17000] =	vst v63  }
0xa8: {  	s23 =	sadd.s32 $0x5A0, s10  }
0xa9: {  	[tilespmem:s0], [sflag:$0x4] =	stream.indirect.gather [hbm4b:s3+s8], $0x40, s23, s8, $0xb8;
	[tilespmem:$0x17000] =	vst v63  }
0xaa: {  	s1 =	sadd.s32 $0x5B8, s10  }
0xab: {  	[tilespmem:s11], [sflag:$0x4] =	stream.indirect.gather [hbm4b:s3+s8], $0x40, s1, s8, $0xb8;
	[tilespmem:$0x17000] =	vst v63  }
0xac: {  	s19 =	sadd.s32 $0x5D0, s10  }
0xad: {  	[tilespmem:s13], [sflag:$0x4] =	stream.indirect.gather [hbm4b:s3+s8], $0x40, s19, s8, $0xb8;
	[tilespmem:$0x17000] =	vst v63  }
0xae: {  	s23 =	sadd.s32 $0x5E8, s10  }
0xaf: {  	[tilespmem:s15], [sflag:$0x4] =	stream.indirect.gather [hbm4b:s3+s8], $0x40, s23, s8, $0xb8;
	[tilespmem:$0x17000] =	vst v63  }
0xb0: {  	p0 =	seq.s32 s30, $0xA800;
	_ =	swait.ge [sflag:s17], $0x5000  }
0xb1: {  	s14 =	simm.s32 @!p0 $0x5;
	[sflag:s17] =	ssyncset.done $0x0  }
0xb2: {  	s1 =	sadd.s32 $0xA00, s26;
	s19 =	simm.s32 $0x8000;
	[sflag:s17] =	ssyncadd.s32 $0xFFFFB000  }
0xb3: {  	[hbm4b:s1+s2] =	stream.linear.scatter [tilespmem:s19], [sflag:$0x6], $0x5000, $0x38;
	[tilespmem:$0x17000] =	vst v63  }
0xb4: {  	_ =	swait.ge @!p0 [sflag:s14], $0x5000  }
0xb5: {  	[sflag:s14] =	ssyncset.done @!p0 $0x0  }
0xb6: {  	[sflag:s14] =	ssyncadd.s32 @!p0 $0xFFFFB000;
	s14 =	sshra.s32 @!p0 s30, $0x2  }
0xb7: {  	s19 =	simm.s32 @!p0 $0x14;
	s1 =	simm.s32 @!p0 $0x3000;
	s23 =	sadd.s32 @!p0 $0x600, s14  }
0xb8: {  	[tilespmem:s1], [sflag:$0x1] =	stream.indirect.gather @!p0 [hbm4b:s3+s19], $0x40, s23, s19, $0xb8;
	[tilespmem:$0x17000] =	vst v63  }
0xb9: {  	s1 =	sadd.s32 @!p0 $0x618, s14;
	s23 =	simm.s32 @!p0 $0x3500  }
0xba: {  	[tilespmem:s23], [sflag:$0x1] =	stream.indirect.gather @!p0 [hbm4b:s3+s19], $0x40, s1, s19, $0xb8;
	[tilespmem:$0x17000] =	vst v63  }
0xbb: {  	s1 =	sadd.s32 @!p0 $0x630, s14;
	s23 =	simm.s32 @!p0 $0x3A00  }
0xbc: {  	[tilespmem:s23], [sflag:$0x1] =	stream.indirect.gather @!p0 [hbm4b:s3+s19], $0x40, s1, s19, $0xb8;
	[tilespmem:$0x17000] =	vst v63  }
0xbd: {  	s1 =	sadd.s32 @!p0 $0x648, s14;
	s23 =	simm.s32 @!p0 $0x3F00  }
0xbe: {  	[tilespmem:s23], [sflag:$0x1] =	stream.indirect.gather @!p0 [hbm4b:s3+s19], $0x40, s1, s19, $0xb8;
	[tilespmem:$0x17000] =	vst v63  }
0xbf: {  	s1 =	sadd.s32 @!p0 $0x660, s14;
	s23 =	simm.s32 @!p0 $0x4400  }
0xc0: {  	[tilespmem:s23], [sflag:$0x1] =	stream.indirect.gather @!p0 [hbm4b:s3+s19], $0x40, s1, s19, $0xb8;
	[tilespmem:$0x17000] =	vst v63  }
0xc1: {  	s1 =	sadd.s32 @!p0 $0x678, s14;
	s23 =	simm.s32 @!p0 $0x4900  }
0xc2: {  	[tilespmem:s23], [sflag:$0x1] =	stream.indirect.gather @!p0 [hbm4b:s3+s19], $0x40, s1, s19, $0xb8;
	[tilespmem:$0x17000] =	vst v63  }
0xc3: {  	s1 =	sadd.s32 @!p0 $0x690, s14;
	s23 =	simm.s32 @!p0 $0x4E00  }
0xc4: {  	[tilespmem:s23], [sflag:$0x1] =	stream.indirect.gather @!p0 [hbm4b:s3+s19], $0x40, s1, s19, $0xb8;
	[tilespmem:$0x17000] =	vst v63  }
0xc5: {  	s1 =	sadd.s32 @!p0 $0x6A8, s14;
	s23 =	simm.s32 @!p0 $0x5300  }
0xc6: {  	[tilespmem:s23], [sflag:$0x1] =	stream.indirect.gather @!p0 [hbm4b:s3+s19], $0x40, s1, s19, $0xb8;
	[tilespmem:$0x17000] =	vst v63  }
0xc7: {  	s1 =	sadd.s32 @!p0 $0x6C0, s14;
	s23 =	simm.s32 @!p0 $0x5800  }
0xc8: {  	[tilespmem:s23], [sflag:$0x1] =	stream.indirect.gather @!p0 [hbm4b:s3+s19], $0x40, s1, s19, $0xb8;
	[tilespmem:$0x17000] =	vst v63  }
0xc9: {  	s1 =	sadd.s32 @!p0 $0x6D8, s14;
	s23 =	simm.s32 @!p0 $0x5D00  }
0xca: {  	[tilespmem:s23], [sflag:$0x1] =	stream.indirect.gather @!p0 [hbm4b:s3+s19], $0x40, s1, s19, $0xb8;
	[tilespmem:$0x17000] =	vst v63  }
0xcb: {  	s1 =	sadd.s32 @!p0 $0x6F0, s14;
	s23 =	simm.s32 @!p0 $0x6200  }
0xcc: {  	[tilespmem:s23], [sflag:$0x1] =	stream.indirect.gather @!p0 [hbm4b:s3+s19], $0x40, s1, s19, $0xb8;
	[tilespmem:$0x17000] =	vst v63  }
0xcd: {  	s1 =	sadd.s32 @!p0 $0x708, s14;
	s23 =	simm.s32 @!p0 $0x6700  }
0xce: {  	[tilespmem:s23], [sflag:$0x1] =	stream.indirect.gather @!p0 [hbm4b:s3+s19], $0x40, s1, s19, $0xb8;
	[tilespmem:$0x17000] =	vst v63  }
0xcf: {  	s1 =	sadd.s32 @!p0 $0x720, s14;
	s23 =	simm.s32 @!p0 $0x6C00  }
0xd0: {  	[tilespmem:s23], [sflag:$0x1] =	stream.indirect.gather @!p0 [hbm4b:s3+s19], $0x40, s1, s19, $0xb8;
	[tilespmem:$0x17000] =	vst v63  }
0xd1: {  	s1 =	sadd.s32 @!p0 $0x738, s14;
	s23 =	simm.s32 @!p0 $0x7100  }
0xd2: {  	[tilespmem:s23], [sflag:$0x1] =	stream.indirect.gather @!p0 [hbm4b:s3+s19], $0x40, s1, s19, $0xb8;
	[tilespmem:$0x17000] =	vst v63  }
0xd3: {  	s1 =	sadd.s32 @!p0 $0x750, s14;
	s23 =	simm.s32 @!p0 $0x7600  }
0xd4: {  	[tilespmem:s23], [sflag:$0x1] =	stream.indirect.gather @!p0 [hbm4b:s3+s19], $0x40, s1, s19, $0xb8;
	[tilespmem:$0x17000] =	vst v63  }
0xd5: {  	s1 =	sadd.s32 @!p0 $0x768, s14;
	s23 =	simm.s32 @!p0 $0x7B00  }
0xd6: {  	[tilespmem:s23], [sflag:$0x1] =	stream.indirect.gather @!p0 [hbm4b:s3+s19], $0x40, s1, s19, $0xb8;
	[tilespmem:$0x17000] =	vst v63  }
0xd7: {  	_ =	swait.ge [sflag:s20], $0x5000  }
0xd8: {  	[sflag:s20] =	ssyncset.done $0x0  }
0xd9: {  	s23 =	sadd.s32 $0x1400, s26;
	s1 =	simm.s32 @!p0 $0x6;
	[sflag:s20] =	ssyncadd.s32 $0xFFFFB000  }
0xda: {  	[hbm4b:s23+s2] =	stream.linear.scatter [tilespmem:s29], [sflag:$0x7], $0x5000, $0x38;
	[tilespmem:$0x17000] =	vst v63  }
0xdb: {  	_ =	swait.ge @!p0 [sflag:s1], $0x5000  }
0xdc: {  	[sflag:s1] =	ssyncset.done @!p0 $0x0  }
0xdd: {  	s23 =	simm.s32 @!p0 $0x8000;
	[sflag:s1] =	ssyncadd.s32 @!p0 $0xFFFFB000;
	s1 =	sadd.s32 @!p0 $0x780, s14  }
0xde: {  	[tilespmem:s23], [sflag:$0x2] =	stream.indirect.gather @!p0 [hbm4b:s3+s19], $0x40, s1, s19, $0xb8;
	[tilespmem:$0x17000] =	vst v63  }
0xdf: {  	s1 =	sadd.s32 @!p0 $0x798, s14;
	s23 =	simm.s32 @!p0 $0x8500  }
0xe0: {  	[tilespmem:s23], [sflag:$0x2] =	stream.indirect.gather @!p0 [hbm4b:s3+s19], $0x40, s1, s19, $0xb8;
	[tilespmem:$0x17000] =	vst v63  }
0xe1: {  	s1 =	sadd.s32 @!p0 $0x7B0, s14;
	s23 =	simm.s32 @!p0 $0x8A00  }
0xe2: {  	[tilespmem:s23], [sflag:$0x2] =	stream.indirect.gather @!p0 [hbm4b:s3+s19], $0x40, s1, s19, $0xb8;
	[tilespmem:$0x17000] =	vst v63  }
0xe3: {  	s1 =	sadd.s32 @!p0 $0x7C8, s14;
	s23 =	simm.s32 @!p0 $0x8F00  }
0xe4: {  	[tilespmem:s23], [sflag:$0x2] =	stream.indirect.gather @!p0 [hbm4b:s3+s19], $0x40, s1, s19, $0xb8;
	[tilespmem:$0x17000] =	vst v63  }
0xe5: {  	s1 =	sadd.s32 @!p0 $0x7E0, s14;
	s23 =	simm.s32 @!p0 $0x9400  }
0xe6: {  	[tilespmem:s23], [sflag:$0x2] =	stream.indirect.gather @!p0 [hbm4b:s3+s19], $0x40, s1, s19, $0xb8;
	[tilespmem:$0x17000] =	vst v63  }
0xe7: {  	s1 =	sadd.s32 @!p0 $0x7F8, s14;
	s23 =	simm.s32 @!p0 $0x9900  }
0xe8: {  	[tilespmem:s23], [sflag:$0x2] =	stream.indirect.gather @!p0 [hbm4b:s3+s19], $0x40, s1, s19, $0xb8;
	[tilespmem:$0x17000] =	vst v63  }
0xe9: {  	s1 =	sadd.s32 @!p0 $0x810, s14;
	s23 =	simm.s32 @!p0 $0x9E00  }
0xea: {  	[tilespmem:s23], [sflag:$0x2] =	stream.indirect.gather @!p0 [hbm4b:s3+s19], $0x40, s1, s19, $0xb8;
	[tilespmem:$0x17000] =	vst v63  }
0xeb: {  	s1 =	sadd.s32 @!p0 $0x828, s14;
	s23 =	simm.s32 @!p0 $0xA300  }
0xec: {  	[tilespmem:s23], [sflag:$0x2] =	stream.indirect.gather @!p0 [hbm4b:s3+s19], $0x40, s1, s19, $0xb8;
	[tilespmem:$0x17000] =	vst v63  }
0xed: {  	s1 =	sadd.s32 @!p0 $0x840, s14;
	s23 =	simm.s32 @!p0 $0xA800  }
0xee: {  	[tilespmem:s23], [sflag:$0x2] =	stream.indirect.gather @!p0 [hbm4b:s3+s19], $0x40, s1, s19, $0xb8;
	[tilespmem:$0x17000] =	vst v63  }
0xef: {  	s1 =	sadd.s32 @!p0 $0x858, s14;
	s23 =	simm.s32 @!p0 $0xAD00  }
0xf0: {  	[tilespmem:s23], [sflag:$0x2] =	stream.indirect.gather @!p0 [hbm4b:s3+s19], $0x40, s1, s19, $0xb8;
	[tilespmem:$0x17000] =	vst v63  }
0xf1: {  	s1 =	sadd.s32 @!p0 $0x870, s14;
	s23 =	simm.s32 @!p0 $0xB200  }
0xf2: {  	[tilespmem:s23], [sflag:$0x2] =	stream.indirect.gather @!p0 [hbm4b:s3+s19], $0x40, s1, s19, $0xb8;
	[tilespmem:$0x17000] =	vst v63  }
0xf3: {  	s1 =	sadd.s32 @!p0 $0x888, s14;
	s23 =	simm.s32 @!p0 $0xB700  }
0xf4: {  	[tilespmem:s23], [sflag:$0x2] =	stream.indirect.gather @!p0 [hbm4b:s3+s19], $0x40, s1, s19, $0xb8;
	[tilespmem:$0x17000] =	vst v63  }
0xf5: {  	s1 =	sadd.s32 @!p0 $0x8A0, s14;
	s23 =	simm.s32 @!p0 $0xBC00  }
0xf6: {  	[tilespmem:s23], [sflag:$0x2] =	stream.indirect.gather @!p0 [hbm4b:s3+s19], $0x40, s1, s19, $0xb8;
	[tilespmem:$0x17000] =	vst v63  }
0xf7: {  	s1 =	sadd.s32 @!p0 $0x8B8, s14;
	s23 =	simm.s32 @!p0 $0xC100  }
0xf8: {  	[tilespmem:s23], [sflag:$0x2] =	stream.indirect.gather @!p0 [hbm4b:s3+s19], $0x40, s1, s19, $0xb8;
	[tilespmem:$0x17000] =	vst v63  }
0xf9: {  	s1 =	sadd.s32 @!p0 $0x8D0, s14;
	s23 =	simm.s32 @!p0 $0xC600  }
0xfa: {  	[tilespmem:s23], [sflag:$0x2] =	stream.indirect.gather @!p0 [hbm4b:s3+s19], $0x40, s1, s19, $0xb8;
	[tilespmem:$0x17000] =	vst v63  }
0xfb: {  	s1 =	sadd.s32 @!p0 $0x8E8, s14;
	s14 =	simm.s32 @!p0 $0xCB00  }
0xfc: {  	[tilespmem:s14], [sflag:$0x2] =	stream.indirect.gather @!p0 [hbm4b:s3+s19], $0x40, s1, s19, $0xb8;
	[tilespmem:$0x17000] =	vst v63  }
.Ltmp2:
0xfd: {  	_ = 	snop;
	(pc) =	sbr.rel @p0 .LBB2_4-.Ltmp2, $4  }
0xfe: {  	_ =	swait.ge [sflag:s22], $0x5000  }
0xff: {  	[sflag:s22] =	ssyncset.done $0x0  }
0x100: {  	s23 =	sadd.s32 $0x1E00, s26;
	[sflag:s22] =	ssyncadd.s32 $0xFFFFB000  }
0x101: {  	[hbm4b:s23+s2] =	stream.linear.scatter [tilespmem:s28], [sflag:$0x8], $0x5000, $0x38;
	[tilespmem:$0x17000] =	vst v63  }
0x102: {  	_ =	swait.ge [sflag:s24], $0x5000  }
0x103: {  	[sflag:s24] =	ssyncset.done $0x0  }
0x104: {  	s1 =	sadd.s32 $0x900, s10;
	[sflag:s24] =	ssyncadd.s32 $0xFFFFB000  }
0x105: {  	[tilespmem:s29], [sflag:$0x3] =	stream.indirect.gather [hbm4b:s3+s8], $0x40, s1, s8, $0xb8;
	[tilespmem:$0x17000] =	vst v63  }
0x106: {  	s23 =	sadd.s32 $0x918, s10;
	s14 =	simm.s32 $0xD500  }
0x107: {  	[tilespmem:s14], [sflag:$0x3] =	stream.indirect.gather [hbm4b:s3+s8], $0x40, s23, s8, $0xb8;
	[tilespmem:$0x17000] =	vst v63  }
0x108: {  	s19 =	sadd.s32 $0x930, s10;
	s23 =	simm.s32 $0xDA00  }
0x109: {  	[tilespmem:s23], [sflag:$0x3] =	stream.indirect.gather [hbm4b:s3+s8], $0x40, s19, s8, $0xb8;
	[tilespmem:$0x17000] =	vst v63  }
0x10a: {  	s19 =	sadd.s32 $0x948, s10;
	s23 =	simm.s32 $0xDF00  }
0x10b: {  	[tilespmem:s23], [sflag:$0x3] =	stream.indirect.gather [hbm4b:s3+s8], $0x40, s19, s8, $0xb8;
	[tilespmem:$0x17000] =	vst v63  }
0x10c: {  	s19 =	sadd.s32 $0x960, s10;
	s23 =	simm.s32 $0xE400  }
0x10d: {  	[tilespmem:s23], [sflag:$0x3] =	stream.indirect.gather [hbm4b:s3+s8], $0x40, s19, s8, $0xb8;
	[tilespmem:$0x17000] =	vst v63  }
0x10e: {  	s19 =	sadd.s32 $0x978, s10;
	s23 =	simm.s32 $0xE900  }
0x10f: {  	[tilespmem:s23], [sflag:$0x3] =	stream.indirect.gather [hbm4b:s3+s8], $0x40, s19, s8, $0xb8;
	[tilespmem:$0x17000] =	vst v63  }
0x110: {  	s19 =	sadd.s32 $0x990, s10;
	s23 =	simm.s32 $0xEE00  }
0x111: {  	[tilespmem:s23], [sflag:$0x3] =	stream.indirect.gather [hbm4b:s3+s8], $0x40, s19, s8, $0xb8;
	[tilespmem:$0x17000] =	vst v63  }
0x112: {  	s19 =	sadd.s32 $0x9A8, s10;
	s23 =	simm.s32 $0xF300  }
0x113: {  	[tilespmem:s23], [sflag:$0x3] =	stream.indirect.gather [hbm4b:s3+s8], $0x40, s19, s8, $0xb8;
	[tilespmem:$0x17000] =	vst v63  }
0x114: {  	s19 =	sadd.s32 $0x9C0, s10;
	s23 =	simm.s32 $0xF800  }
0x115: {  	[tilespmem:s23], [sflag:$0x3] =	stream.indirect.gather [hbm4b:s3+s8], $0x40, s19, s8, $0xb8;
	[tilespmem:$0x17000] =	vst v63  }
0x116: {  	s19 =	sadd.s32 $0x9D8, s10;
	s23 =	simm.s32 $0xFD00  }
0x117: {  	[tilespmem:s23], [sflag:$0x3] =	stream.indirect.gather [hbm4b:s3+s8], $0x40, s19, s8, $0xb8;
	[tilespmem:$0x17000] =	vst v63  }
0x118: {  	s19 =	sadd.s32 $0x9F0, s10;
	s23 =	simm.s32 $0x10200  }
0x119: {  	[tilespmem:s23], [sflag:$0x3] =	stream.indirect.gather [hbm4b:s3+s8], $0x40, s19, s8, $0xb8;
	[tilespmem:$0x17000] =	vst v63  }
0x11a: {  	s19 =	sadd.s32 $0xA08, s10;
	s23 =	simm.s32 $0x10700  }
0x11b: {  	[tilespmem:s23], [sflag:$0x3] =	stream.indirect.gather [hbm4b:s3+s8], $0x40, s19, s8, $0xb8;
	[tilespmem:$0x17000] =	vst v63  }
0x11c: {  	s19 =	sadd.s32 $0xA20, s10;
	s23 =	simm.s32 $0x10C00  }
0x11d: {  	[tilespmem:s23], [sflag:$0x3] =	stream.indirect.gather [hbm4b:s3+s8], $0x40, s19, s8, $0xb8;
	[tilespmem:$0x17000] =	vst v63  }
0x11e: {  	s19 =	sadd.s32 $0xA38, s10;
	s23 =	simm.s32 $0x11100  }
0x11f: {  	[tilespmem:s23], [sflag:$0x3] =	stream.indirect.gather [hbm4b:s3+s8], $0x40, s19, s8, $0xb8;
	[tilespmem:$0x17000] =	vst v63  }
.Ltmp3:
0x120: {  	_ = 	snop;
	(pc) =	sbr.rel .LBB2_2-.Ltmp3, $4  }
0x121: {  	s30 =	sadd.s32 $0x1800, s30;
	s19 =	sadd.s32 $0xA50, s10;
	s23 =	simm.s32 $0x11600  }
0x122: {  	[tilespmem:s23], [sflag:$0x3] =	stream.indirect.gather [hbm4b:s3+s8], $0x40, s19, s8, $0xb8;
	[tilespmem:$0x17000] =	vst v63  }
0x123: {  	s26 =	sadd.s32 $0x2800, s26;
	s19 =	sadd.s32 $0xA68, s10;
	s23 =	simm.s32 $0x11B00  }
0x124: {  	[tilespmem:s23], [sflag:$0x3] =	stream.indirect.gather [hbm4b:s3+s8], $0x40, s19, s8, $0xb8;
	[tilespmem:$0x17000] =	vst v63  }
.LBB2_5:
0x125: {  	_ =	sfence.sel $0x180000  }
0x126: {  	[bflag:$0x0] =	sbarrier.arrive $0xFFFF  }
0x127: {  	_ =	strace $0x90000047  }
0x128: {  	s0 =	stileid.u32;
	[bflag:$0x2] =	sbarrier.arrive $0xFFFF  }
0x129: {  	p0 =	sne.s32 s0, $0x0;
	s0 =	rddreg [dreg:$0x2]  }
0x12a: {  	s0 =	sadd.s32 @!p0 $0x100000, s0  }
0x12b: {  	[sflag:s0] =	ssyncadd.tile.s32 @!p0 $0x1;
	_ =	shalt  }
.Lfunc_end2:
_tile_overlayer_lowered:
.L_overlay_start_2:
0x12c: {  	(tag) =	ssettag $0x2  }
0x12d: {  	s0 =	rddreg [dreg:$0x0];
	s2 =	stileid.u32  }
0x12e: {  	s1 =	rddreg [dreg:$0x1];
	p0 =	sne.s32 s2, $0x0  }
0x12f: {  	s3 =	rddreg [dreg:$0x2];
	[bflag:$0x3] =	sbarrier.arrive $0xFFFF;
	s2 =	simm.s32 @!p0 $0x1C09  }
0x130: {  	[timem:s3], [sflag:s2] =	dma.local @!p0 [hbm:s0], s1  }
0x131: {  	s0 =	simm.s32 @!p0 $0x9  }
0x132: {  	_ =	swait.ge @!p0 [sflag:s0], s1  }
0x133: {  	s1 =	ssub.s32 @!p0 $0x0, s1;
	[sflag:s0] =	ssyncset.done @!p0 $0x0  }
0x134: {  	[sflag:s0] =	ssyncadd.s32 @!p0 s1  }
0x135: {  	[bflag:$0x3] =	sbarrier.arrive $0xFFFF  }
0x136: {  	_ =	shalt  }

// kernel: sparse-core-data-format-call.cloned.1.call-start
scs
called_computation_lowered:
.L_overlay_start_0:
0x0: {  	s2 =	sld [smem:$0x3FD9]  }
0x1: {  	s3 =	sld [smem:$0x3FFE];
	_ =	sdelay $0x1  }
0x2: {  	s1 =	srdreg.scid  }
0x3: {  	s0 =	sand.u32 $0x1, s1  }
0x4: {  	s18 =	sshll.u32 s0, $0xA;
	s2 =	sadd.s32 s3, s2  }
0x5: {  	s2 =	sadd.s32 s2, s18  }
0x6: {  	[smem:$0x3FC6] =	sst s2  }
0x7: {  	_ = 	snop  }
0x8: {  	s2 =	sld [smem:$0x3FD0];
	(tm) =	ssettm $0x1  }
0x9: {  	s19 =	sld [smem:$0x3FFB];
	_ =	sdelay $0x3  }
0xa: {  	_ =	strace s19  }
0xb: {  	s3 =	sld [smem:$0x3FFC];
	_ =	sdelay $0x3  }
0xc: {  	_ =	strace s3  }
0xd: {  	s3 =	sld [smem:$0x3FFD];
	_ =	sdelay $0x3  }
0xe: {  	_ =	strace s3  }
0xf: {  	_ =	strace $0x8FFFFFFF  }
0x10: {  	s20 =	sld [smem:$0x3FDB];
	_ =	sdelay $0x1  }
0x11: {  	s4 =	simm.s32 $_scs_section_size  }
0x12: {  	s5 =	simm.s32 $_size__tile_overlayer_lowered;
	s6 =	simm.s32 $_tile_overlayer_lowered  }
0x13: {  	s23 =	simm.s32 $0x1BFF;
	s22 =	sshll.u32 s6, $0x1;
	s3 =	sadd.s32 s4, s20  }
0x14: {  	s7 =	simm.s32 $0x0;
	s21 =	sshll.u32 s5, $0x1;
	s5 =	sadd.s32 s22, s3  }
0x15: {  	[timem:s7], [sflag:s23] =	dma.local [hbm:s5], s21  }
0x16: {  	_ =	swait.ge [sflag:s23], s21  }
0x17: {  	s4 =	ssub.s32 $0x0, s21;
	[sflag:s23] =	ssyncset.done $0x0  }
0x18: {  	[sflag:s23] =	ssyncadd.s32 s4;
	_ =	sdelay $0x1  }
0x19: {  	s24 =	simm.s32 $0x1B8B  }
0x1a: {  	_ =	swait.ge [sflag:s24], $0x1  }
0x1b: {  	[sflag:s24] =	ssyncset.done $0x0  }
0x1c: {  	s26 =	simm.s32 $0x1B8E;
	s25 =	sld [smem:$0x3FFE];
	[sflag:s24] =	ssyncadd.s32 $0xFFFFFFFF  }
0x1d: {  	s27 =	simm.s32 $execute0_lowered;
	[smem:$0x3FD2] =	sst s26  }
0x1e: {  	s5 =	sshll.u32 s27, $0x1;
	_ =	strace $0x80000049;
	[dreg:$0x1] =	wrdreg $0xFFFFFFFF  }
0x1f: {  	s28 =	simm.s32 $_size_execute0_lowered;
	s3 =	sadd.s32 s3, s5;
	[dreg:$0x0] =	wrdreg $0x0  }
0x20: {  	s5 =	sshll.u32 s28, $0x1;
	[dreg:$0x2] =	wrdreg s3  }
0x21: {  	[dreg:$0x3] =	wrdreg s5  }
0x22: {  	[dreg:$0x4] =	wrdreg $0xC0  }
0x23: {  	_ =	task [dreg:s7], $0x5FFFF  }
0x24: {  	[dreg:$0x1] =	wrdreg $0xFFFFFFFF  }
0x25: {  	[dreg:$0x0] =	wrdreg $0x60  }
0x26: {  	[dreg:$0x2] =	wrdreg s25  }
0x27: {  	[dreg:$0x3] =	wrdreg s2  }
0x28: {  	[dreg:$0x4] =	wrdreg $0x9  }
0x29: {  	_ =	task.clear_ibuf [dreg:s7], $0x5FFFF;
	_ =	strace $0x90000049  }
0x2a: {  	s29 =	simm.s32 $0x9;
	_ =	strace $0x8000004B  }
0x2b: {  	_ =	swait.ge [sflag:s29], $0x1  }
0x2c: {  	[sflag:s29] =	ssyncadd.s32 $0xFFFFFFFF  }
0x2d: {  	_ =	strace $0x9000004B  }
0x2e: {  	_ =	sfence  }
0x2f: {  	s30 =	sld [smem:$0x0];
	_ =	sdelay $0x2  }
0x30: {  	s31 =	sshll.u32 s1, $0xD;
	s1 =	sshrl.u32 s1, $0x2  }
0x31: {  	s3 =	sand.u32 $0x4000, s31;
	s1 =	sadd.s32 s1, s30  }
0x32: {  	s0 =	sor.u32 s3, s0;
	s1 =	sshll.u32 s1, $0x11  }
0x33: {  	s0 =	sor.u32 s1, s0  }
0x34: {  	s0 =	sadd.s32 $0x8F2B, s0  }
0x35: {  	[sflag:s0] =	ssyncadd.remote.s32 $0x1  }
0x36: {  	_ =	sfence.sel $0xFFFF  }
0x37: {  	[dreg:$0x0] =	wrdreg $0xFFFFFFFF;
	(pc) =	sbr.abs _section_cstart, $3  }
0x38: {  	[dreg:$0x1] =	wrdreg $0xFFFFFFFF  }
0x39: {  	_ =	task.clear_ibuf [dreg:s7], $0x2FFFF;
	_ =	strace $0x9FFFFFFF  }
0x3a: {  	(tm) =	ssettm $0x7FFFFFFF  }
0x3b: {  	_ =	shalt  }
tec
execute0_lowered:
.L_overlay_start_1:
0x0: {  	(tag) =	ssettag $0x1  }
0x1: {  	s0 =	srdreg.scid  }
0x2: {  	s1 =	sshll.u32 s0, $0x4  }
0x3: {  	s0 =	stileid.u32;
	s1 =	sand.u32 $0x10, s1  }
0x4: {  	s1 =	sor.u32 s0, s1  }
0x5: {  	s6 =	rddreg [dreg:$0x0];
	s4 =	simm.s32 $0x1;
	s2 =	sshll.u32 s1, $0x7  }
0x6: {  	s7 =	simm.s32 $0x2;
	s12 =	simm.s32 $0x0;
	s1 =	ssub.s32 $0x4000, s2  }
0x7: {  	s8 =	simm.s32 $0x20000;
	s13 =	simm.s32 $0x0;
	s3 =	sand.u32 $0xF80, s1  }
0x8: {  	s9 =	simm.s32 $0x0;
	s5 =	sshrl.u32 s1, $0xC;
	p0 =	sne.s32 s3, $0x0  }
.Ltmp0:
0x9: {  	s1 =	rddreg [dreg:$0x2];
	s4 =	simm.s32 @!p0 $0x0;
	(pc) =	sbr.rel .LBB1_1-.Ltmp0, $4  }
0xa: {  	s11 =	simm.s32 $0x0;
	s3 =	rddreg [dreg:$0x1];
	s5 =	sadd.s32 s4, s5  }
0xb: {  	_ =	strace $0x8000004A;
	s4 =	simm.s32 $0x1;
	s5 =	smul.u32 $0x14, s5  }
0xc: {  	s6 =	sadd.s32 $0x800, s6;
	s10 =	smov.u32 s2;
	[sflag:s4] =	ssyncpa.u1 $0x0  }
0xd: {  	p0 =	por $0x0, $0x0;
	[sflag:s7] =	ssyncpa.u1 $0x0;
	s7 =	sor.u32 $0x1, s5  }
.LBB1_4:
0xe: {  	s16 =	sshll.u32 s13, $0x3;
	s17 =	sand.u32 $0x78, s13  }
0xf: {  	s30 =	sand.u32 $0x1F800, s13;
	s12 =	sshll.u32 s12, $0x11;
	s16 =	sand.u32 $0x3C00, s16  }
0x10: {  	[tilespmem:s15+$0x810 ss:$0x81] =	vst.msk $0xffff, v2;
	s31 =	sand.u32 $0x7, s13;
	s16 =	sor.u32 s17, s16;
	s17 =	sadd.s32 s3, s30  }
0x11: {  	[tilespmem:s15+$0x1020 ss:$0x81] =	vst.msk $0xffff, v0;
	s13 =	sshll.u32 s31, $0x12;
	s12 =	sadd.s32 s12, s17;
	s16 =	sshrl.u32 s16, $0x3  }
0x12: {  	[tilespmem:s15+$0x0 ss:$0x81] =	vst.msk $0xffff, v1;
	s13 =	sor.u32 $0x400, s13;
	s12 =	sadd.s32 s16, s12  }
0x13: {  	[hbm4b:s12+s13] =	stream.strided.scatter [tilespmem:s14], [sflag:$0x2], $0x2000, s8, s13, $0x20;
	[tilespmem:$0x8080] =	vst v63  }
.LBB1_5:
0x14: {  	s14 =	sadd.s32 $0x1, s9  }
0x15: {  	s12 =	sadd.s32 $0x1000, s10;
	s16 =	smov.u32 s10;
	p2 =	sgt.s32 s14, $0x13  }
0x16: {  	s16 =	smov.u32 @p2 s12  }
0x17: {  	s14 =	simm.s32 @p2 $0x0;
	p2 =	sgt.s32 s16, $0x3FFF  }
0x18: {  	s16 =	smov.u32 @p2 s2;
	p2 =	sne.s32 s11, s7  }
.Ltmp1:
0x19: {  	p1 =	slt.u32 s11, $0x2;
	(pc) =	sbr.rel @!p2 .LBB1_6-.Ltmp1, $4  }
0x1a: {  	s15 =	simm.s32 @!p1 $0x2  }
0x1b: {  	s13 =	smov.u32 s10;
	p0 =	por !p0, !p0;
	_ =	swait.ge @!p1 [sflag:s15], $0x2000  }
0x1c: {  	s12 =	smov.u32 s9;
	[sflag:s15] =	ssyncset.done @!p1 $0x0;
	s9 =	smov.u32 s14  }
0x1d: {  	s11 =	sadd.s32 $0x1, s11;
	[sflag:s15] =	ssyncadd.s32 @!p1 $0xFFFFE000;
	s10 =	smov.u32 s16  }
.LBB1_1:
0x1e: {  	p1 =	sge.u32 s11, s5  }
0x1f: {  	s14 =	sand.u32 @!p1 $0x1FFFFFF, s9  }
0x20: {  	s15 =	smulhi.u32 @!p1 $0xAAAAAAB, s14;
	_ =	sdelay $0x1  }
0x21: {  	s15 =	smul.u32 @!p1 $0x18, s15  }
0x22: {  	s16 =	sxor.u32 @!p1 $0xFFFFFFFF, s11;
	s17 =	smul.u32 @!p1 $0x180, s10  }
0x23: {  	s31 =	sadd.s32 $0xFFFFFFFF, s11;
	s16 =	sshll.u32 @!p1 s16, $0xD;
	s14 =	ssub.s32 @!p1 s14, s15  }
0x24: {  	s15 =	sand.u32 @!p1 $0x2000, s16;
	s16 =	sadd.s32 @!p1 s6, s17;
	s14 =	sshll.u32 @!p1 s14, $0x4  }
0x25: {  	s17 =	simm.s32 @!p1 $0xC00;
	s14 =	sadd.s32 @!p1 s14, s16;
	s16 =	simm.s32 @!p1 $0x40  }
0x26: {  	[tilespmem:s15], [sflag:$0x1] =	stream.strided.gather @!p1 [hbm4b:s14+s16], $0x2000, s17, s16, $0x38;
	[tilespmem:$0x8080] =	vst v63  }
0x27: {  	p1 =	sge.u32 s31, s5  }
.Ltmp2:
0x28: {  	_ = 	snop;
	(pc) =	sbr.rel @p1 .LBB1_5-.Ltmp2, $1  }
0x29: {  	_ =	sdelay $0x3  }
0x2a: {  	s14 =	simm.s32 $0x1  }
0x2b: {  	_ =	swait.ge [sflag:s4], $0x2000;
	s14 =	simm.s32 @!p0 $0x0  }
0x2c: {  	[sflag:s4] =	ssyncset.done $0x0;
	s15 =	sshll.u32 s14, $0xD  }
0x2d: {  	[sflag:s4] =	ssyncadd.s32 $0xFFFFE000;
	s18 =	sor.u32 $0x20, s15  }
0x2e: {  	s14 =	smul.u32 $0x8100, s14;
	v3 =	vld [tilespmem:s18+$0x10]  }
0x2f: {  	s30 =	sand.u32 $0x1, s11;
	v2 =	vld [tilespmem:s18+$0xFFFFFFF0]  }
0x30: {  	s15 =	smul.u32 $0x8100, s30;
	s14 =	sshrl.u32 s14, $0x2;
	v0 =	vld [tilespmem:s18+$0x0]  }
0x31: {  	v1 =	vld [tilespmem:s18+$0xFFFFFFE0];
	s16 =	sor.u32 $0x4000, s14  }
0x32: {  	s31 =	sshrl.u32 s15, $0x2;
	s15 =	sadd.s32 $0x0, s16  }
0x33: {  	s17 =	simm.s32 $0x4;
	s18 =	sadd.s32 $0x40, s18;
	s14 =	sor.u32 $0x4000, s31;
	[tilespmem:s15+$0x1830 ss:$0x81] =	vst.msk $0xffff, v3  }
.LBB1_3:
0x34: {  	v3 =	vld [tilespmem:s18+$0x10];
	p1 =	sne.s32 s17, $0x1FC;
	[tilespmem:s15+$0x810 ss:$0x81] =	vst.msk $0xffff, v2;
	s19 =	smov.u32 s17;
	s17 =	sadd.s32 $0x4, s17  }
.Ltmp3:
0x35: {  	v2 =	vld [tilespmem:s18+$0xFFFFFFF0];
	[tilespmem:s15+$0x1020 ss:$0x81] =	vst.msk $0xffff, v0;
	(pc) =	sbr.rel @p1 .LBB1_3-.Ltmp3, $4  }
0x36: {  	v0 =	vld [tilespmem:s18+$0x0];
	[tilespmem:s15+$0x0 ss:$0x81] =	vst.msk $0xffff, v1  }
0x37: {  	s15 =	sshra.s32 s19, $0x2;
	v1 =	vld [tilespmem:s18+$0xFFFFFFE0]  }
0x38: {  	s15 =	sadd.s32 s15, s16  }
0x39: {  	s18 =	sadd.s32 $0x40, s18;
	[tilespmem:s15+$0x1830 ss:$0x81] =	vst.msk $0xffff, v3  }
.Ltmp4:
0x3a: {  	_ = 	snop;
	(pc) =	sbr.rel .LBB1_4-.Ltmp4, $1  }
0x3b: {  	_ =	sdelay $0x3  }
.LBB1_6:
0x3c: {  	_ =	sfence.sel $0x180000  }
0x3d: {  	s2 =	simm.s32 $0x1;
	[bflag:$0x0] =	sbarrier.arrive $0xFFFF  }
0x3e: {  	s31 =	simm.s32 $0x2;
	[sflag:s2] =	ssyncpa.u1 $0x1  }
0x3f: {  	[sflag:s31] =	ssyncpa.u1 $0x1  }
0x40: {  	p0 =	sne.s32 s0, $0x0;
	_ =	strace $0x9000004A  }
0x41: {  	s0 =	sadd.s32 @!p0 $0x100000, s1;
	[bflag:$0x2] =	sbarrier.arrive $0xFFFF  }
0x42: {  	[sflag:s0] =	ssyncadd.tile.s32 @!p0 $0x1;
	_ =	shalt  }
.Lfunc_end1:
_tile_overlayer_lowered:
.L_overlay_start_2:
0x43: {  	(tag) =	ssettag $0x2  }
0x44: {  	s0 =	rddreg [dreg:$0x0];
	s2 =	stileid.u32  }
0x45: {  	s1 =	rddreg [dreg:$0x1];
	p0 =	sne.s32 s2, $0x0  }
0x46: {  	s3 =	rddreg [dreg:$0x2];
	[bflag:$0x3] =	sbarrier.arrive $0xFFFF;
	s2 =	simm.s32 @!p0 $0x1C01  }
0x47: {  	[timem:s3], [sflag:s2] =	dma.local @!p0 [hbm:s0], s1  }
0x48: {  	s0 =	simm.s32 @!p0 $0x1  }
0x49: {  	_ =	swait.ge @!p0 [sflag:s0], s1  }
0x4a: {  	s1 =	ssub.s32 @!p0 $0x0, s1;
	[sflag:s0] =	ssyncset.done @!p0 $0x0  }
0x4b: {  	[sflag:s0] =	ssyncadd.s32 @!p0 s1  }
0x4c: {  	[bflag:$0x3] =	sbarrier.arrive $0xFFFF  }
0x4d: {  	_ =	shalt  }

</sc_bundles>
